<compile_context>
chip_gen: v7x
topology: tpu7x:2x2x1
jax: 0.10.2.dev20260603
libtpu: 0.0.44.dev20260713+nightly
codegen_flags: <defaults>
</compile_context>

<pallas_src>
import jax
import jax.numpy as jnp
from jax import lax
from jax.experimental import pallas as pl
from jax.experimental.pallas import tpu as pltpu
from jax.experimental.pallas import tpu_sc as plsc

TOP_P = 0.9
ROWS = 128
VOCAB = 100000
LANES = 16
CHUNKS = VOCAB // LANES
NB = 1024
HIST_WORDS = LANES * NB

_NC = 2
_NS = 16
ROWS_PER_WORKER = ROWS // (_NC * _NS)


def _kernel_body(logits_hbm, out_hbm, row_v, hist_v):
    lane = lax.iota(jnp.int32, LANES)
    wid = lax.axis_index("s") * _NC + lax.axis_index("c")

    def monokey(x):
        u = lax.bitcast_convert_type(x, jnp.uint32)
        s = u >> jnp.uint32(31)
        m = (jnp.uint32(0) - s) | jnp.uint32(0x80000000)
        return u ^ m

    def inv_monokey(key):
        kt = key >> jnp.uint32(31)
        mi = (kt - jnp.uint32(1)) | jnp.uint32(0x80000000)
        return lax.bitcast_convert_type(key ^ mi, jnp.float32)

    def zero_hist(nwords):
        zu = 16 if nwords >= 256 * LANES else 1
        zvec = jnp.zeros((LANES,), jnp.float32)

        def zb(j, c):
            for k in range(zu):
                hist_v[pl.ds((j * zu + k) * LANES, LANES)] = zvec
            return c

        lax.fori_loop(0, nwords // (LANES * zu), zb, 0)

    def search(num_vregs, lane_stride, a_init, tau):
        def it(jj, carry):
            b_sel, a_sel, acc = carry
            j = num_vregs - 1 - jj
            hv = hist_v[pl.ds(j * LANES, LANES)]
            for l in range(1, LANES):
                hv = hv + hist_v[pl.ds(l * lane_stride + j * LANES, LANES)]
            ioa = jnp.flip(jnp.cumsum(jnp.flip(hv)))
            sa = ioa - hv
            s_vec = acc + sa
            cond = (s_vec <= tau) & (hv > jnp.float32(0))
            anyc = jnp.any(cond)
            lane_sel = jnp.max(plsc.all_reduce_ffs(cond))
            sa_sel = jnp.sum(jnp.where(lane == lane_sel, sa, jnp.float32(0)))
            b_sel = jnp.where(anyc, j * LANES + lane_sel, b_sel)
            a_sel = jnp.where(anyc, acc + sa_sel, a_sel)
            return b_sel, a_sel, acc + jnp.sum(hv)

        b_sel, a_sel, _ = lax.fori_loop(
            0, num_vregs, it, (jnp.int32(0), jnp.float32(0), a_init)
        )
        return b_sel, a_sel

    def hist_pass(shift, nbits, lane_stride, prefix_bits, prefix):
        bmask = jnp.uint32((1 << nbits) - 1)
        u = 10

        def it(ii, c):
            for k in range(u):
                i = ii * u + k
                x = row_v[pl.ds(i * LANES, LANES)]
                key = monokey(x)
                e = jnp.exp(x)
                b = ((key >> jnp.uint32(shift)) & bmask).astype(jnp.int32)
                idx = lane * lane_stride + b
                if prefix_bits == 0:
                    plsc.addupdate_scatter(hist_v, [idx], e)
                else:
                    match = (key >> jnp.uint32(32 - prefix_bits)) == prefix
                    plsc.addupdate_scatter(hist_v, [idx], e, mask=match)
            return c

        lax.fori_loop(0, CHUNKS // u, it, 0)

    def row_body(rr, carry):
        r = wid * ROWS_PER_WORKER + rr
        pltpu.sync_copy(logits_hbm.at[r], row_v)

        zero_hist(HIST_WORDS)
        hist_pass(22, 10, NB, 0, jnp.uint32(0))

        def zsum(j, acc):
            vs = [hist_v[pl.ds((j * 16 + k) * LANES, LANES)] for k in range(16)]
            while len(vs) > 1:
                vs = [vs[m] + vs[m + 1] for m in range(0, len(vs), 2)]
            return acc + vs[0]

        z_vec = lax.fori_loop(0, HIST_WORDS // (LANES * 16), zsum,
                              jnp.zeros((LANES,), jnp.float32))
        z_total = jnp.sum(z_vec)
        tau = jnp.float32(TOP_P) * z_total

        b1, a1 = search(NB // LANES, NB, jnp.float32(0), tau)

        p1 = b1.astype(jnp.uint32)
        zero_hist(HIST_WORDS)
        hist_pass(12, 10, NB, 10, p1)
        b2, a2 = search(NB // LANES, NB, a1, tau)

        p2 = (p1 << jnp.uint32(10)) | b2.astype(jnp.uint32)
        zero_hist(HIST_WORDS)
        hist_pass(2, 10, NB, 20, p2)
        b3, a3 = search(NB // LANES, NB, a2, tau)

        p3 = (p2 << jnp.uint32(10)) | b3.astype(jnp.uint32)
        zero_hist(LANES * LANES)
        hist_pass(0, 2, LANES, 30, p3)
        b4, b_above = search(1, LANES, a3, tau)

        key_star = (p3 << jnp.uint32(2)) | b4.astype(jnp.uint32)
        e_star = jnp.exp(inv_monokey(jnp.full((LANES,), key_star)))
        e_star_s = jnp.max(e_star)

        mu = 10

        def mask_it(ii, cnt):
            for k in range(mu):
                i = ii * mu + k
                x = row_v[pl.ds(i * LANES, LANES)]
                key = monokey(x)
                eq = key == key_star
                gt = key > key_star
                eqi = eq.astype(jnp.int32)
                rank = cnt + plsc.cumsum(eqi) - eqi
                keep_eq = (b_above + rank.astype(jnp.float32) * e_star_s) <= tau
                kept = gt | (eq & keep_eq)
                row_v[pl.ds(i * LANES, LANES)] = jnp.where(
                    kept, x, jnp.float32(-jnp.inf)
                )
                cnt = cnt + jnp.sum(eqi)
            return cnt

        lax.fori_loop(0, CHUNKS // mu, mask_it, jnp.int32(0))

        pltpu.sync_copy(row_v, out_hbm.at[r])
        return carry

    lax.fori_loop(0, ROWS_PER_WORKER, row_body, 0)


@jax.jit
def kernel(logits):
    mesh = plsc.VectorSubcoreMesh(core_axis_name="c", subcore_axis_name="s")
    run = pl.kernel(
        _kernel_body,
        out_type=jax.ShapeDtypeStruct((ROWS, VOCAB), jnp.float32),
        mesh=mesh,
        scratch_types=[
            pltpu.VMEM((VOCAB,), jnp.float32),
            pltpu.VMEM((HIST_WORDS,), jnp.float32),
        ],
        compiler_params=pltpu.CompilerParams(needs_layout_passes=False),
    )
    return run(logits)

# --- scband reference (transcript-rebuilt; emitter-appended) ---
"""Pipeline reference for scband-span-fusion-lm-18210661335497 (READ-ONLY COPY).

The authoritative reference and input builder live on the scoring server;
editing this copy changes nothing except your own understanding.
"""

import jax, jax.numpy as jnp
import numpy as np

TOP_P = 0.9

def setup_inputs(seed: int = 0) -> dict:
    key = jax.random.key(seed)
    logits = jax.random.normal(key, (128, 100000), dtype=jnp.float32) * 2.0
    return {"logits": logits}

def reference(logits):
    # Faithful jax translation of top_p_logits_processor (top-p / nucleus masking).
    top_p = TOP_P
    # descending sort (values and indices)
    sorted_indices = jnp.argsort(-logits, axis=-1)
    sorted_logits = jnp.take_along_axis(logits, sorted_indices, axis=-1)
    cumulative_probs = jnp.cumsum(jax.nn.softmax(sorted_logits, axis=-1), axis=-1)
    sorted_indices_to_remove = cumulative_probs > top_p
    # shift right so the first token above the threshold is kept
    sorted_indices_to_remove = jnp.concatenate(
        [jnp.zeros_like(sorted_indices_to_remove[..., :1]),
         sorted_indices_to_remove[..., :-1]], axis=-1)
    # scatter the removal mask back to original vocab order
    inv_perm = jnp.argsort(sorted_indices, axis=-1)
    indices_to_remove = jnp.take_along_axis(sorted_indices_to_remove, inv_perm, axis=-1)
    masked = jnp.where(indices_to_remove, jnp.float32(-jnp.inf), logits)
    return masked

if __name__ == "__main__":
    import jax
    _d = setup_inputs()
    print(jax.jit(kernel)(*tuple(_d.values())))

</pallas_src>

<mosaic_0001>
#map = affine_map<(d0, d1) -> (0, 0)>
module attributes {stable_mosaic.version = 14 : i64} {
  func.func @_kernel_body(%arg0: i32, %arg1: i32, %arg2: memref<128x100000xf32, #tpu.memory_space<hbm>>, %arg3: memref<128x100000xf32, #tpu.memory_space<hbm>>, %arg4: memref<100000xf32, #tpu.memory_space<vmem>>, %arg5: memref<16384xf32, #tpu.memory_space<vmem>>) attributes {dimension_semantics = [#tpu.dimension_semantics<core_parallel>, #tpu.dimension_semantics<subcore_parallel>], iteration_bounds = array<i64: 2, 16>, scalar_prefetch = 0 : i64, scratch_operands = 2 : i64, tpu.core_type = #tpu.core_type<sc_vector_subcore>, window_params = [{transform_indices = #map}, {transform_indices = #map}]} {
    %iota3A = tpu.iota {dimensions = array<i32: 0>} : vector<16xi32>
    %mul3A = arith.constant 2 : i32
    %mul3A_0 = arith.muli %arg1, %mul3A : i32
    %add3A = arith.addi %mul3A_0, %arg0 : i32
    %scan3A = arith.constant 0 : i32
    %scan3A_1 = arith.constant 0 : i32
    %scan3A_2 = arith.constant 4 : i32
    %scan3A_3 = arith.addi %scan3A_1, %scan3A_2 : i32
    %scan3A_4 = arith.constant 1 : i32
    scf.for %scan3A_6 = %scan3A_1 to %scan3A_3 step %scan3A_4  : i32 {
      %mul3A_7 = arith.constant 4 : i32
      %mul3A_8 = arith.muli %add3A, %mul3A_7 : i32
      %add3A_9 = arith.addi %mul3A_8, %scan3A_6 : i32
      "tpu.region"() ({
        %run_scoped3A = tpu.sem_alloc : memref<!tpu.dma_semaphore, #tpu.memory_space<semaphore_mem>>
        %dma_start3A = arith.constant 0 : i32
        %dma_start3A_298 = tpu.memref_slice %arg2[%add3A_9, %dma_start3A] : memref<128x100000xf32, #tpu.memory_space<hbm>> -> memref<1x100000xf32, #tpu.memory_space<hbm>>
        %dma_start3A_299 = tpu.memref_squeeze %dma_start3A_298 : memref<1x100000xf32, #tpu.memory_space<hbm>> -> memref<100000xf32, #tpu.memory_space<hbm>>
        %dma_start3A_300 = arith.constant 0 : i32
        %dma_start3A_301 = tpu.memref_slice %arg2[%add3A_9, %dma_start3A_300] : memref<128x100000xf32, #tpu.memory_space<hbm>> -> memref<1x100000xf32, #tpu.memory_space<hbm>>
        %dma_start3A_302 = tpu.memref_squeeze %dma_start3A_301 : memref<1x100000xf32, #tpu.memory_space<hbm>> -> memref<100000xf32, #tpu.memory_space<hbm>>
        tpu.enqueue_dma source(%dma_start3A_302 : memref<100000xf32, #tpu.memory_space<hbm>>) target(%arg4 : memref<100000xf32, #tpu.memory_space<vmem>>) target_semaphore(%run_scoped3A : memref<!tpu.dma_semaphore, #tpu.memory_space<semaphore_mem>>)
        %dma_wait3A = arith.constant 0 : i32
        %dma_wait3A_303 = tpu.memref_slice %arg2[%add3A_9, %dma_wait3A] : memref<128x100000xf32, #tpu.memory_space<hbm>> -> memref<1x100000xf32, #tpu.memory_space<hbm>>
        %dma_wait3A_304 = tpu.memref_squeeze %dma_wait3A_303 : memref<1x100000xf32, #tpu.memory_space<hbm>> -> memref<100000xf32, #tpu.memory_space<hbm>>
        %dma_wait3A_305 = arith.constant 0 : i32
        %dma_wait3A_306 = tpu.memref_slice %arg2[%add3A_9, %dma_wait3A_305] : memref<128x100000xf32, #tpu.memory_space<hbm>> -> memref<1x100000xf32, #tpu.memory_space<hbm>>
        %dma_wait3A_307 = tpu.memref_squeeze %dma_wait3A_306 : memref<1x100000xf32, #tpu.memory_space<hbm>> -> memref<100000xf32, #tpu.memory_space<hbm>>
        tpu.wait_dma2 semaphore(%run_scoped3A : memref<!tpu.dma_semaphore, #tpu.memory_space<semaphore_mem>>) src(%dma_wait3A_307 : memref<100000xf32, #tpu.memory_space<hbm>>) dst(%arg4 : memref<100000xf32, #tpu.memory_space<vmem>>)
        tpu.yield
      }) : () -> ()
      %broadcast_in_dim3A = arith.constant 0.000000e+00 : f32
      %broadcast_in_dim3A_10 = vector.broadcast %broadcast_in_dim3A : f32 to vector<16xf32>
      %scan3A_11 = arith.constant 0 : i32
      %scan3A_12 = arith.constant 0 : i32
      %scan3A_13 = arith.constant 64 : i32
      %scan3A_14 = arith.addi %scan3A_12, %scan3A_13 : i32
      %scan3A_15 = arith.constant 1 : i32
      scf.for %scan3A_298 = %scan3A_12 to %scan3A_14 step %scan3A_15  : i32 {
        %mul3A_299 = arith.constant 16 : i32
        %mul3A_300 = arith.muli %scan3A_298, %mul3A_299 : i32
        %add3A_301 = arith.constant 0 : i32
        %add3A_302 = arith.addi %mul3A_300, %add3A_301 : i32
        %mul3A_303 = arith.constant 16 : i32
        %mul3A_304 = arith.muli %add3A_302, %mul3A_303 : i32
        %swap3A = arith.index_cast %mul3A_304 : i32 to index
        %swap3A_305 = tpu.vector_load %arg5[%swap3A] {strides = array<i32>} : memref<16384xf32, #tpu.memory_space<vmem>>, vector<16xf32>,
        tpu.vector_store %arg5[%swap3A], %broadcast_in_dim3A_10 {strides = array<i32>} : memref<16384xf32, #tpu.memory_space<vmem>>, vector<16xf32>,
        %mul3A_306 = arith.constant 16 : i32
        %mul3A_307 = arith.muli %scan3A_298, %mul3A_306 : i32
        %add3A_308 = arith.constant 1 : i32
        %add3A_309 = arith.addi %mul3A_307, %add3A_308 : i32
        %mul3A_310 = arith.constant 16 : i32
        %mul3A_311 = arith.muli %add3A_309, %mul3A_310 : i32
        %swap3A_312 = arith.index_cast %mul3A_311 : i32 to index
        %swap3A_313 = tpu.vector_load %arg5[%swap3A_312] {strides = array<i32>} : memref<16384xf32, #tpu.memory_space<vmem>>, vector<16xf32>,
        tpu.vector_store %arg5[%swap3A_312], %broadcast_in_dim3A_10 {strides = array<i32>} : memref<16384xf32, #tpu.memory_space<vmem>>, vector<16xf32>,
        %mul3A_314 = arith.constant 16 : i32
        %mul3A_315 = arith.muli %scan3A_298, %mul3A_314 : i32
        %add3A_316 = arith.constant 2 : i32
        %add3A_317 = arith.addi %mul3A_315, %add3A_316 : i32
        %mul3A_318 = arith.constant 16 : i32
        %mul3A_319 = arith.muli %add3A_317, %mul3A_318 : i32
        %swap3A_320 = arith.index_cast %mul3A_319 : i32 to index
        %swap3A_321 = tpu.vector_load %arg5[%swap3A_320] {strides = array<i32>} : memref<16384xf32, #tpu.memory_space<vmem>>, vector<16xf32>,
        tpu.vector_store %arg5[%swap3A_320], %broadcast_in_dim3A_10 {strides = array<i32>} : memref<16384xf32, #tpu.memory_space<vmem>>, vector<16xf32>,
        %mul3A_322 = arith.constant 16 : i32
        %mul3A_323 = arith.muli %scan3A_298, %mul3A_322 : i32
        %add3A_324 = arith.constant 3 : i32
        %add3A_325 = arith.addi %mul3A_323, %add3A_324 : i32
        %mul3A_326 = arith.constant 16 : i32
        %mul3A_327 = arith.muli %add3A_325, %mul3A_326 : i32
        %swap3A_328 = arith.index_cast %mul3A_327 : i32 to index
        %swap3A_329 = tpu.vector_load %arg5[%swap3A_328] {strides = array<i32>} : memref<16384xf32, #tpu.memory_space<vmem>>, vector<16xf32>,
        tpu.vector_store %arg5[%swap3A_328], %broadcast_in_dim3A_10 {strides = array<i32>} : memref<16384xf32, #tpu.memory_space<vmem>>, vector<16xf32>,
        %mul3A_330 = arith.constant 16 : i32
        %mul3A_331 = arith.muli %scan3A_298, %mul3A_330 : i32
        %add3A_332 = arith.constant 4 : i32
        %add3A_333 = arith.addi %mul3A_331, %add3A_332 : i32
        %mul3A_334 = arith.constant 16 : i32
        %mul3A_335 = arith.muli %add3A_333, %mul3A_334 : i32
        %swap3A_336 = arith.index_cast %mul3A_335 : i32 to index
        %swap3A_337 = tpu.vector_load %arg5[%swap3A_336] {strides = array<i32>} : memref<16384xf32, #tpu.memory_space<vmem>>, vector<16xf32>,
        tpu.vector_store %arg5[%swap3A_336], %broadcast_in_dim3A_10 {strides = array<i32>} : memref<16384xf32, #tpu.memory_space<vmem>>, vector<16xf32>,
        %mul3A_338 = arith.constant 16 : i32
        %mul3A_339 = arith.muli %scan3A_298, %mul3A_338 : i32
        %add3A_340 = arith.constant 5 : i32
        %add3A_341 = arith.addi %mul3A_339, %add3A_340 : i32
        %mul3A_342 = arith.constant 16 : i32
        %mul3A_343 = arith.muli %add3A_341, %mul3A_342 : i32
        %swap3A_344 = arith.index_cast %mul3A_343 : i32 to index
        %swap3A_345 = tpu.vector_load %arg5[%swap3A_344] {strides = array<i32>} : memref<16384xf32, #tpu.memory_space<vmem>>, vector<16xf32>,
        tpu.vector_store %arg5[%swap3A_344], %broadcast_in_dim3A_10 {strides = array<i32>} : memref<16384xf32, #tpu.memory_space<vmem>>, vector<16xf32>,
        %mul3A_346 = arith.constant 16 : i32
        %mul3A_347 = arith.muli %scan3A_298, %mul3A_346 : i32
        %add3A_348 = arith.constant 6 : i32
        %add3A_349 = arith.addi %mul3A_347, %add3A_348 : i32
        %mul3A_350 = arith.constant 16 : i32
        %mul3A_351 = arith.muli %add3A_349, %mul3A_350 : i32
        %swap3A_352 = arith.index_cast %mul3A_351 : i32 to index
        %swap3A_353 = tpu.vector_load %arg5[%swap3A_352] {strides = array<i32>} : memref<16384xf32, #tpu.memory_space<vmem>>, vector<16xf32>,
        tpu.vector_store %arg5[%swap3A_352], %broadcast_in_dim3A_10 {strides = array<i32>} : memref<16384xf32, #tpu.memory_space<vmem>>, vector<16xf32>,
        %mul3A_354 = arith.constant 16 : i32
        %mul3A_355 = arith.muli %scan3A_298, %mul3A_354 : i32
        %add3A_356 = arith.constant 7 : i32
        %add3A_357 = arith.addi %mul3A_355, %add3A_356 : i32
        %mul3A_358 = arith.constant 16 : i32
        %mul3A_359 = arith.muli %add3A_357, %mul3A_358 : i32
        %swap3A_360 = arith.index_cast %mul3A_359 : i32 to index
        %swap3A_361 = tpu.vector_load %arg5[%swap3A_360] {strides = array<i32>} : memref<16384xf32, #tpu.memory_space<vmem>>, vector<16xf32>,
        tpu.vector_store %arg5[%swap3A_360], %broadcast_in_dim3A_10 {strides = array<i32>} : memref<16384xf32, #tpu.memory_space<vmem>>, vector<16xf32>,
        %mul3A_362 = arith.constant 16 : i32
        %mul3A_363 = arith.muli %scan3A_298, %mul3A_362 : i32
        %add3A_364 = arith.constant 8 : i32
        %add3A_365 = arith.addi %mul3A_363, %add3A_364 : i32
        %mul3A_366 = arith.constant 16 : i32
        %mul3A_367 = arith.muli %add3A_365, %mul3A_366 : i32
        %swap3A_368 = arith.index_cast %mul3A_367 : i32 to index
        %swap3A_369 = tpu.vector_load %arg5[%swap3A_368] {strides = array<i32>} : memref<16384xf32, #tpu.memory_space<vmem>>, vector<16xf32>,
        tpu.vector_store %arg5[%swap3A_368], %broadcast_in_dim3A_10 {strides = array<i32>} : memref<16384xf32, #tpu.memory_space<vmem>>, vector<16xf32>,
        %mul3A_370 = arith.constant 16 : i32
        %mul3A_371 = arith.muli %scan3A_298, %mul3A_370 : i32
        %add3A_372 = arith.constant 9 : i32
        %add3A_373 = arith.addi %mul3A_371, %add3A_372 : i32
        %mul3A_374 = arith.constant 16 : i32
        %mul3A_375 = arith.muli %add3A_373, %mul3A_374 : i32
        %swap3A_376 = arith.index_cast %mul3A_375 : i32 to index
        %swap3A_377 = tpu.vector_load %arg5[%swap3A_376] {strides = array<i32>} : memref<16384xf32, #tpu.memory_space<vmem>>, vector<16xf32>,
        tpu.vector_store %arg5[%swap3A_376], %broadcast_in_dim3A_10 {strides = array<i32>} : memref<16384xf32, #tpu.memory_space<vmem>>, vector<16xf32>,
        %mul3A_378 = arith.constant 16 : i32
        %mul3A_379 = arith.muli %scan3A_298, %mul3A_378 : i32
        %add3A_380 = arith.constant 10 : i32
        %add3A_381 = arith.addi %mul3A_379, %add3A_380 : i32
        %mul3A_382 = arith.constant 16 : i32
        %mul3A_383 = arith.muli %add3A_381, %mul3A_382 : i32
        %swap3A_384 = arith.index_cast %mul3A_383 : i32 to index
        %swap3A_385 = tpu.vector_load %arg5[%swap3A_384] {strides = array<i32>} : memref<16384xf32, #tpu.memory_space<vmem>>, vector<16xf32>,
        tpu.vector_store %arg5[%swap3A_384], %broadcast_in_dim3A_10 {strides = array<i32>} : memref<16384xf32, #tpu.memory_space<vmem>>, vector<16xf32>,
        %mul3A_386 = arith.constant 16 : i32
        %mul3A_387 = arith.muli %scan3A_298, %mul3A_386 : i32
        %add3A_388 = arith.constant 11 : i32
        %add3A_389 = arith.addi %mul3A_387, %add3A_388 : i32
        %mul3A_390 = arith.constant 16 : i32
        %mul3A_391 = arith.muli %add3A_389, %mul3A_390 : i32
        %swap3A_392 = arith.index_cast %mul3A_391 : i32 to index
        %swap3A_393 = tpu.vector_load %arg5[%swap3A_392] {strides = array<i32>} : memref<16384xf32, #tpu.memory_space<vmem>>, vector<16xf32>,
        tpu.vector_store %arg5[%swap3A_392], %broadcast_in_dim3A_10 {strides = array<i32>} : memref<16384xf32, #tpu.memory_space<vmem>>, vector<16xf32>,
        %mul3A_394 = arith.constant 16 : i32
        %mul3A_395 = arith.muli %scan3A_298, %mul3A_394 : i32
        %add3A_396 = arith.constant 12 : i32
        %add3A_397 = arith.addi %mul3A_395, %add3A_396 : i32
        %mul3A_398 = arith.constant 16 : i32
        %mul3A_399 = arith.muli %add3A_397, %mul3A_398 : i32
        %swap3A_400 = arith.index_cast %mul3A_399 : i32 to index
        %swap3A_401 = tpu.vector_load %arg5[%swap3A_400] {strides = array<i32>} : memref<16384xf32, #tpu.memory_space<vmem>>, vector<16xf32>,
        tpu.vector_store %arg5[%swap3A_400], %broadcast_in_dim3A_10 {strides = array<i32>} : memref<16384xf32, #tpu.memory_space<vmem>>, vector<16xf32>,
        %mul3A_402 = arith.constant 16 : i32
        %mul3A_403 = arith.muli %scan3A_298, %mul3A_402 : i32
        %add3A_404 = arith.constant 13 : i32
        %add3A_405 = arith.addi %mul3A_403, %add3A_404 : i32
        %mul3A_406 = arith.constant 16 : i32
        %mul3A_407 = arith.muli %add3A_405, %mul3A_406 : i32
        %swap3A_408 = arith.index_cast %mul3A_407 : i32 to index
        %swap3A_409 = tpu.vector_load %arg5[%swap3A_408] {strides = array<i32>} : memref<16384xf32, #tpu.memory_space<vmem>>, vector<16xf32>,
        tpu.vector_store %arg5[%swap3A_408], %broadcast_in_dim3A_10 {strides = array<i32>} : memref<16384xf32, #tpu.memory_space<vmem>>, vector<16xf32>,
        %mul3A_410 = arith.constant 16 : i32
        %mul3A_411 = arith.muli %scan3A_298, %mul3A_410 : i32
        %add3A_412 = arith.constant 14 : i32
        %add3A_413 = arith.addi %mul3A_411, %add3A_412 : i32
        %mul3A_414 = arith.constant 16 : i32
        %mul3A_415 = arith.muli %add3A_413, %mul3A_414 : i32
        %swap3A_416 = arith.index_cast %mul3A_415 : i32 to index
        %swap3A_417 = tpu.vector_load %arg5[%swap3A_416] {strides = array<i32>} : memref<16384xf32, #tpu.memory_space<vmem>>, vector<16xf32>,
        tpu.vector_store %arg5[%swap3A_416], %broadcast_in_dim3A_10 {strides = array<i32>} : memref<16384xf32, #tpu.memory_space<vmem>>, vector<16xf32>,
        %mul3A_418 = arith.constant 16 : i32
        %mul3A_419 = arith.muli %scan3A_298, %mul3A_418 : i32
        %add3A_420 = arith.constant 15 : i32
        %add3A_421 = arith.addi %mul3A_419, %add3A_420 : i32
        %mul3A_422 = arith.constant 16 : i32
        %mul3A_423 = arith.muli %add3A_421, %mul3A_422 : i32
        %swap3A_424 = arith.index_cast %mul3A_423 : i32 to index
        %swap3A_425 = tpu.vector_load %arg5[%swap3A_424] {strides = array<i32>} : memref<16384xf32, #tpu.memory_space<vmem>>, vector<16xf32>,
        tpu.vector_store %arg5[%swap3A_424], %broadcast_in_dim3A_10 {strides = array<i32>} : memref<16384xf32, #tpu.memory_space<vmem>>, vector<16xf32>,
      }
      %scan3A_16 = arith.constant 64 : i32
      %scan3A_17 = arith.constant 0 : i32
      %scan3A_18 = arith.constant 1023 : i32
      %scan3A_19 = arith.constant 0 : i32
      %scan3A_20 = arith.constant 625 : i32
      %scan3A_21 = arith.addi %scan3A_19, %scan3A_20 : i32
      %scan3A_22 = arith.constant 1 : i32
      scf.for %scan3A_298 = %scan3A_19 to %scan3A_21 step %scan3A_22  : i32 {
        %mul3A_299 = arith.constant 10 : i32
        %mul3A_300 = arith.muli %scan3A_298, %mul3A_299 : i32
        %add3A_301 = arith.constant 0 : i32
        %add3A_302 = arith.addi %mul3A_300, %add3A_301 : i32
        %mul3A_303 = arith.constant 16 : i32
        %mul3A_304 = arith.muli %add3A_302, %mul3A_303 : i32
        %get3A_305 = arith.index_cast %mul3A_304 : i32 to index
        %get3A_306 = tpu.vector_load %arg4[%get3A_305] {strides = array<i32>} : memref<100000xf32, #tpu.memory_space<vmem>>, vector<16xf32>,
        %bitcast_convert_type3A_307 = tpu.bitcast %get3A_306 : vector<16xf32> -> vector<16xi32>
        %shift_right_logical3A_308 = arith.constant 31 : i32
        %shift_right_logical3A_309 = vector.broadcast %shift_right_logical3A_308 : i32 to vector<16xi32>
        %shift_right_logical3A_310 = arith.shrui %bitcast_convert_type3A_307, %shift_right_logical3A_309 : vector<16xi32>
        %sub3A_311 = arith.constant 0 : i32
        %sub3A_312 = vector.broadcast %sub3A_311 : i32 to vector<16xi32>
        %sub3A_313 = arith.subi %sub3A_312, %shift_right_logical3A_310 : vector<16xi32>
        %or3A_314 = arith.constant -2147483648 : i32
        %or3A_315 = vector.broadcast %or3A_314 : i32 to vector<16xi32>
        %or3A_316 = arith.ori %sub3A_313, %or3A_315 : vector<16xi32>
        %xor3A_317 = arith.xori %bitcast_convert_type3A_307, %or3A_316 : vector<16xi32>
        %exp3A_318 = math.exp %get3A_306 : vector<16xf32>
        %shift_right_logical3A_319 = arith.constant 22 : i32
        %shift_right_logical3A_320 = vector.broadcast %shift_right_logical3A_319 : i32 to vector<16xi32>
        %shift_right_logical3A_321 = arith.shrui %xor3A_317, %shift_right_logical3A_320 : vector<16xi32>
        %and3A_322 = vector.broadcast %scan3A_18 : i32 to vector<16xi32>
        %and3A_323 = arith.andi %shift_right_logical3A_321, %and3A_322 : vector<16xi32>
        %mul3A_324 = arith.constant 1024 : i32
        %mul3A_325 = vector.broadcast %mul3A_324 : i32 to vector<16xi32>
        %mul3A_326 = arith.muli %iota3A, %mul3A_325 : vector<16xi32>
        %add3A_327 = arith.addi %mul3A_326, %and3A_323 : vector<16xi32>
        tpu.vector_store_idx %arg5[%add3A_327], %exp3A_318 {add = true} : memref<16384xf32, #tpu.memory_space<vmem>>[vector<16xi32>], vector<16xf32>,
        %mul3A_328 = arith.constant 10 : i32
        %mul3A_329 = arith.muli %scan3A_298, %mul3A_328 : i32
        %add3A_330 = arith.constant 1 : i32
        %add3A_331 = arith.addi %mul3A_329, %add3A_330 : i32
        %mul3A_332 = arith.constant 16 : i32
        %mul3A_333 = arith.muli %add3A_331, %mul3A_332 : i32
        %get3A_334 = arith.index_cast %mul3A_333 : i32 to index
        %get3A_335 = tpu.vector_load %arg4[%get3A_334] {strides = array<i32>} : memref<100000xf32, #tpu.memory_space<vmem>>, vector<16xf32>,
        %bitcast_convert_type3A_336 = tpu.bitcast %get3A_335 : vector<16xf32> -> vector<16xi32>
        %shift_right_logical3A_337 = arith.constant 31 : i32
        %shift_right_logical3A_338 = vector.broadcast %shift_right_logical3A_337 : i32 to vector<16xi32>
        %shift_right_logical3A_339 = arith.shrui %bitcast_convert_type3A_336, %shift_right_logical3A_338 : vector<16xi32>
        %sub3A_340 = arith.constant 0 : i32
        %sub3A_341 = vector.broadcast %sub3A_340 : i32 to vector<16xi32>
        %sub3A_342 = arith.subi %sub3A_341, %shift_right_logical3A_339 : vector<16xi32>
        %or3A_343 = arith.constant -2147483648 : i32
        %or3A_344 = vector.broadcast %or3A_343 : i32 to vector<16xi32>
        %or3A_345 = arith.ori %sub3A_342, %or3A_344 : vector<16xi32>
        %xor3A_346 = arith.xori %bitcast_convert_type3A_336, %or3A_345 : vector<16xi32>
        %exp3A_347 = math.exp %get3A_335 : vector<16xf32>
        %shift_right_logical3A_348 = arith.constant 22 : i32
        %shift_right_logical3A_349 = vector.broadcast %shift_right_logical3A_348 : i32 to vector<16xi32>
        %shift_right_logical3A_350 = arith.shrui %xor3A_346, %shift_right_logical3A_349 : vector<16xi32>
        %and3A_351 = vector.broadcast %scan3A_18 : i32 to vector<16xi32>
        %and3A_352 = arith.andi %shift_right_logical3A_350, %and3A_351 : vector<16xi32>
        %mul3A_353 = arith.constant 1024 : i32
        %mul3A_354 = vector.broadcast %mul3A_353 : i32 to vector<16xi32>
        %mul3A_355 = arith.muli %iota3A, %mul3A_354 : vector<16xi32>
        %add3A_356 = arith.addi %mul3A_355, %and3A_352 : vector<16xi32>
        tpu.vector_store_idx %arg5[%add3A_356], %exp3A_347 {add = true} : memref<16384xf32, #tpu.memory_space<vmem>>[vector<16xi32>], vector<16xf32>,
        %mul3A_357 = arith.constant 10 : i32
        %mul3A_358 = arith.muli %scan3A_298, %mul3A_357 : i32
        %add3A_359 = arith.constant 2 : i32
        %add3A_360 = arith.addi %mul3A_358, %add3A_359 : i32
        %mul3A_361 = arith.constant 16 : i32
        %mul3A_362 = arith.muli %add3A_360, %mul3A_361 : i32
        %get3A_363 = arith.index_cast %mul3A_362 : i32 to index
        %get3A_364 = tpu.vector_load %arg4[%get3A_363] {strides = array<i32>} : memref<100000xf32, #tpu.memory_space<vmem>>, vector<16xf32>,
        %bitcast_convert_type3A_365 = tpu.bitcast %get3A_364 : vector<16xf32> -> vector<16xi32>
        %shift_right_logical3A_366 = arith.constant 31 : i32
        %shift_right_logical3A_367 = vector.broadcast %shift_right_logical3A_366 : i32 to vector<16xi32>
        %shift_right_logical3A_368 = arith.shrui %bitcast_convert_type3A_365, %shift_right_logical3A_367 : vector<16xi32>
        %sub3A_369 = arith.constant 0 : i32
        %sub3A_370 = vector.broadcast %sub3A_369 : i32 to vector<16xi32>
        %sub3A_371 = arith.subi %sub3A_370, %shift_right_logical3A_368 : vector<16xi32>
        %or3A_372 = arith.constant -2147483648 : i32
        %or3A_373 = vector.broadcast %or3A_372 : i32 to vector<16xi32>
        %or3A_374 = arith.ori %sub3A_371, %or3A_373 : vector<16xi32>
        %xor3A_375 = arith.xori %bitcast_convert_type3A_365, %or3A_374 : vector<16xi32>
        %exp3A_376 = math.exp %get3A_364 : vector<16xf32>
        %shift_right_logical3A_377 = arith.constant 22 : i32
        %shift_right_logical3A_378 = vector.broadcast %shift_right_logical3A_377 : i32 to vector<16xi32>
        %shift_right_logical3A_379 = arith.shrui %xor3A_375, %shift_right_logical3A_378 : vector<16xi32>
        %and3A_380 = vector.broadcast %scan3A_18 : i32 to vector<16xi32>
        %and3A_381 = arith.andi %shift_right_logical3A_379, %and3A_380 : vector<16xi32>
        %mul3A_382 = arith.constant 1024 : i32
        %mul3A_383 = vector.broadcast %mul3A_382 : i32 to vector<16xi32>
        %mul3A_384 = arith.muli %iota3A, %mul3A_383 : vector<16xi32>
        %add3A_385 = arith.addi %mul3A_384, %and3A_381 : vector<16xi32>
        tpu.vector_store_idx %arg5[%add3A_385], %exp3A_376 {add = true} : memref<16384xf32, #tpu.memory_space<vmem>>[vector<16xi32>], vector<16xf32>,
        %mul3A_386 = arith.constant 10 : i32
        %mul3A_387 = arith.muli %scan3A_298, %mul3A_386 : i32
        %add3A_388 = arith.constant 3 : i32
        %add3A_389 = arith.addi %mul3A_387, %add3A_388 : i32
        %mul3A_390 = arith.constant 16 : i32
        %mul3A_391 = arith.muli %add3A_389, %mul3A_390 : i32
        %get3A_392 = arith.index_cast %mul3A_391 : i32 to index
        %get3A_393 = tpu.vector_load %arg4[%get3A_392] {strides = array<i32>} : memref<100000xf32, #tpu.memory_space<vmem>>, vector<16xf32>,
        %bitcast_convert_type3A_394 = tpu.bitcast %get3A_393 : vector<16xf32> -> vector<16xi32>
        %shift_right_logical3A_395 = arith.constant 31 : i32
        %shift_right_logical3A_396 = vector.broadcast %shift_right_logical3A_395 : i32 to vector<16xi32>
        %shift_right_logical3A_397 = arith.shrui %bitcast_convert_type3A_394, %shift_right_logical3A_396 : vector<16xi32>
        %sub3A_398 = arith.constant 0 : i32
        %sub3A_399 = vector.broadcast %sub3A_398 : i32 to vector<16xi32>
        %sub3A_400 = arith.subi %sub3A_399, %shift_right_logical3A_397 : vector<16xi32>
        %or3A_401 = arith.constant -2147483648 : i32
        %or3A_402 = vector.broadcast %or3A_401 : i32 to vector<16xi32>
        %or3A_403 = arith.ori %sub3A_400, %or3A_402 : vector<16xi32>
        %xor3A_404 = arith.xori %bitcast_convert_type3A_394, %or3A_403 : vector<16xi32>
        %exp3A_405 = math.exp %get3A_393 : vector<16xf32>
        %shift_right_logical3A_406 = arith.constant 22 : i32
        %shift_right_logical3A_407 = vector.broadcast %shift_right_logical3A_406 : i32 to vector<16xi32>
        %shift_right_logical3A_408 = arith.shrui %xor3A_404, %shift_right_logical3A_407 : vector<16xi32>
        %and3A_409 = vector.broadcast %scan3A_18 : i32 to vector<16xi32>
        %and3A_410 = arith.andi %shift_right_logical3A_408, %and3A_409 : vector<16xi32>
        %mul3A_411 = arith.constant 1024 : i32
        %mul3A_412 = vector.broadcast %mul3A_411 : i32 to vector<16xi32>
        %mul3A_413 = arith.muli %iota3A, %mul3A_412 : vector<16xi32>
        %add3A_414 = arith.addi %mul3A_413, %and3A_410 : vector<16xi32>
        tpu.vector_store_idx %arg5[%add3A_414], %exp3A_405 {add = true} : memref<16384xf32, #tpu.memory_space<vmem>>[vector<16xi32>], vector<16xf32>,
        %mul3A_415 = arith.constant 10 : i32
        %mul3A_416 = arith.muli %scan3A_298, %mul3A_415 : i32
        %add3A_417 = arith.constant 4 : i32
        %add3A_418 = arith.addi %mul3A_416, %add3A_417 : i32
        %mul3A_419 = arith.constant 16 : i32
        %mul3A_420 = arith.muli %add3A_418, %mul3A_419 : i32
        %get3A_421 = arith.index_cast %mul3A_420 : i32 to index
        %get3A_422 = tpu.vector_load %arg4[%get3A_421] {strides = array<i32>} : memref<100000xf32, #tpu.memory_space<vmem>>, vector<16xf32>,
        %bitcast_convert_type3A_423 = tpu.bitcast %get3A_422 : vector<16xf32> -> vector<16xi32>
        %shift_right_logical3A_424 = arith.constant 31 : i32
        %shift_right_logical3A_425 = vector.broadcast %shift_right_logical3A_424 : i32 to vector<16xi32>
        %shift_right_logical3A_426 = arith.shrui %bitcast_convert_type3A_423, %shift_right_logical3A_425 : vector<16xi32>
        %sub3A_427 = arith.constant 0 : i32
        %sub3A_428 = vector.broadcast %sub3A_427 : i32 to vector<16xi32>
        %sub3A_429 = arith.subi %sub3A_428, %shift_right_logical3A_426 : vector<16xi32>
        %or3A_430 = arith.constant -2147483648 : i32
        %or3A_431 = vector.broadcast %or3A_430 : i32 to vector<16xi32>
        %or3A_432 = arith.ori %sub3A_429, %or3A_431 : vector<16xi32>
        %xor3A_433 = arith.xori %bitcast_convert_type3A_423, %or3A_432 : vector<16xi32>
        %exp3A_434 = math.exp %get3A_422 : vector<16xf32>
        %shift_right_logical3A_435 = arith.constant 22 : i32
        %shift_right_logical3A_436 = vector.broadcast %shift_right_logical3A_435 : i32 to vector<16xi32>
        %shift_right_logical3A_437 = arith.shrui %xor3A_433, %shift_right_logical3A_436 : vector<16xi32>
        %and3A_438 = vector.broadcast %scan3A_18 : i32 to vector<16xi32>
        %and3A_439 = arith.andi %shift_right_logical3A_437, %and3A_438 : vector<16xi32>
        %mul3A_440 = arith.constant 1024 : i32
        %mul3A_441 = vector.broadcast %mul3A_440 : i32 to vector<16xi32>
        %mul3A_442 = arith.muli %iota3A, %mul3A_441 : vector<16xi32>
        %add3A_443 = arith.addi %mul3A_442, %and3A_439 : vector<16xi32>
        tpu.vector_store_idx %arg5[%add3A_443], %exp3A_434 {add = true} : memref<16384xf32, #tpu.memory_space<vmem>>[vector<16xi32>], vector<16xf32>,
        %mul3A_444 = arith.constant 10 : i32
        %mul3A_445 = arith.muli %scan3A_298, %mul3A_444 : i32
        %add3A_446 = arith.constant 5 : i32
        %add3A_447 = arith.addi %mul3A_445, %add3A_446 : i32
        %mul3A_448 = arith.constant 16 : i32
        %mul3A_449 = arith.muli %add3A_447, %mul3A_448 : i32
        %get3A_450 = arith.index_cast %mul3A_449 : i32 to index
        %get3A_451 = tpu.vector_load %arg4[%get3A_450] {strides = array<i32>} : memref<100000xf32, #tpu.memory_space<vmem>>, vector<16xf32>,
        %bitcast_convert_type3A_452 = tpu.bitcast %get3A_451 : vector<16xf32> -> vector<16xi32>
        %shift_right_logical3A_453 = arith.constant 31 : i32
        %shift_right_logical3A_454 = vector.broadcast %shift_right_logical3A_453 : i32 to vector<16xi32>
        %shift_right_logical3A_455 = arith.shrui %bitcast_convert_type3A_452, %shift_right_logical3A_454 : vector<16xi32>
        %sub3A_456 = arith.constant 0 : i32
        %sub3A_457 = vector.broadcast %sub3A_456 : i32 to vector<16xi32>
        %sub3A_458 = arith.subi %sub3A_457, %shift_right_logical3A_455 : vector<16xi32>
        %or3A_459 = arith.constant -2147483648 : i32
        %or3A_460 = vector.broadcast %or3A_459 : i32 to vector<16xi32>
        %or3A_461 = arith.ori %sub3A_458, %or3A_460 : vector<16xi32>
        %xor3A_462 = arith.xori %bitcast_convert_type3A_452, %or3A_461 : vector<16xi32>
        %exp3A_463 = math.exp %get3A_451 : vector<16xf32>
        %shift_right_logical3A_464 = arith.constant 22 : i32
        %shift_right_logical3A_465 = vector.broadcast %shift_right_logical3A_464 : i32 to vector<16xi32>
        %shift_right_logical3A_466 = arith.shrui %xor3A_462, %shift_right_logical3A_465 : vector<16xi32>
        %and3A_467 = vector.broadcast %scan3A_18 : i32 to vector<16xi32>
        %and3A_468 = arith.andi %shift_right_logical3A_466, %and3A_467 : vector<16xi32>
        %mul3A_469 = arith.constant 1024 : i32
        %mul3A_470 = vector.broadcast %mul3A_469 : i32 to vector<16xi32>
        %mul3A_471 = arith.muli %iota3A, %mul3A_470 : vector<16xi32>
        %add3A_472 = arith.addi %mul3A_471, %and3A_468 : vector<16xi32>
        tpu.vector_store_idx %arg5[%add3A_472], %exp3A_463 {add = true} : memref<16384xf32, #tpu.memory_space<vmem>>[vector<16xi32>], vector<16xf32>,
        %mul3A_473 = arith.constant 10 : i32
        %mul3A_474 = arith.muli %scan3A_298, %mul3A_473 : i32
        %add3A_475 = arith.constant 6 : i32
        %add3A_476 = arith.addi %mul3A_474, %add3A_475 : i32
        %mul3A_477 = arith.constant 16 : i32
        %mul3A_478 = arith.muli %add3A_476, %mul3A_477 : i32
        %get3A_479 = arith.index_cast %mul3A_478 : i32 to index
        %get3A_480 = tpu.vector_load %arg4[%get3A_479] {strides = array<i32>} : memref<100000xf32, #tpu.memory_space<vmem>>, vector<16xf32>,
        %bitcast_convert_type3A_481 = tpu.bitcast %get3A_480 : vector<16xf32> -> vector<16xi32>
        %shift_right_logical3A_482 = arith.constant 31 : i32
        %shift_right_logical3A_483 = vector.broadcast %shift_right_logical3A_482 : i32 to vector<16xi32>
        %shift_right_logical3A_484 = arith.shrui %bitcast_convert_type3A_481, %shift_right_logical3A_483 : vector<16xi32>
        %sub3A_485 = arith.constant 0 : i32
        %sub3A_486 = vector.broadcast %sub3A_485 : i32 to vector<16xi32>
        %sub3A_487 = arith.subi %sub3A_486, %shift_right_logical3A_484 : vector<16xi32>
        %or3A_488 = arith.constant -2147483648 : i32
        %or3A_489 = vector.broadcast %or3A_488 : i32 to vector<16xi32>
        %or3A_490 = arith.ori %sub3A_487, %or3A_489 : vector<16xi32>
        %xor3A_491 = arith.xori %bitcast_convert_type3A_481, %or3A_490 : vector<16xi32>
        %exp3A_492 = math.exp %get3A_480 : vector<16xf32>
        %shift_right_logical3A_493 = arith.constant 22 : i32
        %shift_right_logical3A_494 = vector.broadcast %shift_right_logical3A_493 : i32 to vector<16xi32>
        %shift_right_logical3A_495 = arith.shrui %xor3A_491, %shift_right_logical3A_494 : vector<16xi32>
        %and3A_496 = vector.broadcast %scan3A_18 : i32 to vector<16xi32>
        %and3A_497 = arith.andi %shift_right_logical3A_495, %and3A_496 : vector<16xi32>
        %mul3A_498 = arith.constant 1024 : i32
        %mul3A_499 = vector.broadcast %mul3A_498 : i32 to vector<16xi32>
        %mul3A_500 = arith.muli %iota3A, %mul3A_499 : vector<16xi32>
        %add3A_501 = arith.addi %mul3A_500, %and3A_497 : vector<16xi32>
        tpu.vector_store_idx %arg5[%add3A_501], %exp3A_492 {add = true} : memref<16384xf32, #tpu.memory_space<vmem>>[vector<16xi32>], vector<16xf32>,
        %mul3A_502 = arith.constant 10 : i32
        %mul3A_503 = arith.muli %scan3A_298, %mul3A_502 : i32
        %add3A_504 = arith.constant 7 : i32
        %add3A_505 = arith.addi %mul3A_503, %add3A_504 : i32
        %mul3A_506 = arith.constant 16 : i32
        %mul3A_507 = arith.muli %add3A_505, %mul3A_506 : i32
        %get3A_508 = arith.index_cast %mul3A_507 : i32 to index
        %get3A_509 = tpu.vector_load %arg4[%get3A_508] {strides = array<i32>} : memref<100000xf32, #tpu.memory_space<vmem>>, vector<16xf32>,
        %bitcast_convert_type3A_510 = tpu.bitcast %get3A_509 : vector<16xf32> -> vector<16xi32>
        %shift_right_logical3A_511 = arith.constant 31 : i32
        %shift_right_logical3A_512 = vector.broadcast %shift_right_logical3A_511 : i32 to vector<16xi32>
        %shift_right_logical3A_513 = arith.shrui %bitcast_convert_type3A_510, %shift_right_logical3A_512 : vector<16xi32>
        %sub3A_514 = arith.constant 0 : i32
        %sub3A_515 = vector.broadcast %sub3A_514 : i32 to vector<16xi32>
        %sub3A_516 = arith.subi %sub3A_515, %shift_right_logical3A_513 : vector<16xi32>
        %or3A_517 = arith.constant -2147483648 : i32
        %or3A_518 = vector.broadcast %or3A_517 : i32 to vector<16xi32>
        %or3A_519 = arith.ori %sub3A_516, %or3A_518 : vector<16xi32>
        %xor3A_520 = arith.xori %bitcast_convert_type3A_510, %or3A_519 : vector<16xi32>
        %exp3A_521 = math.exp %get3A_509 : vector<16xf32>
        %shift_right_logical3A_522 = arith.constant 22 : i32
        %shift_right_logical3A_523 = vector.broadcast %shift_right_logical3A_522 : i32 to vector<16xi32>
        %shift_right_logical3A_524 = arith.shrui %xor3A_520, %shift_right_logical3A_523 : vector<16xi32>
        %and3A_525 = vector.broadcast %scan3A_18 : i32 to vector<16xi32>
        %and3A_526 = arith.andi %shift_right_logical3A_524, %and3A_525 : vector<16xi32>
        %mul3A_527 = arith.constant 1024 : i32
        %mul3A_528 = vector.broadcast %mul3A_527 : i32 to vector<16xi32>
        %mul3A_529 = arith.muli %iota3A, %mul3A_528 : vector<16xi32>
        %add3A_530 = arith.addi %mul3A_529, %and3A_526 : vector<16xi32>
        tpu.vector_store_idx %arg5[%add3A_530], %exp3A_521 {add = true} : memref<16384xf32, #tpu.memory_space<vmem>>[vector<16xi32>], vector<16xf32>,
        %mul3A_531 = arith.constant 10 : i32
        %mul3A_532 = arith.muli %scan3A_298, %mul3A_531 : i32
        %add3A_533 = arith.constant 8 : i32
        %add3A_534 = arith.addi %mul3A_532, %add3A_533 : i32
        %mul3A_535 = arith.constant 16 : i32
        %mul3A_536 = arith.muli %add3A_534, %mul3A_535 : i32
        %get3A_537 = arith.index_cast %mul3A_536 : i32 to index
        %get3A_538 = tpu.vector_load %arg4[%get3A_537] {strides = array<i32>} : memref<100000xf32, #tpu.memory_space<vmem>>, vector<16xf32>,
        %bitcast_convert_type3A_539 = tpu.bitcast %get3A_538 : vector<16xf32> -> vector<16xi32>
        %shift_right_logical3A_540 = arith.constant 31 : i32
        %shift_right_logical3A_541 = vector.broadcast %shift_right_logical3A_540 : i32 to vector<16xi32>
        %shift_right_logical3A_542 = arith.shrui %bitcast_convert_type3A_539, %shift_right_logical3A_541 : vector<16xi32>
        %sub3A_543 = arith.constant 0 : i32
        %sub3A_544 = vector.broadcast %sub3A_543 : i32 to vector<16xi32>
        %sub3A_545 = arith.subi %sub3A_544, %shift_right_logical3A_542 : vector<16xi32>
        %or3A_546 = arith.constant -2147483648 : i32
        %or3A_547 = vector.broadcast %or3A_546 : i32 to vector<16xi32>
        %or3A_548 = arith.ori %sub3A_545, %or3A_547 : vector<16xi32>
        %xor3A_549 = arith.xori %bitcast_convert_type3A_539, %or3A_548 : vector<16xi32>
        %exp3A_550 = math.exp %get3A_538 : vector<16xf32>
        %shift_right_logical3A_551 = arith.constant 22 : i32
        %shift_right_logical3A_552 = vector.broadcast %shift_right_logical3A_551 : i32 to vector<16xi32>
        %shift_right_logical3A_553 = arith.shrui %xor3A_549, %shift_right_logical3A_552 : vector<16xi32>
        %and3A_554 = vector.broadcast %scan3A_18 : i32 to vector<16xi32>
        %and3A_555 = arith.andi %shift_right_logical3A_553, %and3A_554 : vector<16xi32>
        %mul3A_556 = arith.constant 1024 : i32
        %mul3A_557 = vector.broadcast %mul3A_556 : i32 to vector<16xi32>
        %mul3A_558 = arith.muli %iota3A, %mul3A_557 : vector<16xi32>
        %add3A_559 = arith.addi %mul3A_558, %and3A_555 : vector<16xi32>
        tpu.vector_store_idx %arg5[%add3A_559], %exp3A_550 {add = true} : memref<16384xf32, #tpu.memory_space<vmem>>[vector<16xi32>], vector<16xf32>,
        %mul3A_560 = arith.constant 10 : i32
        %mul3A_561 = arith.muli %scan3A_298, %mul3A_560 : i32
        %add3A_562 = arith.constant 9 : i32
        %add3A_563 = arith.addi %mul3A_561, %add3A_562 : i32
        %mul3A_564 = arith.constant 16 : i32
        %mul3A_565 = arith.muli %add3A_563, %mul3A_564 : i32
        %get3A_566 = arith.index_cast %mul3A_565 : i32 to index
        %get3A_567 = tpu.vector_load %arg4[%get3A_566] {strides = array<i32>} : memref<100000xf32, #tpu.memory_space<vmem>>, vector<16xf32>,
        %bitcast_convert_type3A_568 = tpu.bitcast %get3A_567 : vector<16xf32> -> vector<16xi32>
        %shift_right_logical3A_569 = arith.constant 31 : i32
        %shift_right_logical3A_570 = vector.broadcast %shift_right_logical3A_569 : i32 to vector<16xi32>
        %shift_right_logical3A_571 = arith.shrui %bitcast_convert_type3A_568, %shift_right_logical3A_570 : vector<16xi32>
        %sub3A_572 = arith.constant 0 : i32
        %sub3A_573 = vector.broadcast %sub3A_572 : i32 to vector<16xi32>
        %sub3A_574 = arith.subi %sub3A_573, %shift_right_logical3A_571 : vector<16xi32>
        %or3A_575 = arith.constant -2147483648 : i32
        %or3A_576 = vector.broadcast %or3A_575 : i32 to vector<16xi32>
        %or3A_577 = arith.ori %sub3A_574, %or3A_576 : vector<16xi32>
        %xor3A_578 = arith.xori %bitcast_convert_type3A_568, %or3A_577 : vector<16xi32>
        %exp3A_579 = math.exp %get3A_567 : vector<16xf32>
        %shift_right_logical3A_580 = arith.constant 22 : i32
        %shift_right_logical3A_581 = vector.broadcast %shift_right_logical3A_580 : i32 to vector<16xi32>
        %shift_right_logical3A_582 = arith.shrui %xor3A_578, %shift_right_logical3A_581 : vector<16xi32>
        %and3A_583 = vector.broadcast %scan3A_18 : i32 to vector<16xi32>
        %and3A_584 = arith.andi %shift_right_logical3A_582, %and3A_583 : vector<16xi32>
        %mul3A_585 = arith.constant 1024 : i32
        %mul3A_586 = vector.broadcast %mul3A_585 : i32 to vector<16xi32>
        %mul3A_587 = arith.muli %iota3A, %mul3A_586 : vector<16xi32>
        %add3A_588 = arith.addi %mul3A_587, %and3A_584 : vector<16xi32>
        tpu.vector_store_idx %arg5[%add3A_588], %exp3A_579 {add = true} : memref<16384xf32, #tpu.memory_space<vmem>>[vector<16xi32>], vector<16xf32>,
      }
      %scan3A_23 = arith.constant 625 : i32
      %broadcast_in_dim3A_24 = arith.constant 0.000000e+00 : f32
      %broadcast_in_dim3A_25 = vector.broadcast %broadcast_in_dim3A_24 : f32 to vector<16xf32>
      %scan3A_26 = arith.constant 0 : i32
      %scan3A_27 = arith.constant 64 : i32
      %scan3A_28 = arith.addi %scan3A_26, %scan3A_27 : i32
      %scan3A_29 = arith.constant 1 : i32
      %scan3A_30 = scf.for %scan3A_298 = %scan3A_26 to %scan3A_28 step %scan3A_29 iter_args(%scan3A_299 = %broadcast_in_dim3A_25) -> (vector<16xf32>)  : i32 {
        %mul3A_300 = arith.constant 16 : i32
        %mul3A_301 = arith.muli %scan3A_298, %mul3A_300 : i32
        %add3A_302 = arith.constant 0 : i32
        %add3A_303 = arith.addi %mul3A_301, %add3A_302 : i32
        %mul3A_304 = arith.constant 16 : i32
        %mul3A_305 = arith.muli %add3A_303, %mul3A_304 : i32
        %get3A_306 = arith.index_cast %mul3A_305 : i32 to index
        %get3A_307 = tpu.vector_load %arg5[%get3A_306] {strides = array<i32>} : memref<16384xf32, #tpu.memory_space<vmem>>, vector<16xf32>,
        %mul3A_308 = arith.constant 16 : i32
        %mul3A_309 = arith.muli %scan3A_298, %mul3A_308 : i32
        %add3A_310 = arith.constant 1 : i32
        %add3A_311 = arith.addi %mul3A_309, %add3A_310 : i32
        %mul3A_312 = arith.constant 16 : i32
        %mul3A_313 = arith.muli %add3A_311, %mul3A_312 : i32
        %get3A_314 = arith.index_cast %mul3A_313 : i32 to index
        %get3A_315 = tpu.vector_load %arg5[%get3A_314] {strides = array<i32>} : memref<16384xf32, #tpu.memory_space<vmem>>, vector<16xf32>,
        %mul3A_316 = arith.constant 16 : i32
        %mul3A_317 = arith.muli %scan3A_298, %mul3A_316 : i32
        %add3A_318 = arith.constant 2 : i32
        %add3A_319 = arith.addi %mul3A_317, %add3A_318 : i32
        %mul3A_320 = arith.constant 16 : i32
        %mul3A_321 = arith.muli %add3A_319, %mul3A_320 : i32
        %get3A_322 = arith.index_cast %mul3A_321 : i32 to index
        %get3A_323 = tpu.vector_load %arg5[%get3A_322] {strides = array<i32>} : memref<16384xf32, #tpu.memory_space<vmem>>, vector<16xf32>,
        %mul3A_324 = arith.constant 16 : i32
        %mul3A_325 = arith.muli %scan3A_298, %mul3A_324 : i32
        %add3A_326 = arith.constant 3 : i32
        %add3A_327 = arith.addi %mul3A_325, %add3A_326 : i32
        %mul3A_328 = arith.constant 16 : i32
        %mul3A_329 = arith.muli %add3A_327, %mul3A_328 : i32
        %get3A_330 = arith.index_cast %mul3A_329 : i32 to index
        %get3A_331 = tpu.vector_load %arg5[%get3A_330] {strides = array<i32>} : memref<16384xf32, #tpu.memory_space<vmem>>, vector<16xf32>,
        %mul3A_332 = arith.constant 16 : i32
        %mul3A_333 = arith.muli %scan3A_298, %mul3A_332 : i32
        %add3A_334 = arith.constant 4 : i32
        %add3A_335 = arith.addi %mul3A_333, %add3A_334 : i32
        %mul3A_336 = arith.constant 16 : i32
        %mul3A_337 = arith.muli %add3A_335, %mul3A_336 : i32
        %get3A_338 = arith.index_cast %mul3A_337 : i32 to index
        %get3A_339 = tpu.vector_load %arg5[%get3A_338] {strides = array<i32>} : memref<16384xf32, #tpu.memory_space<vmem>>, vector<16xf32>,
        %mul3A_340 = arith.constant 16 : i32
        %mul3A_341 = arith.muli %scan3A_298, %mul3A_340 : i32
        %add3A_342 = arith.constant 5 : i32
        %add3A_343 = arith.addi %mul3A_341, %add3A_342 : i32
        %mul3A_344 = arith.constant 16 : i32
        %mul3A_345 = arith.muli %add3A_343, %mul3A_344 : i32
        %get3A_346 = arith.index_cast %mul3A_345 : i32 to index
        %get3A_347 = tpu.vector_load %arg5[%get3A_346] {strides = array<i32>} : memref<16384xf32, #tpu.memory_space<vmem>>, vector<16xf32>,
        %mul3A_348 = arith.constant 16 : i32
        %mul3A_349 = arith.muli %scan3A_298, %mul3A_348 : i32
        %add3A_350 = arith.constant 6 : i32
        %add3A_351 = arith.addi %mul3A_349, %add3A_350 : i32
        %mul3A_352 = arith.constant 16 : i32
        %mul3A_353 = arith.muli %add3A_351, %mul3A_352 : i32
        %get3A_354 = arith.index_cast %mul3A_353 : i32 to index
        %get3A_355 = tpu.vector_load %arg5[%get3A_354] {strides = array<i32>} : memref<16384xf32, #tpu.memory_space<vmem>>, vector<16xf32>,
        %mul3A_356 = arith.constant 16 : i32
        %mul3A_357 = arith.muli %scan3A_298, %mul3A_356 : i32
        %add3A_358 = arith.constant 7 : i32
        %add3A_359 = arith.addi %mul3A_357, %add3A_358 : i32
        %mul3A_360 = arith.constant 16 : i32
        %mul3A_361 = arith.muli %add3A_359, %mul3A_360 : i32
        %get3A_362 = arith.index_cast %mul3A_361 : i32 to index
        %get3A_363 = tpu.vector_load %arg5[%get3A_362] {strides = array<i32>} : memref<16384xf32, #tpu.memory_space<vmem>>, vector<16xf32>,
        %mul3A_364 = arith.constant 16 : i32
        %mul3A_365 = arith.muli %scan3A_298, %mul3A_364 : i32
        %add3A_366 = arith.constant 8 : i32
        %add3A_367 = arith.addi %mul3A_365, %add3A_366 : i32
        %mul3A_368 = arith.constant 16 : i32
        %mul3A_369 = arith.muli %add3A_367, %mul3A_368 : i32
        %get3A_370 = arith.index_cast %mul3A_369 : i32 to index
        %get3A_371 = tpu.vector_load %arg5[%get3A_370] {strides = array<i32>} : memref<16384xf32, #tpu.memory_space<vmem>>, vector<16xf32>,
        %mul3A_372 = arith.constant 16 : i32
        %mul3A_373 = arith.muli %scan3A_298, %mul3A_372 : i32
        %add3A_374 = arith.constant 9 : i32
        %add3A_375 = arith.addi %mul3A_373, %add3A_374 : i32
        %mul3A_376 = arith.constant 16 : i32
        %mul3A_377 = arith.muli %add3A_375, %mul3A_376 : i32
        %get3A_378 = arith.index_cast %mul3A_377 : i32 to index
        %get3A_379 = tpu.vector_load %arg5[%get3A_378] {strides = array<i32>} : memref<16384xf32, #tpu.memory_space<vmem>>, vector<16xf32>,
        %mul3A_380 = arith.constant 16 : i32
        %mul3A_381 = arith.muli %scan3A_298, %mul3A_380 : i32
        %add3A_382 = arith.constant 10 : i32
        %add3A_383 = arith.addi %mul3A_381, %add3A_382 : i32
        %mul3A_384 = arith.constant 16 : i32
        %mul3A_385 = arith.muli %add3A_383, %mul3A_384 : i32
        %get3A_386 = arith.index_cast %mul3A_385 : i32 to index
        %get3A_387 = tpu.vector_load %arg5[%get3A_386] {strides = array<i32>} : memref<16384xf32, #tpu.memory_space<vmem>>, vector<16xf32>,
        %mul3A_388 = arith.constant 16 : i32
        %mul3A_389 = arith.muli %scan3A_298, %mul3A_388 : i32
        %add3A_390 = arith.constant 11 : i32
        %add3A_391 = arith.addi %mul3A_389, %add3A_390 : i32
        %mul3A_392 = arith.constant 16 : i32
        %mul3A_393 = arith.muli %add3A_391, %mul3A_392 : i32
        %get3A_394 = arith.index_cast %mul3A_393 : i32 to index
        %get3A_395 = tpu.vector_load %arg5[%get3A_394] {strides = array<i32>} : memref<16384xf32, #tpu.memory_space<vmem>>, vector<16xf32>,
        %mul3A_396 = arith.constant 16 : i32
        %mul3A_397 = arith.muli %scan3A_298, %mul3A_396 : i32
        %add3A_398 = arith.constant 12 : i32
        %add3A_399 = arith.addi %mul3A_397, %add3A_398 : i32
        %mul3A_400 = arith.constant 16 : i32
        %mul3A_401 = arith.muli %add3A_399, %mul3A_400 : i32
        %get3A_402 = arith.index_cast %mul3A_401 : i32 to index
        %get3A_403 = tpu.vector_load %arg5[%get3A_402] {strides = array<i32>} : memref<16384xf32, #tpu.memory_space<vmem>>, vector<16xf32>,
        %mul3A_404 = arith.constant 16 : i32
        %mul3A_405 = arith.muli %scan3A_298, %mul3A_404 : i32
        %add3A_406 = arith.constant 13 : i32
        %add3A_407 = arith.addi %mul3A_405, %add3A_406 : i32
        %mul3A_408 = arith.constant 16 : i32
        %mul3A_409 = arith.muli %add3A_407, %mul3A_408 : i32
        %get3A_410 = arith.index_cast %mul3A_409 : i32 to index
        %get3A_411 = tpu.vector_load %arg5[%get3A_410] {strides = array<i32>} : memref<16384xf32, #tpu.memory_space<vmem>>, vector<16xf32>,
        %mul3A_412 = arith.constant 16 : i32
        %mul3A_413 = arith.muli %scan3A_298, %mul3A_412 : i32
        %add3A_414 = arith.constant 14 : i32
        %add3A_415 = arith.addi %mul3A_413, %add3A_414 : i32
        %mul3A_416 = arith.constant 16 : i32
        %mul3A_417 = arith.muli %add3A_415, %mul3A_416 : i32
        %get3A_418 = arith.index_cast %mul3A_417 : i32 to index
        %get3A_419 = tpu.vector_load %arg5[%get3A_418] {strides = array<i32>} : memref<16384xf32, #tpu.memory_space<vmem>>, vector<16xf32>,
        %mul3A_420 = arith.constant 16 : i32
        %mul3A_421 = arith.muli %scan3A_298, %mul3A_420 : i32
        %add3A_422 = arith.constant 15 : i32
        %add3A_423 = arith.addi %mul3A_421, %add3A_422 : i32
        %mul3A_424 = arith.constant 16 : i32
        %mul3A_425 = arith.muli %add3A_423, %mul3A_424 : i32
        %get3A_426 = arith.index_cast %mul3A_425 : i32 to index
        %get3A_427 = tpu.vector_load %arg5[%get3A_426] {strides = array<i32>} : memref<16384xf32, #tpu.memory_space<vmem>>, vector<16xf32>,
        %add3A_428 = arith.addf %get3A_307, %get3A_315 : vector<16xf32>
        %add3A_429 = arith.addf %get3A_323, %get3A_331 : vector<16xf32>
        %add3A_430 = arith.addf %get3A_339, %get3A_347 : vector<16xf32>
        %add3A_431 = arith.addf %get3A_355, %get3A_363 : vector<16xf32>
        %add3A_432 = arith.addf %get3A_371, %get3A_379 : vector<16xf32>
        %add3A_433 = arith.addf %get3A_387, %get3A_395 : vector<16xf32>
        %add3A_434 = arith.addf %get3A_403, %get3A_411 : vector<16xf32>
        %add3A_435 = arith.addf %get3A_419, %get3A_427 : vector<16xf32>
        %add3A_436 = arith.addf %add3A_428, %add3A_429 : vector<16xf32>
        %add3A_437 = arith.addf %add3A_430, %add3A_431 : vector<16xf32>
        %add3A_438 = arith.addf %add3A_432, %add3A_433 : vector<16xf32>
        %add3A_439 = arith.addf %add3A_434, %add3A_435 : vector<16xf32>
        %add3A_440 = arith.addf %add3A_436, %add3A_437 : vector<16xf32>
        %add3A_441 = arith.addf %add3A_438, %add3A_439 : vector<16xf32>
        %add3A_442 = arith.addf %add3A_440, %add3A_441 : vector<16xf32>
        %add3A_443 = arith.addf %scan3A_299, %add3A_442 : vector<16xf32>
        scf.yield %add3A_443 : vector<16xf32>
      }
      %scan3A_31 = arith.constant 64 : i32
      %reduce_sum3A = arith.constant true
      %reduce_sum3A_32 = vector.broadcast %reduce_sum3A : i1 to vector<16xi1>
      %reduce_sum3A_33 = tpu.scan <sum>, %scan3A_30 masked %reduce_sum3A_32 : vector<16xf32>, vector<16xi1> -> vector<16xf32>
      %reduce_sum3A_34 = vector.extract %reduce_sum3A_33[15] : f32 from vector<16xf32>
      %mul3A_35 = arith.constant 0.899999976 : f32
      %mul3A_36 = arith.mulf %mul3A_35, %reduce_sum3A_34 : f32
      %scan3A_37 = arith.constant 0 : i32
      %scan3A_38 = arith.constant 0.000000e+00 : f32
      %scan3A_39 = arith.constant 0.000000e+00 : f32
      %scan3A_40 = arith.constant 0 : i32
      %scan3A_41 = arith.constant 64 : i32
      %scan3A_42 = arith.addi %scan3A_40, %scan3A_41 : i32
      %scan3A_43 = arith.constant 1 : i32
      %scan3A_44:3 = scf.for %scan3A_298 = %scan3A_40 to %scan3A_42 step %scan3A_43 iter_args(%scan3A_299 = %scan3A_37, %scan3A_300 = %scan3A_38, %scan3A_301 = %scan3A_39) -> (i32, f32, f32)  : i32 {
        %sub3A_302 = arith.constant 63 : i32
        %sub3A_303 = arith.subi %sub3A_302, %scan3A_298 : i32
        %mul3A_304 = arith.constant 16 : i32
        %mul3A_305 = arith.muli %sub3A_303, %mul3A_304 : i32
        %get3A_306 = arith.index_cast %mul3A_305 : i32 to index
        %get3A_307 = tpu.vector_load %arg5[%get3A_306] {strides = array<i32>} : memref<16384xf32, #tpu.memory_space<vmem>>, vector<16xf32>,
        %mul3A_308 = arith.constant 16 : i32
        %mul3A_309 = arith.muli %sub3A_303, %mul3A_308 : i32
        %add3A_310 = arith.constant 1024 : i32
        %add3A_311 = arith.addi %add3A_310, %mul3A_309 : i32
        %get3A_312 = arith.index_cast %add3A_311 : i32 to index
        %get3A_313 = tpu.vector_load %arg5[%get3A_312] {strides = array<i32>} : memref<16384xf32, #tpu.memory_space<vmem>>, vector<16xf32>,
        %add3A_314 = arith.addf %get3A_307, %get3A_313 : vector<16xf32>
        %mul3A_315 = arith.constant 16 : i32
        %mul3A_316 = arith.muli %sub3A_303, %mul3A_315 : i32
        %add3A_317 = arith.constant 2048 : i32
        %add3A_318 = arith.addi %add3A_317, %mul3A_316 : i32
        %get3A_319 = arith.index_cast %add3A_318 : i32 to index
        %get3A_320 = tpu.vector_load %arg5[%get3A_319] {strides = array<i32>} : memref<16384xf32, #tpu.memory_space<vmem>>, vector<16xf32>,
        %add3A_321 = arith.addf %add3A_314, %get3A_320 : vector<16xf32>
        %mul3A_322 = arith.constant 16 : i32
        %mul3A_323 = arith.muli %sub3A_303, %mul3A_322 : i32
        %add3A_324 = arith.constant 3072 : i32
        %add3A_325 = arith.addi %add3A_324, %mul3A_323 : i32
        %get3A_326 = arith.index_cast %add3A_325 : i32 to index
        %get3A_327 = tpu.vector_load %arg5[%get3A_326] {strides = array<i32>} : memref<16384xf32, #tpu.memory_space<vmem>>, vector<16xf32>,
        %add3A_328 = arith.addf %add3A_321, %get3A_327 : vector<16xf32>
        %mul3A_329 = arith.constant 16 : i32
        %mul3A_330 = arith.muli %sub3A_303, %mul3A_329 : i32
        %add3A_331 = arith.constant 4096 : i32
        %add3A_332 = arith.addi %add3A_331, %mul3A_330 : i32
        %get3A_333 = arith.index_cast %add3A_332 : i32 to index
        %get3A_334 = tpu.vector_load %arg5[%get3A_333] {strides = array<i32>} : memref<16384xf32, #tpu.memory_space<vmem>>, vector<16xf32>,
        %add3A_335 = arith.addf %add3A_328, %get3A_334 : vector<16xf32>
        %mul3A_336 = arith.constant 16 : i32
        %mul3A_337 = arith.muli %sub3A_303, %mul3A_336 : i32
        %add3A_338 = arith.constant 5120 : i32
        %add3A_339 = arith.addi %add3A_338, %mul3A_337 : i32
        %get3A_340 = arith.index_cast %add3A_339 : i32 to index
        %get3A_341 = tpu.vector_load %arg5[%get3A_340] {strides = array<i32>} : memref<16384xf32, #tpu.memory_space<vmem>>, vector<16xf32>,
        %add3A_342 = arith.addf %add3A_335, %get3A_341 : vector<16xf32>
        %mul3A_343 = arith.constant 16 : i32
        %mul3A_344 = arith.muli %sub3A_303, %mul3A_343 : i32
        %add3A_345 = arith.constant 6144 : i32
        %add3A_346 = arith.addi %add3A_345, %mul3A_344 : i32
        %get3A_347 = arith.index_cast %add3A_346 : i32 to index
        %get3A_348 = tpu.vector_load %arg5[%get3A_347] {strides = array<i32>} : memref<16384xf32, #tpu.memory_space<vmem>>, vector<16xf32>,
        %add3A_349 = arith.addf %add3A_342, %get3A_348 : vector<16xf32>
        %mul3A_350 = arith.constant 16 : i32
        %mul3A_351 = arith.muli %sub3A_303, %mul3A_350 : i32
        %add3A_352 = arith.constant 7168 : i32
        %add3A_353 = arith.addi %add3A_352, %mul3A_351 : i32
        %get3A_354 = arith.index_cast %add3A_353 : i32 to index
        %get3A_355 = tpu.vector_load %arg5[%get3A_354] {strides = array<i32>} : memref<16384xf32, #tpu.memory_space<vmem>>, vector<16xf32>,
        %add3A_356 = arith.addf %add3A_349, %get3A_355 : vector<16xf32>
        %mul3A_357 = arith.constant 16 : i32
        %mul3A_358 = arith.muli %sub3A_303, %mul3A_357 : i32
        %add3A_359 = arith.constant 8192 : i32
        %add3A_360 = arith.addi %add3A_359, %mul3A_358 : i32
        %get3A_361 = arith.index_cast %add3A_360 : i32 to index
        %get3A_362 = tpu.vector_load %arg5[%get3A_361] {strides = array<i32>} : memref<16384xf32, #tpu.memory_space<vmem>>, vector<16xf32>,
        %add3A_363 = arith.addf %add3A_356, %get3A_362 : vector<16xf32>
        %mul3A_364 = arith.constant 16 : i32
        %mul3A_365 = arith.muli %sub3A_303, %mul3A_364 : i32
        %add3A_366 = arith.constant 9216 : i32
        %add3A_367 = arith.addi %add3A_366, %mul3A_365 : i32
        %get3A_368 = arith.index_cast %add3A_367 : i32 to index
        %get3A_369 = tpu.vector_load %arg5[%get3A_368] {strides = array<i32>} : memref<16384xf32, #tpu.memory_space<vmem>>, vector<16xf32>,
        %add3A_370 = arith.addf %add3A_363, %get3A_369 : vector<16xf32>
        %mul3A_371 = arith.constant 16 : i32
        %mul3A_372 = arith.muli %sub3A_303, %mul3A_371 : i32
        %add3A_373 = arith.constant 10240 : i32
        %add3A_374 = arith.addi %add3A_373, %mul3A_372 : i32
        %get3A_375 = arith.index_cast %add3A_374 : i32 to index
        %get3A_376 = tpu.vector_load %arg5[%get3A_375] {strides = array<i32>} : memref<16384xf32, #tpu.memory_space<vmem>>, vector<16xf32>,
        %add3A_377 = arith.addf %add3A_370, %get3A_376 : vector<16xf32>
        %mul3A_378 = arith.constant 16 : i32
        %mul3A_379 = arith.muli %sub3A_303, %mul3A_378 : i32
        %add3A_380 = arith.constant 11264 : i32
        %add3A_381 = arith.addi %add3A_380, %mul3A_379 : i32
        %get3A_382 = arith.index_cast %add3A_381 : i32 to index
        %get3A_383 = tpu.vector_load %arg5[%get3A_382] {strides = array<i32>} : memref<16384xf32, #tpu.memory_space<vmem>>, vector<16xf32>,
        %add3A_384 = arith.addf %add3A_377, %get3A_383 : vector<16xf32>
        %mul3A_385 = arith.constant 16 : i32
        %mul3A_386 = arith.muli %sub3A_303, %mul3A_385 : i32
        %add3A_387 = arith.constant 12288 : i32
        %add3A_388 = arith.addi %add3A_387, %mul3A_386 : i32
        %get3A_389 = arith.index_cast %add3A_388 : i32 to index
        %get3A_390 = tpu.vector_load %arg5[%get3A_389] {strides = array<i32>} : memref<16384xf32, #tpu.memory_space<vmem>>, vector<16xf32>,
        %add3A_391 = arith.addf %add3A_384, %get3A_390 : vector<16xf32>
        %mul3A_392 = arith.constant 16 : i32
        %mul3A_393 = arith.muli %sub3A_303, %mul3A_392 : i32
        %add3A_394 = arith.constant 13312 : i32
        %add3A_395 = arith.addi %add3A_394, %mul3A_393 : i32
        %get3A_396 = arith.index_cast %add3A_395 : i32 to index
        %get3A_397 = tpu.vector_load %arg5[%get3A_396] {strides = array<i32>} : memref<16384xf32, #tpu.memory_space<vmem>>, vector<16xf32>,
        %add3A_398 = arith.addf %add3A_391, %get3A_397 : vector<16xf32>
        %mul3A_399 = arith.constant 16 : i32
        %mul3A_400 = arith.muli %sub3A_303, %mul3A_399 : i32
        %add3A_401 = arith.constant 14336 : i32
        %add3A_402 = arith.addi %add3A_401, %mul3A_400 : i32
        %get3A_403 = arith.index_cast %add3A_402 : i32 to index
        %get3A_404 = tpu.vector_load %arg5[%get3A_403] {strides = array<i32>} : memref<16384xf32, #tpu.memory_space<vmem>>, vector<16xf32>,
        %add3A_405 = arith.addf %add3A_398, %get3A_404 : vector<16xf32>
        %mul3A_406 = arith.constant 16 : i32
        %mul3A_407 = arith.muli %sub3A_303, %mul3A_406 : i32
        %add3A_408 = arith.constant 15360 : i32
        %add3A_409 = arith.addi %add3A_408, %mul3A_407 : i32
        %get3A_410 = arith.index_cast %add3A_409 : i32 to index
        %get3A_411 = tpu.vector_load %arg5[%get3A_410] {strides = array<i32>} : memref<16384xf32, #tpu.memory_space<vmem>>, vector<16xf32>,
        %add3A_412 = arith.addf %add3A_405, %get3A_411 : vector<16xf32>
        %rev3A_413 = arith.constant 15 : i32
        %rev3A_414 = vector.broadcast %rev3A_413 : i32 to vector<16xi32>
        %rev3A_415 = tpu.iota {dimensions = array<i32: 0>} : vector<16xi32>
        %rev3A_416 = arith.subi %rev3A_414, %rev3A_415 : vector<16xi32>
        %rev3A_417 = tpu.dynamic_gather %add3A_412[%rev3A_416] in [0] : vector<16xf32>, vector<16xi32> -> vector<16xf32>
        %cumsum3A_418 = arith.constant true
        %cumsum3A_419 = vector.broadcast %cumsum3A_418 : i1 to vector<16xi1>
        %cumsum3A_420 = tpu.scan <sum>, %rev3A_417 masked %cumsum3A_419 : vector<16xf32>, vector<16xi1> -> vector<16xf32>
        %rev3A_421 = arith.constant 15 : i32
        %rev3A_422 = vector.broadcast %rev3A_421 : i32 to vector<16xi32>
        %rev3A_423 = tpu.iota {dimensions = array<i32: 0>} : vector<16xi32>
        %rev3A_424 = arith.subi %rev3A_422, %rev3A_423 : vector<16xi32>
        %rev3A_425 = tpu.dynamic_gather %cumsum3A_420[%rev3A_424] in [0] : vector<16xf32>, vector<16xi32> -> vector<16xf32>
        %sub3A_426 = arith.subf %rev3A_425, %add3A_412 : vector<16xf32>
        %add3A_427 = vector.broadcast %scan3A_301 : f32 to vector<16xf32>
        %add3A_428 = arith.addf %add3A_427, %sub3A_426 : vector<16xf32>
        %le3A_429 = vector.broadcast %mul3A_36 : f32 to vector<16xf32>
        %le3A_430 = arith.cmpf ole, %add3A_428, %le3A_429 : vector<16xf32>
        %gt3A_431 = arith.constant 0.000000e+00 : f32
        %gt3A_432 = vector.broadcast %gt3A_431 : f32 to vector<16xf32>
        %gt3A_433 = arith.cmpf ogt, %add3A_412, %gt3A_432 : vector<16xf32>
        %and3A_434 = arith.andi %le3A_430, %gt3A_433 : vector<16xi1>
        %reduce_or3A_435 = arith.constant 1.000000e+00 : f32
        %reduce_or3A_436 = arith.constant 0.000000e+00 : f32
        %reduce_or3A_437 = vector.broadcast %reduce_or3A_435 : f32 to vector<16xf32>
        %reduce_or3A_438 = vector.broadcast %reduce_or3A_436 : f32 to vector<16xf32>
        %reduce_or3A_439 = arith.select %and3A_434, %reduce_or3A_437, %reduce_or3A_438 : vector<16xi1>, vector<16xf32>
        %reduce_or3A_440 = arith.constant true
        %reduce_or3A_441 = vector.broadcast %reduce_or3A_440 : i1 to vector<16xi1>
        %reduce_or3A_442 = tpu.scan <max>, %reduce_or3A_439 masked %reduce_or3A_441 : vector<16xf32>, vector<16xi1> -> vector<16xf32>
        %reduce_or3A_443 = vector.extract %reduce_or3A_442[15] : f32 from vector<16xf32>
        %reduce_or3A_444 = arith.constant 0.000000e+00 : f32
        %reduce_or3A_445 = arith.cmpf ogt, %reduce_or3A_443, %reduce_or3A_444 : f32
        %all_reduce_ffs3A_446 = tpu.all_reduce %and3A_434 {dim = 0 : i64, kind = #tpu.reduction_kind<find_first_set>} : vector<16xi1> -> vector<16xi32>
        %reduce_max3A_447 = arith.constant true
        %reduce_max3A_448 = vector.broadcast %reduce_max3A_447 : i1 to vector<16xi1>
        %reduce_max3A_449 = arith.constant -2147483648 : i32
        %reduce_max3A_450 = vector.broadcast %reduce_max3A_449 : i32 to vector<16xi32>
        %reduce_max3A_451 = arith.xori %all_reduce_ffs3A_446, %reduce_max3A_450 : vector<16xi32>
        %reduce_max3A_452 = tpu.scan <max>, %reduce_max3A_451 masked %reduce_max3A_448 : vector<16xi32>, vector<16xi1> -> vector<16xi32>
        %reduce_max3A_453 = arith.xori %reduce_max3A_452, %reduce_max3A_450 : vector<16xi32>
        %reduce_max3A_454 = vector.extract %reduce_max3A_453[15] : i32 from vector<16xi32>
        %eq3A_455 = vector.broadcast %reduce_max3A_454 : i32 to vector<16xi32>
        %eq3A_456 = arith.cmpi eq, %iota3A, %eq3A_455 : vector<16xi32>
        %jit3A_457 = arith.constant 0.000000e+00 : f32
        %broadcast_in_dim3A_458 = vector.broadcast %jit3A_457 : f32 to vector<16xf32>
        %select_n3A_459 = arith.select %eq3A_456, %sub3A_426, %broadcast_in_dim3A_458 : vector<16xi1>, vector<16xf32>
        %reduce_sum3A_460 = arith.constant true
        %reduce_sum3A_461 = vector.broadcast %reduce_sum3A_460 : i1 to vector<16xi1>
        %reduce_sum3A_462 = tpu.scan <sum>, %select_n3A_459 masked %reduce_sum3A_461 : vector<16xf32>, vector<16xi1> -> vector<16xf32>
        %reduce_sum3A_463 = vector.extract %reduce_sum3A_462[15] : f32 from vector<16xf32>
        %mul3A_464 = arith.constant 16 : i32
        %mul3A_465 = arith.muli %sub3A_303, %mul3A_464 : i32
        %add3A_466 = arith.addi %mul3A_465, %reduce_max3A_454 : i32
        %select_n3A_467 = arith.select %reduce_or3A_445, %add3A_466, %scan3A_299 : i32
        %add3A_468 = arith.addf %scan3A_301, %reduce_sum3A_463 : f32
        %select_n3A_469 = arith.select %reduce_or3A_445, %add3A_468, %scan3A_300 : f32
        %reduce_sum3A_470 = arith.constant true
        %reduce_sum3A_471 = vector.broadcast %reduce_sum3A_470 : i1 to vector<16xi1>
        %reduce_sum3A_472 = tpu.scan <sum>, %add3A_412 masked %reduce_sum3A_471 : vector<16xf32>, vector<16xi1> -> vector<16xf32>
        %reduce_sum3A_473 = vector.extract %reduce_sum3A_472[15] : f32 from vector<16xf32>
        %add3A_474 = arith.addf %scan3A_301, %reduce_sum3A_473 : f32
        scf.yield %select_n3A_467, %select_n3A_469, %add3A_474 : i32, f32, f32
      }
      %scan3A_45 = arith.constant 64 : i32
      %broadcast_in_dim3A_46 = arith.constant 0.000000e+00 : f32
      %broadcast_in_dim3A_47 = vector.broadcast %broadcast_in_dim3A_46 : f32 to vector<16xf32>
      %scan3A_48 = arith.constant 0 : i32
      %scan3A_49 = arith.constant 0 : i32
      %scan3A_50 = arith.constant 64 : i32
      %scan3A_51 = arith.addi %scan3A_49, %scan3A_50 : i32
      %scan3A_52 = arith.constant 1 : i32
      scf.for %scan3A_298 = %scan3A_49 to %scan3A_51 step %scan3A_52  : i32 {
        %mul3A_299 = arith.constant 16 : i32
        %mul3A_300 = arith.muli %scan3A_298, %mul3A_299 : i32
        %add3A_301 = arith.constant 0 : i32
        %add3A_302 = arith.addi %mul3A_300, %add3A_301 : i32
        %mul3A_303 = arith.constant 16 : i32
        %mul3A_304 = arith.muli %add3A_302, %mul3A_303 : i32
        %swap3A = arith.index_cast %mul3A_304 : i32 to index
        %swap3A_305 = tpu.vector_load %arg5[%swap3A] {strides = array<i32>} : memref<16384xf32, #tpu.memory_space<vmem>>, vector<16xf32>,
        tpu.vector_store %arg5[%swap3A], %broadcast_in_dim3A_47 {strides = array<i32>} : memref<16384xf32, #tpu.memory_space<vmem>>, vector<16xf32>,
        %mul3A_306 = arith.constant 16 : i32
        %mul3A_307 = arith.muli %scan3A_298, %mul3A_306 : i32
        %add3A_308 = arith.constant 1 : i32
        %add3A_309 = arith.addi %mul3A_307, %add3A_308 : i32
        %mul3A_310 = arith.constant 16 : i32
        %mul3A_311 = arith.muli %add3A_309, %mul3A_310 : i32
        %swap3A_312 = arith.index_cast %mul3A_311 : i32 to index
        %swap3A_313 = tpu.vector_load %arg5[%swap3A_312] {strides = array<i32>} : memref<16384xf32, #tpu.memory_space<vmem>>, vector<16xf32>,
        tpu.vector_store %arg5[%swap3A_312], %broadcast_in_dim3A_47 {strides = array<i32>} : memref<16384xf32, #tpu.memory_space<vmem>>, vector<16xf32>,
        %mul3A_314 = arith.constant 16 : i32
        %mul3A_315 = arith.muli %scan3A_298, %mul3A_314 : i32
        %add3A_316 = arith.constant 2 : i32
        %add3A_317 = arith.addi %mul3A_315, %add3A_316 : i32
        %mul3A_318 = arith.constant 16 : i32
        %mul3A_319 = arith.muli %add3A_317, %mul3A_318 : i32
        %swap3A_320 = arith.index_cast %mul3A_319 : i32 to index
        %swap3A_321 = tpu.vector_load %arg5[%swap3A_320] {strides = array<i32>} : memref<16384xf32, #tpu.memory_space<vmem>>, vector<16xf32>,
        tpu.vector_store %arg5[%swap3A_320], %broadcast_in_dim3A_47 {strides = array<i32>} : memref<16384xf32, #tpu.memory_space<vmem>>, vector<16xf32>,
        %mul3A_322 = arith.constant 16 : i32
        %mul3A_323 = arith.muli %scan3A_298, %mul3A_322 : i32
        %add3A_324 = arith.constant 3 : i32
        %add3A_325 = arith.addi %mul3A_323, %add3A_324 : i32
        %mul3A_326 = arith.constant 16 : i32
        %mul3A_327 = arith.muli %add3A_325, %mul3A_326 : i32
        %swap3A_328 = arith.index_cast %mul3A_327 : i32 to index
        %swap3A_329 = tpu.vector_load %arg5[%swap3A_328] {strides = array<i32>} : memref<16384xf32, #tpu.memory_space<vmem>>, vector<16xf32>,
        tpu.vector_store %arg5[%swap3A_328], %broadcast_in_dim3A_47 {strides = array<i32>} : memref<16384xf32, #tpu.memory_space<vmem>>, vector<16xf32>,
        %mul3A_330 = arith.constant 16 : i32
        %mul3A_331 = arith.muli %scan3A_298, %mul3A_330 : i32
        %add3A_332 = arith.constant 4 : i32
        %add3A_333 = arith.addi %mul3A_331, %add3A_332 : i32
        %mul3A_334 = arith.constant 16 : i32
        %mul3A_335 = arith.muli %add3A_333, %mul3A_334 : i32
        %swap3A_336 = arith.index_cast %mul3A_335 : i32 to index
        %swap3A_337 = tpu.vector_load %arg5[%swap3A_336] {strides = array<i32>} : memref<16384xf32, #tpu.memory_space<vmem>>, vector<16xf32>,
        tpu.vector_store %arg5[%swap3A_336], %broadcast_in_dim3A_47 {strides = array<i32>} : memref<16384xf32, #tpu.memory_space<vmem>>, vector<16xf32>,
        %mul3A_338 = arith.constant 16 : i32
        %mul3A_339 = arith.muli %scan3A_298, %mul3A_338 : i32
        %add3A_340 = arith.constant 5 : i32
        %add3A_341 = arith.addi %mul3A_339, %add3A_340 : i32
        %mul3A_342 = arith.constant 16 : i32
        %mul3A_343 = arith.muli %add3A_341, %mul3A_342 : i32
        %swap3A_344 = arith.index_cast %mul3A_343 : i32 to index
        %swap3A_345 = tpu.vector_load %arg5[%swap3A_344] {strides = array<i32>} : memref<16384xf32, #tpu.memory_space<vmem>>, vector<16xf32>,
        tpu.vector_store %arg5[%swap3A_344], %broadcast_in_dim3A_47 {strides = array<i32>} : memref<16384xf32, #tpu.memory_space<vmem>>, vector<16xf32>,
        %mul3A_346 = arith.constant 16 : i32
        %mul3A_347 = arith.muli %scan3A_298, %mul3A_346 : i32
        %add3A_348 = arith.constant 6 : i32
        %add3A_349 = arith.addi %mul3A_347, %add3A_348 : i32
        %mul3A_350 = arith.constant 16 : i32
        %mul3A_351 = arith.muli %add3A_349, %mul3A_350 : i32
        %swap3A_352 = arith.index_cast %mul3A_351 : i32 to index
        %swap3A_353 = tpu.vector_load %arg5[%swap3A_352] {strides = array<i32>} : memref<16384xf32, #tpu.memory_space<vmem>>, vector<16xf32>,
        tpu.vector_store %arg5[%swap3A_352], %broadcast_in_dim3A_47 {strides = array<i32>} : memref<16384xf32, #tpu.memory_space<vmem>>, vector<16xf32>,
        %mul3A_354 = arith.constant 16 : i32
        %mul3A_355 = arith.muli %scan3A_298, %mul3A_354 : i32
        %add3A_356 = arith.constant 7 : i32
        %add3A_357 = arith.addi %mul3A_355, %add3A_356 : i32
        %mul3A_358 = arith.constant 16 : i32
        %mul3A_359 = arith.muli %add3A_357, %mul3A_358 : i32
        %swap3A_360 = arith.index_cast %mul3A_359 : i32 to index
        %swap3A_361 = tpu.vector_load %arg5[%swap3A_360] {strides = array<i32>} : memref<16384xf32, #tpu.memory_space<vmem>>, vector<16xf32>,
        tpu.vector_store %arg5[%swap3A_360], %broadcast_in_dim3A_47 {strides = array<i32>} : memref<16384xf32, #tpu.memory_space<vmem>>, vector<16xf32>,
        %mul3A_362 = arith.constant 16 : i32
        %mul3A_363 = arith.muli %scan3A_298, %mul3A_362 : i32
        %add3A_364 = arith.constant 8 : i32
        %add3A_365 = arith.addi %mul3A_363, %add3A_364 : i32
        %mul3A_366 = arith.constant 16 : i32
        %mul3A_367 = arith.muli %add3A_365, %mul3A_366 : i32
        %swap3A_368 = arith.index_cast %mul3A_367 : i32 to index
        %swap3A_369 = tpu.vector_load %arg5[%swap3A_368] {strides = array<i32>} : memref<16384xf32, #tpu.memory_space<vmem>>, vector<16xf32>,
        tpu.vector_store %arg5[%swap3A_368], %broadcast_in_dim3A_47 {strides = array<i32>} : memref<16384xf32, #tpu.memory_space<vmem>>, vector<16xf32>,
        %mul3A_370 = arith.constant 16 : i32
        %mul3A_371 = arith.muli %scan3A_298, %mul3A_370 : i32
        %add3A_372 = arith.constant 9 : i32
        %add3A_373 = arith.addi %mul3A_371, %add3A_372 : i32
        %mul3A_374 = arith.constant 16 : i32
        %mul3A_375 = arith.muli %add3A_373, %mul3A_374 : i32
        %swap3A_376 = arith.index_cast %mul3A_375 : i32 to index
        %swap3A_377 = tpu.vector_load %arg5[%swap3A_376] {strides = array<i32>} : memref<16384xf32, #tpu.memory_space<vmem>>, vector<16xf32>,
        tpu.vector_store %arg5[%swap3A_376], %broadcast_in_dim3A_47 {strides = array<i32>} : memref<16384xf32, #tpu.memory_space<vmem>>, vector<16xf32>,
        %mul3A_378 = arith.constant 16 : i32
        %mul3A_379 = arith.muli %scan3A_298, %mul3A_378 : i32
        %add3A_380 = arith.constant 10 : i32
        %add3A_381 = arith.addi %mul3A_379, %add3A_380 : i32
        %mul3A_382 = arith.constant 16 : i32
        %mul3A_383 = arith.muli %add3A_381, %mul3A_382 : i32
        %swap3A_384 = arith.index_cast %mul3A_383 : i32 to index
        %swap3A_385 = tpu.vector_load %arg5[%swap3A_384] {strides = array<i32>} : memref<16384xf32, #tpu.memory_space<vmem>>, vector<16xf32>,
        tpu.vector_store %arg5[%swap3A_384], %broadcast_in_dim3A_47 {strides = array<i32>} : memref<16384xf32, #tpu.memory_space<vmem>>, vector<16xf32>,
        %mul3A_386 = arith.constant 16 : i32
        %mul3A_387 = arith.muli %scan3A_298, %mul3A_386 : i32
        %add3A_388 = arith.constant 11 : i32
        %add3A_389 = arith.addi %mul3A_387, %add3A_388 : i32
        %mul3A_390 = arith.constant 16 : i32
        %mul3A_391 = arith.muli %add3A_389, %mul3A_390 : i32
        %swap3A_392 = arith.index_cast %mul3A_391 : i32 to index
        %swap3A_393 = tpu.vector_load %arg5[%swap3A_392] {strides = array<i32>} : memref<16384xf32, #tpu.memory_space<vmem>>, vector<16xf32>,
        tpu.vector_store %arg5[%swap3A_392], %broadcast_in_dim3A_47 {strides = array<i32>} : memref<16384xf32, #tpu.memory_space<vmem>>, vector<16xf32>,
        %mul3A_394 = arith.constant 16 : i32
        %mul3A_395 = arith.muli %scan3A_298, %mul3A_394 : i32
        %add3A_396 = arith.constant 12 : i32
        %add3A_397 = arith.addi %mul3A_395, %add3A_396 : i32
        %mul3A_398 = arith.constant 16 : i32
        %mul3A_399 = arith.muli %add3A_397, %mul3A_398 : i32
        %swap3A_400 = arith.index_cast %mul3A_399 : i32 to index
        %swap3A_401 = tpu.vector_load %arg5[%swap3A_400] {strides = array<i32>} : memref<16384xf32, #tpu.memory_space<vmem>>, vector<16xf32>,
        tpu.vector_store %arg5[%swap3A_400], %broadcast_in_dim3A_47 {strides = array<i32>} : memref<16384xf32, #tpu.memory_space<vmem>>, vector<16xf32>,
        %mul3A_402 = arith.constant 16 : i32
        %mul3A_403 = arith.muli %scan3A_298, %mul3A_402 : i32
        %add3A_404 = arith.constant 13 : i32
        %add3A_405 = arith.addi %mul3A_403, %add3A_404 : i32
        %mul3A_406 = arith.constant 16 : i32
        %mul3A_407 = arith.muli %add3A_405, %mul3A_406 : i32
        %swap3A_408 = arith.index_cast %mul3A_407 : i32 to index
        %swap3A_409 = tpu.vector_load %arg5[%swap3A_408] {strides = array<i32>} : memref<16384xf32, #tpu.memory_space<vmem>>, vector<16xf32>,
        tpu.vector_store %arg5[%swap3A_408], %broadcast_in_dim3A_47 {strides = array<i32>} : memref<16384xf32, #tpu.memory_space<vmem>>, vector<16xf32>,
        %mul3A_410 = arith.constant 16 : i32
        %mul3A_411 = arith.muli %scan3A_298, %mul3A_410 : i32
        %add3A_412 = arith.constant 14 : i32
        %add3A_413 = arith.addi %mul3A_411, %add3A_412 : i32
        %mul3A_414 = arith.constant 16 : i32
        %mul3A_415 = arith.muli %add3A_413, %mul3A_414 : i32
        %swap3A_416 = arith.index_cast %mul3A_415 : i32 to index
        %swap3A_417 = tpu.vector_load %arg5[%swap3A_416] {strides = array<i32>} : memref<16384xf32, #tpu.memory_space<vmem>>, vector<16xf32>,
        tpu.vector_store %arg5[%swap3A_416], %broadcast_in_dim3A_47 {strides = array<i32>} : memref<16384xf32, #tpu.memory_space<vmem>>, vector<16xf32>,
        %mul3A_418 = arith.constant 16 : i32
        %mul3A_419 = arith.muli %scan3A_298, %mul3A_418 : i32
        %add3A_420 = arith.constant 15 : i32
        %add3A_421 = arith.addi %mul3A_419, %add3A_420 : i32
        %mul3A_422 = arith.constant 16 : i32
        %mul3A_423 = arith.muli %add3A_421, %mul3A_422 : i32
        %swap3A_424 = arith.index_cast %mul3A_423 : i32 to index
        %swap3A_425 = tpu.vector_load %arg5[%swap3A_424] {strides = array<i32>} : memref<16384xf32, #tpu.memory_space<vmem>>, vector<16xf32>,
        tpu.vector_store %arg5[%swap3A_424], %broadcast_in_dim3A_47 {strides = array<i32>} : memref<16384xf32, #tpu.memory_space<vmem>>, vector<16xf32>,
      }
      %scan3A_53 = arith.constant 64 : i32
      %scan3A_54 = arith.constant 0 : i32
      %scan3A_55 = arith.constant 1023 : i32
      %scan3A_56 = arith.constant 0 : i32
      %scan3A_57 = arith.constant 625 : i32
      %scan3A_58 = arith.addi %scan3A_56, %scan3A_57 : i32
      %scan3A_59 = arith.constant 1 : i32
      scf.for %scan3A_298 = %scan3A_56 to %scan3A_58 step %scan3A_59  : i32 {
        %mul3A_299 = arith.constant 10 : i32
        %mul3A_300 = arith.muli %scan3A_298, %mul3A_299 : i32
        %add3A_301 = arith.constant 0 : i32
        %add3A_302 = arith.addi %mul3A_300, %add3A_301 : i32
        %mul3A_303 = arith.constant 16 : i32
        %mul3A_304 = arith.muli %add3A_302, %mul3A_303 : i32
        %get3A_305 = arith.index_cast %mul3A_304 : i32 to index
        %get3A_306 = tpu.vector_load %arg4[%get3A_305] {strides = array<i32>} : memref<100000xf32, #tpu.memory_space<vmem>>, vector<16xf32>,
        %bitcast_convert_type3A_307 = tpu.bitcast %get3A_306 : vector<16xf32> -> vector<16xi32>
        %shift_right_logical3A_308 = arith.constant 31 : i32
        %shift_right_logical3A_309 = vector.broadcast %shift_right_logical3A_308 : i32 to vector<16xi32>
        %shift_right_logical3A_310 = arith.shrui %bitcast_convert_type3A_307, %shift_right_logical3A_309 : vector<16xi32>
        %sub3A_311 = arith.constant 0 : i32
        %sub3A_312 = vector.broadcast %sub3A_311 : i32 to vector<16xi32>
        %sub3A_313 = arith.subi %sub3A_312, %shift_right_logical3A_310 : vector<16xi32>
        %or3A_314 = arith.constant -2147483648 : i32
        %or3A_315 = vector.broadcast %or3A_314 : i32 to vector<16xi32>
        %or3A_316 = arith.ori %sub3A_313, %or3A_315 : vector<16xi32>
        %xor3A_317 = arith.xori %bitcast_convert_type3A_307, %or3A_316 : vector<16xi32>
        %exp3A_318 = math.exp %get3A_306 : vector<16xf32>
        %shift_right_logical3A_319 = arith.constant 12 : i32
        %shift_right_logical3A_320 = vector.broadcast %shift_right_logical3A_319 : i32 to vector<16xi32>
        %shift_right_logical3A_321 = arith.shrui %xor3A_317, %shift_right_logical3A_320 : vector<16xi32>
        %and3A_322 = vector.broadcast %scan3A_55 : i32 to vector<16xi32>
        %and3A_323 = arith.andi %shift_right_logical3A_321, %and3A_322 : vector<16xi32>
        %mul3A_324 = arith.constant 1024 : i32
        %mul3A_325 = vector.broadcast %mul3A_324 : i32 to vector<16xi32>
        %mul3A_326 = arith.muli %iota3A, %mul3A_325 : vector<16xi32>
        %add3A_327 = arith.addi %mul3A_326, %and3A_323 : vector<16xi32>
        %shift_right_logical3A_328 = arith.constant 22 : i32
        %shift_right_logical3A_329 = vector.broadcast %shift_right_logical3A_328 : i32 to vector<16xi32>
        %shift_right_logical3A_330 = arith.shrui %xor3A_317, %shift_right_logical3A_329 : vector<16xi32>
        %eq3A_331 = vector.broadcast %scan3A_44#0 : i32 to vector<16xi32>
        %eq3A_332 = arith.cmpi eq, %shift_right_logical3A_330, %eq3A_331 : vector<16xi32>
        tpu.vector_store_idx %arg5[%add3A_327], %exp3A_318 masked %eq3A_332 {add = true} : memref<16384xf32, #tpu.memory_space<vmem>>[vector<16xi32>], vector<16xf32>, vector<16xi1>
        %mul3A_333 = arith.constant 10 : i32
        %mul3A_334 = arith.muli %scan3A_298, %mul3A_333 : i32
        %add3A_335 = arith.constant 1 : i32
        %add3A_336 = arith.addi %mul3A_334, %add3A_335 : i32
        %mul3A_337 = arith.constant 16 : i32
        %mul3A_338 = arith.muli %add3A_336, %mul3A_337 : i32
        %get3A_339 = arith.index_cast %mul3A_338 : i32 to index
        %get3A_340 = tpu.vector_load %arg4[%get3A_339] {strides = array<i32>} : memref<100000xf32, #tpu.memory_space<vmem>>, vector<16xf32>,
        %bitcast_convert_type3A_341 = tpu.bitcast %get3A_340 : vector<16xf32> -> vector<16xi32>
        %shift_right_logical3A_342 = arith.constant 31 : i32
        %shift_right_logical3A_343 = vector.broadcast %shift_right_logical3A_342 : i32 to vector<16xi32>
        %shift_right_logical3A_344 = arith.shrui %bitcast_convert_type3A_341, %shift_right_logical3A_343 : vector<16xi32>
        %sub3A_345 = arith.constant 0 : i32
        %sub3A_346 = vector.broadcast %sub3A_345 : i32 to vector<16xi32>
        %sub3A_347 = arith.subi %sub3A_346, %shift_right_logical3A_344 : vector<16xi32>
        %or3A_348 = arith.constant -2147483648 : i32
        %or3A_349 = vector.broadcast %or3A_348 : i32 to vector<16xi32>
        %or3A_350 = arith.ori %sub3A_347, %or3A_349 : vector<16xi32>
        %xor3A_351 = arith.xori %bitcast_convert_type3A_341, %or3A_350 : vector<16xi32>
        %exp3A_352 = math.exp %get3A_340 : vector<16xf32>
        %shift_right_logical3A_353 = arith.constant 12 : i32
        %shift_right_logical3A_354 = vector.broadcast %shift_right_logical3A_353 : i32 to vector<16xi32>
        %shift_right_logical3A_355 = arith.shrui %xor3A_351, %shift_right_logical3A_354 : vector<16xi32>
        %and3A_356 = vector.broadcast %scan3A_55 : i32 to vector<16xi32>
        %and3A_357 = arith.andi %shift_right_logical3A_355, %and3A_356 : vector<16xi32>
        %mul3A_358 = arith.constant 1024 : i32
        %mul3A_359 = vector.broadcast %mul3A_358 : i32 to vector<16xi32>
        %mul3A_360 = arith.muli %iota3A, %mul3A_359 : vector<16xi32>
        %add3A_361 = arith.addi %mul3A_360, %and3A_357 : vector<16xi32>
        %shift_right_logical3A_362 = arith.constant 22 : i32
        %shift_right_logical3A_363 = vector.broadcast %shift_right_logical3A_362 : i32 to vector<16xi32>
        %shift_right_logical3A_364 = arith.shrui %xor3A_351, %shift_right_logical3A_363 : vector<16xi32>
        %eq3A_365 = vector.broadcast %scan3A_44#0 : i32 to vector<16xi32>
        %eq3A_366 = arith.cmpi eq, %shift_right_logical3A_364, %eq3A_365 : vector<16xi32>
        tpu.vector_store_idx %arg5[%add3A_361], %exp3A_352 masked %eq3A_366 {add = true} : memref<16384xf32, #tpu.memory_space<vmem>>[vector<16xi32>], vector<16xf32>, vector<16xi1>
        %mul3A_367 = arith.constant 10 : i32
        %mul3A_368 = arith.muli %scan3A_298, %mul3A_367 : i32
        %add3A_369 = arith.constant 2 : i32
        %add3A_370 = arith.addi %mul3A_368, %add3A_369 : i32
        %mul3A_371 = arith.constant 16 : i32
        %mul3A_372 = arith.muli %add3A_370, %mul3A_371 : i32
        %get3A_373 = arith.index_cast %mul3A_372 : i32 to index
        %get3A_374 = tpu.vector_load %arg4[%get3A_373] {strides = array<i32>} : memref<100000xf32, #tpu.memory_space<vmem>>, vector<16xf32>,
        %bitcast_convert_type3A_375 = tpu.bitcast %get3A_374 : vector<16xf32> -> vector<16xi32>
        %shift_right_logical3A_376 = arith.constant 31 : i32
        %shift_right_logical3A_377 = vector.broadcast %shift_right_logical3A_376 : i32 to vector<16xi32>
        %shift_right_logical3A_378 = arith.shrui %bitcast_convert_type3A_375, %shift_right_logical3A_377 : vector<16xi32>
        %sub3A_379 = arith.constant 0 : i32
        %sub3A_380 = vector.broadcast %sub3A_379 : i32 to vector<16xi32>
        %sub3A_381 = arith.subi %sub3A_380, %shift_right_logical3A_378 : vector<16xi32>
        %or3A_382 = arith.constant -2147483648 : i32
        %or3A_383 = vector.broadcast %or3A_382 : i32 to vector<16xi32>
        %or3A_384 = arith.ori %sub3A_381, %or3A_383 : vector<16xi32>
        %xor3A_385 = arith.xori %bitcast_convert_type3A_375, %or3A_384 : vector<16xi32>
        %exp3A_386 = math.exp %get3A_374 : vector<16xf32>
        %shift_right_logical3A_387 = arith.constant 12 : i32
        %shift_right_logical3A_388 = vector.broadcast %shift_right_logical3A_387 : i32 to vector<16xi32>
        %shift_right_logical3A_389 = arith.shrui %xor3A_385, %shift_right_logical3A_388 : vector<16xi32>
        %and3A_390 = vector.broadcast %scan3A_55 : i32 to vector<16xi32>
        %and3A_391 = arith.andi %shift_right_logical3A_389, %and3A_390 : vector<16xi32>
        %mul3A_392 = arith.constant 1024 : i32
        %mul3A_393 = vector.broadcast %mul3A_392 : i32 to vector<16xi32>
        %mul3A_394 = arith.muli %iota3A, %mul3A_393 : vector<16xi32>
        %add3A_395 = arith.addi %mul3A_394, %and3A_391 : vector<16xi32>
        %shift_right_logical3A_396 = arith.constant 22 : i32
        %shift_right_logical3A_397 = vector.broadcast %shift_right_logical3A_396 : i32 to vector<16xi32>
        %shift_right_logical3A_398 = arith.shrui %xor3A_385, %shift_right_logical3A_397 : vector<16xi32>
        %eq3A_399 = vector.broadcast %scan3A_44#0 : i32 to vector<16xi32>
        %eq3A_400 = arith.cmpi eq, %shift_right_logical3A_398, %eq3A_399 : vector<16xi32>
        tpu.vector_store_idx %arg5[%add3A_395], %exp3A_386 masked %eq3A_400 {add = true} : memref<16384xf32, #tpu.memory_space<vmem>>[vector<16xi32>], vector<16xf32>, vector<16xi1>
        %mul3A_401 = arith.constant 10 : i32
        %mul3A_402 = arith.muli %scan3A_298, %mul3A_401 : i32
        %add3A_403 = arith.constant 3 : i32
        %add3A_404 = arith.addi %mul3A_402, %add3A_403 : i32
        %mul3A_405 = arith.constant 16 : i32
        %mul3A_406 = arith.muli %add3A_404, %mul3A_405 : i32
        %get3A_407 = arith.index_cast %mul3A_406 : i32 to index
        %get3A_408 = tpu.vector_load %arg4[%get3A_407] {strides = array<i32>} : memref<100000xf32, #tpu.memory_space<vmem>>, vector<16xf32>,
        %bitcast_convert_type3A_409 = tpu.bitcast %get3A_408 : vector<16xf32> -> vector<16xi32>
        %shift_right_logical3A_410 = arith.constant 31 : i32
        %shift_right_logical3A_411 = vector.broadcast %shift_right_logical3A_410 : i32 to vector<16xi32>
        %shift_right_logical3A_412 = arith.shrui %bitcast_convert_type3A_409, %shift_right_logical3A_411 : vector<16xi32>
        %sub3A_413 = arith.constant 0 : i32
        %sub3A_414 = vector.broadcast %sub3A_413 : i32 to vector<16xi32>
        %sub3A_415 = arith.subi %sub3A_414, %shift_right_logical3A_412 : vector<16xi32>
        %or3A_416 = arith.constant -2147483648 : i32
        %or3A_417 = vector.broadcast %or3A_416 : i32 to vector<16xi32>
        %or3A_418 = arith.ori %sub3A_415, %or3A_417 : vector<16xi32>
        %xor3A_419 = arith.xori %bitcast_convert_type3A_409, %or3A_418 : vector<16xi32>
        %exp3A_420 = math.exp %get3A_408 : vector<16xf32>
        %shift_right_logical3A_421 = arith.constant 12 : i32
        %shift_right_logical3A_422 = vector.broadcast %shift_right_logical3A_421 : i32 to vector<16xi32>
        %shift_right_logical3A_423 = arith.shrui %xor3A_419, %shift_right_logical3A_422 : vector<16xi32>
        %and3A_424 = vector.broadcast %scan3A_55 : i32 to vector<16xi32>
        %and3A_425 = arith.andi %shift_right_logical3A_423, %and3A_424 : vector<16xi32>
        %mul3A_426 = arith.constant 1024 : i32
        %mul3A_427 = vector.broadcast %mul3A_426 : i32 to vector<16xi32>
        %mul3A_428 = arith.muli %iota3A, %mul3A_427 : vector<16xi32>
        %add3A_429 = arith.addi %mul3A_428, %and3A_425 : vector<16xi32>
        %shift_right_logical3A_430 = arith.constant 22 : i32
        %shift_right_logical3A_431 = vector.broadcast %shift_right_logical3A_430 : i32 to vector<16xi32>
        %shift_right_logical3A_432 = arith.shrui %xor3A_419, %shift_right_logical3A_431 : vector<16xi32>
        %eq3A_433 = vector.broadcast %scan3A_44#0 : i32 to vector<16xi32>
        %eq3A_434 = arith.cmpi eq, %shift_right_logical3A_432, %eq3A_433 : vector<16xi32>
        tpu.vector_store_idx %arg5[%add3A_429], %exp3A_420 masked %eq3A_434 {add = true} : memref<16384xf32, #tpu.memory_space<vmem>>[vector<16xi32>], vector<16xf32>, vector<16xi1>
        %mul3A_435 = arith.constant 10 : i32
        %mul3A_436 = arith.muli %scan3A_298, %mul3A_435 : i32
        %add3A_437 = arith.constant 4 : i32
        %add3A_438 = arith.addi %mul3A_436, %add3A_437 : i32
        %mul3A_439 = arith.constant 16 : i32
        %mul3A_440 = arith.muli %add3A_438, %mul3A_439 : i32
        %get3A_441 = arith.index_cast %mul3A_440 : i32 to index
        %get3A_442 = tpu.vector_load %arg4[%get3A_441] {strides = array<i32>} : memref<100000xf32, #tpu.memory_space<vmem>>, vector<16xf32>,
        %bitcast_convert_type3A_443 = tpu.bitcast %get3A_442 : vector<16xf32> -> vector<16xi32>
        %shift_right_logical3A_444 = arith.constant 31 : i32
        %shift_right_logical3A_445 = vector.broadcast %shift_right_logical3A_444 : i32 to vector<16xi32>
        %shift_right_logical3A_446 = arith.shrui %bitcast_convert_type3A_443, %shift_right_logical3A_445 : vector<16xi32>
        %sub3A_447 = arith.constant 0 : i32
        %sub3A_448 = vector.broadcast %sub3A_447 : i32 to vector<16xi32>
        %sub3A_449 = arith.subi %sub3A_448, %shift_right_logical3A_446 : vector<16xi32>
        %or3A_450 = arith.constant -2147483648 : i32
        %or3A_451 = vector.broadcast %or3A_450 : i32 to vector<16xi32>
        %or3A_452 = arith.ori %sub3A_449, %or3A_451 : vector<16xi32>
        %xor3A_453 = arith.xori %bitcast_convert_type3A_443, %or3A_452 : vector<16xi32>
        %exp3A_454 = math.exp %get3A_442 : vector<16xf32>
        %shift_right_logical3A_455 = arith.constant 12 : i32
        %shift_right_logical3A_456 = vector.broadcast %shift_right_logical3A_455 : i32 to vector<16xi32>
        %shift_right_logical3A_457 = arith.shrui %xor3A_453, %shift_right_logical3A_456 : vector<16xi32>
        %and3A_458 = vector.broadcast %scan3A_55 : i32 to vector<16xi32>
        %and3A_459 = arith.andi %shift_right_logical3A_457, %and3A_458 : vector<16xi32>
        %mul3A_460 = arith.constant 1024 : i32
        %mul3A_461 = vector.broadcast %mul3A_460 : i32 to vector<16xi32>
        %mul3A_462 = arith.muli %iota3A, %mul3A_461 : vector<16xi32>
        %add3A_463 = arith.addi %mul3A_462, %and3A_459 : vector<16xi32>
        %shift_right_logical3A_464 = arith.constant 22 : i32
        %shift_right_logical3A_465 = vector.broadcast %shift_right_logical3A_464 : i32 to vector<16xi32>
        %shift_right_logical3A_466 = arith.shrui %xor3A_453, %shift_right_logical3A_465 : vector<16xi32>
        %eq3A_467 = vector.broadcast %scan3A_44#0 : i32 to vector<16xi32>
        %eq3A_468 = arith.cmpi eq, %shift_right_logical3A_466, %eq3A_467 : vector<16xi32>
        tpu.vector_store_idx %arg5[%add3A_463], %exp3A_454 masked %eq3A_468 {add = true} : memref<16384xf32, #tpu.memory_space<vmem>>[vector<16xi32>], vector<16xf32>, vector<16xi1>
        %mul3A_469 = arith.constant 10 : i32
        %mul3A_470 = arith.muli %scan3A_298, %mul3A_469 : i32
        %add3A_471 = arith.constant 5 : i32
        %add3A_472 = arith.addi %mul3A_470, %add3A_471 : i32
        %mul3A_473 = arith.constant 16 : i32
        %mul3A_474 = arith.muli %add3A_472, %mul3A_473 : i32
        %get3A_475 = arith.index_cast %mul3A_474 : i32 to index
        %get3A_476 = tpu.vector_load %arg4[%get3A_475] {strides = array<i32>} : memref<100000xf32, #tpu.memory_space<vmem>>, vector<16xf32>,
        %bitcast_convert_type3A_477 = tpu.bitcast %get3A_476 : vector<16xf32> -> vector<16xi32>
        %shift_right_logical3A_478 = arith.constant 31 : i32
        %shift_right_logical3A_479 = vector.broadcast %shift_right_logical3A_478 : i32 to vector<16xi32>
        %shift_right_logical3A_480 = arith.shrui %bitcast_convert_type3A_477, %shift_right_logical3A_479 : vector<16xi32>
        %sub3A_481 = arith.constant 0 : i32
        %sub3A_482 = vector.broadcast %sub3A_481 : i32 to vector<16xi32>
        %sub3A_483 = arith.subi %sub3A_482, %shift_right_logical3A_480 : vector<16xi32>
        %or3A_484 = arith.constant -2147483648 : i32
        %or3A_485 = vector.broadcast %or3A_484 : i32 to vector<16xi32>
        %or3A_486 = arith.ori %sub3A_483, %or3A_485 : vector<16xi32>
        %xor3A_487 = arith.xori %bitcast_convert_type3A_477, %or3A_486 : vector<16xi32>
        %exp3A_488 = math.exp %get3A_476 : vector<16xf32>
        %shift_right_logical3A_489 = arith.constant 12 : i32
        %shift_right_logical3A_490 = vector.broadcast %shift_right_logical3A_489 : i32 to vector<16xi32>
        %shift_right_logical3A_491 = arith.shrui %xor3A_487, %shift_right_logical3A_490 : vector<16xi32>
        %and3A_492 = vector.broadcast %scan3A_55 : i32 to vector<16xi32>
        %and3A_493 = arith.andi %shift_right_logical3A_491, %and3A_492 : vector<16xi32>
        %mul3A_494 = arith.constant 1024 : i32
        %mul3A_495 = vector.broadcast %mul3A_494 : i32 to vector<16xi32>
        %mul3A_496 = arith.muli %iota3A, %mul3A_495 : vector<16xi32>
        %add3A_497 = arith.addi %mul3A_496, %and3A_493 : vector<16xi32>
        %shift_right_logical3A_498 = arith.constant 22 : i32
        %shift_right_logical3A_499 = vector.broadcast %shift_right_logical3A_498 : i32 to vector<16xi32>
        %shift_right_logical3A_500 = arith.shrui %xor3A_487, %shift_right_logical3A_499 : vector<16xi32>
        %eq3A_501 = vector.broadcast %scan3A_44#0 : i32 to vector<16xi32>
        %eq3A_502 = arith.cmpi eq, %shift_right_logical3A_500, %eq3A_501 : vector<16xi32>
        tpu.vector_store_idx %arg5[%add3A_497], %exp3A_488 masked %eq3A_502 {add = true} : memref<16384xf32, #tpu.memory_space<vmem>>[vector<16xi32>], vector<16xf32>, vector<16xi1>
        %mul3A_503 = arith.constant 10 : i32
        %mul3A_504 = arith.muli %scan3A_298, %mul3A_503 : i32
        %add3A_505 = arith.constant 6 : i32
        %add3A_506 = arith.addi %mul3A_504, %add3A_505 : i32
        %mul3A_507 = arith.constant 16 : i32
        %mul3A_508 = arith.muli %add3A_506, %mul3A_507 : i32
        %get3A_509 = arith.index_cast %mul3A_508 : i32 to index
        %get3A_510 = tpu.vector_load %arg4[%get3A_509] {strides = array<i32>} : memref<100000xf32, #tpu.memory_space<vmem>>, vector<16xf32>,
        %bitcast_convert_type3A_511 = tpu.bitcast %get3A_510 : vector<16xf32> -> vector<16xi32>
        %shift_right_logical3A_512 = arith.constant 31 : i32
        %shift_right_logical3A_513 = vector.broadcast %shift_right_logical3A_512 : i32 to vector<16xi32>
        %shift_right_logical3A_514 = arith.shrui %bitcast_convert_type3A_511, %shift_right_logical3A_513 : vector<16xi32>
        %sub3A_515 = arith.constant 0 : i32
        %sub3A_516 = vector.broadcast %sub3A_515 : i32 to vector<16xi32>
        %sub3A_517 = arith.subi %sub3A_516, %shift_right_logical3A_514 : vector<16xi32>
        %or3A_518 = arith.constant -2147483648 : i32
        %or3A_519 = vector.broadcast %or3A_518 : i32 to vector<16xi32>
        %or3A_520 = arith.ori %sub3A_517, %or3A_519 : vector<16xi32>
        %xor3A_521 = arith.xori %bitcast_convert_type3A_511, %or3A_520 : vector<16xi32>
        %exp3A_522 = math.exp %get3A_510 : vector<16xf32>
        %shift_right_logical3A_523 = arith.constant 12 : i32
        %shift_right_logical3A_524 = vector.broadcast %shift_right_logical3A_523 : i32 to vector<16xi32>
        %shift_right_logical3A_525 = arith.shrui %xor3A_521, %shift_right_logical3A_524 : vector<16xi32>
        %and3A_526 = vector.broadcast %scan3A_55 : i32 to vector<16xi32>
        %and3A_527 = arith.andi %shift_right_logical3A_525, %and3A_526 : vector<16xi32>
        %mul3A_528 = arith.constant 1024 : i32
        %mul3A_529 = vector.broadcast %mul3A_528 : i32 to vector<16xi32>
        %mul3A_530 = arith.muli %iota3A, %mul3A_529 : vector<16xi32>
        %add3A_531 = arith.addi %mul3A_530, %and3A_527 : vector<16xi32>
        %shift_right_logical3A_532 = arith.constant 22 : i32
        %shift_right_logical3A_533 = vector.broadcast %shift_right_logical3A_532 : i32 to vector<16xi32>
        %shift_right_logical3A_534 = arith.shrui %xor3A_521, %shift_right_logical3A_533 : vector<16xi32>
        %eq3A_535 = vector.broadcast %scan3A_44#0 : i32 to vector<16xi32>
        %eq3A_536 = arith.cmpi eq, %shift_right_logical3A_534, %eq3A_535 : vector<16xi32>
        tpu.vector_store_idx %arg5[%add3A_531], %exp3A_522 masked %eq3A_536 {add = true} : memref<16384xf32, #tpu.memory_space<vmem>>[vector<16xi32>], vector<16xf32>, vector<16xi1>
        %mul3A_537 = arith.constant 10 : i32
        %mul3A_538 = arith.muli %scan3A_298, %mul3A_537 : i32
        %add3A_539 = arith.constant 7 : i32
        %add3A_540 = arith.addi %mul3A_538, %add3A_539 : i32
        %mul3A_541 = arith.constant 16 : i32
        %mul3A_542 = arith.muli %add3A_540, %mul3A_541 : i32
        %get3A_543 = arith.index_cast %mul3A_542 : i32 to index
        %get3A_544 = tpu.vector_load %arg4[%get3A_543] {strides = array<i32>} : memref<100000xf32, #tpu.memory_space<vmem>>, vector<16xf32>,
        %bitcast_convert_type3A_545 = tpu.bitcast %get3A_544 : vector<16xf32> -> vector<16xi32>
        %shift_right_logical3A_546 = arith.constant 31 : i32
        %shift_right_logical3A_547 = vector.broadcast %shift_right_logical3A_546 : i32 to vector<16xi32>
        %shift_right_logical3A_548 = arith.shrui %bitcast_convert_type3A_545, %shift_right_logical3A_547 : vector<16xi32>
        %sub3A_549 = arith.constant 0 : i32
        %sub3A_550 = vector.broadcast %sub3A_549 : i32 to vector<16xi32>
        %sub3A_551 = arith.subi %sub3A_550, %shift_right_logical3A_548 : vector<16xi32>
        %or3A_552 = arith.constant -2147483648 : i32
        %or3A_553 = vector.broadcast %or3A_552 : i32 to vector<16xi32>
        %or3A_554 = arith.ori %sub3A_551, %or3A_553 : vector<16xi32>
        %xor3A_555 = arith.xori %bitcast_convert_type3A_545, %or3A_554 : vector<16xi32>
        %exp3A_556 = math.exp %get3A_544 : vector<16xf32>
        %shift_right_logical3A_557 = arith.constant 12 : i32
        %shift_right_logical3A_558 = vector.broadcast %shift_right_logical3A_557 : i32 to vector<16xi32>
        %shift_right_logical3A_559 = arith.shrui %xor3A_555, %shift_right_logical3A_558 : vector<16xi32>
        %and3A_560 = vector.broadcast %scan3A_55 : i32 to vector<16xi32>
        %and3A_561 = arith.andi %shift_right_logical3A_559, %and3A_560 : vector<16xi32>
        %mul3A_562 = arith.constant 1024 : i32
        %mul3A_563 = vector.broadcast %mul3A_562 : i32 to vector<16xi32>
        %mul3A_564 = arith.muli %iota3A, %mul3A_563 : vector<16xi32>
        %add3A_565 = arith.addi %mul3A_564, %and3A_561 : vector<16xi32>
        %shift_right_logical3A_566 = arith.constant 22 : i32
        %shift_right_logical3A_567 = vector.broadcast %shift_right_logical3A_566 : i32 to vector<16xi32>
        %shift_right_logical3A_568 = arith.shrui %xor3A_555, %shift_right_logical3A_567 : vector<16xi32>
        %eq3A_569 = vector.broadcast %scan3A_44#0 : i32 to vector<16xi32>
        %eq3A_570 = arith.cmpi eq, %shift_right_logical3A_568, %eq3A_569 : vector<16xi32>
        tpu.vector_store_idx %arg5[%add3A_565], %exp3A_556 masked %eq3A_570 {add = true} : memref<16384xf32, #tpu.memory_space<vmem>>[vector<16xi32>], vector<16xf32>, vector<16xi1>
        %mul3A_571 = arith.constant 10 : i32
        %mul3A_572 = arith.muli %scan3A_298, %mul3A_571 : i32
        %add3A_573 = arith.constant 8 : i32
        %add3A_574 = arith.addi %mul3A_572, %add3A_573 : i32
        %mul3A_575 = arith.constant 16 : i32
        %mul3A_576 = arith.muli %add3A_574, %mul3A_575 : i32
        %get3A_577 = arith.index_cast %mul3A_576 : i32 to index
        %get3A_578 = tpu.vector_load %arg4[%get3A_577] {strides = array<i32>} : memref<100000xf32, #tpu.memory_space<vmem>>, vector<16xf32>,
        %bitcast_convert_type3A_579 = tpu.bitcast %get3A_578 : vector<16xf32> -> vector<16xi32>
        %shift_right_logical3A_580 = arith.constant 31 : i32
        %shift_right_logical3A_581 = vector.broadcast %shift_right_logical3A_580 : i32 to vector<16xi32>
        %shift_right_logical3A_582 = arith.shrui %bitcast_convert_type3A_579, %shift_right_logical3A_581 : vector<16xi32>
        %sub3A_583 = arith.constant 0 : i32
        %sub3A_584 = vector.broadcast %sub3A_583 : i32 to vector<16xi32>
        %sub3A_585 = arith.subi %sub3A_584, %shift_right_logical3A_582 : vector<16xi32>
        %or3A_586 = arith.constant -2147483648 : i32
        %or3A_587 = vector.broadcast %or3A_586 : i32 to vector<16xi32>
        %or3A_588 = arith.ori %sub3A_585, %or3A_587 : vector<16xi32>
        %xor3A_589 = arith.xori %bitcast_convert_type3A_579, %or3A_588 : vector<16xi32>
        %exp3A_590 = math.exp %get3A_578 : vector<16xf32>
        %shift_right_logical3A_591 = arith.constant 12 : i32
        %shift_right_logical3A_592 = vector.broadcast %shift_right_logical3A_591 : i32 to vector<16xi32>
        %shift_right_logical3A_593 = arith.shrui %xor3A_589, %shift_right_logical3A_592 : vector<16xi32>
        %and3A_594 = vector.broadcast %scan3A_55 : i32 to vector<16xi32>
        %and3A_595 = arith.andi %shift_right_logical3A_593, %and3A_594 : vector<16xi32>
        %mul3A_596 = arith.constant 1024 : i32
        %mul3A_597 = vector.broadcast %mul3A_596 : i32 to vector<16xi32>
        %mul3A_598 = arith.muli %iota3A, %mul3A_597 : vector<16xi32>
        %add3A_599 = arith.addi %mul3A_598, %and3A_595 : vector<16xi32>
        %shift_right_logical3A_600 = arith.constant 22 : i32
        %shift_right_logical3A_601 = vector.broadcast %shift_right_logical3A_600 : i32 to vector<16xi32>
        %shift_right_logical3A_602 = arith.shrui %xor3A_589, %shift_right_logical3A_601 : vector<16xi32>
        %eq3A_603 = vector.broadcast %scan3A_44#0 : i32 to vector<16xi32>
        %eq3A_604 = arith.cmpi eq, %shift_right_logical3A_602, %eq3A_603 : vector<16xi32>
        tpu.vector_store_idx %arg5[%add3A_599], %exp3A_590 masked %eq3A_604 {add = true} : memref<16384xf32, #tpu.memory_space<vmem>>[vector<16xi32>], vector<16xf32>, vector<16xi1>
        %mul3A_605 = arith.constant 10 : i32
        %mul3A_606 = arith.muli %scan3A_298, %mul3A_605 : i32
        %add3A_607 = arith.constant 9 : i32
        %add3A_608 = arith.addi %mul3A_606, %add3A_607 : i32
        %mul3A_609 = arith.constant 16 : i32
        %mul3A_610 = arith.muli %add3A_608, %mul3A_609 : i32
        %get3A_611 = arith.index_cast %mul3A_610 : i32 to index
        %get3A_612 = tpu.vector_load %arg4[%get3A_611] {strides = array<i32>} : memref<100000xf32, #tpu.memory_space<vmem>>, vector<16xf32>,
        %bitcast_convert_type3A_613 = tpu.bitcast %get3A_612 : vector<16xf32> -> vector<16xi32>
        %shift_right_logical3A_614 = arith.constant 31 : i32
        %shift_right_logical3A_615 = vector.broadcast %shift_right_logical3A_614 : i32 to vector<16xi32>
        %shift_right_logical3A_616 = arith.shrui %bitcast_convert_type3A_613, %shift_right_logical3A_615 : vector<16xi32>
        %sub3A_617 = arith.constant 0 : i32
        %sub3A_618 = vector.broadcast %sub3A_617 : i32 to vector<16xi32>
        %sub3A_619 = arith.subi %sub3A_618, %shift_right_logical3A_616 : vector<16xi32>
        %or3A_620 = arith.constant -2147483648 : i32
        %or3A_621 = vector.broadcast %or3A_620 : i32 to vector<16xi32>
        %or3A_622 = arith.ori %sub3A_619, %or3A_621 : vector<16xi32>
        %xor3A_623 = arith.xori %bitcast_convert_type3A_613, %or3A_622 : vector<16xi32>
        %exp3A_624 = math.exp %get3A_612 : vector<16xf32>
        %shift_right_logical3A_625 = arith.constant 12 : i32
        %shift_right_logical3A_626 = vector.broadcast %shift_right_logical3A_625 : i32 to vector<16xi32>
        %shift_right_logical3A_627 = arith.shrui %xor3A_623, %shift_right_logical3A_626 : vector<16xi32>
        %and3A_628 = vector.broadcast %scan3A_55 : i32 to vector<16xi32>
        %and3A_629 = arith.andi %shift_right_logical3A_627, %and3A_628 : vector<16xi32>
        %mul3A_630 = arith.constant 1024 : i32
        %mul3A_631 = vector.broadcast %mul3A_630 : i32 to vector<16xi32>
        %mul3A_632 = arith.muli %iota3A, %mul3A_631 : vector<16xi32>
        %add3A_633 = arith.addi %mul3A_632, %and3A_629 : vector<16xi32>
        %shift_right_logical3A_634 = arith.constant 22 : i32
        %shift_right_logical3A_635 = vector.broadcast %shift_right_logical3A_634 : i32 to vector<16xi32>
        %shift_right_logical3A_636 = arith.shrui %xor3A_623, %shift_right_logical3A_635 : vector<16xi32>
        %eq3A_637 = vector.broadcast %scan3A_44#0 : i32 to vector<16xi32>
        %eq3A_638 = arith.cmpi eq, %shift_right_logical3A_636, %eq3A_637 : vector<16xi32>
        tpu.vector_store_idx %arg5[%add3A_633], %exp3A_624 masked %eq3A_638 {add = true} : memref<16384xf32, #tpu.memory_space<vmem>>[vector<16xi32>], vector<16xf32>, vector<16xi1>
      }
      %scan3A_60 = arith.constant 625 : i32
      %scan3A_61 = arith.constant 0 : i32
      %scan3A_62 = arith.constant 0.000000e+00 : f32
      %scan3A_63 = arith.constant 0 : i32
      %scan3A_64 = arith.constant 64 : i32
      %scan3A_65 = arith.addi %scan3A_63, %scan3A_64 : i32
      %scan3A_66 = arith.constant 1 : i32
      %scan3A_67:3 = scf.for %scan3A_298 = %scan3A_63 to %scan3A_65 step %scan3A_66 iter_args(%scan3A_299 = %scan3A_61, %scan3A_300 = %scan3A_62, %scan3A_301 = %scan3A_44#1) -> (i32, f32, f32)  : i32 {
        %sub3A_302 = arith.constant 63 : i32
        %sub3A_303 = arith.subi %sub3A_302, %scan3A_298 : i32
        %mul3A_304 = arith.constant 16 : i32
        %mul3A_305 = arith.muli %sub3A_303, %mul3A_304 : i32
        %get3A_306 = arith.index_cast %mul3A_305 : i32 to index
        %get3A_307 = tpu.vector_load %arg5[%get3A_306] {strides = array<i32>} : memref<16384xf32, #tpu.memory_space<vmem>>, vector<16xf32>,
        %mul3A_308 = arith.constant 16 : i32
        %mul3A_309 = arith.muli %sub3A_303, %mul3A_308 : i32
        %add3A_310 = arith.constant 1024 : i32
        %add3A_311 = arith.addi %add3A_310, %mul3A_309 : i32
        %get3A_312 = arith.index_cast %add3A_311 : i32 to index
        %get3A_313 = tpu.vector_load %arg5[%get3A_312] {strides = array<i32>} : memref<16384xf32, #tpu.memory_space<vmem>>, vector<16xf32>,
        %add3A_314 = arith.addf %get3A_307, %get3A_313 : vector<16xf32>
        %mul3A_315 = arith.constant 16 : i32
        %mul3A_316 = arith.muli %sub3A_303, %mul3A_315 : i32
        %add3A_317 = arith.constant 2048 : i32
        %add3A_318 = arith.addi %add3A_317, %mul3A_316 : i32
        %get3A_319 = arith.index_cast %add3A_318 : i32 to index
        %get3A_320 = tpu.vector_load %arg5[%get3A_319] {strides = array<i32>} : memref<16384xf32, #tpu.memory_space<vmem>>, vector<16xf32>,
        %add3A_321 = arith.addf %add3A_314, %get3A_320 : vector<16xf32>
        %mul3A_322 = arith.constant 16 : i32
        %mul3A_323 = arith.muli %sub3A_303, %mul3A_322 : i32
        %add3A_324 = arith.constant 3072 : i32
        %add3A_325 = arith.addi %add3A_324, %mul3A_323 : i32
        %get3A_326 = arith.index_cast %add3A_325 : i32 to index
        %get3A_327 = tpu.vector_load %arg5[%get3A_326] {strides = array<i32>} : memref<16384xf32, #tpu.memory_space<vmem>>, vector<16xf32>,
        %add3A_328 = arith.addf %add3A_321, %get3A_327 : vector<16xf32>
        %mul3A_329 = arith.constant 16 : i32
        %mul3A_330 = arith.muli %sub3A_303, %mul3A_329 : i32
        %add3A_331 = arith.constant 4096 : i32
        %add3A_332 = arith.addi %add3A_331, %mul3A_330 : i32
        %get3A_333 = arith.index_cast %add3A_332 : i32 to index
        %get3A_334 = tpu.vector_load %arg5[%get3A_333] {strides = array<i32>} : memref<16384xf32, #tpu.memory_space<vmem>>, vector<16xf32>,
        %add3A_335 = arith.addf %add3A_328, %get3A_334 : vector<16xf32>
        %mul3A_336 = arith.constant 16 : i32
        %mul3A_337 = arith.muli %sub3A_303, %mul3A_336 : i32
        %add3A_338 = arith.constant 5120 : i32
        %add3A_339 = arith.addi %add3A_338, %mul3A_337 : i32
        %get3A_340 = arith.index_cast %add3A_339 : i32 to index
        %get3A_341 = tpu.vector_load %arg5[%get3A_340] {strides = array<i32>} : memref<16384xf32, #tpu.memory_space<vmem>>, vector<16xf32>,
        %add3A_342 = arith.addf %add3A_335, %get3A_341 : vector<16xf32>
        %mul3A_343 = arith.constant 16 : i32
        %mul3A_344 = arith.muli %sub3A_303, %mul3A_343 : i32
        %add3A_345 = arith.constant 6144 : i32
        %add3A_346 = arith.addi %add3A_345, %mul3A_344 : i32
        %get3A_347 = arith.index_cast %add3A_346 : i32 to index
        %get3A_348 = tpu.vector_load %arg5[%get3A_347] {strides = array<i32>} : memref<16384xf32, #tpu.memory_space<vmem>>, vector<16xf32>,
        %add3A_349 = arith.addf %add3A_342, %get3A_348 : vector<16xf32>
        %mul3A_350 = arith.constant 16 : i32
        %mul3A_351 = arith.muli %sub3A_303, %mul3A_350 : i32
        %add3A_352 = arith.constant 7168 : i32
        %add3A_353 = arith.addi %add3A_352, %mul3A_351 : i32
        %get3A_354 = arith.index_cast %add3A_353 : i32 to index
        %get3A_355 = tpu.vector_load %arg5[%get3A_354] {strides = array<i32>} : memref<16384xf32, #tpu.memory_space<vmem>>, vector<16xf32>,
        %add3A_356 = arith.addf %add3A_349, %get3A_355 : vector<16xf32>
        %mul3A_357 = arith.constant 16 : i32
        %mul3A_358 = arith.muli %sub3A_303, %mul3A_357 : i32
        %add3A_359 = arith.constant 8192 : i32
        %add3A_360 = arith.addi %add3A_359, %mul3A_358 : i32
        %get3A_361 = arith.index_cast %add3A_360 : i32 to index
        %get3A_362 = tpu.vector_load %arg5[%get3A_361] {strides = array<i32>} : memref<16384xf32, #tpu.memory_space<vmem>>, vector<16xf32>,
        %add3A_363 = arith.addf %add3A_356, %get3A_362 : vector<16xf32>
        %mul3A_364 = arith.constant 16 : i32
        %mul3A_365 = arith.muli %sub3A_303, %mul3A_364 : i32
        %add3A_366 = arith.constant 9216 : i32
        %add3A_367 = arith.addi %add3A_366, %mul3A_365 : i32
        %get3A_368 = arith.index_cast %add3A_367 : i32 to index
        %get3A_369 = tpu.vector_load %arg5[%get3A_368] {strides = array<i32>} : memref<16384xf32, #tpu.memory_space<vmem>>, vector<16xf32>,
        %add3A_370 = arith.addf %add3A_363, %get3A_369 : vector<16xf32>
        %mul3A_371 = arith.constant 16 : i32
        %mul3A_372 = arith.muli %sub3A_303, %mul3A_371 : i32
        %add3A_373 = arith.constant 10240 : i32
        %add3A_374 = arith.addi %add3A_373, %mul3A_372 : i32
        %get3A_375 = arith.index_cast %add3A_374 : i32 to index
        %get3A_376 = tpu.vector_load %arg5[%get3A_375] {strides = array<i32>} : memref<16384xf32, #tpu.memory_space<vmem>>, vector<16xf32>,
        %add3A_377 = arith.addf %add3A_370, %get3A_376 : vector<16xf32>
        %mul3A_378 = arith.constant 16 : i32
        %mul3A_379 = arith.muli %sub3A_303, %mul3A_378 : i32
        %add3A_380 = arith.constant 11264 : i32
        %add3A_381 = arith.addi %add3A_380, %mul3A_379 : i32
        %get3A_382 = arith.index_cast %add3A_381 : i32 to index
        %get3A_383 = tpu.vector_load %arg5[%get3A_382] {strides = array<i32>} : memref<16384xf32, #tpu.memory_space<vmem>>, vector<16xf32>,
        %add3A_384 = arith.addf %add3A_377, %get3A_383 : vector<16xf32>
        %mul3A_385 = arith.constant 16 : i32
        %mul3A_386 = arith.muli %sub3A_303, %mul3A_385 : i32
        %add3A_387 = arith.constant 12288 : i32
        %add3A_388 = arith.addi %add3A_387, %mul3A_386 : i32
        %get3A_389 = arith.index_cast %add3A_388 : i32 to index
        %get3A_390 = tpu.vector_load %arg5[%get3A_389] {strides = array<i32>} : memref<16384xf32, #tpu.memory_space<vmem>>, vector<16xf32>,
        %add3A_391 = arith.addf %add3A_384, %get3A_390 : vector<16xf32>
        %mul3A_392 = arith.constant 16 : i32
        %mul3A_393 = arith.muli %sub3A_303, %mul3A_392 : i32
        %add3A_394 = arith.constant 13312 : i32
        %add3A_395 = arith.addi %add3A_394, %mul3A_393 : i32
        %get3A_396 = arith.index_cast %add3A_395 : i32 to index
        %get3A_397 = tpu.vector_load %arg5[%get3A_396] {strides = array<i32>} : memref<16384xf32, #tpu.memory_space<vmem>>, vector<16xf32>,
        %add3A_398 = arith.addf %add3A_391, %get3A_397 : vector<16xf32>
        %mul3A_399 = arith.constant 16 : i32
        %mul3A_400 = arith.muli %sub3A_303, %mul3A_399 : i32
        %add3A_401 = arith.constant 14336 : i32
        %add3A_402 = arith.addi %add3A_401, %mul3A_400 : i32
        %get3A_403 = arith.index_cast %add3A_402 : i32 to index
        %get3A_404 = tpu.vector_load %arg5[%get3A_403] {strides = array<i32>} : memref<16384xf32, #tpu.memory_space<vmem>>, vector<16xf32>,
        %add3A_405 = arith.addf %add3A_398, %get3A_404 : vector<16xf32>
        %mul3A_406 = arith.constant 16 : i32
        %mul3A_407 = arith.muli %sub3A_303, %mul3A_406 : i32
        %add3A_408 = arith.constant 15360 : i32
        %add3A_409 = arith.addi %add3A_408, %mul3A_407 : i32
        %get3A_410 = arith.index_cast %add3A_409 : i32 to index
        %get3A_411 = tpu.vector_load %arg5[%get3A_410] {strides = array<i32>} : memref<16384xf32, #tpu.memory_space<vmem>>, vector<16xf32>,
        %add3A_412 = arith.addf %add3A_405, %get3A_411 : vector<16xf32>
        %rev3A_413 = arith.constant 15 : i32
        %rev3A_414 = vector.broadcast %rev3A_413 : i32 to vector<16xi32>
        %rev3A_415 = tpu.iota {dimensions = array<i32: 0>} : vector<16xi32>
        %rev3A_416 = arith.subi %rev3A_414, %rev3A_415 : vector<16xi32>
        %rev3A_417 = tpu.dynamic_gather %add3A_412[%rev3A_416] in [0] : vector<16xf32>, vector<16xi32> -> vector<16xf32>
        %cumsum3A_418 = arith.constant true
        %cumsum3A_419 = vector.broadcast %cumsum3A_418 : i1 to vector<16xi1>
        %cumsum3A_420 = tpu.scan <sum>, %rev3A_417 masked %cumsum3A_419 : vector<16xf32>, vector<16xi1> -> vector<16xf32>
        %rev3A_421 = arith.constant 15 : i32
        %rev3A_422 = vector.broadcast %rev3A_421 : i32 to vector<16xi32>
        %rev3A_423 = tpu.iota {dimensions = array<i32: 0>} : vector<16xi32>
        %rev3A_424 = arith.subi %rev3A_422, %rev3A_423 : vector<16xi32>
        %rev3A_425 = tpu.dynamic_gather %cumsum3A_420[%rev3A_424] in [0] : vector<16xf32>, vector<16xi32> -> vector<16xf32>
        %sub3A_426 = arith.subf %rev3A_425, %add3A_412 : vector<16xf32>
        %add3A_427 = vector.broadcast %scan3A_301 : f32 to vector<16xf32>
        %add3A_428 = arith.addf %add3A_427, %sub3A_426 : vector<16xf32>
        %le3A_429 = vector.broadcast %mul3A_36 : f32 to vector<16xf32>
        %le3A_430 = arith.cmpf ole, %add3A_428, %le3A_429 : vector<16xf32>
        %gt3A_431 = arith.constant 0.000000e+00 : f32
        %gt3A_432 = vector.broadcast %gt3A_431 : f32 to vector<16xf32>
        %gt3A_433 = arith.cmpf ogt, %add3A_412, %gt3A_432 : vector<16xf32>
        %and3A_434 = arith.andi %le3A_430, %gt3A_433 : vector<16xi1>
        %reduce_or3A_435 = arith.constant 1.000000e+00 : f32
        %reduce_or3A_436 = arith.constant 0.000000e+00 : f32
        %reduce_or3A_437 = vector.broadcast %reduce_or3A_435 : f32 to vector<16xf32>
        %reduce_or3A_438 = vector.broadcast %reduce_or3A_436 : f32 to vector<16xf32>
        %reduce_or3A_439 = arith.select %and3A_434, %reduce_or3A_437, %reduce_or3A_438 : vector<16xi1>, vector<16xf32>
        %reduce_or3A_440 = arith.constant true
        %reduce_or3A_441 = vector.broadcast %reduce_or3A_440 : i1 to vector<16xi1>
        %reduce_or3A_442 = tpu.scan <max>, %reduce_or3A_439 masked %reduce_or3A_441 : vector<16xf32>, vector<16xi1> -> vector<16xf32>
        %reduce_or3A_443 = vector.extract %reduce_or3A_442[15] : f32 from vector<16xf32>
        %reduce_or3A_444 = arith.constant 0.000000e+00 : f32
        %reduce_or3A_445 = arith.cmpf ogt, %reduce_or3A_443, %reduce_or3A_444 : f32
        %all_reduce_ffs3A_446 = tpu.all_reduce %and3A_434 {dim = 0 : i64, kind = #tpu.reduction_kind<find_first_set>} : vector<16xi1> -> vector<16xi32>
        %reduce_max3A_447 = arith.constant true
        %reduce_max3A_448 = vector.broadcast %reduce_max3A_447 : i1 to vector<16xi1>
        %reduce_max3A_449 = arith.constant -2147483648 : i32
        %reduce_max3A_450 = vector.broadcast %reduce_max3A_449 : i32 to vector<16xi32>
        %reduce_max3A_451 = arith.xori %all_reduce_ffs3A_446, %reduce_max3A_450 : vector<16xi32>
        %reduce_max3A_452 = tpu.scan <max>, %reduce_max3A_451 masked %reduce_max3A_448 : vector<16xi32>, vector<16xi1> -> vector<16xi32>
        %reduce_max3A_453 = arith.xori %reduce_max3A_452, %reduce_max3A_450 : vector<16xi32>
        %reduce_max3A_454 = vector.extract %reduce_max3A_453[15] : i32 from vector<16xi32>
        %eq3A_455 = vector.broadcast %reduce_max3A_454 : i32 to vector<16xi32>
        %eq3A_456 = arith.cmpi eq, %iota3A, %eq3A_455 : vector<16xi32>
        %jit3A_457 = arith.constant 0.000000e+00 : f32
        %broadcast_in_dim3A_458 = vector.broadcast %jit3A_457 : f32 to vector<16xf32>
        %select_n3A_459 = arith.select %eq3A_456, %sub3A_426, %broadcast_in_dim3A_458 : vector<16xi1>, vector<16xf32>
        %reduce_sum3A_460 = arith.constant true
        %reduce_sum3A_461 = vector.broadcast %reduce_sum3A_460 : i1 to vector<16xi1>
        %reduce_sum3A_462 = tpu.scan <sum>, %select_n3A_459 masked %reduce_sum3A_461 : vector<16xf32>, vector<16xi1> -> vector<16xf32>
        %reduce_sum3A_463 = vector.extract %reduce_sum3A_462[15] : f32 from vector<16xf32>
        %mul3A_464 = arith.constant 16 : i32
        %mul3A_465 = arith.muli %sub3A_303, %mul3A_464 : i32
        %add3A_466 = arith.addi %mul3A_465, %reduce_max3A_454 : i32
        %select_n3A_467 = arith.select %reduce_or3A_445, %add3A_466, %scan3A_299 : i32
        %add3A_468 = arith.addf %scan3A_301, %reduce_sum3A_463 : f32
        %select_n3A_469 = arith.select %reduce_or3A_445, %add3A_468, %scan3A_300 : f32
        %reduce_sum3A_470 = arith.constant true
        %reduce_sum3A_471 = vector.broadcast %reduce_sum3A_470 : i1 to vector<16xi1>
        %reduce_sum3A_472 = tpu.scan <sum>, %add3A_412 masked %reduce_sum3A_471 : vector<16xf32>, vector<16xi1> -> vector<16xf32>
        %reduce_sum3A_473 = vector.extract %reduce_sum3A_472[15] : f32 from vector<16xf32>
        %add3A_474 = arith.addf %scan3A_301, %reduce_sum3A_473 : f32
        scf.yield %select_n3A_467, %select_n3A_469, %add3A_474 : i32, f32, f32
      }
      %scan3A_68 = arith.constant 64 : i32
      %shift_left3A = arith.constant 10 : i32
      %shift_left3A_69 = arith.shli %scan3A_44#0, %shift_left3A : i32
      %or3A = arith.ori %shift_left3A_69, %scan3A_67#0 : i32
      %broadcast_in_dim3A_70 = arith.constant 0.000000e+00 : f32
      %broadcast_in_dim3A_71 = vector.broadcast %broadcast_in_dim3A_70 : f32 to vector<16xf32>
      %scan3A_72 = arith.constant 0 : i32
      %scan3A_73 = arith.constant 0 : i32
      %scan3A_74 = arith.constant 64 : i32
      %scan3A_75 = arith.addi %scan3A_73, %scan3A_74 : i32
      %scan3A_76 = arith.constant 1 : i32
      scf.for %scan3A_298 = %scan3A_73 to %scan3A_75 step %scan3A_76  : i32 {
        %mul3A_299 = arith.constant 16 : i32
        %mul3A_300 = arith.muli %scan3A_298, %mul3A_299 : i32
        %add3A_301 = arith.constant 0 : i32
        %add3A_302 = arith.addi %mul3A_300, %add3A_301 : i32
        %mul3A_303 = arith.constant 16 : i32
        %mul3A_304 = arith.muli %add3A_302, %mul3A_303 : i32
        %swap3A = arith.index_cast %mul3A_304 : i32 to index
        %swap3A_305 = tpu.vector_load %arg5[%swap3A] {strides = array<i32>} : memref<16384xf32, #tpu.memory_space<vmem>>, vector<16xf32>,
        tpu.vector_store %arg5[%swap3A], %broadcast_in_dim3A_71 {strides = array<i32>} : memref<16384xf32, #tpu.memory_space<vmem>>, vector<16xf32>,
        %mul3A_306 = arith.constant 16 : i32
        %mul3A_307 = arith.muli %scan3A_298, %mul3A_306 : i32
        %add3A_308 = arith.constant 1 : i32
        %add3A_309 = arith.addi %mul3A_307, %add3A_308 : i32
        %mul3A_310 = arith.constant 16 : i32
        %mul3A_311 = arith.muli %add3A_309, %mul3A_310 : i32
        %swap3A_312 = arith.index_cast %mul3A_311 : i32 to index
        %swap3A_313 = tpu.vector_load %arg5[%swap3A_312] {strides = array<i32>} : memref<16384xf32, #tpu.memory_space<vmem>>, vector<16xf32>,
        tpu.vector_store %arg5[%swap3A_312], %broadcast_in_dim3A_71 {strides = array<i32>} : memref<16384xf32, #tpu.memory_space<vmem>>, vector<16xf32>,
        %mul3A_314 = arith.constant 16 : i32
        %mul3A_315 = arith.muli %scan3A_298, %mul3A_314 : i32
        %add3A_316 = arith.constant 2 : i32
        %add3A_317 = arith.addi %mul3A_315, %add3A_316 : i32
        %mul3A_318 = arith.constant 16 : i32
        %mul3A_319 = arith.muli %add3A_317, %mul3A_318 : i32
        %swap3A_320 = arith.index_cast %mul3A_319 : i32 to index
        %swap3A_321 = tpu.vector_load %arg5[%swap3A_320] {strides = array<i32>} : memref<16384xf32, #tpu.memory_space<vmem>>, vector<16xf32>,
        tpu.vector_store %arg5[%swap3A_320], %broadcast_in_dim3A_71 {strides = array<i32>} : memref<16384xf32, #tpu.memory_space<vmem>>, vector<16xf32>,
        %mul3A_322 = arith.constant 16 : i32
        %mul3A_323 = arith.muli %scan3A_298, %mul3A_322 : i32
        %add3A_324 = arith.constant 3 : i32
        %add3A_325 = arith.addi %mul3A_323, %add3A_324 : i32
        %mul3A_326 = arith.constant 16 : i32
        %mul3A_327 = arith.muli %add3A_325, %mul3A_326 : i32
        %swap3A_328 = arith.index_cast %mul3A_327 : i32 to index
        %swap3A_329 = tpu.vector_load %arg5[%swap3A_328] {strides = array<i32>} : memref<16384xf32, #tpu.memory_space<vmem>>, vector<16xf32>,
        tpu.vector_store %arg5[%swap3A_328], %broadcast_in_dim3A_71 {strides = array<i32>} : memref<16384xf32, #tpu.memory_space<vmem>>, vector<16xf32>,
        %mul3A_330 = arith.constant 16 : i32
        %mul3A_331 = arith.muli %scan3A_298, %mul3A_330 : i32
        %add3A_332 = arith.constant 4 : i32
        %add3A_333 = arith.addi %mul3A_331, %add3A_332 : i32
        %mul3A_334 = arith.constant 16 : i32
        %mul3A_335 = arith.muli %add3A_333, %mul3A_334 : i32
        %swap3A_336 = arith.index_cast %mul3A_335 : i32 to index
        %swap3A_337 = tpu.vector_load %arg5[%swap3A_336] {strides = array<i32>} : memref<16384xf32, #tpu.memory_space<vmem>>, vector<16xf32>,
        tpu.vector_store %arg5[%swap3A_336], %broadcast_in_dim3A_71 {strides = array<i32>} : memref<16384xf32, #tpu.memory_space<vmem>>, vector<16xf32>,
        %mul3A_338 = arith.constant 16 : i32
        %mul3A_339 = arith.muli %scan3A_298, %mul3A_338 : i32
        %add3A_340 = arith.constant 5 : i32
        %add3A_341 = arith.addi %mul3A_339, %add3A_340 : i32
        %mul3A_342 = arith.constant 16 : i32
        %mul3A_343 = arith.muli %add3A_341, %mul3A_342 : i32
        %swap3A_344 = arith.index_cast %mul3A_343 : i32 to index
        %swap3A_345 = tpu.vector_load %arg5[%swap3A_344] {strides = array<i32>} : memref<16384xf32, #tpu.memory_space<vmem>>, vector<16xf32>,
        tpu.vector_store %arg5[%swap3A_344], %broadcast_in_dim3A_71 {strides = array<i32>} : memref<16384xf32, #tpu.memory_space<vmem>>, vector<16xf32>,
        %mul3A_346 = arith.constant 16 : i32
        %mul3A_347 = arith.muli %scan3A_298, %mul3A_346 : i32
        %add3A_348 = arith.constant 6 : i32
        %add3A_349 = arith.addi %mul3A_347, %add3A_348 : i32
        %mul3A_350 = arith.constant 16 : i32
        %mul3A_351 = arith.muli %add3A_349, %mul3A_350 : i32
        %swap3A_352 = arith.index_cast %mul3A_351 : i32 to index
        %swap3A_353 = tpu.vector_load %arg5[%swap3A_352] {strides = array<i32>} : memref<16384xf32, #tpu.memory_space<vmem>>, vector<16xf32>,
        tpu.vector_store %arg5[%swap3A_352], %broadcast_in_dim3A_71 {strides = array<i32>} : memref<16384xf32, #tpu.memory_space<vmem>>, vector<16xf32>,
        %mul3A_354 = arith.constant 16 : i32
        %mul3A_355 = arith.muli %scan3A_298, %mul3A_354 : i32
        %add3A_356 = arith.constant 7 : i32
        %add3A_357 = arith.addi %mul3A_355, %add3A_356 : i32
        %mul3A_358 = arith.constant 16 : i32
        %mul3A_359 = arith.muli %add3A_357, %mul3A_358 : i32
        %swap3A_360 = arith.index_cast %mul3A_359 : i32 to index
        %swap3A_361 = tpu.vector_load %arg5[%swap3A_360] {strides = array<i32>} : memref<16384xf32, #tpu.memory_space<vmem>>, vector<16xf32>,
        tpu.vector_store %arg5[%swap3A_360], %broadcast_in_dim3A_71 {strides = array<i32>} : memref<16384xf32, #tpu.memory_space<vmem>>, vector<16xf32>,
        %mul3A_362 = arith.constant 16 : i32
        %mul3A_363 = arith.muli %scan3A_298, %mul3A_362 : i32
        %add3A_364 = arith.constant 8 : i32
        %add3A_365 = arith.addi %mul3A_363, %add3A_364 : i32
        %mul3A_366 = arith.constant 16 : i32
        %mul3A_367 = arith.muli %add3A_365, %mul3A_366 : i32
        %swap3A_368 = arith.index_cast %mul3A_367 : i32 to index
        %swap3A_369 = tpu.vector_load %arg5[%swap3A_368] {strides = array<i32>} : memref<16384xf32, #tpu.memory_space<vmem>>, vector<16xf32>,
        tpu.vector_store %arg5[%swap3A_368], %broadcast_in_dim3A_71 {strides = array<i32>} : memref<16384xf32, #tpu.memory_space<vmem>>, vector<16xf32>,
        %mul3A_370 = arith.constant 16 : i32
        %mul3A_371 = arith.muli %scan3A_298, %mul3A_370 : i32
        %add3A_372 = arith.constant 9 : i32
        %add3A_373 = arith.addi %mul3A_371, %add3A_372 : i32
        %mul3A_374 = arith.constant 16 : i32
        %mul3A_375 = arith.muli %add3A_373, %mul3A_374 : i32
        %swap3A_376 = arith.index_cast %mul3A_375 : i32 to index
        %swap3A_377 = tpu.vector_load %arg5[%swap3A_376] {strides = array<i32>} : memref<16384xf32, #tpu.memory_space<vmem>>, vector<16xf32>,
        tpu.vector_store %arg5[%swap3A_376], %broadcast_in_dim3A_71 {strides = array<i32>} : memref<16384xf32, #tpu.memory_space<vmem>>, vector<16xf32>,
        %mul3A_378 = arith.constant 16 : i32
        %mul3A_379 = arith.muli %scan3A_298, %mul3A_378 : i32
        %add3A_380 = arith.constant 10 : i32
        %add3A_381 = arith.addi %mul3A_379, %add3A_380 : i32
        %mul3A_382 = arith.constant 16 : i32
        %mul3A_383 = arith.muli %add3A_381, %mul3A_382 : i32
        %swap3A_384 = arith.index_cast %mul3A_383 : i32 to index
        %swap3A_385 = tpu.vector_load %arg5[%swap3A_384] {strides = array<i32>} : memref<16384xf32, #tpu.memory_space<vmem>>, vector<16xf32>,
        tpu.vector_store %arg5[%swap3A_384], %broadcast_in_dim3A_71 {strides = array<i32>} : memref<16384xf32, #tpu.memory_space<vmem>>, vector<16xf32>,
        %mul3A_386 = arith.constant 16 : i32
        %mul3A_387 = arith.muli %scan3A_298, %mul3A_386 : i32
        %add3A_388 = arith.constant 11 : i32
        %add3A_389 = arith.addi %mul3A_387, %add3A_388 : i32
        %mul3A_390 = arith.constant 16 : i32
        %mul3A_391 = arith.muli %add3A_389, %mul3A_390 : i32
        %swap3A_392 = arith.index_cast %mul3A_391 : i32 to index
        %swap3A_393 = tpu.vector_load %arg5[%swap3A_392] {strides = array<i32>} : memref<16384xf32, #tpu.memory_space<vmem>>, vector<16xf32>,
        tpu.vector_store %arg5[%swap3A_392], %broadcast_in_dim3A_71 {strides = array<i32>} : memref<16384xf32, #tpu.memory_space<vmem>>, vector<16xf32>,
        %mul3A_394 = arith.constant 16 : i32
        %mul3A_395 = arith.muli %scan3A_298, %mul3A_394 : i32
        %add3A_396 = arith.constant 12 : i32
        %add3A_397 = arith.addi %mul3A_395, %add3A_396 : i32
        %mul3A_398 = arith.constant 16 : i32
        %mul3A_399 = arith.muli %add3A_397, %mul3A_398 : i32
        %swap3A_400 = arith.index_cast %mul3A_399 : i32 to index
        %swap3A_401 = tpu.vector_load %arg5[%swap3A_400] {strides = array<i32>} : memref<16384xf32, #tpu.memory_space<vmem>>, vector<16xf32>,
        tpu.vector_store %arg5[%swap3A_400], %broadcast_in_dim3A_71 {strides = array<i32>} : memref<16384xf32, #tpu.memory_space<vmem>>, vector<16xf32>,
        %mul3A_402 = arith.constant 16 : i32
        %mul3A_403 = arith.muli %scan3A_298, %mul3A_402 : i32
        %add3A_404 = arith.constant 13 : i32
        %add3A_405 = arith.addi %mul3A_403, %add3A_404 : i32
        %mul3A_406 = arith.constant 16 : i32
        %mul3A_407 = arith.muli %add3A_405, %mul3A_406 : i32
        %swap3A_408 = arith.index_cast %mul3A_407 : i32 to index
        %swap3A_409 = tpu.vector_load %arg5[%swap3A_408] {strides = array<i32>} : memref<16384xf32, #tpu.memory_space<vmem>>, vector<16xf32>,
        tpu.vector_store %arg5[%swap3A_408], %broadcast_in_dim3A_71 {strides = array<i32>} : memref<16384xf32, #tpu.memory_space<vmem>>, vector<16xf32>,
        %mul3A_410 = arith.constant 16 : i32
        %mul3A_411 = arith.muli %scan3A_298, %mul3A_410 : i32
        %add3A_412 = arith.constant 14 : i32
        %add3A_413 = arith.addi %mul3A_411, %add3A_412 : i32
        %mul3A_414 = arith.constant 16 : i32
        %mul3A_415 = arith.muli %add3A_413, %mul3A_414 : i32
        %swap3A_416 = arith.index_cast %mul3A_415 : i32 to index
        %swap3A_417 = tpu.vector_load %arg5[%swap3A_416] {strides = array<i32>} : memref<16384xf32, #tpu.memory_space<vmem>>, vector<16xf32>,
        tpu.vector_store %arg5[%swap3A_416], %broadcast_in_dim3A_71 {strides = array<i32>} : memref<16384xf32, #tpu.memory_space<vmem>>, vector<16xf32>,
        %mul3A_418 = arith.constant 16 : i32
        %mul3A_419 = arith.muli %scan3A_298, %mul3A_418 : i32
        %add3A_420 = arith.constant 15 : i32
        %add3A_421 = arith.addi %mul3A_419, %add3A_420 : i32
        %mul3A_422 = arith.constant 16 : i32
        %mul3A_423 = arith.muli %add3A_421, %mul3A_422 : i32
        %swap3A_424 = arith.index_cast %mul3A_423 : i32 to index
        %swap3A_425 = tpu.vector_load %arg5[%swap3A_424] {strides = array<i32>} : memref<16384xf32, #tpu.memory_space<vmem>>, vector<16xf32>,
        tpu.vector_store %arg5[%swap3A_424], %broadcast_in_dim3A_71 {strides = array<i32>} : memref<16384xf32, #tpu.memory_space<vmem>>, vector<16xf32>,
      }
      %scan3A_77 = arith.constant 64 : i32
      %scan3A_78 = arith.constant 0 : i32
      %scan3A_79 = arith.constant 1023 : i32
      %scan3A_80 = arith.constant 0 : i32
      %scan3A_81 = arith.constant 625 : i32
      %scan3A_82 = arith.addi %scan3A_80, %scan3A_81 : i32
      %scan3A_83 = arith.constant 1 : i32
      scf.for %scan3A_298 = %scan3A_80 to %scan3A_82 step %scan3A_83  : i32 {
        %mul3A_299 = arith.constant 10 : i32
        %mul3A_300 = arith.muli %scan3A_298, %mul3A_299 : i32
        %add3A_301 = arith.constant 0 : i32
        %add3A_302 = arith.addi %mul3A_300, %add3A_301 : i32
        %mul3A_303 = arith.constant 16 : i32
        %mul3A_304 = arith.muli %add3A_302, %mul3A_303 : i32
        %get3A_305 = arith.index_cast %mul3A_304 : i32 to index
        %get3A_306 = tpu.vector_load %arg4[%get3A_305] {strides = array<i32>} : memref<100000xf32, #tpu.memory_space<vmem>>, vector<16xf32>,
        %bitcast_convert_type3A_307 = tpu.bitcast %get3A_306 : vector<16xf32> -> vector<16xi32>
        %shift_right_logical3A_308 = arith.constant 31 : i32
        %shift_right_logical3A_309 = vector.broadcast %shift_right_logical3A_308 : i32 to vector<16xi32>
        %shift_right_logical3A_310 = arith.shrui %bitcast_convert_type3A_307, %shift_right_logical3A_309 : vector<16xi32>
        %sub3A_311 = arith.constant 0 : i32
        %sub3A_312 = vector.broadcast %sub3A_311 : i32 to vector<16xi32>
        %sub3A_313 = arith.subi %sub3A_312, %shift_right_logical3A_310 : vector<16xi32>
        %or3A_314 = arith.constant -2147483648 : i32
        %or3A_315 = vector.broadcast %or3A_314 : i32 to vector<16xi32>
        %or3A_316 = arith.ori %sub3A_313, %or3A_315 : vector<16xi32>
        %xor3A_317 = arith.xori %bitcast_convert_type3A_307, %or3A_316 : vector<16xi32>
        %exp3A_318 = math.exp %get3A_306 : vector<16xf32>
        %shift_right_logical3A_319 = arith.constant 2 : i32
        %shift_right_logical3A_320 = vector.broadcast %shift_right_logical3A_319 : i32 to vector<16xi32>
        %shift_right_logical3A_321 = arith.shrui %xor3A_317, %shift_right_logical3A_320 : vector<16xi32>
        %and3A_322 = vector.broadcast %scan3A_79 : i32 to vector<16xi32>
        %and3A_323 = arith.andi %shift_right_logical3A_321, %and3A_322 : vector<16xi32>
        %mul3A_324 = arith.constant 1024 : i32
        %mul3A_325 = vector.broadcast %mul3A_324 : i32 to vector<16xi32>
        %mul3A_326 = arith.muli %iota3A, %mul3A_325 : vector<16xi32>
        %add3A_327 = arith.addi %mul3A_326, %and3A_323 : vector<16xi32>
        %shift_right_logical3A_328 = arith.constant 12 : i32
        %shift_right_logical3A_329 = vector.broadcast %shift_right_logical3A_328 : i32 to vector<16xi32>
        %shift_right_logical3A_330 = arith.shrui %xor3A_317, %shift_right_logical3A_329 : vector<16xi32>
        %eq3A_331 = vector.broadcast %or3A : i32 to vector<16xi32>
        %eq3A_332 = arith.cmpi eq, %shift_right_logical3A_330, %eq3A_331 : vector<16xi32>
        tpu.vector_store_idx %arg5[%add3A_327], %exp3A_318 masked %eq3A_332 {add = true} : memref<16384xf32, #tpu.memory_space<vmem>>[vector<16xi32>], vector<16xf32>, vector<16xi1>
        %mul3A_333 = arith.constant 10 : i32
        %mul3A_334 = arith.muli %scan3A_298, %mul3A_333 : i32
        %add3A_335 = arith.constant 1 : i32
        %add3A_336 = arith.addi %mul3A_334, %add3A_335 : i32
        %mul3A_337 = arith.constant 16 : i32
        %mul3A_338 = arith.muli %add3A_336, %mul3A_337 : i32
        %get3A_339 = arith.index_cast %mul3A_338 : i32 to index
        %get3A_340 = tpu.vector_load %arg4[%get3A_339] {strides = array<i32>} : memref<100000xf32, #tpu.memory_space<vmem>>, vector<16xf32>,
        %bitcast_convert_type3A_341 = tpu.bitcast %get3A_340 : vector<16xf32> -> vector<16xi32>
        %shift_right_logical3A_342 = arith.constant 31 : i32
        %shift_right_logical3A_343 = vector.broadcast %shift_right_logical3A_342 : i32 to vector<16xi32>
        %shift_right_logical3A_344 = arith.shrui %bitcast_convert_type3A_341, %shift_right_logical3A_343 : vector<16xi32>
        %sub3A_345 = arith.constant 0 : i32
        %sub3A_346 = vector.broadcast %sub3A_345 : i32 to vector<16xi32>
        %sub3A_347 = arith.subi %sub3A_346, %shift_right_logical3A_344 : vector<16xi32>
        %or3A_348 = arith.constant -2147483648 : i32
        %or3A_349 = vector.broadcast %or3A_348 : i32 to vector<16xi32>
        %or3A_350 = arith.ori %sub3A_347, %or3A_349 : vector<16xi32>
        %xor3A_351 = arith.xori %bitcast_convert_type3A_341, %or3A_350 : vector<16xi32>
        %exp3A_352 = math.exp %get3A_340 : vector<16xf32>
        %shift_right_logical3A_353 = arith.constant 2 : i32
        %shift_right_logical3A_354 = vector.broadcast %shift_right_logical3A_353 : i32 to vector<16xi32>
        %shift_right_logical3A_355 = arith.shrui %xor3A_351, %shift_right_logical3A_354 : vector<16xi32>
        %and3A_356 = vector.broadcast %scan3A_79 : i32 to vector<16xi32>
        %and3A_357 = arith.andi %shift_right_logical3A_355, %and3A_356 : vector<16xi32>
        %mul3A_358 = arith.constant 1024 : i32
        %mul3A_359 = vector.broadcast %mul3A_358 : i32 to vector<16xi32>
        %mul3A_360 = arith.muli %iota3A, %mul3A_359 : vector<16xi32>
        %add3A_361 = arith.addi %mul3A_360, %and3A_357 : vector<16xi32>
        %shift_right_logical3A_362 = arith.constant 12 : i32
        %shift_right_logical3A_363 = vector.broadcast %shift_right_logical3A_362 : i32 to vector<16xi32>
        %shift_right_logical3A_364 = arith.shrui %xor3A_351, %shift_right_logical3A_363 : vector<16xi32>
        %eq3A_365 = vector.broadcast %or3A : i32 to vector<16xi32>
        %eq3A_366 = arith.cmpi eq, %shift_right_logical3A_364, %eq3A_365 : vector<16xi32>
        tpu.vector_store_idx %arg5[%add3A_361], %exp3A_352 masked %eq3A_366 {add = true} : memref<16384xf32, #tpu.memory_space<vmem>>[vector<16xi32>], vector<16xf32>, vector<16xi1>
        %mul3A_367 = arith.constant 10 : i32
        %mul3A_368 = arith.muli %scan3A_298, %mul3A_367 : i32
        %add3A_369 = arith.constant 2 : i32
        %add3A_370 = arith.addi %mul3A_368, %add3A_369 : i32
        %mul3A_371 = arith.constant 16 : i32
        %mul3A_372 = arith.muli %add3A_370, %mul3A_371 : i32
        %get3A_373 = arith.index_cast %mul3A_372 : i32 to index
        %get3A_374 = tpu.vector_load %arg4[%get3A_373] {strides = array<i32>} : memref<100000xf32, #tpu.memory_space<vmem>>, vector<16xf32>,
        %bitcast_convert_type3A_375 = tpu.bitcast %get3A_374 : vector<16xf32> -> vector<16xi32>
        %shift_right_logical3A_376 = arith.constant 31 : i32
        %shift_right_logical3A_377 = vector.broadcast %shift_right_logical3A_376 : i32 to vector<16xi32>
        %shift_right_logical3A_378 = arith.shrui %bitcast_convert_type3A_375, %shift_right_logical3A_377 : vector<16xi32>
        %sub3A_379 = arith.constant 0 : i32
        %sub3A_380 = vector.broadcast %sub3A_379 : i32 to vector<16xi32>
        %sub3A_381 = arith.subi %sub3A_380, %shift_right_logical3A_378 : vector<16xi32>
        %or3A_382 = arith.constant -2147483648 : i32
        %or3A_383 = vector.broadcast %or3A_382 : i32 to vector<16xi32>
        %or3A_384 = arith.ori %sub3A_381, %or3A_383 : vector<16xi32>
        %xor3A_385 = arith.xori %bitcast_convert_type3A_375, %or3A_384 : vector<16xi32>
        %exp3A_386 = math.exp %get3A_374 : vector<16xf32>
        %shift_right_logical3A_387 = arith.constant 2 : i32
        %shift_right_logical3A_388 = vector.broadcast %shift_right_logical3A_387 : i32 to vector<16xi32>
        %shift_right_logical3A_389 = arith.shrui %xor3A_385, %shift_right_logical3A_388 : vector<16xi32>
        %and3A_390 = vector.broadcast %scan3A_79 : i32 to vector<16xi32>
        %and3A_391 = arith.andi %shift_right_logical3A_389, %and3A_390 : vector<16xi32>
        %mul3A_392 = arith.constant 1024 : i32
        %mul3A_393 = vector.broadcast %mul3A_392 : i32 to vector<16xi32>
        %mul3A_394 = arith.muli %iota3A, %mul3A_393 : vector<16xi32>
        %add3A_395 = arith.addi %mul3A_394, %and3A_391 : vector<16xi32>
        %shift_right_logical3A_396 = arith.constant 12 : i32
        %shift_right_logical3A_397 = vector.broadcast %shift_right_logical3A_396 : i32 to vector<16xi32>
        %shift_right_logical3A_398 = arith.shrui %xor3A_385, %shift_right_logical3A_397 : vector<16xi32>
        %eq3A_399 = vector.broadcast %or3A : i32 to vector<16xi32>
        %eq3A_400 = arith.cmpi eq, %shift_right_logical3A_398, %eq3A_399 : vector<16xi32>
        tpu.vector_store_idx %arg5[%add3A_395], %exp3A_386 masked %eq3A_400 {add = true} : memref<16384xf32, #tpu.memory_space<vmem>>[vector<16xi32>], vector<16xf32>, vector<16xi1>
        %mul3A_401 = arith.constant 10 : i32
        %mul3A_402 = arith.muli %scan3A_298, %mul3A_401 : i32
        %add3A_403 = arith.constant 3 : i32
        %add3A_404 = arith.addi %mul3A_402, %add3A_403 : i32
        %mul3A_405 = arith.constant 16 : i32
        %mul3A_406 = arith.muli %add3A_404, %mul3A_405 : i32
        %get3A_407 = arith.index_cast %mul3A_406 : i32 to index
        %get3A_408 = tpu.vector_load %arg4[%get3A_407] {strides = array<i32>} : memref<100000xf32, #tpu.memory_space<vmem>>, vector<16xf32>,
        %bitcast_convert_type3A_409 = tpu.bitcast %get3A_408 : vector<16xf32> -> vector<16xi32>
        %shift_right_logical3A_410 = arith.constant 31 : i32
        %shift_right_logical3A_411 = vector.broadcast %shift_right_logical3A_410 : i32 to vector<16xi32>
        %shift_right_logical3A_412 = arith.shrui %bitcast_convert_type3A_409, %shift_right_logical3A_411 : vector<16xi32>
        %sub3A_413 = arith.constant 0 : i32
        %sub3A_414 = vector.broadcast %sub3A_413 : i32 to vector<16xi32>
        %sub3A_415 = arith.subi %sub3A_414, %shift_right_logical3A_412 : vector<16xi32>
        %or3A_416 = arith.constant -2147483648 : i32
        %or3A_417 = vector.broadcast %or3A_416 : i32 to vector<16xi32>
        %or3A_418 = arith.ori %sub3A_415, %or3A_417 : vector<16xi32>
        %xor3A_419 = arith.xori %bitcast_convert_type3A_409, %or3A_418 : vector<16xi32>
        %exp3A_420 = math.exp %get3A_408 : vector<16xf32>
        %shift_right_logical3A_421 = arith.constant 2 : i32
        %shift_right_logical3A_422 = vector.broadcast %shift_right_logical3A_421 : i32 to vector<16xi32>
        %shift_right_logical3A_423 = arith.shrui %xor3A_419, %shift_right_logical3A_422 : vector<16xi32>
        %and3A_424 = vector.broadcast %scan3A_79 : i32 to vector<16xi32>
        %and3A_425 = arith.andi %shift_right_logical3A_423, %and3A_424 : vector<16xi32>
        %mul3A_426 = arith.constant 1024 : i32
        %mul3A_427 = vector.broadcast %mul3A_426 : i32 to vector<16xi32>
        %mul3A_428 = arith.muli %iota3A, %mul3A_427 : vector<16xi32>
        %add3A_429 = arith.addi %mul3A_428, %and3A_425 : vector<16xi32>
        %shift_right_logical3A_430 = arith.constant 12 : i32
        %shift_right_logical3A_431 = vector.broadcast %shift_right_logical3A_430 : i32 to vector<16xi32>
        %shift_right_logical3A_432 = arith.shrui %xor3A_419, %shift_right_logical3A_431 : vector<16xi32>
        %eq3A_433 = vector.broadcast %or3A : i32 to vector<16xi32>
        %eq3A_434 = arith.cmpi eq, %shift_right_logical3A_432, %eq3A_433 : vector<16xi32>
        tpu.vector_store_idx %arg5[%add3A_429], %exp3A_420 masked %eq3A_434 {add = true} : memref<16384xf32, #tpu.memory_space<vmem>>[vector<16xi32>], vector<16xf32>, vector<16xi1>
        %mul3A_435 = arith.constant 10 : i32
        %mul3A_436 = arith.muli %scan3A_298, %mul3A_435 : i32
        %add3A_437 = arith.constant 4 : i32
        %add3A_438 = arith.addi %mul3A_436, %add3A_437 : i32
        %mul3A_439 = arith.constant 16 : i32
        %mul3A_440 = arith.muli %add3A_438, %mul3A_439 : i32
        %get3A_441 = arith.index_cast %mul3A_440 : i32 to index
        %get3A_442 = tpu.vector_load %arg4[%get3A_441] {strides = array<i32>} : memref<100000xf32, #tpu.memory_space<vmem>>, vector<16xf32>,
        %bitcast_convert_type3A_443 = tpu.bitcast %get3A_442 : vector<16xf32> -> vector<16xi32>
        %shift_right_logical3A_444 = arith.constant 31 : i32
        %shift_right_logical3A_445 = vector.broadcast %shift_right_logical3A_444 : i32 to vector<16xi32>
        %shift_right_logical3A_446 = arith.shrui %bitcast_convert_type3A_443, %shift_right_logical3A_445 : vector<16xi32>
        %sub3A_447 = arith.constant 0 : i32
        %sub3A_448 = vector.broadcast %sub3A_447 : i32 to vector<16xi32>
        %sub3A_449 = arith.subi %sub3A_448, %shift_right_logical3A_446 : vector<16xi32>
        %or3A_450 = arith.constant -2147483648 : i32
        %or3A_451 = vector.broadcast %or3A_450 : i32 to vector<16xi32>
        %or3A_452 = arith.ori %sub3A_449, %or3A_451 : vector<16xi32>
        %xor3A_453 = arith.xori %bitcast_convert_type3A_443, %or3A_452 : vector<16xi32>
        %exp3A_454 = math.exp %get3A_442 : vector<16xf32>
        %shift_right_logical3A_455 = arith.constant 2 : i32
        %shift_right_logical3A_456 = vector.broadcast %shift_right_logical3A_455 : i32 to vector<16xi32>
        %shift_right_logical3A_457 = arith.shrui %xor3A_453, %shift_right_logical3A_456 : vector<16xi32>
        %and3A_458 = vector.broadcast %scan3A_79 : i32 to vector<16xi32>
        %and3A_459 = arith.andi %shift_right_logical3A_457, %and3A_458 : vector<16xi32>
        %mul3A_460 = arith.constant 1024 : i32
        %mul3A_461 = vector.broadcast %mul3A_460 : i32 to vector<16xi32>
        %mul3A_462 = arith.muli %iota3A, %mul3A_461 : vector<16xi32>
        %add3A_463 = arith.addi %mul3A_462, %and3A_459 : vector<16xi32>
        %shift_right_logical3A_464 = arith.constant 12 : i32
        %shift_right_logical3A_465 = vector.broadcast %shift_right_logical3A_464 : i32 to vector<16xi32>
        %shift_right_logical3A_466 = arith.shrui %xor3A_453, %shift_right_logical3A_465 : vector<16xi32>
        %eq3A_467 = vector.broadcast %or3A : i32 to vector<16xi32>
        %eq3A_468 = arith.cmpi eq, %shift_right_logical3A_466, %eq3A_467 : vector<16xi32>
        tpu.vector_store_idx %arg5[%add3A_463], %exp3A_454 masked %eq3A_468 {add = true} : memref<16384xf32, #tpu.memory_space<vmem>>[vector<16xi32>], vector<16xf32>, vector<16xi1>
        %mul3A_469 = arith.constant 10 : i32
        %mul3A_470 = arith.muli %scan3A_298, %mul3A_469 : i32
        %add3A_471 = arith.constant 5 : i32
        %add3A_472 = arith.addi %mul3A_470, %add3A_471 : i32
        %mul3A_473 = arith.constant 16 : i32
        %mul3A_474 = arith.muli %add3A_472, %mul3A_473 : i32
        %get3A_475 = arith.index_cast %mul3A_474 : i32 to index
        %get3A_476 = tpu.vector_load %arg4[%get3A_475] {strides = array<i32>} : memref<100000xf32, #tpu.memory_space<vmem>>, vector<16xf32>,
        %bitcast_convert_type3A_477 = tpu.bitcast %get3A_476 : vector<16xf32> -> vector<16xi32>
        %shift_right_logical3A_478 = arith.constant 31 : i32
        %shift_right_logical3A_479 = vector.broadcast %shift_right_logical3A_478 : i32 to vector<16xi32>
        %shift_right_logical3A_480 = arith.shrui %bitcast_convert_type3A_477, %shift_right_logical3A_479 : vector<16xi32>
        %sub3A_481 = arith.constant 0 : i32
        %sub3A_482 = vector.broadcast %sub3A_481 : i32 to vector<16xi32>
        %sub3A_483 = arith.subi %sub3A_482, %shift_right_logical3A_480 : vector<16xi32>
        %or3A_484 = arith.constant -2147483648 : i32
        %or3A_485 = vector.broadcast %or3A_484 : i32 to vector<16xi32>
        %or3A_486 = arith.ori %sub3A_483, %or3A_485 : vector<16xi32>
        %xor3A_487 = arith.xori %bitcast_convert_type3A_477, %or3A_486 : vector<16xi32>
        %exp3A_488 = math.exp %get3A_476 : vector<16xf32>
        %shift_right_logical3A_489 = arith.constant 2 : i32
        %shift_right_logical3A_490 = vector.broadcast %shift_right_logical3A_489 : i32 to vector<16xi32>
        %shift_right_logical3A_491 = arith.shrui %xor3A_487, %shift_right_logical3A_490 : vector<16xi32>
        %and3A_492 = vector.broadcast %scan3A_79 : i32 to vector<16xi32>
        %and3A_493 = arith.andi %shift_right_logical3A_491, %and3A_492 : vector<16xi32>
        %mul3A_494 = arith.constant 1024 : i32
        %mul3A_495 = vector.broadcast %mul3A_494 : i32 to vector<16xi32>
        %mul3A_496 = arith.muli %iota3A, %mul3A_495 : vector<16xi32>
        %add3A_497 = arith.addi %mul3A_496, %and3A_493 : vector<16xi32>
        %shift_right_logical3A_498 = arith.constant 12 : i32
        %shift_right_logical3A_499 = vector.broadcast %shift_right_logical3A_498 : i32 to vector<16xi32>
        %shift_right_logical3A_500 = arith.shrui %xor3A_487, %shift_right_logical3A_499 : vector<16xi32>
        %eq3A_501 = vector.broadcast %or3A : i32 to vector<16xi32>
        %eq3A_502 = arith.cmpi eq, %shift_right_logical3A_500, %eq3A_501 : vector<16xi32>
        tpu.vector_store_idx %arg5[%add3A_497], %exp3A_488 masked %eq3A_502 {add = true} : memref<16384xf32, #tpu.memory_space<vmem>>[vector<16xi32>], vector<16xf32>, vector<16xi1>
        %mul3A_503 = arith.constant 10 : i32
        %mul3A_504 = arith.muli %scan3A_298, %mul3A_503 : i32
        %add3A_505 = arith.constant 6 : i32
        %add3A_506 = arith.addi %mul3A_504, %add3A_505 : i32
        %mul3A_507 = arith.constant 16 : i32
        %mul3A_508 = arith.muli %add3A_506, %mul3A_507 : i32
        %get3A_509 = arith.index_cast %mul3A_508 : i32 to index
        %get3A_510 = tpu.vector_load %arg4[%get3A_509] {strides = array<i32>} : memref<100000xf32, #tpu.memory_space<vmem>>, vector<16xf32>,
        %bitcast_convert_type3A_511 = tpu.bitcast %get3A_510 : vector<16xf32> -> vector<16xi32>
        %shift_right_logical3A_512 = arith.constant 31 : i32
        %shift_right_logical3A_513 = vector.broadcast %shift_right_logical3A_512 : i32 to vector<16xi32>
        %shift_right_logical3A_514 = arith.shrui %bitcast_convert_type3A_511, %shift_right_logical3A_513 : vector<16xi32>
        %sub3A_515 = arith.constant 0 : i32
        %sub3A_516 = vector.broadcast %sub3A_515 : i32 to vector<16xi32>
        %sub3A_517 = arith.subi %sub3A_516, %shift_right_logical3A_514 : vector<16xi32>
        %or3A_518 = arith.constant -2147483648 : i32
        %or3A_519 = vector.broadcast %or3A_518 : i32 to vector<16xi32>
        %or3A_520 = arith.ori %sub3A_517, %or3A_519 : vector<16xi32>
        %xor3A_521 = arith.xori %bitcast_convert_type3A_511, %or3A_520 : vector<16xi32>
        %exp3A_522 = math.exp %get3A_510 : vector<16xf32>
        %shift_right_logical3A_523 = arith.constant 2 : i32
        %shift_right_logical3A_524 = vector.broadcast %shift_right_logical3A_523 : i32 to vector<16xi32>
        %shift_right_logical3A_525 = arith.shrui %xor3A_521, %shift_right_logical3A_524 : vector<16xi32>
        %and3A_526 = vector.broadcast %scan3A_79 : i32 to vector<16xi32>
        %and3A_527 = arith.andi %shift_right_logical3A_525, %and3A_526 : vector<16xi32>
        %mul3A_528 = arith.constant 1024 : i32
        %mul3A_529 = vector.broadcast %mul3A_528 : i32 to vector<16xi32>
        %mul3A_530 = arith.muli %iota3A, %mul3A_529 : vector<16xi32>
        %add3A_531 = arith.addi %mul3A_530, %and3A_527 : vector<16xi32>
        %shift_right_logical3A_532 = arith.constant 12 : i32
        %shift_right_logical3A_533 = vector.broadcast %shift_right_logical3A_532 : i32 to vector<16xi32>
        %shift_right_logical3A_534 = arith.shrui %xor3A_521, %shift_right_logical3A_533 : vector<16xi32>
        %eq3A_535 = vector.broadcast %or3A : i32 to vector<16xi32>
        %eq3A_536 = arith.cmpi eq, %shift_right_logical3A_534, %eq3A_535 : vector<16xi32>
        tpu.vector_store_idx %arg5[%add3A_531], %exp3A_522 masked %eq3A_536 {add = true} : memref<16384xf32, #tpu.memory_space<vmem>>[vector<16xi32>], vector<16xf32>, vector<16xi1>
        %mul3A_537 = arith.constant 10 : i32
        %mul3A_538 = arith.muli %scan3A_298, %mul3A_537 : i32
        %add3A_539 = arith.constant 7 : i32
        %add3A_540 = arith.addi %mul3A_538, %add3A_539 : i32
        %mul3A_541 = arith.constant 16 : i32
        %mul3A_542 = arith.muli %add3A_540, %mul3A_541 : i32
        %get3A_543 = arith.index_cast %mul3A_542 : i32 to index
        %get3A_544 = tpu.vector_load %arg4[%get3A_543] {strides = array<i32>} : memref<100000xf32, #tpu.memory_space<vmem>>, vector<16xf32>,
        %bitcast_convert_type3A_545 = tpu.bitcast %get3A_544 : vector<16xf32> -> vector<16xi32>
        %shift_right_logical3A_546 = arith.constant 31 : i32
        %shift_right_logical3A_547 = vector.broadcast %shift_right_logical3A_546 : i32 to vector<16xi32>
        %shift_right_logical3A_548 = arith.shrui %bitcast_convert_type3A_545, %shift_right_logical3A_547 : vector<16xi32>
        %sub3A_549 = arith.constant 0 : i32
        %sub3A_550 = vector.broadcast %sub3A_549 : i32 to vector<16xi32>
        %sub3A_551 = arith.subi %sub3A_550, %shift_right_logical3A_548 : vector<16xi32>
        %or3A_552 = arith.constant -2147483648 : i32
        %or3A_553 = vector.broadcast %or3A_552 : i32 to vector<16xi32>
        %or3A_554 = arith.ori %sub3A_551, %or3A_553 : vector<16xi32>
        %xor3A_555 = arith.xori %bitcast_convert_type3A_545, %or3A_554 : vector<16xi32>
        %exp3A_556 = math.exp %get3A_544 : vector<16xf32>
        %shift_right_logical3A_557 = arith.constant 2 : i32
        %shift_right_logical3A_558 = vector.broadcast %shift_right_logical3A_557 : i32 to vector<16xi32>
        %shift_right_logical3A_559 = arith.shrui %xor3A_555, %shift_right_logical3A_558 : vector<16xi32>
        %and3A_560 = vector.broadcast %scan3A_79 : i32 to vector<16xi32>
        %and3A_561 = arith.andi %shift_right_logical3A_559, %and3A_560 : vector<16xi32>
        %mul3A_562 = arith.constant 1024 : i32
        %mul3A_563 = vector.broadcast %mul3A_562 : i32 to vector<16xi32>
        %mul3A_564 = arith.muli %iota3A, %mul3A_563 : vector<16xi32>
        %add3A_565 = arith.addi %mul3A_564, %and3A_561 : vector<16xi32>
        %shift_right_logical3A_566 = arith.constant 12 : i32
        %shift_right_logical3A_567 = vector.broadcast %shift_right_logical3A_566 : i32 to vector<16xi32>
        %shift_right_logical3A_568 = arith.shrui %xor3A_555, %shift_right_logical3A_567 : vector<16xi32>
        %eq3A_569 = vector.broadcast %or3A : i32 to vector<16xi32>
        %eq3A_570 = arith.cmpi eq, %shift_right_logical3A_568, %eq3A_569 : vector<16xi32>
        tpu.vector_store_idx %arg5[%add3A_565], %exp3A_556 masked %eq3A_570 {add = true} : memref<16384xf32, #tpu.memory_space<vmem>>[vector<16xi32>], vector<16xf32>, vector<16xi1>
        %mul3A_571 = arith.constant 10 : i32
        %mul3A_572 = arith.muli %scan3A_298, %mul3A_571 : i32
        %add3A_573 = arith.constant 8 : i32
        %add3A_574 = arith.addi %mul3A_572, %add3A_573 : i32
        %mul3A_575 = arith.constant 16 : i32
        %mul3A_576 = arith.muli %add3A_574, %mul3A_575 : i32
        %get3A_577 = arith.index_cast %mul3A_576 : i32 to index
        %get3A_578 = tpu.vector_load %arg4[%get3A_577] {strides = array<i32>} : memref<100000xf32, #tpu.memory_space<vmem>>, vector<16xf32>,
        %bitcast_convert_type3A_579 = tpu.bitcast %get3A_578 : vector<16xf32> -> vector<16xi32>
        %shift_right_logical3A_580 = arith.constant 31 : i32
        %shift_right_logical3A_581 = vector.broadcast %shift_right_logical3A_580 : i32 to vector<16xi32>
        %shift_right_logical3A_582 = arith.shrui %bitcast_convert_type3A_579, %shift_right_logical3A_581 : vector<16xi32>
        %sub3A_583 = arith.constant 0 : i32
        %sub3A_584 = vector.broadcast %sub3A_583 : i32 to vector<16xi32>
        %sub3A_585 = arith.subi %sub3A_584, %shift_right_logical3A_582 : vector<16xi32>
        %or3A_586 = arith.constant -2147483648 : i32
        %or3A_587 = vector.broadcast %or3A_586 : i32 to vector<16xi32>
        %or3A_588 = arith.ori %sub3A_585, %or3A_587 : vector<16xi32>
        %xor3A_589 = arith.xori %bitcast_convert_type3A_579, %or3A_588 : vector<16xi32>
        %exp3A_590 = math.exp %get3A_578 : vector<16xf32>
        %shift_right_logical3A_591 = arith.constant 2 : i32
        %shift_right_logical3A_592 = vector.broadcast %shift_right_logical3A_591 : i32 to vector<16xi32>
        %shift_right_logical3A_593 = arith.shrui %xor3A_589, %shift_right_logical3A_592 : vector<16xi32>
        %and3A_594 = vector.broadcast %scan3A_79 : i32 to vector<16xi32>
        %and3A_595 = arith.andi %shift_right_logical3A_593, %and3A_594 : vector<16xi32>
        %mul3A_596 = arith.constant 1024 : i32
        %mul3A_597 = vector.broadcast %mul3A_596 : i32 to vector<16xi32>
        %mul3A_598 = arith.muli %iota3A, %mul3A_597 : vector<16xi32>
        %add3A_599 = arith.addi %mul3A_598, %and3A_595 : vector<16xi32>
        %shift_right_logical3A_600 = arith.constant 12 : i32
        %shift_right_logical3A_601 = vector.broadcast %shift_right_logical3A_600 : i32 to vector<16xi32>
        %shift_right_logical3A_602 = arith.shrui %xor3A_589, %shift_right_logical3A_601 : vector<16xi32>
        %eq3A_603 = vector.broadcast %or3A : i32 to vector<16xi32>
        %eq3A_604 = arith.cmpi eq, %shift_right_logical3A_602, %eq3A_603 : vector<16xi32>
        tpu.vector_store_idx %arg5[%add3A_599], %exp3A_590 masked %eq3A_604 {add = true} : memref<16384xf32, #tpu.memory_space<vmem>>[vector<16xi32>], vector<16xf32>, vector<16xi1>
        %mul3A_605 = arith.constant 10 : i32
        %mul3A_606 = arith.muli %scan3A_298, %mul3A_605 : i32
        %add3A_607 = arith.constant 9 : i32
        %add3A_608 = arith.addi %mul3A_606, %add3A_607 : i32
        %mul3A_609 = arith.constant 16 : i32
        %mul3A_610 = arith.muli %add3A_608, %mul3A_609 : i32
        %get3A_611 = arith.index_cast %mul3A_610 : i32 to index
        %get3A_612 = tpu.vector_load %arg4[%get3A_611] {strides = array<i32>} : memref<100000xf32, #tpu.memory_space<vmem>>, vector<16xf32>,
        %bitcast_convert_type3A_613 = tpu.bitcast %get3A_612 : vector<16xf32> -> vector<16xi32>
        %shift_right_logical3A_614 = arith.constant 31 : i32
        %shift_right_logical3A_615 = vector.broadcast %shift_right_logical3A_614 : i32 to vector<16xi32>
        %shift_right_logical3A_616 = arith.shrui %bitcast_convert_type3A_613, %shift_right_logical3A_615 : vector<16xi32>
        %sub3A_617 = arith.constant 0 : i32
        %sub3A_618 = vector.broadcast %sub3A_617 : i32 to vector<16xi32>
        %sub3A_619 = arith.subi %sub3A_618, %shift_right_logical3A_616 : vector<16xi32>
        %or3A_620 = arith.constant -2147483648 : i32
        %or3A_621 = vector.broadcast %or3A_620 : i32 to vector<16xi32>
        %or3A_622 = arith.ori %sub3A_619, %or3A_621 : vector<16xi32>
        %xor3A_623 = arith.xori %bitcast_convert_type3A_613, %or3A_622 : vector<16xi32>
        %exp3A_624 = math.exp %get3A_612 : vector<16xf32>
        %shift_right_logical3A_625 = arith.constant 2 : i32
        %shift_right_logical3A_626 = vector.broadcast %shift_right_logical3A_625 : i32 to vector<16xi32>
        %shift_right_logical3A_627 = arith.shrui %xor3A_623, %shift_right_logical3A_626 : vector<16xi32>
        %and3A_628 = vector.broadcast %scan3A_79 : i32 to vector<16xi32>
        %and3A_629 = arith.andi %shift_right_logical3A_627, %and3A_628 : vector<16xi32>
        %mul3A_630 = arith.constant 1024 : i32
        %mul3A_631 = vector.broadcast %mul3A_630 : i32 to vector<16xi32>
        %mul3A_632 = arith.muli %iota3A, %mul3A_631 : vector<16xi32>
        %add3A_633 = arith.addi %mul3A_632, %and3A_629 : vector<16xi32>
        %shift_right_logical3A_634 = arith.constant 12 : i32
        %shift_right_logical3A_635 = vector.broadcast %shift_right_logical3A_634 : i32 to vector<16xi32>
        %shift_right_logical3A_636 = arith.shrui %xor3A_623, %shift_right_logical3A_635 : vector<16xi32>
        %eq3A_637 = vector.broadcast %or3A : i32 to vector<16xi32>
        %eq3A_638 = arith.cmpi eq, %shift_right_logical3A_636, %eq3A_637 : vector<16xi32>
        tpu.vector_store_idx %arg5[%add3A_633], %exp3A_624 masked %eq3A_638 {add = true} : memref<16384xf32, #tpu.memory_space<vmem>>[vector<16xi32>], vector<16xf32>, vector<16xi1>
      }
      %scan3A_84 = arith.constant 625 : i32
      %scan3A_85 = arith.constant 0 : i32
      %scan3A_86 = arith.constant 0.000000e+00 : f32
      %scan3A_87 = arith.constant 0 : i32
      %scan3A_88 = arith.constant 64 : i32
      %scan3A_89 = arith.addi %scan3A_87, %scan3A_88 : i32
      %scan3A_90 = arith.constant 1 : i32
      %scan3A_91:3 = scf.for %scan3A_298 = %scan3A_87 to %scan3A_89 step %scan3A_90 iter_args(%scan3A_299 = %scan3A_85, %scan3A_300 = %scan3A_86, %scan3A_301 = %scan3A_67#1) -> (i32, f32, f32)  : i32 {
        %sub3A_302 = arith.constant 63 : i32
        %sub3A_303 = arith.subi %sub3A_302, %scan3A_298 : i32
        %mul3A_304 = arith.constant 16 : i32
        %mul3A_305 = arith.muli %sub3A_303, %mul3A_304 : i32
        %get3A_306 = arith.index_cast %mul3A_305 : i32 to index
        %get3A_307 = tpu.vector_load %arg5[%get3A_306] {strides = array<i32>} : memref<16384xf32, #tpu.memory_space<vmem>>, vector<16xf32>,
        %mul3A_308 = arith.constant 16 : i32
        %mul3A_309 = arith.muli %sub3A_303, %mul3A_308 : i32
        %add3A_310 = arith.constant 1024 : i32
        %add3A_311 = arith.addi %add3A_310, %mul3A_309 : i32
        %get3A_312 = arith.index_cast %add3A_311 : i32 to index
        %get3A_313 = tpu.vector_load %arg5[%get3A_312] {strides = array<i32>} : memref<16384xf32, #tpu.memory_space<vmem>>, vector<16xf32>,
        %add3A_314 = arith.addf %get3A_307, %get3A_313 : vector<16xf32>
        %mul3A_315 = arith.constant 16 : i32
        %mul3A_316 = arith.muli %sub3A_303, %mul3A_315 : i32
        %add3A_317 = arith.constant 2048 : i32
        %add3A_318 = arith.addi %add3A_317, %mul3A_316 : i32
        %get3A_319 = arith.index_cast %add3A_318 : i32 to index
        %get3A_320 = tpu.vector_load %arg5[%get3A_319] {strides = array<i32>} : memref<16384xf32, #tpu.memory_space<vmem>>, vector<16xf32>,
        %add3A_321 = arith.addf %add3A_314, %get3A_320 : vector<16xf32>
        %mul3A_322 = arith.constant 16 : i32
        %mul3A_323 = arith.muli %sub3A_303, %mul3A_322 : i32
        %add3A_324 = arith.constant 3072 : i32
        %add3A_325 = arith.addi %add3A_324, %mul3A_323 : i32
        %get3A_326 = arith.index_cast %add3A_325 : i32 to index
        %get3A_327 = tpu.vector_load %arg5[%get3A_326] {strides = array<i32>} : memref<16384xf32, #tpu.memory_space<vmem>>, vector<16xf32>,
        %add3A_328 = arith.addf %add3A_321, %get3A_327 : vector<16xf32>
        %mul3A_329 = arith.constant 16 : i32
        %mul3A_330 = arith.muli %sub3A_303, %mul3A_329 : i32
        %add3A_331 = arith.constant 4096 : i32
        %add3A_332 = arith.addi %add3A_331, %mul3A_330 : i32
        %get3A_333 = arith.index_cast %add3A_332 : i32 to index
        %get3A_334 = tpu.vector_load %arg5[%get3A_333] {strides = array<i32>} : memref<16384xf32, #tpu.memory_space<vmem>>, vector<16xf32>,
        %add3A_335 = arith.addf %add3A_328, %get3A_334 : vector<16xf32>
        %mul3A_336 = arith.constant 16 : i32
        %mul3A_337 = arith.muli %sub3A_303, %mul3A_336 : i32
        %add3A_338 = arith.constant 5120 : i32
        %add3A_339 = arith.addi %add3A_338, %mul3A_337 : i32
        %get3A_340 = arith.index_cast %add3A_339 : i32 to index
        %get3A_341 = tpu.vector_load %arg5[%get3A_340] {strides = array<i32>} : memref<16384xf32, #tpu.memory_space<vmem>>, vector<16xf32>,
        %add3A_342 = arith.addf %add3A_335, %get3A_341 : vector<16xf32>
        %mul3A_343 = arith.constant 16 : i32
        %mul3A_344 = arith.muli %sub3A_303, %mul3A_343 : i32
        %add3A_345 = arith.constant 6144 : i32
        %add3A_346 = arith.addi %add3A_345, %mul3A_344 : i32
        %get3A_347 = arith.index_cast %add3A_346 : i32 to index
        %get3A_348 = tpu.vector_load %arg5[%get3A_347] {strides = array<i32>} : memref<16384xf32, #tpu.memory_space<vmem>>, vector<16xf32>,
        %add3A_349 = arith.addf %add3A_342, %get3A_348 : vector<16xf32>
        %mul3A_350 = arith.constant 16 : i32
        %mul3A_351 = arith.muli %sub3A_303, %mul3A_350 : i32
        %add3A_352 = arith.constant 7168 : i32
        %add3A_353 = arith.addi %add3A_352, %mul3A_351 : i32
        %get3A_354 = arith.index_cast %add3A_353 : i32 to index
        %get3A_355 = tpu.vector_load %arg5[%get3A_354] {strides = array<i32>} : memref<16384xf32, #tpu.memory_space<vmem>>, vector<16xf32>,
        %add3A_356 = arith.addf %add3A_349, %get3A_355 : vector<16xf32>
        %mul3A_357 = arith.constant 16 : i32
        %mul3A_358 = arith.muli %sub3A_303, %mul3A_357 : i32
        %add3A_359 = arith.constant 8192 : i32
        %add3A_360 = arith.addi %add3A_359, %mul3A_358 : i32
        %get3A_361 = arith.index_cast %add3A_360 : i32 to index
        %get3A_362 = tpu.vector_load %arg5[%get3A_361] {strides = array<i32>} : memref<16384xf32, #tpu.memory_space<vmem>>, vector<16xf32>,
        %add3A_363 = arith.addf %add3A_356, %get3A_362 : vector<16xf32>
        %mul3A_364 = arith.constant 16 : i32
        %mul3A_365 = arith.muli %sub3A_303, %mul3A_364 : i32
        %add3A_366 = arith.constant 9216 : i32
        %add3A_367 = arith.addi %add3A_366, %mul3A_365 : i32
        %get3A_368 = arith.index_cast %add3A_367 : i32 to index
        %get3A_369 = tpu.vector_load %arg5[%get3A_368] {strides = array<i32>} : memref<16384xf32, #tpu.memory_space<vmem>>, vector<16xf32>,
        %add3A_370 = arith.addf %add3A_363, %get3A_369 : vector<16xf32>
        %mul3A_371 = arith.constant 16 : i32
        %mul3A_372 = arith.muli %sub3A_303, %mul3A_371 : i32
        %add3A_373 = arith.constant 10240 : i32
        %add3A_374 = arith.addi %add3A_373, %mul3A_372 : i32
        %get3A_375 = arith.index_cast %add3A_374 : i32 to index
        %get3A_376 = tpu.vector_load %arg5[%get3A_375] {strides = array<i32>} : memref<16384xf32, #tpu.memory_space<vmem>>, vector<16xf32>,
        %add3A_377 = arith.addf %add3A_370, %get3A_376 : vector<16xf32>
        %mul3A_378 = arith.constant 16 : i32
        %mul3A_379 = arith.muli %sub3A_303, %mul3A_378 : i32
        %add3A_380 = arith.constant 11264 : i32
        %add3A_381 = arith.addi %add3A_380, %mul3A_379 : i32
        %get3A_382 = arith.index_cast %add3A_381 : i32 to index
        %get3A_383 = tpu.vector_load %arg5[%get3A_382] {strides = array<i32>} : memref<16384xf32, #tpu.memory_space<vmem>>, vector<16xf32>,
        %add3A_384 = arith.addf %add3A_377, %get3A_383 : vector<16xf32>
        %mul3A_385 = arith.constant 16 : i32
        %mul3A_386 = arith.muli %sub3A_303, %mul3A_385 : i32
        %add3A_387 = arith.constant 12288 : i32
        %add3A_388 = arith.addi %add3A_387, %mul3A_386 : i32
        %get3A_389 = arith.index_cast %add3A_388 : i32 to index
        %get3A_390 = tpu.vector_load %arg5[%get3A_389] {strides = array<i32>} : memref<16384xf32, #tpu.memory_space<vmem>>, vector<16xf32>,
        %add3A_391 = arith.addf %add3A_384, %get3A_390 : vector<16xf32>
        %mul3A_392 = arith.constant 16 : i32
        %mul3A_393 = arith.muli %sub3A_303, %mul3A_392 : i32
        %add3A_394 = arith.constant 13312 : i32
        %add3A_395 = arith.addi %add3A_394, %mul3A_393 : i32
        %get3A_396 = arith.index_cast %add3A_395 : i32 to index
        %get3A_397 = tpu.vector_load %arg5[%get3A_396] {strides = array<i32>} : memref<16384xf32, #tpu.memory_space<vmem>>, vector<16xf32>,
        %add3A_398 = arith.addf %add3A_391, %get3A_397 : vector<16xf32>
        %mul3A_399 = arith.constant 16 : i32
        %mul3A_400 = arith.muli %sub3A_303, %mul3A_399 : i32
        %add3A_401 = arith.constant 14336 : i32
        %add3A_402 = arith.addi %add3A_401, %mul3A_400 : i32
        %get3A_403 = arith.index_cast %add3A_402 : i32 to index
        %get3A_404 = tpu.vector_load %arg5[%get3A_403] {strides = array<i32>} : memref<16384xf32, #tpu.memory_space<vmem>>, vector<16xf32>,
        %add3A_405 = arith.addf %add3A_398, %get3A_404 : vector<16xf32>
        %mul3A_406 = arith.constant 16 : i32
        %mul3A_407 = arith.muli %sub3A_303, %mul3A_406 : i32
        %add3A_408 = arith.constant 15360 : i32
        %add3A_409 = arith.addi %add3A_408, %mul3A_407 : i32
        %get3A_410 = arith.index_cast %add3A_409 : i32 to index
        %get3A_411 = tpu.vector_load %arg5[%get3A_410] {strides = array<i32>} : memref<16384xf32, #tpu.memory_space<vmem>>, vector<16xf32>,
        %add3A_412 = arith.addf %add3A_405, %get3A_411 : vector<16xf32>
        %rev3A_413 = arith.constant 15 : i32
        %rev3A_414 = vector.broadcast %rev3A_413 : i32 to vector<16xi32>
        %rev3A_415 = tpu.iota {dimensions = array<i32: 0>} : vector<16xi32>
        %rev3A_416 = arith.subi %rev3A_414, %rev3A_415 : vector<16xi32>
        %rev3A_417 = tpu.dynamic_gather %add3A_412[%rev3A_416] in [0] : vector<16xf32>, vector<16xi32> -> vector<16xf32>
        %cumsum3A_418 = arith.constant true
        %cumsum3A_419 = vector.broadcast %cumsum3A_418 : i1 to vector<16xi1>
        %cumsum3A_420 = tpu.scan <sum>, %rev3A_417 masked %cumsum3A_419 : vector<16xf32>, vector<16xi1> -> vector<16xf32>
        %rev3A_421 = arith.constant 15 : i32
        %rev3A_422 = vector.broadcast %rev3A_421 : i32 to vector<16xi32>
        %rev3A_423 = tpu.iota {dimensions = array<i32: 0>} : vector<16xi32>
        %rev3A_424 = arith.subi %rev3A_422, %rev3A_423 : vector<16xi32>
        %rev3A_425 = tpu.dynamic_gather %cumsum3A_420[%rev3A_424] in [0] : vector<16xf32>, vector<16xi32> -> vector<16xf32>
        %sub3A_426 = arith.subf %rev3A_425, %add3A_412 : vector<16xf32>
        %add3A_427 = vector.broadcast %scan3A_301 : f32 to vector<16xf32>
        %add3A_428 = arith.addf %add3A_427, %sub3A_426 : vector<16xf32>
        %le3A_429 = vector.broadcast %mul3A_36 : f32 to vector<16xf32>
        %le3A_430 = arith.cmpf ole, %add3A_428, %le3A_429 : vector<16xf32>
        %gt3A_431 = arith.constant 0.000000e+00 : f32
        %gt3A_432 = vector.broadcast %gt3A_431 : f32 to vector<16xf32>
        %gt3A_433 = arith.cmpf ogt, %add3A_412, %gt3A_432 : vector<16xf32>
        %and3A_434 = arith.andi %le3A_430, %gt3A_433 : vector<16xi1>
        %reduce_or3A_435 = arith.constant 1.000000e+00 : f32
        %reduce_or3A_436 = arith.constant 0.000000e+00 : f32
        %reduce_or3A_437 = vector.broadcast %reduce_or3A_435 : f32 to vector<16xf32>
        %reduce_or3A_438 = vector.broadcast %reduce_or3A_436 : f32 to vector<16xf32>
        %reduce_or3A_439 = arith.select %and3A_434, %reduce_or3A_437, %reduce_or3A_438 : vector<16xi1>, vector<16xf32>
        %reduce_or3A_440 = arith.constant true
        %reduce_or3A_441 = vector.broadcast %reduce_or3A_440 : i1 to vector<16xi1>
        %reduce_or3A_442 = tpu.scan <max>, %reduce_or3A_439 masked %reduce_or3A_441 : vector<16xf32>, vector<16xi1> -> vector<16xf32>
        %reduce_or3A_443 = vector.extract %reduce_or3A_442[15] : f32 from vector<16xf32>
        %reduce_or3A_444 = arith.constant 0.000000e+00 : f32
        %reduce_or3A_445 = arith.cmpf ogt, %reduce_or3A_443, %reduce_or3A_444 : f32
        %all_reduce_ffs3A_446 = tpu.all_reduce %and3A_434 {dim = 0 : i64, kind = #tpu.reduction_kind<find_first_set>} : vector<16xi1> -> vector<16xi32>
        %reduce_max3A_447 = arith.constant true
        %reduce_max3A_448 = vector.broadcast %reduce_max3A_447 : i1 to vector<16xi1>
        %reduce_max3A_449 = arith.constant -2147483648 : i32
        %reduce_max3A_450 = vector.broadcast %reduce_max3A_449 : i32 to vector<16xi32>
        %reduce_max3A_451 = arith.xori %all_reduce_ffs3A_446, %reduce_max3A_450 : vector<16xi32>
        %reduce_max3A_452 = tpu.scan <max>, %reduce_max3A_451 masked %reduce_max3A_448 : vector<16xi32>, vector<16xi1> -> vector<16xi32>
        %reduce_max3A_453 = arith.xori %reduce_max3A_452, %reduce_max3A_450 : vector<16xi32>
        %reduce_max3A_454 = vector.extract %reduce_max3A_453[15] : i32 from vector<16xi32>
        %eq3A_455 = vector.broadcast %reduce_max3A_454 : i32 to vector<16xi32>
        %eq3A_456 = arith.cmpi eq, %iota3A, %eq3A_455 : vector<16xi32>
        %jit3A_457 = arith.constant 0.000000e+00 : f32
        %broadcast_in_dim3A_458 = vector.broadcast %jit3A_457 : f32 to vector<16xf32>
        %select_n3A_459 = arith.select %eq3A_456, %sub3A_426, %broadcast_in_dim3A_458 : vector<16xi1>, vector<16xf32>
        %reduce_sum3A_460 = arith.constant true
        %reduce_sum3A_461 = vector.broadcast %reduce_sum3A_460 : i1 to vector<16xi1>
        %reduce_sum3A_462 = tpu.scan <sum>, %select_n3A_459 masked %reduce_sum3A_461 : vector<16xf32>, vector<16xi1> -> vector<16xf32>
        %reduce_sum3A_463 = vector.extract %reduce_sum3A_462[15] : f32 from vector<16xf32>
        %mul3A_464 = arith.constant 16 : i32
        %mul3A_465 = arith.muli %sub3A_303, %mul3A_464 : i32
        %add3A_466 = arith.addi %mul3A_465, %reduce_max3A_454 : i32
        %select_n3A_467 = arith.select %reduce_or3A_445, %add3A_466, %scan3A_299 : i32
        %add3A_468 = arith.addf %scan3A_301, %reduce_sum3A_463 : f32
        %select_n3A_469 = arith.select %reduce_or3A_445, %add3A_468, %scan3A_300 : f32
        %reduce_sum3A_470 = arith.constant true
        %reduce_sum3A_471 = vector.broadcast %reduce_sum3A_470 : i1 to vector<16xi1>
        %reduce_sum3A_472 = tpu.scan <sum>, %add3A_412 masked %reduce_sum3A_471 : vector<16xf32>, vector<16xi1> -> vector<16xf32>
        %reduce_sum3A_473 = vector.extract %reduce_sum3A_472[15] : f32 from vector<16xf32>
        %add3A_474 = arith.addf %scan3A_301, %reduce_sum3A_473 : f32
        scf.yield %select_n3A_467, %select_n3A_469, %add3A_474 : i32, f32, f32
      }
      %scan3A_92 = arith.constant 64 : i32
      %shift_left3A_93 = arith.constant 10 : i32
      %shift_left3A_94 = arith.shli %or3A, %shift_left3A_93 : i32
      %or3A_95 = arith.ori %shift_left3A_94, %scan3A_91#0 : i32
      %broadcast_in_dim3A_96 = arith.constant 0.000000e+00 : f32
      %broadcast_in_dim3A_97 = vector.broadcast %broadcast_in_dim3A_96 : f32 to vector<16xf32>
      %scan3A_98 = arith.constant 0 : i32
      %scan3A_99 = arith.constant 0 : i32
      %scan3A_100 = arith.constant 16 : i32
      %scan3A_101 = arith.addi %scan3A_99, %scan3A_100 : i32
      %scan3A_102 = arith.constant 1 : i32
      scf.for %scan3A_298 = %scan3A_99 to %scan3A_101 step %scan3A_102  : i32 {
        %mul3A_299 = arith.constant 1 : i32
        %mul3A_300 = arith.muli %scan3A_298, %mul3A_299 : i32
        %add3A_301 = arith.constant 0 : i32
        %add3A_302 = arith.addi %mul3A_300, %add3A_301 : i32
        %mul3A_303 = arith.constant 16 : i32
        %mul3A_304 = arith.muli %add3A_302, %mul3A_303 : i32
        %swap3A = arith.index_cast %mul3A_304 : i32 to index
        %swap3A_305 = tpu.vector_load %arg5[%swap3A] {strides = array<i32>} : memref<16384xf32, #tpu.memory_space<vmem>>, vector<16xf32>,
        tpu.vector_store %arg5[%swap3A], %broadcast_in_dim3A_97 {strides = array<i32>} : memref<16384xf32, #tpu.memory_space<vmem>>, vector<16xf32>,
      }
      %scan3A_103 = arith.constant 16 : i32
      %scan3A_104 = arith.constant 0 : i32
      %scan3A_105 = arith.constant 3 : i32
      %scan3A_106 = arith.constant 0 : i32
      %scan3A_107 = arith.constant 625 : i32
      %scan3A_108 = arith.addi %scan3A_106, %scan3A_107 : i32
      %scan3A_109 = arith.constant 1 : i32
      scf.for %scan3A_298 = %scan3A_106 to %scan3A_108 step %scan3A_109  : i32 {
        %mul3A_299 = arith.constant 10 : i32
        %mul3A_300 = arith.muli %scan3A_298, %mul3A_299 : i32
        %add3A_301 = arith.constant 0 : i32
        %add3A_302 = arith.addi %mul3A_300, %add3A_301 : i32
        %mul3A_303 = arith.constant 16 : i32
        %mul3A_304 = arith.muli %add3A_302, %mul3A_303 : i32
        %get3A_305 = arith.index_cast %mul3A_304 : i32 to index
        %get3A_306 = tpu.vector_load %arg4[%get3A_305] {strides = array<i32>} : memref<100000xf32, #tpu.memory_space<vmem>>, vector<16xf32>,
        %bitcast_convert_type3A_307 = tpu.bitcast %get3A_306 : vector<16xf32> -> vector<16xi32>
        %shift_right_logical3A_308 = arith.constant 31 : i32
        %shift_right_logical3A_309 = vector.broadcast %shift_right_logical3A_308 : i32 to vector<16xi32>
        %shift_right_logical3A_310 = arith.shrui %bitcast_convert_type3A_307, %shift_right_logical3A_309 : vector<16xi32>
        %sub3A_311 = arith.constant 0 : i32
        %sub3A_312 = vector.broadcast %sub3A_311 : i32 to vector<16xi32>
        %sub3A_313 = arith.subi %sub3A_312, %shift_right_logical3A_310 : vector<16xi32>
        %or3A_314 = arith.constant -2147483648 : i32
        %or3A_315 = vector.broadcast %or3A_314 : i32 to vector<16xi32>
        %or3A_316 = arith.ori %sub3A_313, %or3A_315 : vector<16xi32>
        %xor3A_317 = arith.xori %bitcast_convert_type3A_307, %or3A_316 : vector<16xi32>
        %exp3A_318 = math.exp %get3A_306 : vector<16xf32>
        %shift_right_logical3A_319 = arith.constant 0 : i32
        %shift_right_logical3A_320 = vector.broadcast %shift_right_logical3A_319 : i32 to vector<16xi32>
        %shift_right_logical3A_321 = arith.shrui %xor3A_317, %shift_right_logical3A_320 : vector<16xi32>
        %and3A_322 = vector.broadcast %scan3A_105 : i32 to vector<16xi32>
        %and3A_323 = arith.andi %shift_right_logical3A_321, %and3A_322 : vector<16xi32>
        %mul3A_324 = arith.constant 16 : i32
        %mul3A_325 = vector.broadcast %mul3A_324 : i32 to vector<16xi32>
        %mul3A_326 = arith.muli %iota3A, %mul3A_325 : vector<16xi32>
        %add3A_327 = arith.addi %mul3A_326, %and3A_323 : vector<16xi32>
        %shift_right_logical3A_328 = arith.constant 2 : i32
        %shift_right_logical3A_329 = vector.broadcast %shift_right_logical3A_328 : i32 to vector<16xi32>
        %shift_right_logical3A_330 = arith.shrui %xor3A_317, %shift_right_logical3A_329 : vector<16xi32>
        %eq3A_331 = vector.broadcast %or3A_95 : i32 to vector<16xi32>
        %eq3A_332 = arith.cmpi eq, %shift_right_logical3A_330, %eq3A_331 : vector<16xi32>
        tpu.vector_store_idx %arg5[%add3A_327], %exp3A_318 masked %eq3A_332 {add = true} : memref<16384xf32, #tpu.memory_space<vmem>>[vector<16xi32>], vector<16xf32>, vector<16xi1>
        %mul3A_333 = arith.constant 10 : i32
        %mul3A_334 = arith.muli %scan3A_298, %mul3A_333 : i32
        %add3A_335 = arith.constant 1 : i32
        %add3A_336 = arith.addi %mul3A_334, %add3A_335 : i32
        %mul3A_337 = arith.constant 16 : i32
        %mul3A_338 = arith.muli %add3A_336, %mul3A_337 : i32
        %get3A_339 = arith.index_cast %mul3A_338 : i32 to index
        %get3A_340 = tpu.vector_load %arg4[%get3A_339] {strides = array<i32>} : memref<100000xf32, #tpu.memory_space<vmem>>, vector<16xf32>,
        %bitcast_convert_type3A_341 = tpu.bitcast %get3A_340 : vector<16xf32> -> vector<16xi32>
        %shift_right_logical3A_342 = arith.constant 31 : i32
        %shift_right_logical3A_343 = vector.broadcast %shift_right_logical3A_342 : i32 to vector<16xi32>
        %shift_right_logical3A_344 = arith.shrui %bitcast_convert_type3A_341, %shift_right_logical3A_343 : vector<16xi32>
        %sub3A_345 = arith.constant 0 : i32
        %sub3A_346 = vector.broadcast %sub3A_345 : i32 to vector<16xi32>
        %sub3A_347 = arith.subi %sub3A_346, %shift_right_logical3A_344 : vector<16xi32>
        %or3A_348 = arith.constant -2147483648 : i32
        %or3A_349 = vector.broadcast %or3A_348 : i32 to vector<16xi32>
        %or3A_350 = arith.ori %sub3A_347, %or3A_349 : vector<16xi32>
        %xor3A_351 = arith.xori %bitcast_convert_type3A_341, %or3A_350 : vector<16xi32>
        %exp3A_352 = math.exp %get3A_340 : vector<16xf32>
        %shift_right_logical3A_353 = arith.constant 0 : i32
        %shift_right_logical3A_354 = vector.broadcast %shift_right_logical3A_353 : i32 to vector<16xi32>
        %shift_right_logical3A_355 = arith.shrui %xor3A_351, %shift_right_logical3A_354 : vector<16xi32>
        %and3A_356 = vector.broadcast %scan3A_105 : i32 to vector<16xi32>
        %and3A_357 = arith.andi %shift_right_logical3A_355, %and3A_356 : vector<16xi32>
        %mul3A_358 = arith.constant 16 : i32
        %mul3A_359 = vector.broadcast %mul3A_358 : i32 to vector<16xi32>
        %mul3A_360 = arith.muli %iota3A, %mul3A_359 : vector<16xi32>
        %add3A_361 = arith.addi %mul3A_360, %and3A_357 : vector<16xi32>
        %shift_right_logical3A_362 = arith.constant 2 : i32
        %shift_right_logical3A_363 = vector.broadcast %shift_right_logical3A_362 : i32 to vector<16xi32>
        %shift_right_logical3A_364 = arith.shrui %xor3A_351, %shift_right_logical3A_363 : vector<16xi32>
        %eq3A_365 = vector.broadcast %or3A_95 : i32 to vector<16xi32>
        %eq3A_366 = arith.cmpi eq, %shift_right_logical3A_364, %eq3A_365 : vector<16xi32>
        tpu.vector_store_idx %arg5[%add3A_361], %exp3A_352 masked %eq3A_366 {add = true} : memref<16384xf32, #tpu.memory_space<vmem>>[vector<16xi32>], vector<16xf32>, vector<16xi1>
        %mul3A_367 = arith.constant 10 : i32
        %mul3A_368 = arith.muli %scan3A_298, %mul3A_367 : i32
        %add3A_369 = arith.constant 2 : i32
        %add3A_370 = arith.addi %mul3A_368, %add3A_369 : i32
        %mul3A_371 = arith.constant 16 : i32
        %mul3A_372 = arith.muli %add3A_370, %mul3A_371 : i32
        %get3A_373 = arith.index_cast %mul3A_372 : i32 to index
        %get3A_374 = tpu.vector_load %arg4[%get3A_373] {strides = array<i32>} : memref<100000xf32, #tpu.memory_space<vmem>>, vector<16xf32>,
        %bitcast_convert_type3A_375 = tpu.bitcast %get3A_374 : vector<16xf32> -> vector<16xi32>
        %shift_right_logical3A_376 = arith.constant 31 : i32
        %shift_right_logical3A_377 = vector.broadcast %shift_right_logical3A_376 : i32 to vector<16xi32>
        %shift_right_logical3A_378 = arith.shrui %bitcast_convert_type3A_375, %shift_right_logical3A_377 : vector<16xi32>
        %sub3A_379 = arith.constant 0 : i32
        %sub3A_380 = vector.broadcast %sub3A_379 : i32 to vector<16xi32>
        %sub3A_381 = arith.subi %sub3A_380, %shift_right_logical3A_378 : vector<16xi32>
        %or3A_382 = arith.constant -2147483648 : i32
        %or3A_383 = vector.broadcast %or3A_382 : i32 to vector<16xi32>
        %or3A_384 = arith.ori %sub3A_381, %or3A_383 : vector<16xi32>
        %xor3A_385 = arith.xori %bitcast_convert_type3A_375, %or3A_384 : vector<16xi32>
        %exp3A_386 = math.exp %get3A_374 : vector<16xf32>
        %shift_right_logical3A_387 = arith.constant 0 : i32
        %shift_right_logical3A_388 = vector.broadcast %shift_right_logical3A_387 : i32 to vector<16xi32>
        %shift_right_logical3A_389 = arith.shrui %xor3A_385, %shift_right_logical3A_388 : vector<16xi32>
        %and3A_390 = vector.broadcast %scan3A_105 : i32 to vector<16xi32>
        %and3A_391 = arith.andi %shift_right_logical3A_389, %and3A_390 : vector<16xi32>
        %mul3A_392 = arith.constant 16 : i32
        %mul3A_393 = vector.broadcast %mul3A_392 : i32 to vector<16xi32>
        %mul3A_394 = arith.muli %iota3A, %mul3A_393 : vector<16xi32>
        %add3A_395 = arith.addi %mul3A_394, %and3A_391 : vector<16xi32>
        %shift_right_logical3A_396 = arith.constant 2 : i32
        %shift_right_logical3A_397 = vector.broadcast %shift_right_logical3A_396 : i32 to vector<16xi32>
        %shift_right_logical3A_398 = arith.shrui %xor3A_385, %shift_right_logical3A_397 : vector<16xi32>
        %eq3A_399 = vector.broadcast %or3A_95 : i32 to vector<16xi32>
        %eq3A_400 = arith.cmpi eq, %shift_right_logical3A_398, %eq3A_399 : vector<16xi32>
        tpu.vector_store_idx %arg5[%add3A_395], %exp3A_386 masked %eq3A_400 {add = true} : memref<16384xf32, #tpu.memory_space<vmem>>[vector<16xi32>], vector<16xf32>, vector<16xi1>
        %mul3A_401 = arith.constant 10 : i32
        %mul3A_402 = arith.muli %scan3A_298, %mul3A_401 : i32
        %add3A_403 = arith.constant 3 : i32
        %add3A_404 = arith.addi %mul3A_402, %add3A_403 : i32
        %mul3A_405 = arith.constant 16 : i32
        %mul3A_406 = arith.muli %add3A_404, %mul3A_405 : i32
        %get3A_407 = arith.index_cast %mul3A_406 : i32 to index
        %get3A_408 = tpu.vector_load %arg4[%get3A_407] {strides = array<i32>} : memref<100000xf32, #tpu.memory_space<vmem>>, vector<16xf32>,
        %bitcast_convert_type3A_409 = tpu.bitcast %get3A_408 : vector<16xf32> -> vector<16xi32>
        %shift_right_logical3A_410 = arith.constant 31 : i32
        %shift_right_logical3A_411 = vector.broadcast %shift_right_logical3A_410 : i32 to vector<16xi32>
        %shift_right_logical3A_412 = arith.shrui %bitcast_convert_type3A_409, %shift_right_logical3A_411 : vector<16xi32>
        %sub3A_413 = arith.constant 0 : i32
        %sub3A_414 = vector.broadcast %sub3A_413 : i32 to vector<16xi32>
        %sub3A_415 = arith.subi %sub3A_414, %shift_right_logical3A_412 : vector<16xi32>
        %or3A_416 = arith.constant -2147483648 : i32
        %or3A_417 = vector.broadcast %or3A_416 : i32 to vector<16xi32>
        %or3A_418 = arith.ori %sub3A_415, %or3A_417 : vector<16xi32>
        %xor3A_419 = arith.xori %bitcast_convert_type3A_409, %or3A_418 : vector<16xi32>
        %exp3A_420 = math.exp %get3A_408 : vector<16xf32>
        %shift_right_logical3A_421 = arith.constant 0 : i32
        %shift_right_logical3A_422 = vector.broadcast %shift_right_logical3A_421 : i32 to vector<16xi32>
        %shift_right_logical3A_423 = arith.shrui %xor3A_419, %shift_right_logical3A_422 : vector<16xi32>
        %and3A_424 = vector.broadcast %scan3A_105 : i32 to vector<16xi32>
        %and3A_425 = arith.andi %shift_right_logical3A_423, %and3A_424 : vector<16xi32>
        %mul3A_426 = arith.constant 16 : i32
        %mul3A_427 = vector.broadcast %mul3A_426 : i32 to vector<16xi32>
        %mul3A_428 = arith.muli %iota3A, %mul3A_427 : vector<16xi32>
        %add3A_429 = arith.addi %mul3A_428, %and3A_425 : vector<16xi32>
        %shift_right_logical3A_430 = arith.constant 2 : i32
        %shift_right_logical3A_431 = vector.broadcast %shift_right_logical3A_430 : i32 to vector<16xi32>
        %shift_right_logical3A_432 = arith.shrui %xor3A_419, %shift_right_logical3A_431 : vector<16xi32>
        %eq3A_433 = vector.broadcast %or3A_95 : i32 to vector<16xi32>
        %eq3A_434 = arith.cmpi eq, %shift_right_logical3A_432, %eq3A_433 : vector<16xi32>
        tpu.vector_store_idx %arg5[%add3A_429], %exp3A_420 masked %eq3A_434 {add = true} : memref<16384xf32, #tpu.memory_space<vmem>>[vector<16xi32>], vector<16xf32>, vector<16xi1>
        %mul3A_435 = arith.constant 10 : i32
        %mul3A_436 = arith.muli %scan3A_298, %mul3A_435 : i32
        %add3A_437 = arith.constant 4 : i32
        %add3A_438 = arith.addi %mul3A_436, %add3A_437 : i32
        %mul3A_439 = arith.constant 16 : i32
        %mul3A_440 = arith.muli %add3A_438, %mul3A_439 : i32
        %get3A_441 = arith.index_cast %mul3A_440 : i32 to index
        %get3A_442 = tpu.vector_load %arg4[%get3A_441] {strides = array<i32>} : memref<100000xf32, #tpu.memory_space<vmem>>, vector<16xf32>,
        %bitcast_convert_type3A_443 = tpu.bitcast %get3A_442 : vector<16xf32> -> vector<16xi32>
        %shift_right_logical3A_444 = arith.constant 31 : i32
        %shift_right_logical3A_445 = vector.broadcast %shift_right_logical3A_444 : i32 to vector<16xi32>
        %shift_right_logical3A_446 = arith.shrui %bitcast_convert_type3A_443, %shift_right_logical3A_445 : vector<16xi32>
        %sub3A_447 = arith.constant 0 : i32
        %sub3A_448 = vector.broadcast %sub3A_447 : i32 to vector<16xi32>
        %sub3A_449 = arith.subi %sub3A_448, %shift_right_logical3A_446 : vector<16xi32>
        %or3A_450 = arith.constant -2147483648 : i32
        %or3A_451 = vector.broadcast %or3A_450 : i32 to vector<16xi32>
        %or3A_452 = arith.ori %sub3A_449, %or3A_451 : vector<16xi32>
        %xor3A_453 = arith.xori %bitcast_convert_type3A_443, %or3A_452 : vector<16xi32>
        %exp3A_454 = math.exp %get3A_442 : vector<16xf32>
        %shift_right_logical3A_455 = arith.constant 0 : i32
        %shift_right_logical3A_456 = vector.broadcast %shift_right_logical3A_455 : i32 to vector<16xi32>
        %shift_right_logical3A_457 = arith.shrui %xor3A_453, %shift_right_logical3A_456 : vector<16xi32>
        %and3A_458 = vector.broadcast %scan3A_105 : i32 to vector<16xi32>
        %and3A_459 = arith.andi %shift_right_logical3A_457, %and3A_458 : vector<16xi32>
        %mul3A_460 = arith.constant 16 : i32
        %mul3A_461 = vector.broadcast %mul3A_460 : i32 to vector<16xi32>
        %mul3A_462 = arith.muli %iota3A, %mul3A_461 : vector<16xi32>
        %add3A_463 = arith.addi %mul3A_462, %and3A_459 : vector<16xi32>
        %shift_right_logical3A_464 = arith.constant 2 : i32
        %shift_right_logical3A_465 = vector.broadcast %shift_right_logical3A_464 : i32 to vector<16xi32>
        %shift_right_logical3A_466 = arith.shrui %xor3A_453, %shift_right_logical3A_465 : vector<16xi32>
        %eq3A_467 = vector.broadcast %or3A_95 : i32 to vector<16xi32>
        %eq3A_468 = arith.cmpi eq, %shift_right_logical3A_466, %eq3A_467 : vector<16xi32>
        tpu.vector_store_idx %arg5[%add3A_463], %exp3A_454 masked %eq3A_468 {add = true} : memref<16384xf32, #tpu.memory_space<vmem>>[vector<16xi32>], vector<16xf32>, vector<16xi1>
        %mul3A_469 = arith.constant 10 : i32
        %mul3A_470 = arith.muli %scan3A_298, %mul3A_469 : i32
        %add3A_471 = arith.constant 5 : i32
        %add3A_472 = arith.addi %mul3A_470, %add3A_471 : i32
        %mul3A_473 = arith.constant 16 : i32
        %mul3A_474 = arith.muli %add3A_472, %mul3A_473 : i32
        %get3A_475 = arith.index_cast %mul3A_474 : i32 to index
        %get3A_476 = tpu.vector_load %arg4[%get3A_475] {strides = array<i32>} : memref<100000xf32, #tpu.memory_space<vmem>>, vector<16xf32>,
        %bitcast_convert_type3A_477 = tpu.bitcast %get3A_476 : vector<16xf32> -> vector<16xi32>
        %shift_right_logical3A_478 = arith.constant 31 : i32
        %shift_right_logical3A_479 = vector.broadcast %shift_right_logical3A_478 : i32 to vector<16xi32>
        %shift_right_logical3A_480 = arith.shrui %bitcast_convert_type3A_477, %shift_right_logical3A_479 : vector<16xi32>
        %sub3A_481 = arith.constant 0 : i32
        %sub3A_482 = vector.broadcast %sub3A_481 : i32 to vector<16xi32>
        %sub3A_483 = arith.subi %sub3A_482, %shift_right_logical3A_480 : vector<16xi32>
        %or3A_484 = arith.constant -2147483648 : i32
        %or3A_485 = vector.broadcast %or3A_484 : i32 to vector<16xi32>
        %or3A_486 = arith.ori %sub3A_483, %or3A_485 : vector<16xi32>
        %xor3A_487 = arith.xori %bitcast_convert_type3A_477, %or3A_486 : vector<16xi32>
        %exp3A_488 = math.exp %get3A_476 : vector<16xf32>
        %shift_right_logical3A_489 = arith.constant 0 : i32
        %shift_right_logical3A_490 = vector.broadcast %shift_right_logical3A_489 : i32 to vector<16xi32>
        %shift_right_logical3A_491 = arith.shrui %xor3A_487, %shift_right_logical3A_490 : vector<16xi32>
        %and3A_492 = vector.broadcast %scan3A_105 : i32 to vector<16xi32>
        %and3A_493 = arith.andi %shift_right_logical3A_491, %and3A_492 : vector<16xi32>
        %mul3A_494 = arith.constant 16 : i32
        %mul3A_495 = vector.broadcast %mul3A_494 : i32 to vector<16xi32>
        %mul3A_496 = arith.muli %iota3A, %mul3A_495 : vector<16xi32>
        %add3A_497 = arith.addi %mul3A_496, %and3A_493 : vector<16xi32>
        %shift_right_logical3A_498 = arith.constant 2 : i32
        %shift_right_logical3A_499 = vector.broadcast %shift_right_logical3A_498 : i32 to vector<16xi32>
        %shift_right_logical3A_500 = arith.shrui %xor3A_487, %shift_right_logical3A_499 : vector<16xi32>
        %eq3A_501 = vector.broadcast %or3A_95 : i32 to vector<16xi32>
        %eq3A_502 = arith.cmpi eq, %shift_right_logical3A_500, %eq3A_501 : vector<16xi32>
        tpu.vector_store_idx %arg5[%add3A_497], %exp3A_488 masked %eq3A_502 {add = true} : memref<16384xf32, #tpu.memory_space<vmem>>[vector<16xi32>], vector<16xf32>, vector<16xi1>
        %mul3A_503 = arith.constant 10 : i32
        %mul3A_504 = arith.muli %scan3A_298, %mul3A_503 : i32
        %add3A_505 = arith.constant 6 : i32
        %add3A_506 = arith.addi %mul3A_504, %add3A_505 : i32
        %mul3A_507 = arith.constant 16 : i32
        %mul3A_508 = arith.muli %add3A_506, %mul3A_507 : i32
        %get3A_509 = arith.index_cast %mul3A_508 : i32 to index
        %get3A_510 = tpu.vector_load %arg4[%get3A_509] {strides = array<i32>} : memref<100000xf32, #tpu.memory_space<vmem>>, vector<16xf32>,
        %bitcast_convert_type3A_511 = tpu.bitcast %get3A_510 : vector<16xf32> -> vector<16xi32>
        %shift_right_logical3A_512 = arith.constant 31 : i32
        %shift_right_logical3A_513 = vector.broadcast %shift_right_logical3A_512 : i32 to vector<16xi32>
        %shift_right_logical3A_514 = arith.shrui %bitcast_convert_type3A_511, %shift_right_logical3A_513 : vector<16xi32>
        %sub3A_515 = arith.constant 0 : i32
        %sub3A_516 = vector.broadcast %sub3A_515 : i32 to vector<16xi32>
        %sub3A_517 = arith.subi %sub3A_516, %shift_right_logical3A_514 : vector<16xi32>
        %or3A_518 = arith.constant -2147483648 : i32
        %or3A_519 = vector.broadcast %or3A_518 : i32 to vector<16xi32>
        %or3A_520 = arith.ori %sub3A_517, %or3A_519 : vector<16xi32>
        %xor3A_521 = arith.xori %bitcast_convert_type3A_511, %or3A_520 : vector<16xi32>
        %exp3A_522 = math.exp %get3A_510 : vector<16xf32>
        %shift_right_logical3A_523 = arith.constant 0 : i32
        %shift_right_logical3A_524 = vector.broadcast %shift_right_logical3A_523 : i32 to vector<16xi32>
        %shift_right_logical3A_525 = arith.shrui %xor3A_521, %shift_right_logical3A_524 : vector<16xi32>
        %and3A_526 = vector.broadcast %scan3A_105 : i32 to vector<16xi32>
        %and3A_527 = arith.andi %shift_right_logical3A_525, %and3A_526 : vector<16xi32>
        %mul3A_528 = arith.constant 16 : i32
        %mul3A_529 = vector.broadcast %mul3A_528 : i32 to vector<16xi32>
        %mul3A_530 = arith.muli %iota3A, %mul3A_529 : vector<16xi32>
        %add3A_531 = arith.addi %mul3A_530, %and3A_527 : vector<16xi32>
        %shift_right_logical3A_532 = arith.constant 2 : i32
        %shift_right_logical3A_533 = vector.broadcast %shift_right_logical3A_532 : i32 to vector<16xi32>
        %shift_right_logical3A_534 = arith.shrui %xor3A_521, %shift_right_logical3A_533 : vector<16xi32>
        %eq3A_535 = vector.broadcast %or3A_95 : i32 to vector<16xi32>
        %eq3A_536 = arith.cmpi eq, %shift_right_logical3A_534, %eq3A_535 : vector<16xi32>
        tpu.vector_store_idx %arg5[%add3A_531], %exp3A_522 masked %eq3A_536 {add = true} : memref<16384xf32, #tpu.memory_space<vmem>>[vector<16xi32>], vector<16xf32>, vector<16xi1>
        %mul3A_537 = arith.constant 10 : i32
        %mul3A_538 = arith.muli %scan3A_298, %mul3A_537 : i32
        %add3A_539 = arith.constant 7 : i32
        %add3A_540 = arith.addi %mul3A_538, %add3A_539 : i32
        %mul3A_541 = arith.constant 16 : i32
        %mul3A_542 = arith.muli %add3A_540, %mul3A_541 : i32
        %get3A_543 = arith.index_cast %mul3A_542 : i32 to index
        %get3A_544 = tpu.vector_load %arg4[%get3A_543] {strides = array<i32>} : memref<100000xf32, #tpu.memory_space<vmem>>, vector<16xf32>,
        %bitcast_convert_type3A_545 = tpu.bitcast %get3A_544 : vector<16xf32> -> vector<16xi32>
        %shift_right_logical3A_546 = arith.constant 31 : i32
        %shift_right_logical3A_547 = vector.broadcast %shift_right_logical3A_546 : i32 to vector<16xi32>
        %shift_right_logical3A_548 = arith.shrui %bitcast_convert_type3A_545, %shift_right_logical3A_547 : vector<16xi32>
        %sub3A_549 = arith.constant 0 : i32
        %sub3A_550 = vector.broadcast %sub3A_549 : i32 to vector<16xi32>
        %sub3A_551 = arith.subi %sub3A_550, %shift_right_logical3A_548 : vector<16xi32>
        %or3A_552 = arith.constant -2147483648 : i32
        %or3A_553 = vector.broadcast %or3A_552 : i32 to vector<16xi32>
        %or3A_554 = arith.ori %sub3A_551, %or3A_553 : vector<16xi32>
        %xor3A_555 = arith.xori %bitcast_convert_type3A_545, %or3A_554 : vector<16xi32>
        %exp3A_556 = math.exp %get3A_544 : vector<16xf32>
        %shift_right_logical3A_557 = arith.constant 0 : i32
        %shift_right_logical3A_558 = vector.broadcast %shift_right_logical3A_557 : i32 to vector<16xi32>
        %shift_right_logical3A_559 = arith.shrui %xor3A_555, %shift_right_logical3A_558 : vector<16xi32>
        %and3A_560 = vector.broadcast %scan3A_105 : i32 to vector<16xi32>
        %and3A_561 = arith.andi %shift_right_logical3A_559, %and3A_560 : vector<16xi32>
        %mul3A_562 = arith.constant 16 : i32
        %mul3A_563 = vector.broadcast %mul3A_562 : i32 to vector<16xi32>
        %mul3A_564 = arith.muli %iota3A, %mul3A_563 : vector<16xi32>
        %add3A_565 = arith.addi %mul3A_564, %and3A_561 : vector<16xi32>
        %shift_right_logical3A_566 = arith.constant 2 : i32
        %shift_right_logical3A_567 = vector.broadcast %shift_right_logical3A_566 : i32 to vector<16xi32>
        %shift_right_logical3A_568 = arith.shrui %xor3A_555, %shift_right_logical3A_567 : vector<16xi32>
        %eq3A_569 = vector.broadcast %or3A_95 : i32 to vector<16xi32>
        %eq3A_570 = arith.cmpi eq, %shift_right_logical3A_568, %eq3A_569 : vector<16xi32>
        tpu.vector_store_idx %arg5[%add3A_565], %exp3A_556 masked %eq3A_570 {add = true} : memref<16384xf32, #tpu.memory_space<vmem>>[vector<16xi32>], vector<16xf32>, vector<16xi1>
        %mul3A_571 = arith.constant 10 : i32
        %mul3A_572 = arith.muli %scan3A_298, %mul3A_571 : i32
        %add3A_573 = arith.constant 8 : i32
        %add3A_574 = arith.addi %mul3A_572, %add3A_573 : i32
        %mul3A_575 = arith.constant 16 : i32
        %mul3A_576 = arith.muli %add3A_574, %mul3A_575 : i32
        %get3A_577 = arith.index_cast %mul3A_576 : i32 to index
        %get3A_578 = tpu.vector_load %arg4[%get3A_577] {strides = array<i32>} : memref<100000xf32, #tpu.memory_space<vmem>>, vector<16xf32>,
        %bitcast_convert_type3A_579 = tpu.bitcast %get3A_578 : vector<16xf32> -> vector<16xi32>
        %shift_right_logical3A_580 = arith.constant 31 : i32
        %shift_right_logical3A_581 = vector.broadcast %shift_right_logical3A_580 : i32 to vector<16xi32>
        %shift_right_logical3A_582 = arith.shrui %bitcast_convert_type3A_579, %shift_right_logical3A_581 : vector<16xi32>
        %sub3A_583 = arith.constant 0 : i32
        %sub3A_584 = vector.broadcast %sub3A_583 : i32 to vector<16xi32>
        %sub3A_585 = arith.subi %sub3A_584, %shift_right_logical3A_582 : vector<16xi32>
        %or3A_586 = arith.constant -2147483648 : i32
        %or3A_587 = vector.broadcast %or3A_586 : i32 to vector<16xi32>
        %or3A_588 = arith.ori %sub3A_585, %or3A_587 : vector<16xi32>
        %xor3A_589 = arith.xori %bitcast_convert_type3A_579, %or3A_588 : vector<16xi32>
        %exp3A_590 = math.exp %get3A_578 : vector<16xf32>
        %shift_right_logical3A_591 = arith.constant 0 : i32
        %shift_right_logical3A_592 = vector.broadcast %shift_right_logical3A_591 : i32 to vector<16xi32>
        %shift_right_logical3A_593 = arith.shrui %xor3A_589, %shift_right_logical3A_592 : vector<16xi32>
        %and3A_594 = vector.broadcast %scan3A_105 : i32 to vector<16xi32>
        %and3A_595 = arith.andi %shift_right_logical3A_593, %and3A_594 : vector<16xi32>
        %mul3A_596 = arith.constant 16 : i32
        %mul3A_597 = vector.broadcast %mul3A_596 : i32 to vector<16xi32>
        %mul3A_598 = arith.muli %iota3A, %mul3A_597 : vector<16xi32>
        %add3A_599 = arith.addi %mul3A_598, %and3A_595 : vector<16xi32>
        %shift_right_logical3A_600 = arith.constant 2 : i32
        %shift_right_logical3A_601 = vector.broadcast %shift_right_logical3A_600 : i32 to vector<16xi32>
        %shift_right_logical3A_602 = arith.shrui %xor3A_589, %shift_right_logical3A_601 : vector<16xi32>
        %eq3A_603 = vector.broadcast %or3A_95 : i32 to vector<16xi32>
        %eq3A_604 = arith.cmpi eq, %shift_right_logical3A_602, %eq3A_603 : vector<16xi32>
        tpu.vector_store_idx %arg5[%add3A_599], %exp3A_590 masked %eq3A_604 {add = true} : memref<16384xf32, #tpu.memory_space<vmem>>[vector<16xi32>], vector<16xf32>, vector<16xi1>
        %mul3A_605 = arith.constant 10 : i32
        %mul3A_606 = arith.muli %scan3A_298, %mul3A_605 : i32
        %add3A_607 = arith.constant 9 : i32
        %add3A_608 = arith.addi %mul3A_606, %add3A_607 : i32
        %mul3A_609 = arith.constant 16 : i32
        %mul3A_610 = arith.muli %add3A_608, %mul3A_609 : i32
        %get3A_611 = arith.index_cast %mul3A_610 : i32 to index
        %get3A_612 = tpu.vector_load %arg4[%get3A_611] {strides = array<i32>} : memref<100000xf32, #tpu.memory_space<vmem>>, vector<16xf32>,
        %bitcast_convert_type3A_613 = tpu.bitcast %get3A_612 : vector<16xf32> -> vector<16xi32>
        %shift_right_logical3A_614 = arith.constant 31 : i32
        %shift_right_logical3A_615 = vector.broadcast %shift_right_logical3A_614 : i32 to vector<16xi32>
        %shift_right_logical3A_616 = arith.shrui %bitcast_convert_type3A_613, %shift_right_logical3A_615 : vector<16xi32>
        %sub3A_617 = arith.constant 0 : i32
        %sub3A_618 = vector.broadcast %sub3A_617 : i32 to vector<16xi32>
        %sub3A_619 = arith.subi %sub3A_618, %shift_right_logical3A_616 : vector<16xi32>
        %or3A_620 = arith.constant -2147483648 : i32
        %or3A_621 = vector.broadcast %or3A_620 : i32 to vector<16xi32>
        %or3A_622 = arith.ori %sub3A_619, %or3A_621 : vector<16xi32>
        %xor3A_623 = arith.xori %bitcast_convert_type3A_613, %or3A_622 : vector<16xi32>
        %exp3A_624 = math.exp %get3A_612 : vector<16xf32>
        %shift_right_logical3A_625 = arith.constant 0 : i32
        %shift_right_logical3A_626 = vector.broadcast %shift_right_logical3A_625 : i32 to vector<16xi32>
        %shift_right_logical3A_627 = arith.shrui %xor3A_623, %shift_right_logical3A_626 : vector<16xi32>
        %and3A_628 = vector.broadcast %scan3A_105 : i32 to vector<16xi32>
        %and3A_629 = arith.andi %shift_right_logical3A_627, %and3A_628 : vector<16xi32>
        %mul3A_630 = arith.constant 16 : i32
        %mul3A_631 = vector.broadcast %mul3A_630 : i32 to vector<16xi32>
        %mul3A_632 = arith.muli %iota3A, %mul3A_631 : vector<16xi32>
        %add3A_633 = arith.addi %mul3A_632, %and3A_629 : vector<16xi32>
        %shift_right_logical3A_634 = arith.constant 2 : i32
        %shift_right_logical3A_635 = vector.broadcast %shift_right_logical3A_634 : i32 to vector<16xi32>
        %shift_right_logical3A_636 = arith.shrui %xor3A_623, %shift_right_logical3A_635 : vector<16xi32>
        %eq3A_637 = vector.broadcast %or3A_95 : i32 to vector<16xi32>
        %eq3A_638 = arith.cmpi eq, %shift_right_logical3A_636, %eq3A_637 : vector<16xi32>
        tpu.vector_store_idx %arg5[%add3A_633], %exp3A_624 masked %eq3A_638 {add = true} : memref<16384xf32, #tpu.memory_space<vmem>>[vector<16xi32>], vector<16xf32>, vector<16xi1>
      }
      %scan3A_110 = arith.constant 625 : i32
      %scan3A_111 = arith.constant 0 : i32
      %scan3A_112 = arith.constant 0.000000e+00 : f32
      %scan3A_113 = arith.constant 0 : i32
      %sub3A = arith.constant 0 : i32
      %sub3A_114 = arith.subi %sub3A, %scan3A_113 : i32
      %mul3A_115 = arith.constant 16 : i32
      %mul3A_116 = arith.muli %sub3A_114, %mul3A_115 : i32
      %get3A = arith.index_cast %mul3A_116 : i32 to index
      %get3A_117 = tpu.vector_load %arg5[%get3A] {strides = array<i32>} : memref<16384xf32, #tpu.memory_space<vmem>>, vector<16xf32>,
      %mul3A_118 = arith.constant 16 : i32
      %mul3A_119 = arith.muli %sub3A_114, %mul3A_118 : i32
      %add3A_120 = arith.constant 16 : i32
      %add3A_121 = arith.addi %add3A_120, %mul3A_119 : i32
      %get3A_122 = arith.index_cast %add3A_121 : i32 to index
      %get3A_123 = tpu.vector_load %arg5[%get3A_122] {strides = array<i32>} : memref<16384xf32, #tpu.memory_space<vmem>>, vector<16xf32>,
      %add3A_124 = arith.addf %get3A_117, %get3A_123 : vector<16xf32>
      %mul3A_125 = arith.constant 16 : i32
      %mul3A_126 = arith.muli %sub3A_114, %mul3A_125 : i32
      %add3A_127 = arith.constant 32 : i32
      %add3A_128 = arith.addi %add3A_127, %mul3A_126 : i32
      %get3A_129 = arith.index_cast %add3A_128 : i32 to index
      %get3A_130 = tpu.vector_load %arg5[%get3A_129] {strides = array<i32>} : memref<16384xf32, #tpu.memory_space<vmem>>, vector<16xf32>,
      %add3A_131 = arith.addf %add3A_124, %get3A_130 : vector<16xf32>
      %mul3A_132 = arith.constant 16 : i32
      %mul3A_133 = arith.muli %sub3A_114, %mul3A_132 : i32
      %add3A_134 = arith.constant 48 : i32
      %add3A_135 = arith.addi %add3A_134, %mul3A_133 : i32
      %get3A_136 = arith.index_cast %add3A_135 : i32 to index
      %get3A_137 = tpu.vector_load %arg5[%get3A_136] {strides = array<i32>} : memref<16384xf32, #tpu.memory_space<vmem>>, vector<16xf32>,
      %add3A_138 = arith.addf %add3A_131, %get3A_137 : vector<16xf32>
      %mul3A_139 = arith.constant 16 : i32
      %mul3A_140 = arith.muli %sub3A_114, %mul3A_139 : i32
      %add3A_141 = arith.constant 64 : i32
      %add3A_142 = arith.addi %add3A_141, %mul3A_140 : i32
      %get3A_143 = arith.index_cast %add3A_142 : i32 to index
      %get3A_144 = tpu.vector_load %arg5[%get3A_143] {strides = array<i32>} : memref<16384xf32, #tpu.memory_space<vmem>>, vector<16xf32>,
      %add3A_145 = arith.addf %add3A_138, %get3A_144 : vector<16xf32>
      %mul3A_146 = arith.constant 16 : i32
      %mul3A_147 = arith.muli %sub3A_114, %mul3A_146 : i32
      %add3A_148 = arith.constant 80 : i32
      %add3A_149 = arith.addi %add3A_148, %mul3A_147 : i32
      %get3A_150 = arith.index_cast %add3A_149 : i32 to index
      %get3A_151 = tpu.vector_load %arg5[%get3A_150] {strides = array<i32>} : memref<16384xf32, #tpu.memory_space<vmem>>, vector<16xf32>,
      %add3A_152 = arith.addf %add3A_145, %get3A_151 : vector<16xf32>
      %mul3A_153 = arith.constant 16 : i32
      %mul3A_154 = arith.muli %sub3A_114, %mul3A_153 : i32
      %add3A_155 = arith.constant 96 : i32
      %add3A_156 = arith.addi %add3A_155, %mul3A_154 : i32
      %get3A_157 = arith.index_cast %add3A_156 : i32 to index
      %get3A_158 = tpu.vector_load %arg5[%get3A_157] {strides = array<i32>} : memref<16384xf32, #tpu.memory_space<vmem>>, vector<16xf32>,
      %add3A_159 = arith.addf %add3A_152, %get3A_158 : vector<16xf32>
      %mul3A_160 = arith.constant 16 : i32
      %mul3A_161 = arith.muli %sub3A_114, %mul3A_160 : i32
      %add3A_162 = arith.constant 112 : i32
      %add3A_163 = arith.addi %add3A_162, %mul3A_161 : i32
      %get3A_164 = arith.index_cast %add3A_163 : i32 to index
      %get3A_165 = tpu.vector_load %arg5[%get3A_164] {strides = array<i32>} : memref<16384xf32, #tpu.memory_space<vmem>>, vector<16xf32>,
      %add3A_166 = arith.addf %add3A_159, %get3A_165 : vector<16xf32>
      %mul3A_167 = arith.constant 16 : i32
      %mul3A_168 = arith.muli %sub3A_114, %mul3A_167 : i32
      %add3A_169 = arith.constant 128 : i32
      %add3A_170 = arith.addi %add3A_169, %mul3A_168 : i32
      %get3A_171 = arith.index_cast %add3A_170 : i32 to index
      %get3A_172 = tpu.vector_load %arg5[%get3A_171] {strides = array<i32>} : memref<16384xf32, #tpu.memory_space<vmem>>, vector<16xf32>,
      %add3A_173 = arith.addf %add3A_166, %get3A_172 : vector<16xf32>
      %mul3A_174 = arith.constant 16 : i32
      %mul3A_175 = arith.muli %sub3A_114, %mul3A_174 : i32
      %add3A_176 = arith.constant 144 : i32
      %add3A_177 = arith.addi %add3A_176, %mul3A_175 : i32
      %get3A_178 = arith.index_cast %add3A_177 : i32 to index
      %get3A_179 = tpu.vector_load %arg5[%get3A_178] {strides = array<i32>} : memref<16384xf32, #tpu.memory_space<vmem>>, vector<16xf32>,
      %add3A_180 = arith.addf %add3A_173, %get3A_179 : vector<16xf32>
      %mul3A_181 = arith.constant 16 : i32
      %mul3A_182 = arith.muli %sub3A_114, %mul3A_181 : i32
      %add3A_183 = arith.constant 160 : i32
      %add3A_184 = arith.addi %add3A_183, %mul3A_182 : i32
      %get3A_185 = arith.index_cast %add3A_184 : i32 to index
      %get3A_186 = tpu.vector_load %arg5[%get3A_185] {strides = array<i32>} : memref<16384xf32, #tpu.memory_space<vmem>>, vector<16xf32>,
      %add3A_187 = arith.addf %add3A_180, %get3A_186 : vector<16xf32>
      %mul3A_188 = arith.constant 16 : i32
      %mul3A_189 = arith.muli %sub3A_114, %mul3A_188 : i32
      %add3A_190 = arith.constant 176 : i32
      %add3A_191 = arith.addi %add3A_190, %mul3A_189 : i32
      %get3A_192 = arith.index_cast %add3A_191 : i32 to index
      %get3A_193 = tpu.vector_load %arg5[%get3A_192] {strides = array<i32>} : memref<16384xf32, #tpu.memory_space<vmem>>, vector<16xf32>,
      %add3A_194 = arith.addf %add3A_187, %get3A_193 : vector<16xf32>
      %mul3A_195 = arith.constant 16 : i32
      %mul3A_196 = arith.muli %sub3A_114, %mul3A_195 : i32
      %add3A_197 = arith.constant 192 : i32
      %add3A_198 = arith.addi %add3A_197, %mul3A_196 : i32
      %get3A_199 = arith.index_cast %add3A_198 : i32 to index
      %get3A_200 = tpu.vector_load %arg5[%get3A_199] {strides = array<i32>} : memref<16384xf32, #tpu.memory_space<vmem>>, vector<16xf32>,
      %add3A_201 = arith.addf %add3A_194, %get3A_200 : vector<16xf32>
      %mul3A_202 = arith.constant 16 : i32
      %mul3A_203 = arith.muli %sub3A_114, %mul3A_202 : i32
      %add3A_204 = arith.constant 208 : i32
      %add3A_205 = arith.addi %add3A_204, %mul3A_203 : i32
      %get3A_206 = arith.index_cast %add3A_205 : i32 to index
      %get3A_207 = tpu.vector_load %arg5[%get3A_206] {strides = array<i32>} : memref<16384xf32, #tpu.memory_space<vmem>>, vector<16xf32>,
      %add3A_208 = arith.addf %add3A_201, %get3A_207 : vector<16xf32>
      %mul3A_209 = arith.constant 16 : i32
      %mul3A_210 = arith.muli %sub3A_114, %mul3A_209 : i32
      %add3A_211 = arith.constant 224 : i32
      %add3A_212 = arith.addi %add3A_211, %mul3A_210 : i32
      %get3A_213 = arith.index_cast %add3A_212 : i32 to index
      %get3A_214 = tpu.vector_load %arg5[%get3A_213] {strides = array<i32>} : memref<16384xf32, #tpu.memory_space<vmem>>, vector<16xf32>,
      %add3A_215 = arith.addf %add3A_208, %get3A_214 : vector<16xf32>
      %mul3A_216 = arith.constant 16 : i32
      %mul3A_217 = arith.muli %sub3A_114, %mul3A_216 : i32
      %add3A_218 = arith.constant 240 : i32
      %add3A_219 = arith.addi %add3A_218, %mul3A_217 : i32
      %get3A_220 = arith.index_cast %add3A_219 : i32 to index
      %get3A_221 = tpu.vector_load %arg5[%get3A_220] {strides = array<i32>} : memref<16384xf32, #tpu.memory_space<vmem>>, vector<16xf32>,
      %add3A_222 = arith.addf %add3A_215, %get3A_221 : vector<16xf32>
      %rev3A = arith.constant 15 : i32
      %rev3A_223 = vector.broadcast %rev3A : i32 to vector<16xi32>
      %rev3A_224 = tpu.iota {dimensions = array<i32: 0>} : vector<16xi32>
      %rev3A_225 = arith.subi %rev3A_223, %rev3A_224 : vector<16xi32>
      %rev3A_226 = tpu.dynamic_gather %add3A_222[%rev3A_225] in [0] : vector<16xf32>, vector<16xi32> -> vector<16xf32>
      %cumsum3A = arith.constant true
      %cumsum3A_227 = vector.broadcast %cumsum3A : i1 to vector<16xi1>
      %cumsum3A_228 = tpu.scan <sum>, %rev3A_226 masked %cumsum3A_227 : vector<16xf32>, vector<16xi1> -> vector<16xf32>
      %rev3A_229 = arith.constant 15 : i32
      %rev3A_230 = vector.broadcast %rev3A_229 : i32 to vector<16xi32>
      %rev3A_231 = tpu.iota {dimensions = array<i32: 0>} : vector<16xi32>
      %rev3A_232 = arith.subi %rev3A_230, %rev3A_231 : vector<16xi32>
      %rev3A_233 = tpu.dynamic_gather %cumsum3A_228[%rev3A_232] in [0] : vector<16xf32>, vector<16xi32> -> vector<16xf32>
      %sub3A_234 = arith.subf %rev3A_233, %add3A_222 : vector<16xf32>
      %add3A_235 = vector.broadcast %scan3A_91#1 : f32 to vector<16xf32>
      %add3A_236 = arith.addf %add3A_235, %sub3A_234 : vector<16xf32>
      %le3A = vector.broadcast %mul3A_36 : f32 to vector<16xf32>
      %le3A_237 = arith.cmpf ole, %add3A_236, %le3A : vector<16xf32>
      %gt3A = arith.constant 0.000000e+00 : f32
      %gt3A_238 = vector.broadcast %gt3A : f32 to vector<16xf32>
      %gt3A_239 = arith.cmpf ogt, %add3A_222, %gt3A_238 : vector<16xf32>
      %and3A = arith.andi %le3A_237, %gt3A_239 : vector<16xi1>
      %reduce_or3A = arith.constant 1.000000e+00 : f32
      %reduce_or3A_240 = arith.constant 0.000000e+00 : f32
      %reduce_or3A_241 = vector.broadcast %reduce_or3A : f32 to vector<16xf32>
      %reduce_or3A_242 = vector.broadcast %reduce_or3A_240 : f32 to vector<16xf32>
      %reduce_or3A_243 = arith.select %and3A, %reduce_or3A_241, %reduce_or3A_242 : vector<16xi1>, vector<16xf32>
      %reduce_or3A_244 = arith.constant true
      %reduce_or3A_245 = vector.broadcast %reduce_or3A_244 : i1 to vector<16xi1>
      %reduce_or3A_246 = tpu.scan <max>, %reduce_or3A_243 masked %reduce_or3A_245 : vector<16xf32>, vector<16xi1> -> vector<16xf32>
      %reduce_or3A_247 = vector.extract %reduce_or3A_246[15] : f32 from vector<16xf32>
      %reduce_or3A_248 = arith.constant 0.000000e+00 : f32
      %reduce_or3A_249 = arith.cmpf ogt, %reduce_or3A_247, %reduce_or3A_248 : f32
      %all_reduce_ffs3A = tpu.all_reduce %and3A {dim = 0 : i64, kind = #tpu.reduction_kind<find_first_set>} : vector<16xi1> -> vector<16xi32>
      %reduce_max3A = arith.constant true
      %reduce_max3A_250 = vector.broadcast %reduce_max3A : i1 to vector<16xi1>
      %reduce_max3A_251 = arith.constant -2147483648 : i32
      %reduce_max3A_252 = vector.broadcast %reduce_max3A_251 : i32 to vector<16xi32>
      %reduce_max3A_253 = arith.xori %all_reduce_ffs3A, %reduce_max3A_252 : vector<16xi32>
      %reduce_max3A_254 = tpu.scan <max>, %reduce_max3A_253 masked %reduce_max3A_250 : vector<16xi32>, vector<16xi1> -> vector<16xi32>
      %reduce_max3A_255 = arith.xori %reduce_max3A_254, %reduce_max3A_252 : vector<16xi32>
      %reduce_max3A_256 = vector.extract %reduce_max3A_255[15] : i32 from vector<16xi32>
      %eq3A = vector.broadcast %reduce_max3A_256 : i32 to vector<16xi32>
      %eq3A_257 = arith.cmpi eq, %iota3A, %eq3A : vector<16xi32>
      %jit3A = arith.constant 0.000000e+00 : f32
      %broadcast_in_dim3A_258 = vector.broadcast %jit3A : f32 to vector<16xf32>
      %select_n3A = arith.select %eq3A_257, %sub3A_234, %broadcast_in_dim3A_258 : vector<16xi1>, vector<16xf32>
      %reduce_sum3A_259 = arith.constant true
      %reduce_sum3A_260 = vector.broadcast %reduce_sum3A_259 : i1 to vector<16xi1>
      %reduce_sum3A_261 = tpu.scan <sum>, %select_n3A masked %reduce_sum3A_260 : vector<16xf32>, vector<16xi1> -> vector<16xf32>
      %reduce_sum3A_262 = vector.extract %reduce_sum3A_261[15] : f32 from vector<16xf32>
      %mul3A_263 = arith.constant 16 : i32
      %mul3A_264 = arith.muli %sub3A_114, %mul3A_263 : i32
      %add3A_265 = arith.addi %mul3A_264, %reduce_max3A_256 : i32
      %select_n3A_266 = arith.select %reduce_or3A_249, %add3A_265, %scan3A_111 : i32
      %add3A_267 = arith.addf %scan3A_91#1, %reduce_sum3A_262 : f32
      %select_n3A_268 = arith.select %reduce_or3A_249, %add3A_267, %scan3A_112 : f32
      %reduce_sum3A_269 = arith.constant true
      %reduce_sum3A_270 = vector.broadcast %reduce_sum3A_269 : i1 to vector<16xi1>
      %reduce_sum3A_271 = tpu.scan <sum>, %add3A_222 masked %reduce_sum3A_270 : vector<16xf32>, vector<16xi1> -> vector<16xf32>
      %reduce_sum3A_272 = vector.extract %reduce_sum3A_271[15] : f32 from vector<16xf32>
      %add3A_273 = arith.addf %scan3A_91#1, %reduce_sum3A_272 : f32
      %scan3A_274 = arith.constant 1 : i32
      %shift_left3A_275 = arith.constant 2 : i32
      %shift_left3A_276 = arith.shli %or3A_95, %shift_left3A_275 : i32
      %or3A_277 = arith.ori %shift_left3A_276, %select_n3A_266 : i32
      %broadcast_in_dim3A_278 = vector.broadcast %or3A_277 : i32 to vector<16xi32>
      %shift_right_logical3A = arith.constant 31 : i32
      %shift_right_logical3A_279 = vector.broadcast %shift_right_logical3A : i32 to vector<16xi32>
      %shift_right_logical3A_280 = arith.shrui %broadcast_in_dim3A_278, %shift_right_logical3A_279 : vector<16xi32>
      %sub3A_281 = arith.constant 1 : i32
      %sub3A_282 = vector.broadcast %sub3A_281 : i32 to vector<16xi32>
      %sub3A_283 = arith.subi %shift_right_logical3A_280, %sub3A_282 : vector<16xi32>
      %or3A_284 = arith.constant -2147483648 : i32
      %or3A_285 = vector.broadcast %or3A_284 : i32 to vector<16xi32>
      %or3A_286 = arith.ori %sub3A_283, %or3A_285 : vector<16xi32>
      %xor3A = arith.xori %broadcast_in_dim3A_278, %or3A_286 : vector<16xi32>
      %bitcast_convert_type3A = tpu.bitcast %xor3A : vector<16xi32> -> vector<16xf32>
      %exp3A = math.exp %bitcast_convert_type3A : vector<16xf32>
      %reduce_max3A_287 = arith.constant true
      %reduce_max3A_288 = vector.broadcast %reduce_max3A_287 : i1 to vector<16xi1>
      %reduce_max3A_289 = tpu.scan <max>, %exp3A masked %reduce_max3A_288 : vector<16xf32>, vector<16xi1> -> vector<16xf32>
      %reduce_max3A_290 = vector.extract %reduce_max3A_289[15] : f32 from vector<16xf32>
      %scan3A_291 = arith.constant 0 : i32
      %scan3A_292 = arith.constant 0 : i32
      %scan3A_293 = arith.constant 625 : i32
      %scan3A_294 = arith.addi %scan3A_292, %scan3A_293 : i32
      %scan3A_295 = arith.constant 1 : i32
      %scan3A_296 = scf.for %scan3A_298 = %scan3A_292 to %scan3A_294 step %scan3A_295 iter_args(%scan3A_299 = %scan3A_291) -> (i32)  : i32 {
        %mul3A_300 = arith.constant 10 : i32
        %mul3A_301 = arith.muli %scan3A_298, %mul3A_300 : i32
        %add3A_302 = arith.constant 0 : i32
        %add3A_303 = arith.addi %mul3A_301, %add3A_302 : i32
        %mul3A_304 = arith.constant 16 : i32
        %mul3A_305 = arith.muli %add3A_303, %mul3A_304 : i32
        %get3A_306 = arith.index_cast %mul3A_305 : i32 to index
        %get3A_307 = tpu.vector_load %arg4[%get3A_306] {strides = array<i32>} : memref<100000xf32, #tpu.memory_space<vmem>>, vector<16xf32>,
        %bitcast_convert_type3A_308 = tpu.bitcast %get3A_307 : vector<16xf32> -> vector<16xi32>
        %shift_right_logical3A_309 = arith.constant 31 : i32
        %shift_right_logical3A_310 = vector.broadcast %shift_right_logical3A_309 : i32 to vector<16xi32>
        %shift_right_logical3A_311 = arith.shrui %bitcast_convert_type3A_308, %shift_right_logical3A_310 : vector<16xi32>
        %sub3A_312 = arith.constant 0 : i32
        %sub3A_313 = vector.broadcast %sub3A_312 : i32 to vector<16xi32>
        %sub3A_314 = arith.subi %sub3A_313, %shift_right_logical3A_311 : vector<16xi32>
        %or3A_315 = arith.constant -2147483648 : i32
        %or3A_316 = vector.broadcast %or3A_315 : i32 to vector<16xi32>
        %or3A_317 = arith.ori %sub3A_314, %or3A_316 : vector<16xi32>
        %xor3A_318 = arith.xori %bitcast_convert_type3A_308, %or3A_317 : vector<16xi32>
        %eq3A_319 = vector.broadcast %or3A_277 : i32 to vector<16xi32>
        %eq3A_320 = arith.cmpi eq, %xor3A_318, %eq3A_319 : vector<16xi32>
        %gt3A_321 = vector.broadcast %or3A_277 : i32 to vector<16xi32>
        %gt3A_322 = arith.cmpi ugt, %xor3A_318, %gt3A_321 : vector<16xi32>
        %convert_element_type3A = arith.extui %eq3A_320 : vector<16xi1> to vector<16xi32>
        %broadcast_in_dim3A_323 = arith.constant true
        %broadcast_in_dim3A_324 = vector.broadcast %broadcast_in_dim3A_323 : i1 to vector<16xi1>
        %masked_cumsum3A = tpu.scan <sum>, %convert_element_type3A masked %broadcast_in_dim3A_324 : vector<16xi32>, vector<16xi1> -> vector<16xi32>
        %add3A_325 = vector.broadcast %scan3A_299 : i32 to vector<16xi32>
        %add3A_326 = arith.addi %add3A_325, %masked_cumsum3A : vector<16xi32>
        %sub3A_327 = arith.subi %add3A_326, %convert_element_type3A : vector<16xi32>
        %convert_element_type3A_328 = arith.sitofp %sub3A_327 : vector<16xi32> to vector<16xf32>
        %mul3A_329 = vector.broadcast %reduce_max3A_290 : f32 to vector<16xf32>
        %mul3A_330 = arith.mulf %convert_element_type3A_328, %mul3A_329 : vector<16xf32>
        %add3A_331 = vector.broadcast %select_n3A_268 : f32 to vector<16xf32>
        %add3A_332 = arith.addf %add3A_331, %mul3A_330 : vector<16xf32>
        %le3A_333 = vector.broadcast %mul3A_36 : f32 to vector<16xf32>
        %le3A_334 = arith.cmpf ole, %add3A_332, %le3A_333 : vector<16xf32>
        %and3A_335 = arith.andi %eq3A_320, %le3A_334 : vector<16xi1>
        %or3A_336 = arith.ori %gt3A_322, %and3A_335 : vector<16xi1>
        %jit3A_337 = arith.constant 0xFF800000 : f32
        %broadcast_in_dim3A_338 = vector.broadcast %jit3A_337 : f32 to vector<16xf32>
        %select_n3A_339 = arith.select %or3A_336, %get3A_307, %broadcast_in_dim3A_338 : vector<16xi1>, vector<16xf32>
        %mul3A_340 = arith.constant 16 : i32
        %mul3A_341 = arith.muli %add3A_303, %mul3A_340 : i32
        %swap3A = arith.index_cast %mul3A_341 : i32 to index
        %swap3A_342 = tpu.vector_load %arg4[%swap3A] {strides = array<i32>} : memref<100000xf32, #tpu.memory_space<vmem>>, vector<16xf32>,
        tpu.vector_store %arg4[%swap3A], %select_n3A_339 {strides = array<i32>} : memref<100000xf32, #tpu.memory_space<vmem>>, vector<16xf32>,
        %reduce_sum3A_343 = arith.constant true
        %reduce_sum3A_344 = vector.broadcast %reduce_sum3A_343 : i1 to vector<16xi1>
        %reduce_sum3A_345 = tpu.scan <sum>, %convert_element_type3A masked %reduce_sum3A_344 : vector<16xi32>, vector<16xi1> -> vector<16xi32>
        %reduce_sum3A_346 = vector.extract %reduce_sum3A_345[15] : i32 from vector<16xi32>
        %add3A_347 = arith.addi %scan3A_299, %reduce_sum3A_346 : i32
        %mul3A_348 = arith.constant 10 : i32
        %mul3A_349 = arith.muli %scan3A_298, %mul3A_348 : i32
        %add3A_350 = arith.constant 1 : i32
        %add3A_351 = arith.addi %mul3A_349, %add3A_350 : i32
        %mul3A_352 = arith.constant 16 : i32
        %mul3A_353 = arith.muli %add3A_351, %mul3A_352 : i32
        %get3A_354 = arith.index_cast %mul3A_353 : i32 to index
        %get3A_355 = tpu.vector_load %arg4[%get3A_354] {strides = array<i32>} : memref<100000xf32, #tpu.memory_space<vmem>>, vector<16xf32>,
        %bitcast_convert_type3A_356 = tpu.bitcast %get3A_355 : vector<16xf32> -> vector<16xi32>
        %shift_right_logical3A_357 = arith.constant 31 : i32
        %shift_right_logical3A_358 = vector.broadcast %shift_right_logical3A_357 : i32 to vector<16xi32>
        %shift_right_logical3A_359 = arith.shrui %bitcast_convert_type3A_356, %shift_right_logical3A_358 : vector<16xi32>
        %sub3A_360 = arith.constant 0 : i32
        %sub3A_361 = vector.broadcast %sub3A_360 : i32 to vector<16xi32>
        %sub3A_362 = arith.subi %sub3A_361, %shift_right_logical3A_359 : vector<16xi32>
        %or3A_363 = arith.constant -2147483648 : i32
        %or3A_364 = vector.broadcast %or3A_363 : i32 to vector<16xi32>
        %or3A_365 = arith.ori %sub3A_362, %or3A_364 : vector<16xi32>
        %xor3A_366 = arith.xori %bitcast_convert_type3A_356, %or3A_365 : vector<16xi32>
        %eq3A_367 = vector.broadcast %or3A_277 : i32 to vector<16xi32>
        %eq3A_368 = arith.cmpi eq, %xor3A_366, %eq3A_367 : vector<16xi32>
        %gt3A_369 = vector.broadcast %or3A_277 : i32 to vector<16xi32>
        %gt3A_370 = arith.cmpi ugt, %xor3A_366, %gt3A_369 : vector<16xi32>
        %convert_element_type3A_371 = arith.extui %eq3A_368 : vector<16xi1> to vector<16xi32>
        %broadcast_in_dim3A_372 = arith.constant true
        %broadcast_in_dim3A_373 = vector.broadcast %broadcast_in_dim3A_372 : i1 to vector<16xi1>
        %masked_cumsum3A_374 = tpu.scan <sum>, %convert_element_type3A_371 masked %broadcast_in_dim3A_373 : vector<16xi32>, vector<16xi1> -> vector<16xi32>
        %add3A_375 = vector.broadcast %add3A_347 : i32 to vector<16xi32>
        %add3A_376 = arith.addi %add3A_375, %masked_cumsum3A_374 : vector<16xi32>
        %sub3A_377 = arith.subi %add3A_376, %convert_element_type3A_371 : vector<16xi32>
        %convert_element_type3A_378 = arith.sitofp %sub3A_377 : vector<16xi32> to vector<16xf32>
        %mul3A_379 = vector.broadcast %reduce_max3A_290 : f32 to vector<16xf32>
        %mul3A_380 = arith.mulf %convert_element_type3A_378, %mul3A_379 : vector<16xf32>
        %add3A_381 = vector.broadcast %select_n3A_268 : f32 to vector<16xf32>
        %add3A_382 = arith.addf %add3A_381, %mul3A_380 : vector<16xf32>
        %le3A_383 = vector.broadcast %mul3A_36 : f32 to vector<16xf32>
        %le3A_384 = arith.cmpf ole, %add3A_382, %le3A_383 : vector<16xf32>
        %and3A_385 = arith.andi %eq3A_368, %le3A_384 : vector<16xi1>
        %or3A_386 = arith.ori %gt3A_370, %and3A_385 : vector<16xi1>
        %jit3A_387 = arith.constant 0xFF800000 : f32
        %broadcast_in_dim3A_388 = vector.broadcast %jit3A_387 : f32 to vector<16xf32>
        %select_n3A_389 = arith.select %or3A_386, %get3A_355, %broadcast_in_dim3A_388 : vector<16xi1>, vector<16xf32>
        %mul3A_390 = arith.constant 16 : i32
        %mul3A_391 = arith.muli %add3A_351, %mul3A_390 : i32
        %swap3A_392 = arith.index_cast %mul3A_391 : i32 to index
        %swap3A_393 = tpu.vector_load %arg4[%swap3A_392] {strides = array<i32>} : memref<100000xf32, #tpu.memory_space<vmem>>, vector<16xf32>,
        tpu.vector_store %arg4[%swap3A_392], %select_n3A_389 {strides = array<i32>} : memref<100000xf32, #tpu.memory_space<vmem>>, vector<16xf32>,
        %reduce_sum3A_394 = arith.constant true
        %reduce_sum3A_395 = vector.broadcast %reduce_sum3A_394 : i1 to vector<16xi1>
        %reduce_sum3A_396 = tpu.scan <sum>, %convert_element_type3A_371 masked %reduce_sum3A_395 : vector<16xi32>, vector<16xi1> -> vector<16xi32>
        %reduce_sum3A_397 = vector.extract %reduce_sum3A_396[15] : i32 from vector<16xi32>
        %add3A_398 = arith.addi %add3A_347, %reduce_sum3A_397 : i32
        %mul3A_399 = arith.constant 10 : i32
        %mul3A_400 = arith.muli %scan3A_298, %mul3A_399 : i32
        %add3A_401 = arith.constant 2 : i32
        %add3A_402 = arith.addi %mul3A_400, %add3A_401 : i32
        %mul3A_403 = arith.constant 16 : i32
        %mul3A_404 = arith.muli %add3A_402, %mul3A_403 : i32
        %get3A_405 = arith.index_cast %mul3A_404 : i32 to index
        %get3A_406 = tpu.vector_load %arg4[%get3A_405] {strides = array<i32>} : memref<100000xf32, #tpu.memory_space<vmem>>, vector<16xf32>,
        %bitcast_convert_type3A_407 = tpu.bitcast %get3A_406 : vector<16xf32> -> vector<16xi32>
        %shift_right_logical3A_408 = arith.constant 31 : i32
        %shift_right_logical3A_409 = vector.broadcast %shift_right_logical3A_408 : i32 to vector<16xi32>
        %shift_right_logical3A_410 = arith.shrui %bitcast_convert_type3A_407, %shift_right_logical3A_409 : vector<16xi32>
        %sub3A_411 = arith.constant 0 : i32
        %sub3A_412 = vector.broadcast %sub3A_411 : i32 to vector<16xi32>
        %sub3A_413 = arith.subi %sub3A_412, %shift_right_logical3A_410 : vector<16xi32>
        %or3A_414 = arith.constant -2147483648 : i32
        %or3A_415 = vector.broadcast %or3A_414 : i32 to vector<16xi32>
        %or3A_416 = arith.ori %sub3A_413, %or3A_415 : vector<16xi32>
        %xor3A_417 = arith.xori %bitcast_convert_type3A_407, %or3A_416 : vector<16xi32>
        %eq3A_418 = vector.broadcast %or3A_277 : i32 to vector<16xi32>
        %eq3A_419 = arith.cmpi eq, %xor3A_417, %eq3A_418 : vector<16xi32>
        %gt3A_420 = vector.broadcast %or3A_277 : i32 to vector<16xi32>
        %gt3A_421 = arith.cmpi ugt, %xor3A_417, %gt3A_420 : vector<16xi32>
        %convert_element_type3A_422 = arith.extui %eq3A_419 : vector<16xi1> to vector<16xi32>
        %broadcast_in_dim3A_423 = arith.constant true
        %broadcast_in_dim3A_424 = vector.broadcast %broadcast_in_dim3A_423 : i1 to vector<16xi1>
        %masked_cumsum3A_425 = tpu.scan <sum>, %convert_element_type3A_422 masked %broadcast_in_dim3A_424 : vector<16xi32>, vector<16xi1> -> vector<16xi32>
        %add3A_426 = vector.broadcast %add3A_398 : i32 to vector<16xi32>
        %add3A_427 = arith.addi %add3A_426, %masked_cumsum3A_425 : vector<16xi32>
        %sub3A_428 = arith.subi %add3A_427, %convert_element_type3A_422 : vector<16xi32>
        %convert_element_type3A_429 = arith.sitofp %sub3A_428 : vector<16xi32> to vector<16xf32>
        %mul3A_430 = vector.broadcast %reduce_max3A_290 : f32 to vector<16xf32>
        %mul3A_431 = arith.mulf %convert_element_type3A_429, %mul3A_430 : vector<16xf32>
        %add3A_432 = vector.broadcast %select_n3A_268 : f32 to vector<16xf32>
        %add3A_433 = arith.addf %add3A_432, %mul3A_431 : vector<16xf32>
        %le3A_434 = vector.broadcast %mul3A_36 : f32 to vector<16xf32>
        %le3A_435 = arith.cmpf ole, %add3A_433, %le3A_434 : vector<16xf32>
        %and3A_436 = arith.andi %eq3A_419, %le3A_435 : vector<16xi1>
        %or3A_437 = arith.ori %gt3A_421, %and3A_436 : vector<16xi1>
        %jit3A_438 = arith.constant 0xFF800000 : f32
        %broadcast_in_dim3A_439 = vector.broadcast %jit3A_438 : f32 to vector<16xf32>
        %select_n3A_440 = arith.select %or3A_437, %get3A_406, %broadcast_in_dim3A_439 : vector<16xi1>, vector<16xf32>
        %mul3A_441 = arith.constant 16 : i32
        %mul3A_442 = arith.muli %add3A_402, %mul3A_441 : i32
        %swap3A_443 = arith.index_cast %mul3A_442 : i32 to index
        %swap3A_444 = tpu.vector_load %arg4[%swap3A_443] {strides = array<i32>} : memref<100000xf32, #tpu.memory_space<vmem>>, vector<16xf32>,
        tpu.vector_store %arg4[%swap3A_443], %select_n3A_440 {strides = array<i32>} : memref<100000xf32, #tpu.memory_space<vmem>>, vector<16xf32>,
        %reduce_sum3A_445 = arith.constant true
        %reduce_sum3A_446 = vector.broadcast %reduce_sum3A_445 : i1 to vector<16xi1>
        %reduce_sum3A_447 = tpu.scan <sum>, %convert_element_type3A_422 masked %reduce_sum3A_446 : vector<16xi32>, vector<16xi1> -> vector<16xi32>
        %reduce_sum3A_448 = vector.extract %reduce_sum3A_447[15] : i32 from vector<16xi32>
        %add3A_449 = arith.addi %add3A_398, %reduce_sum3A_448 : i32
        %mul3A_450 = arith.constant 10 : i32
        %mul3A_451 = arith.muli %scan3A_298, %mul3A_450 : i32
        %add3A_452 = arith.constant 3 : i32
        %add3A_453 = arith.addi %mul3A_451, %add3A_452 : i32
        %mul3A_454 = arith.constant 16 : i32
        %mul3A_455 = arith.muli %add3A_453, %mul3A_454 : i32
        %get3A_456 = arith.index_cast %mul3A_455 : i32 to index
        %get3A_457 = tpu.vector_load %arg4[%get3A_456] {strides = array<i32>} : memref<100000xf32, #tpu.memory_space<vmem>>, vector<16xf32>,
        %bitcast_convert_type3A_458 = tpu.bitcast %get3A_457 : vector<16xf32> -> vector<16xi32>
        %shift_right_logical3A_459 = arith.constant 31 : i32
        %shift_right_logical3A_460 = vector.broadcast %shift_right_logical3A_459 : i32 to vector<16xi32>
        %shift_right_logical3A_461 = arith.shrui %bitcast_convert_type3A_458, %shift_right_logical3A_460 : vector<16xi32>
        %sub3A_462 = arith.constant 0 : i32
        %sub3A_463 = vector.broadcast %sub3A_462 : i32 to vector<16xi32>
        %sub3A_464 = arith.subi %sub3A_463, %shift_right_logical3A_461 : vector<16xi32>
        %or3A_465 = arith.constant -2147483648 : i32
        %or3A_466 = vector.broadcast %or3A_465 : i32 to vector<16xi32>
        %or3A_467 = arith.ori %sub3A_464, %or3A_466 : vector<16xi32>
        %xor3A_468 = arith.xori %bitcast_convert_type3A_458, %or3A_467 : vector<16xi32>
        %eq3A_469 = vector.broadcast %or3A_277 : i32 to vector<16xi32>
        %eq3A_470 = arith.cmpi eq, %xor3A_468, %eq3A_469 : vector<16xi32>
        %gt3A_471 = vector.broadcast %or3A_277 : i32 to vector<16xi32>
        %gt3A_472 = arith.cmpi ugt, %xor3A_468, %gt3A_471 : vector<16xi32>
        %convert_element_type3A_473 = arith.extui %eq3A_470 : vector<16xi1> to vector<16xi32>
        %broadcast_in_dim3A_474 = arith.constant true
        %broadcast_in_dim3A_475 = vector.broadcast %broadcast_in_dim3A_474 : i1 to vector<16xi1>
        %masked_cumsum3A_476 = tpu.scan <sum>, %convert_element_type3A_473 masked %broadcast_in_dim3A_475 : vector<16xi32>, vector<16xi1> -> vector<16xi32>
        %add3A_477 = vector.broadcast %add3A_449 : i32 to vector<16xi32>
        %add3A_478 = arith.addi %add3A_477, %masked_cumsum3A_476 : vector<16xi32>
        %sub3A_479 = arith.subi %add3A_478, %convert_element_type3A_473 : vector<16xi32>
        %convert_element_type3A_480 = arith.sitofp %sub3A_479 : vector<16xi32> to vector<16xf32>
        %mul3A_481 = vector.broadcast %reduce_max3A_290 : f32 to vector<16xf32>
        %mul3A_482 = arith.mulf %convert_element_type3A_480, %mul3A_481 : vector<16xf32>
        %add3A_483 = vector.broadcast %select_n3A_268 : f32 to vector<16xf32>
        %add3A_484 = arith.addf %add3A_483, %mul3A_482 : vector<16xf32>
        %le3A_485 = vector.broadcast %mul3A_36 : f32 to vector<16xf32>
        %le3A_486 = arith.cmpf ole, %add3A_484, %le3A_485 : vector<16xf32>
        %and3A_487 = arith.andi %eq3A_470, %le3A_486 : vector<16xi1>
        %or3A_488 = arith.ori %gt3A_472, %and3A_487 : vector<16xi1>
        %jit3A_489 = arith.constant 0xFF800000 : f32
        %broadcast_in_dim3A_490 = vector.broadcast %jit3A_489 : f32 to vector<16xf32>
        %select_n3A_491 = arith.select %or3A_488, %get3A_457, %broadcast_in_dim3A_490 : vector<16xi1>, vector<16xf32>
        %mul3A_492 = arith.constant 16 : i32
        %mul3A_493 = arith.muli %add3A_453, %mul3A_492 : i32
        %swap3A_494 = arith.index_cast %mul3A_493 : i32 to index
        %swap3A_495 = tpu.vector_load %arg4[%swap3A_494] {strides = array<i32>} : memref<100000xf32, #tpu.memory_space<vmem>>, vector<16xf32>,
        tpu.vector_store %arg4[%swap3A_494], %select_n3A_491 {strides = array<i32>} : memref<100000xf32, #tpu.memory_space<vmem>>, vector<16xf32>,
        %reduce_sum3A_496 = arith.constant true
        %reduce_sum3A_497 = vector.broadcast %reduce_sum3A_496 : i1 to vector<16xi1>
        %reduce_sum3A_498 = tpu.scan <sum>, %convert_element_type3A_473 masked %reduce_sum3A_497 : vector<16xi32>, vector<16xi1> -> vector<16xi32>
        %reduce_sum3A_499 = vector.extract %reduce_sum3A_498[15] : i32 from vector<16xi32>
        %add3A_500 = arith.addi %add3A_449, %reduce_sum3A_499 : i32
        %mul3A_501 = arith.constant 10 : i32
        %mul3A_502 = arith.muli %scan3A_298, %mul3A_501 : i32
        %add3A_503 = arith.constant 4 : i32
        %add3A_504 = arith.addi %mul3A_502, %add3A_503 : i32
        %mul3A_505 = arith.constant 16 : i32
        %mul3A_506 = arith.muli %add3A_504, %mul3A_505 : i32
        %get3A_507 = arith.index_cast %mul3A_506 : i32 to index
        %get3A_508 = tpu.vector_load %arg4[%get3A_507] {strides = array<i32>} : memref<100000xf32, #tpu.memory_space<vmem>>, vector<16xf32>,
        %bitcast_convert_type3A_509 = tpu.bitcast %get3A_508 : vector<16xf32> -> vector<16xi32>
        %shift_right_logical3A_510 = arith.constant 31 : i32
        %shift_right_logical3A_511 = vector.broadcast %shift_right_logical3A_510 : i32 to vector<16xi32>
        %shift_right_logical3A_512 = arith.shrui %bitcast_convert_type3A_509, %shift_right_logical3A_511 : vector<16xi32>
        %sub3A_513 = arith.constant 0 : i32
        %sub3A_514 = vector.broadcast %sub3A_513 : i32 to vector<16xi32>
        %sub3A_515 = arith.subi %sub3A_514, %shift_right_logical3A_512 : vector<16xi32>
        %or3A_516 = arith.constant -2147483648 : i32
        %or3A_517 = vector.broadcast %or3A_516 : i32 to vector<16xi32>
        %or3A_518 = arith.ori %sub3A_515, %or3A_517 : vector<16xi32>
        %xor3A_519 = arith.xori %bitcast_convert_type3A_509, %or3A_518 : vector<16xi32>
        %eq3A_520 = vector.broadcast %or3A_277 : i32 to vector<16xi32>
        %eq3A_521 = arith.cmpi eq, %xor3A_519, %eq3A_520 : vector<16xi32>
        %gt3A_522 = vector.broadcast %or3A_277 : i32 to vector<16xi32>
        %gt3A_523 = arith.cmpi ugt, %xor3A_519, %gt3A_522 : vector<16xi32>
        %convert_element_type3A_524 = arith.extui %eq3A_521 : vector<16xi1> to vector<16xi32>
        %broadcast_in_dim3A_525 = arith.constant true
        %broadcast_in_dim3A_526 = vector.broadcast %broadcast_in_dim3A_525 : i1 to vector<16xi1>
        %masked_cumsum3A_527 = tpu.scan <sum>, %convert_element_type3A_524 masked %broadcast_in_dim3A_526 : vector<16xi32>, vector<16xi1> -> vector<16xi32>
        %add3A_528 = vector.broadcast %add3A_500 : i32 to vector<16xi32>
        %add3A_529 = arith.addi %add3A_528, %masked_cumsum3A_527 : vector<16xi32>
        %sub3A_530 = arith.subi %add3A_529, %convert_element_type3A_524 : vector<16xi32>
        %convert_element_type3A_531 = arith.sitofp %sub3A_530 : vector<16xi32> to vector<16xf32>
        %mul3A_532 = vector.broadcast %reduce_max3A_290 : f32 to vector<16xf32>
        %mul3A_533 = arith.mulf %convert_element_type3A_531, %mul3A_532 : vector<16xf32>
        %add3A_534 = vector.broadcast %select_n3A_268 : f32 to vector<16xf32>
        %add3A_535 = arith.addf %add3A_534, %mul3A_533 : vector<16xf32>
        %le3A_536 = vector.broadcast %mul3A_36 : f32 to vector<16xf32>
        %le3A_537 = arith.cmpf ole, %add3A_535, %le3A_536 : vector<16xf32>
        %and3A_538 = arith.andi %eq3A_521, %le3A_537 : vector<16xi1>
        %or3A_539 = arith.ori %gt3A_523, %and3A_538 : vector<16xi1>
        %jit3A_540 = arith.constant 0xFF800000 : f32
        %broadcast_in_dim3A_541 = vector.broadcast %jit3A_540 : f32 to vector<16xf32>
        %select_n3A_542 = arith.select %or3A_539, %get3A_508, %broadcast_in_dim3A_541 : vector<16xi1>, vector<16xf32>
        %mul3A_543 = arith.constant 16 : i32
        %mul3A_544 = arith.muli %add3A_504, %mul3A_543 : i32
        %swap3A_545 = arith.index_cast %mul3A_544 : i32 to index
        %swap3A_546 = tpu.vector_load %arg4[%swap3A_545] {strides = array<i32>} : memref<100000xf32, #tpu.memory_space<vmem>>, vector<16xf32>,
        tpu.vector_store %arg4[%swap3A_545], %select_n3A_542 {strides = array<i32>} : memref<100000xf32, #tpu.memory_space<vmem>>, vector<16xf32>,
        %reduce_sum3A_547 = arith.constant true
        %reduce_sum3A_548 = vector.broadcast %reduce_sum3A_547 : i1 to vector<16xi1>
        %reduce_sum3A_549 = tpu.scan <sum>, %convert_element_type3A_524 masked %reduce_sum3A_548 : vector<16xi32>, vector<16xi1> -> vector<16xi32>
        %reduce_sum3A_550 = vector.extract %reduce_sum3A_549[15] : i32 from vector<16xi32>
        %add3A_551 = arith.addi %add3A_500, %reduce_sum3A_550 : i32
        %mul3A_552 = arith.constant 10 : i32
        %mul3A_553 = arith.muli %scan3A_298, %mul3A_552 : i32
        %add3A_554 = arith.constant 5 : i32
        %add3A_555 = arith.addi %mul3A_553, %add3A_554 : i32
        %mul3A_556 = arith.constant 16 : i32
        %mul3A_557 = arith.muli %add3A_555, %mul3A_556 : i32
        %get3A_558 = arith.index_cast %mul3A_557 : i32 to index
        %get3A_559 = tpu.vector_load %arg4[%get3A_558] {strides = array<i32>} : memref<100000xf32, #tpu.memory_space<vmem>>, vector<16xf32>,
        %bitcast_convert_type3A_560 = tpu.bitcast %get3A_559 : vector<16xf32> -> vector<16xi32>
        %shift_right_logical3A_561 = arith.constant 31 : i32
        %shift_right_logical3A_562 = vector.broadcast %shift_right_logical3A_561 : i32 to vector<16xi32>
        %shift_right_logical3A_563 = arith.shrui %bitcast_convert_type3A_560, %shift_right_logical3A_562 : vector<16xi32>
        %sub3A_564 = arith.constant 0 : i32
        %sub3A_565 = vector.broadcast %sub3A_564 : i32 to vector<16xi32>
        %sub3A_566 = arith.subi %sub3A_565, %shift_right_logical3A_563 : vector<16xi32>
        %or3A_567 = arith.constant -2147483648 : i32
        %or3A_568 = vector.broadcast %or3A_567 : i32 to vector<16xi32>
        %or3A_569 = arith.ori %sub3A_566, %or3A_568 : vector<16xi32>
        %xor3A_570 = arith.xori %bitcast_convert_type3A_560, %or3A_569 : vector<16xi32>
        %eq3A_571 = vector.broadcast %or3A_277 : i32 to vector<16xi32>
        %eq3A_572 = arith.cmpi eq, %xor3A_570, %eq3A_571 : vector<16xi32>
        %gt3A_573 = vector.broadcast %or3A_277 : i32 to vector<16xi32>
        %gt3A_574 = arith.cmpi ugt, %xor3A_570, %gt3A_573 : vector<16xi32>
        %convert_element_type3A_575 = arith.extui %eq3A_572 : vector<16xi1> to vector<16xi32>
        %broadcast_in_dim3A_576 = arith.constant true
        %broadcast_in_dim3A_577 = vector.broadcast %broadcast_in_dim3A_576 : i1 to vector<16xi1>
        %masked_cumsum3A_578 = tpu.scan <sum>, %convert_element_type3A_575 masked %broadcast_in_dim3A_577 : vector<16xi32>, vector<16xi1> -> vector<16xi32>
        %add3A_579 = vector.broadcast %add3A_551 : i32 to vector<16xi32>
        %add3A_580 = arith.addi %add3A_579, %masked_cumsum3A_578 : vector<16xi32>
        %sub3A_581 = arith.subi %add3A_580, %convert_element_type3A_575 : vector<16xi32>
        %convert_element_type3A_582 = arith.sitofp %sub3A_581 : vector<16xi32> to vector<16xf32>
        %mul3A_583 = vector.broadcast %reduce_max3A_290 : f32 to vector<16xf32>
        %mul3A_584 = arith.mulf %convert_element_type3A_582, %mul3A_583 : vector<16xf32>
        %add3A_585 = vector.broadcast %select_n3A_268 : f32 to vector<16xf32>
        %add3A_586 = arith.addf %add3A_585, %mul3A_584 : vector<16xf32>
        %le3A_587 = vector.broadcast %mul3A_36 : f32 to vector<16xf32>
        %le3A_588 = arith.cmpf ole, %add3A_586, %le3A_587 : vector<16xf32>
        %and3A_589 = arith.andi %eq3A_572, %le3A_588 : vector<16xi1>
        %or3A_590 = arith.ori %gt3A_574, %and3A_589 : vector<16xi1>
        %jit3A_591 = arith.constant 0xFF800000 : f32
        %broadcast_in_dim3A_592 = vector.broadcast %jit3A_591 : f32 to vector<16xf32>
        %select_n3A_593 = arith.select %or3A_590, %get3A_559, %broadcast_in_dim3A_592 : vector<16xi1>, vector<16xf32>
        %mul3A_594 = arith.constant 16 : i32
        %mul3A_595 = arith.muli %add3A_555, %mul3A_594 : i32
        %swap3A_596 = arith.index_cast %mul3A_595 : i32 to index
        %swap3A_597 = tpu.vector_load %arg4[%swap3A_596] {strides = array<i32>} : memref<100000xf32, #tpu.memory_space<vmem>>, vector<16xf32>,
        tpu.vector_store %arg4[%swap3A_596], %select_n3A_593 {strides = array<i32>} : memref<100000xf32, #tpu.memory_space<vmem>>, vector<16xf32>,
        %reduce_sum3A_598 = arith.constant true
        %reduce_sum3A_599 = vector.broadcast %reduce_sum3A_598 : i1 to vector<16xi1>
        %reduce_sum3A_600 = tpu.scan <sum>, %convert_element_type3A_575 masked %reduce_sum3A_599 : vector<16xi32>, vector<16xi1> -> vector<16xi32>
        %reduce_sum3A_601 = vector.extract %reduce_sum3A_600[15] : i32 from vector<16xi32>
        %add3A_602 = arith.addi %add3A_551, %reduce_sum3A_601 : i32
        %mul3A_603 = arith.constant 10 : i32
        %mul3A_604 = arith.muli %scan3A_298, %mul3A_603 : i32
        %add3A_605 = arith.constant 6 : i32
        %add3A_606 = arith.addi %mul3A_604, %add3A_605 : i32
        %mul3A_607 = arith.constant 16 : i32
        %mul3A_608 = arith.muli %add3A_606, %mul3A_607 : i32
        %get3A_609 = arith.index_cast %mul3A_608 : i32 to index
        %get3A_610 = tpu.vector_load %arg4[%get3A_609] {strides = array<i32>} : memref<100000xf32, #tpu.memory_space<vmem>>, vector<16xf32>,
        %bitcast_convert_type3A_611 = tpu.bitcast %get3A_610 : vector<16xf32> -> vector<16xi32>
        %shift_right_logical3A_612 = arith.constant 31 : i32
        %shift_right_logical3A_613 = vector.broadcast %shift_right_logical3A_612 : i32 to vector<16xi32>
        %shift_right_logical3A_614 = arith.shrui %bitcast_convert_type3A_611, %shift_right_logical3A_613 : vector<16xi32>
        %sub3A_615 = arith.constant 0 : i32
        %sub3A_616 = vector.broadcast %sub3A_615 : i32 to vector<16xi32>
        %sub3A_617 = arith.subi %sub3A_616, %shift_right_logical3A_614 : vector<16xi32>
        %or3A_618 = arith.constant -2147483648 : i32
        %or3A_619 = vector.broadcast %or3A_618 : i32 to vector<16xi32>
        %or3A_620 = arith.ori %sub3A_617, %or3A_619 : vector<16xi32>
        %xor3A_621 = arith.xori %bitcast_convert_type3A_611, %or3A_620 : vector<16xi32>
        %eq3A_622 = vector.broadcast %or3A_277 : i32 to vector<16xi32>
        %eq3A_623 = arith.cmpi eq, %xor3A_621, %eq3A_622 : vector<16xi32>
        %gt3A_624 = vector.broadcast %or3A_277 : i32 to vector<16xi32>
        %gt3A_625 = arith.cmpi ugt, %xor3A_621, %gt3A_624 : vector<16xi32>
        %convert_element_type3A_626 = arith.extui %eq3A_623 : vector<16xi1> to vector<16xi32>
        %broadcast_in_dim3A_627 = arith.constant true
        %broadcast_in_dim3A_628 = vector.broadcast %broadcast_in_dim3A_627 : i1 to vector<16xi1>
        %masked_cumsum3A_629 = tpu.scan <sum>, %convert_element_type3A_626 masked %broadcast_in_dim3A_628 : vector<16xi32>, vector<16xi1> -> vector<16xi32>
        %add3A_630 = vector.broadcast %add3A_602 : i32 to vector<16xi32>
        %add3A_631 = arith.addi %add3A_630, %masked_cumsum3A_629 : vector<16xi32>
        %sub3A_632 = arith.subi %add3A_631, %convert_element_type3A_626 : vector<16xi32>
        %convert_element_type3A_633 = arith.sitofp %sub3A_632 : vector<16xi32> to vector<16xf32>
        %mul3A_634 = vector.broadcast %reduce_max3A_290 : f32 to vector<16xf32>
        %mul3A_635 = arith.mulf %convert_element_type3A_633, %mul3A_634 : vector<16xf32>
        %add3A_636 = vector.broadcast %select_n3A_268 : f32 to vector<16xf32>
        %add3A_637 = arith.addf %add3A_636, %mul3A_635 : vector<16xf32>
        %le3A_638 = vector.broadcast %mul3A_36 : f32 to vector<16xf32>
        %le3A_639 = arith.cmpf ole, %add3A_637, %le3A_638 : vector<16xf32>
        %and3A_640 = arith.andi %eq3A_623, %le3A_639 : vector<16xi1>
        %or3A_641 = arith.ori %gt3A_625, %and3A_640 : vector<16xi1>
        %jit3A_642 = arith.constant 0xFF800000 : f32
        %broadcast_in_dim3A_643 = vector.broadcast %jit3A_642 : f32 to vector<16xf32>
        %select_n3A_644 = arith.select %or3A_641, %get3A_610, %broadcast_in_dim3A_643 : vector<16xi1>, vector<16xf32>
        %mul3A_645 = arith.constant 16 : i32
        %mul3A_646 = arith.muli %add3A_606, %mul3A_645 : i32
        %swap3A_647 = arith.index_cast %mul3A_646 : i32 to index
        %swap3A_648 = tpu.vector_load %arg4[%swap3A_647] {strides = array<i32>} : memref<100000xf32, #tpu.memory_space<vmem>>, vector<16xf32>,
        tpu.vector_store %arg4[%swap3A_647], %select_n3A_644 {strides = array<i32>} : memref<100000xf32, #tpu.memory_space<vmem>>, vector<16xf32>,
        %reduce_sum3A_649 = arith.constant true
        %reduce_sum3A_650 = vector.broadcast %reduce_sum3A_649 : i1 to vector<16xi1>
        %reduce_sum3A_651 = tpu.scan <sum>, %convert_element_type3A_626 masked %reduce_sum3A_650 : vector<16xi32>, vector<16xi1> -> vector<16xi32>
        %reduce_sum3A_652 = vector.extract %reduce_sum3A_651[15] : i32 from vector<16xi32>
        %add3A_653 = arith.addi %add3A_602, %reduce_sum3A_652 : i32
        %mul3A_654 = arith.constant 10 : i32
        %mul3A_655 = arith.muli %scan3A_298, %mul3A_654 : i32
        %add3A_656 = arith.constant 7 : i32
        %add3A_657 = arith.addi %mul3A_655, %add3A_656 : i32
        %mul3A_658 = arith.constant 16 : i32
        %mul3A_659 = arith.muli %add3A_657, %mul3A_658 : i32
        %get3A_660 = arith.index_cast %mul3A_659 : i32 to index
        %get3A_661 = tpu.vector_load %arg4[%get3A_660] {strides = array<i32>} : memref<100000xf32, #tpu.memory_space<vmem>>, vector<16xf32>,
        %bitcast_convert_type3A_662 = tpu.bitcast %get3A_661 : vector<16xf32> -> vector<16xi32>
        %shift_right_logical3A_663 = arith.constant 31 : i32
        %shift_right_logical3A_664 = vector.broadcast %shift_right_logical3A_663 : i32 to vector<16xi32>
        %shift_right_logical3A_665 = arith.shrui %bitcast_convert_type3A_662, %shift_right_logical3A_664 : vector<16xi32>
        %sub3A_666 = arith.constant 0 : i32
        %sub3A_667 = vector.broadcast %sub3A_666 : i32 to vector<16xi32>
        %sub3A_668 = arith.subi %sub3A_667, %shift_right_logical3A_665 : vector<16xi32>
        %or3A_669 = arith.constant -2147483648 : i32
        %or3A_670 = vector.broadcast %or3A_669 : i32 to vector<16xi32>
        %or3A_671 = arith.ori %sub3A_668, %or3A_670 : vector<16xi32>
        %xor3A_672 = arith.xori %bitcast_convert_type3A_662, %or3A_671 : vector<16xi32>
        %eq3A_673 = vector.broadcast %or3A_277 : i32 to vector<16xi32>
        %eq3A_674 = arith.cmpi eq, %xor3A_672, %eq3A_673 : vector<16xi32>
        %gt3A_675 = vector.broadcast %or3A_277 : i32 to vector<16xi32>
        %gt3A_676 = arith.cmpi ugt, %xor3A_672, %gt3A_675 : vector<16xi32>
        %convert_element_type3A_677 = arith.extui %eq3A_674 : vector<16xi1> to vector<16xi32>
        %broadcast_in_dim3A_678 = arith.constant true
        %broadcast_in_dim3A_679 = vector.broadcast %broadcast_in_dim3A_678 : i1 to vector<16xi1>
        %masked_cumsum3A_680 = tpu.scan <sum>, %convert_element_type3A_677 masked %broadcast_in_dim3A_679 : vector<16xi32>, vector<16xi1> -> vector<16xi32>
        %add3A_681 = vector.broadcast %add3A_653 : i32 to vector<16xi32>
        %add3A_682 = arith.addi %add3A_681, %masked_cumsum3A_680 : vector<16xi32>
        %sub3A_683 = arith.subi %add3A_682, %convert_element_type3A_677 : vector<16xi32>
        %convert_element_type3A_684 = arith.sitofp %sub3A_683 : vector<16xi32> to vector<16xf32>
        %mul3A_685 = vector.broadcast %reduce_max3A_290 : f32 to vector<16xf32>
        %mul3A_686 = arith.mulf %convert_element_type3A_684, %mul3A_685 : vector<16xf32>
        %add3A_687 = vector.broadcast %select_n3A_268 : f32 to vector<16xf32>
        %add3A_688 = arith.addf %add3A_687, %mul3A_686 : vector<16xf32>
        %le3A_689 = vector.broadcast %mul3A_36 : f32 to vector<16xf32>
        %le3A_690 = arith.cmpf ole, %add3A_688, %le3A_689 : vector<16xf32>
        %and3A_691 = arith.andi %eq3A_674, %le3A_690 : vector<16xi1>
        %or3A_692 = arith.ori %gt3A_676, %and3A_691 : vector<16xi1>
        %jit3A_693 = arith.constant 0xFF800000 : f32
        %broadcast_in_dim3A_694 = vector.broadcast %jit3A_693 : f32 to vector<16xf32>
        %select_n3A_695 = arith.select %or3A_692, %get3A_661, %broadcast_in_dim3A_694 : vector<16xi1>, vector<16xf32>
        %mul3A_696 = arith.constant 16 : i32
        %mul3A_697 = arith.muli %add3A_657, %mul3A_696 : i32
        %swap3A_698 = arith.index_cast %mul3A_697 : i32 to index
        %swap3A_699 = tpu.vector_load %arg4[%swap3A_698] {strides = array<i32>} : memref<100000xf32, #tpu.memory_space<vmem>>, vector<16xf32>,
        tpu.vector_store %arg4[%swap3A_698], %select_n3A_695 {strides = array<i32>} : memref<100000xf32, #tpu.memory_space<vmem>>, vector<16xf32>,
        %reduce_sum3A_700 = arith.constant true
        %reduce_sum3A_701 = vector.broadcast %reduce_sum3A_700 : i1 to vector<16xi1>
        %reduce_sum3A_702 = tpu.scan <sum>, %convert_element_type3A_677 masked %reduce_sum3A_701 : vector<16xi32>, vector<16xi1> -> vector<16xi32>
        %reduce_sum3A_703 = vector.extract %reduce_sum3A_702[15] : i32 from vector<16xi32>
        %add3A_704 = arith.addi %add3A_653, %reduce_sum3A_703 : i32
        %mul3A_705 = arith.constant 10 : i32
        %mul3A_706 = arith.muli %scan3A_298, %mul3A_705 : i32
        %add3A_707 = arith.constant 8 : i32
        %add3A_708 = arith.addi %mul3A_706, %add3A_707 : i32
        %mul3A_709 = arith.constant 16 : i32
        %mul3A_710 = arith.muli %add3A_708, %mul3A_709 : i32
        %get3A_711 = arith.index_cast %mul3A_710 : i32 to index
        %get3A_712 = tpu.vector_load %arg4[%get3A_711] {strides = array<i32>} : memref<100000xf32, #tpu.memory_space<vmem>>, vector<16xf32>,
        %bitcast_convert_type3A_713 = tpu.bitcast %get3A_712 : vector<16xf32> -> vector<16xi32>
        %shift_right_logical3A_714 = arith.constant 31 : i32
        %shift_right_logical3A_715 = vector.broadcast %shift_right_logical3A_714 : i32 to vector<16xi32>
        %shift_right_logical3A_716 = arith.shrui %bitcast_convert_type3A_713, %shift_right_logical3A_715 : vector<16xi32>
        %sub3A_717 = arith.constant 0 : i32
        %sub3A_718 = vector.broadcast %sub3A_717 : i32 to vector<16xi32>
        %sub3A_719 = arith.subi %sub3A_718, %shift_right_logical3A_716 : vector<16xi32>
        %or3A_720 = arith.constant -2147483648 : i32
        %or3A_721 = vector.broadcast %or3A_720 : i32 to vector<16xi32>
        %or3A_722 = arith.ori %sub3A_719, %or3A_721 : vector<16xi32>
        %xor3A_723 = arith.xori %bitcast_convert_type3A_713, %or3A_722 : vector<16xi32>
        %eq3A_724 = vector.broadcast %or3A_277 : i32 to vector<16xi32>
        %eq3A_725 = arith.cmpi eq, %xor3A_723, %eq3A_724 : vector<16xi32>
        %gt3A_726 = vector.broadcast %or3A_277 : i32 to vector<16xi32>
        %gt3A_727 = arith.cmpi ugt, %xor3A_723, %gt3A_726 : vector<16xi32>
        %convert_element_type3A_728 = arith.extui %eq3A_725 : vector<16xi1> to vector<16xi32>
        %broadcast_in_dim3A_729 = arith.constant true
        %broadcast_in_dim3A_730 = vector.broadcast %broadcast_in_dim3A_729 : i1 to vector<16xi1>
        %masked_cumsum3A_731 = tpu.scan <sum>, %convert_element_type3A_728 masked %broadcast_in_dim3A_730 : vector<16xi32>, vector<16xi1> -> vector<16xi32>
        %add3A_732 = vector.broadcast %add3A_704 : i32 to vector<16xi32>
        %add3A_733 = arith.addi %add3A_732, %masked_cumsum3A_731 : vector<16xi32>
        %sub3A_734 = arith.subi %add3A_733, %convert_element_type3A_728 : vector<16xi32>
        %convert_element_type3A_735 = arith.sitofp %sub3A_734 : vector<16xi32> to vector<16xf32>
        %mul3A_736 = vector.broadcast %reduce_max3A_290 : f32 to vector<16xf32>
        %mul3A_737 = arith.mulf %convert_element_type3A_735, %mul3A_736 : vector<16xf32>
        %add3A_738 = vector.broadcast %select_n3A_268 : f32 to vector<16xf32>
        %add3A_739 = arith.addf %add3A_738, %mul3A_737 : vector<16xf32>
        %le3A_740 = vector.broadcast %mul3A_36 : f32 to vector<16xf32>
        %le3A_741 = arith.cmpf ole, %add3A_739, %le3A_740 : vector<16xf32>
        %and3A_742 = arith.andi %eq3A_725, %le3A_741 : vector<16xi1>
        %or3A_743 = arith.ori %gt3A_727, %and3A_742 : vector<16xi1>
        %jit3A_744 = arith.constant 0xFF800000 : f32
        %broadcast_in_dim3A_745 = vector.broadcast %jit3A_744 : f32 to vector<16xf32>
        %select_n3A_746 = arith.select %or3A_743, %get3A_712, %broadcast_in_dim3A_745 : vector<16xi1>, vector<16xf32>
        %mul3A_747 = arith.constant 16 : i32
        %mul3A_748 = arith.muli %add3A_708, %mul3A_747 : i32
        %swap3A_749 = arith.index_cast %mul3A_748 : i32 to index
        %swap3A_750 = tpu.vector_load %arg4[%swap3A_749] {strides = array<i32>} : memref<100000xf32, #tpu.memory_space<vmem>>, vector<16xf32>,
        tpu.vector_store %arg4[%swap3A_749], %select_n3A_746 {strides = array<i32>} : memref<100000xf32, #tpu.memory_space<vmem>>, vector<16xf32>,
        %reduce_sum3A_751 = arith.constant true
        %reduce_sum3A_752 = vector.broadcast %reduce_sum3A_751 : i1 to vector<16xi1>
        %reduce_sum3A_753 = tpu.scan <sum>, %convert_element_type3A_728 masked %reduce_sum3A_752 : vector<16xi32>, vector<16xi1> -> vector<16xi32>
        %reduce_sum3A_754 = vector.extract %reduce_sum3A_753[15] : i32 from vector<16xi32>
        %add3A_755 = arith.addi %add3A_704, %reduce_sum3A_754 : i32
        %mul3A_756 = arith.constant 10 : i32
        %mul3A_757 = arith.muli %scan3A_298, %mul3A_756 : i32
        %add3A_758 = arith.constant 9 : i32
        %add3A_759 = arith.addi %mul3A_757, %add3A_758 : i32
        %mul3A_760 = arith.constant 16 : i32
        %mul3A_761 = arith.muli %add3A_759, %mul3A_760 : i32
        %get3A_762 = arith.index_cast %mul3A_761 : i32 to index
        %get3A_763 = tpu.vector_load %arg4[%get3A_762] {strides = array<i32>} : memref<100000xf32, #tpu.memory_space<vmem>>, vector<16xf32>,
        %bitcast_convert_type3A_764 = tpu.bitcast %get3A_763 : vector<16xf32> -> vector<16xi32>
        %shift_right_logical3A_765 = arith.constant 31 : i32
        %shift_right_logical3A_766 = vector.broadcast %shift_right_logical3A_765 : i32 to vector<16xi32>
        %shift_right_logical3A_767 = arith.shrui %bitcast_convert_type3A_764, %shift_right_logical3A_766 : vector<16xi32>
        %sub3A_768 = arith.constant 0 : i32
        %sub3A_769 = vector.broadcast %sub3A_768 : i32 to vector<16xi32>
        %sub3A_770 = arith.subi %sub3A_769, %shift_right_logical3A_767 : vector<16xi32>
        %or3A_771 = arith.constant -2147483648 : i32
        %or3A_772 = vector.broadcast %or3A_771 : i32 to vector<16xi32>
        %or3A_773 = arith.ori %sub3A_770, %or3A_772 : vector<16xi32>
        %xor3A_774 = arith.xori %bitcast_convert_type3A_764, %or3A_773 : vector<16xi32>
        %eq3A_775 = vector.broadcast %or3A_277 : i32 to vector<16xi32>
        %eq3A_776 = arith.cmpi eq, %xor3A_774, %eq3A_775 : vector<16xi32>
        %gt3A_777 = vector.broadcast %or3A_277 : i32 to vector<16xi32>
        %gt3A_778 = arith.cmpi ugt, %xor3A_774, %gt3A_777 : vector<16xi32>
        %convert_element_type3A_779 = arith.extui %eq3A_776 : vector<16xi1> to vector<16xi32>
        %broadcast_in_dim3A_780 = arith.constant true
        %broadcast_in_dim3A_781 = vector.broadcast %broadcast_in_dim3A_780 : i1 to vector<16xi1>
        %masked_cumsum3A_782 = tpu.scan <sum>, %convert_element_type3A_779 masked %broadcast_in_dim3A_781 : vector<16xi32>, vector<16xi1> -> vector<16xi32>
        %add3A_783 = vector.broadcast %add3A_755 : i32 to vector<16xi32>
        %add3A_784 = arith.addi %add3A_783, %masked_cumsum3A_782 : vector<16xi32>
        %sub3A_785 = arith.subi %add3A_784, %convert_element_type3A_779 : vector<16xi32>
        %convert_element_type3A_786 = arith.sitofp %sub3A_785 : vector<16xi32> to vector<16xf32>
        %mul3A_787 = vector.broadcast %reduce_max3A_290 : f32 to vector<16xf32>
        %mul3A_788 = arith.mulf %convert_element_type3A_786, %mul3A_787 : vector<16xf32>
        %add3A_789 = vector.broadcast %select_n3A_268 : f32 to vector<16xf32>
        %add3A_790 = arith.addf %add3A_789, %mul3A_788 : vector<16xf32>
        %le3A_791 = vector.broadcast %mul3A_36 : f32 to vector<16xf32>
        %le3A_792 = arith.cmpf ole, %add3A_790, %le3A_791 : vector<16xf32>
        %and3A_793 = arith.andi %eq3A_776, %le3A_792 : vector<16xi1>
        %or3A_794 = arith.ori %gt3A_778, %and3A_793 : vector<16xi1>
        %jit3A_795 = arith.constant 0xFF800000 : f32
        %broadcast_in_dim3A_796 = vector.broadcast %jit3A_795 : f32 to vector<16xf32>
        %select_n3A_797 = arith.select %or3A_794, %get3A_763, %broadcast_in_dim3A_796 : vector<16xi1>, vector<16xf32>
        %mul3A_798 = arith.constant 16 : i32
        %mul3A_799 = arith.muli %add3A_759, %mul3A_798 : i32
        %swap3A_800 = arith.index_cast %mul3A_799 : i32 to index
        %swap3A_801 = tpu.vector_load %arg4[%swap3A_800] {strides = array<i32>} : memref<100000xf32, #tpu.memory_space<vmem>>, vector<16xf32>,
        tpu.vector_store %arg4[%swap3A_800], %select_n3A_797 {strides = array<i32>} : memref<100000xf32, #tpu.memory_space<vmem>>, vector<16xf32>,
        %reduce_sum3A_802 = arith.constant true
        %reduce_sum3A_803 = vector.broadcast %reduce_sum3A_802 : i1 to vector<16xi1>
        %reduce_sum3A_804 = tpu.scan <sum>, %convert_element_type3A_779 masked %reduce_sum3A_803 : vector<16xi32>, vector<16xi1> -> vector<16xi32>
        %reduce_sum3A_805 = vector.extract %reduce_sum3A_804[15] : i32 from vector<16xi32>
        %add3A_806 = arith.addi %add3A_755, %reduce_sum3A_805 : i32
        scf.yield %add3A_806 : i32
      }
      %scan3A_297 = arith.constant 625 : i32
      "tpu.region"() ({
        %run_scoped3A = tpu.sem_alloc : memref<!tpu.dma_semaphore, #tpu.memory_space<semaphore_mem>>
        %dma_start3A = arith.constant 0 : i32
        %dma_start3A_298 = tpu.memref_slice %arg3[%add3A_9, %dma_start3A] : memref<128x100000xf32, #tpu.memory_space<hbm>> -> memref<1x100000xf32, #tpu.memory_space<hbm>>
        %dma_start3A_299 = tpu.memref_squeeze %dma_start3A_298 : memref<1x100000xf32, #tpu.memory_space<hbm>> -> memref<100000xf32, #tpu.memory_space<hbm>>
        %dma_start3A_300 = arith.constant 0 : i32
        %dma_start3A_301 = tpu.memref_slice %arg3[%add3A_9, %dma_start3A_300] : memref<128x100000xf32, #tpu.memory_space<hbm>> -> memref<1x100000xf32, #tpu.memory_space<hbm>>
        %dma_start3A_302 = tpu.memref_squeeze %dma_start3A_301 : memref<1x100000xf32, #tpu.memory_space<hbm>> -> memref<100000xf32, #tpu.memory_space<hbm>>
        tpu.enqueue_dma source(%arg4 : memref<100000xf32, #tpu.memory_space<vmem>>) target(%dma_start3A_302 : memref<100000xf32, #tpu.memory_space<hbm>>) target_semaphore(%run_scoped3A : memref<!tpu.dma_semaphore, #tpu.memory_space<semaphore_mem>>)
        %dma_wait3A = arith.constant 0 : i32
        %dma_wait3A_303 = tpu.memref_slice %arg3[%add3A_9, %dma_wait3A] : memref<128x100000xf32, #tpu.memory_space<hbm>> -> memref<1x100000xf32, #tpu.memory_space<hbm>>
        %dma_wait3A_304 = tpu.memref_squeeze %dma_wait3A_303 : memref<1x100000xf32, #tpu.memory_space<hbm>> -> memref<100000xf32, #tpu.memory_space<hbm>>
        %dma_wait3A_305 = arith.constant 0 : i32
        %dma_wait3A_306 = tpu.memref_slice %arg3[%add3A_9, %dma_wait3A_305] : memref<128x100000xf32, #tpu.memory_space<hbm>> -> memref<1x100000xf32, #tpu.memory_space<hbm>>
        %dma_wait3A_307 = tpu.memref_squeeze %dma_wait3A_306 : memref<1x100000xf32, #tpu.memory_space<hbm>> -> memref<100000xf32, #tpu.memory_space<hbm>>
        tpu.wait_dma2 semaphore(%run_scoped3A : memref<!tpu.dma_semaphore, #tpu.memory_space<semaphore_mem>>) src(%arg4 : memref<100000xf32, #tpu.memory_space<vmem>>) dst(%dma_wait3A_307 : memref<100000xf32, #tpu.memory_space<hbm>>)
        tpu.yield
      }) : () -> ()
    }
    %scan3A_5 = arith.constant 4 : i32
    return
  }
}

</mosaic_0001>

<sc_bundles>
// kernel: kernel.3.cloned.1.call-start
scs
__scs_entry_jumppad:
0x0: {  	(pc) =	sbr.rel $0x88, $3  }
0x1: {  	(tag) =	ssettag $0x0;
	lr =	simm.s32 $0x1  }
0x2: {  	[smem:$0x3FA0] =	sst lr;
	_ =	strace $0xD0000000  }
0x3: {  	_ = 	snop  }
0x4: {  	_ = 	snop  }
0x5: {  	_ = 	snop  }
0x6: {  	_ = 	snop  }
0x7: {  	_ = 	snop  }
__scs_overlays_trampoline_lowered:
0x8: {  	[smem:$0x3FAF] =	sst s0  }
0x9: {  	[smem:$0x3FB0] =	sst s1  }
0xa: {  	[smem:$0x3FB1] =	sst s2  }
0xb: {  	[smem:$0x3FB2] =	sst s3  }
0xc: {  	[smem:$0x3FB3] =	sst s4  }
0xd: {  	[smem:$0x3FB4] =	sst s5  }
0xe: {  	[smem:$0x3FB5] =	sst s6  }
0xf: {  	[smem:$0x3FB6] =	sst s7  }
0x10: {  	[smem:$0x3FB7] =	sst s8  }
0x11: {  	[smem:$0x3FB8] =	sst s9;
	s0 =	simm.s32 @!p0 $0x0  }
0x12: {  	s1 =	sld [smem:$0x3F9E];
	s0 =	simm.s32 @p0 $0x1  }
0x13: {  	[smem:$0x3FB9] =	sst s0;
	s0 =	simm.s32 @!p1 $0x0  }
0x14: {  	s2 =	sld [smem:$0x3F9D];
	s0 =	simm.s32 @p1 $0x1  }
0x15: {  	[smem:$0x3FBA] =	sst s0;
	s0 =	simm.s32 @!p2 $0x0  }
0x16: {  	s3 =	sld [smem:$0x3FDB];
	s0 =	simm.s32 @p2 $0x1  }
0x17: {  	s4 =	simm.s32 $0x1BF5;
	[smem:$0x3FBC] =	sst s0  }
0x18: {  	s0 =	sld [smem:$0x3F9F];
	_ =	swait.ge [sflag:s4], $0x0  }
0x19: {  	s7 =	sld [smem:$0x3FA0]  }
0x1a: {  	s8 =	sadd.s32 $0xFFFFE003, lr  }
0x1b: {  	s9 =	sadd.s32 $0xFFFFFEF7, lr;
	s5 =	simm.s32 $0xFFFFFFFF;
	p2 =	slt.u32 s8, $0xFFFFF086  }
0x1c: {  	p1 =	slt.u32 s9, $0xF7A;
	s5 =	simm.s32 @!p2 $0x0  }
0x1d: {  	s5 =	simm.s32 @p1 $0x1;
	p0 =	seq.s32 s7, s2  }
0x1e: {  	s7 =	smul.u32 @!p0 $0xF7A, s2;
	p2 =	seq.s32 @!p0 s5, $0x0  }
0x1f: {  	s9 =	smul.u32 $0xF7A, s1;
	s8 =	simm.s32 @!p0 $0x1BF5;
	p2 =	por !p2, p0  }
0x20: {  	[sflag:s8] =	ssyncset.s32 @!p0 $0xFFFFF086;
	s6 =	sadd.s32 @!p0 s3, s7;
	s7 =	simm.s32 @!p0 $0x108  }
0x21: {  	s3 =	sadd.s32 s3, s9;
	s6 =	sadd.s32 @!p0 $0x88, s6;
	s7 =	simm.s32 @p2 $0x1082  }
0x22: {  	[simem:s7], [sflag:s8] =	dma.local @!p0 [hbm:s6], $0xF7A  }
0x23: {  	s9 =	sor.u32 $0xD0000000, s2;
	s6 =	simm.s32 $0x108;
	_ =	swait.ge @!p0 [sflag:s8], $0x0  }
0x24: {  	s3 =	sadd.s32 $0x88, s3;
	s6 =	simm.s32 @!p1 $0x1082;
	[sflag:s4] =	ssyncset.s32 $0xFFFFF086  }
0x25: {  	[simem:s6], [sflag:s4] =	dma.local [hbm:s3], $0xF7A  }
0x26: {  	[smem:$0x3FA0] =	sst s1;
	(tag) =	ssettag s2;
	_ =	strace s9  }
0x27: {  	s1 =	sld [smem:$0x3FB0]  }
0x28: {  	s2 =	sld [smem:$0x3FB1]  }
0x29: {  	s4 =	sld [smem:$0x3FB3]  }
0x2a: {  	p0 =	seq.s32 s5, $0x0;
	s5 =	sld [smem:$0x3FB4]  }
0x2b: {  	s6 =	sld [smem:$0x3FB5]  }
0x2c: {  	s7 =	sld [smem:$0x3FB6]  }
0x2d: {  	s3 =	simm.s32 $0x108;
	s8 =	sld [smem:$0x3FB7]  }
0x2e: {  	s3 =	simm.s32 @!p0 $0x1082;
	s9 =	sld [smem:$0x3FB8]  }
0x2f: {  	lr =	sadd.s32 s0, s3;
	s0 =	sld [smem:$0x3FAF]  }
0x30: {  	s3 =	sld [smem:$0x3FB2]  }
0x31: {  	[smem:$0x3FBB] =	sst s10  }
0x32: {  	s10 =	sld [smem:$0x3FB9];
	_ =	sdelay $0x3  }
0x33: {  	p0 =	seq.s32 s10, $0x1;
	s10 =	sld [smem:$0x3FBB];
	_ =	sdelay $0x3  }
0x34: {  	[smem:$0x3FBB] =	sst s10  }
0x35: {  	s10 =	sld [smem:$0x3FBA];
	_ =	sdelay $0x3  }
0x36: {  	p1 =	seq.s32 s10, $0x1;
	s10 =	sld [smem:$0x3FBB];
	_ =	sdelay $0x3  }
0x37: {  	[smem:$0x3FBB] =	sst s10  }
0x38: {  	s10 =	sld [smem:$0x3FBC]  }
0x39: {  	_ = 	snop;
	(pc) =	sbr.ind lr, $3  }
0x3a: {  	_ = 	snop  }
0x3b: {  	_ = 	snop  }
0x3c: {  	p2 =	seq.s32 s10, $0x1;
	s10 =	sld [smem:$0x3FBB]  }
0x3d: {  	_ =	shalt  }
0x3e: {  	_ =	shalt  }
0x3f: {  	_ =	shalt  }
0x40: {  	_ =	shalt  }
0x41: {  	_ =	shalt  }
0x42: {  	_ =	shalt  }
0x43: {  	_ =	shalt  }
0x44: {  	_ =	shalt  }
0x45: {  	_ =	shalt  }
0x46: {  	_ =	shalt  }
0x47: {  	_ =	shalt  }
0x48: {  	_ =	shalt  }
0x49: {  	_ =	shalt  }
0x4a: {  	_ =	shalt  }
0x4b: {  	_ =	shalt  }
0x4c: {  	_ =	shalt  }
0x4d: {  	_ =	shalt  }
0x4e: {  	_ =	shalt  }
0x4f: {  	_ =	shalt  }
0x50: {  	_ =	shalt  }
0x51: {  	_ =	shalt  }
0x52: {  	_ =	shalt  }
0x53: {  	_ =	shalt  }
0x54: {  	_ =	shalt  }
0x55: {  	_ =	shalt  }
0x56: {  	_ =	shalt  }
0x57: {  	_ =	shalt  }
0x58: {  	_ =	shalt  }
0x59: {  	_ =	shalt  }
0x5a: {  	_ =	shalt  }
0x5b: {  	_ =	shalt  }
0x5c: {  	_ =	shalt  }
0x5d: {  	_ =	shalt  }
0x5e: {  	_ =	shalt  }
0x5f: {  	_ =	shalt  }
0x60: {  	_ =	shalt  }
0x61: {  	_ =	shalt  }
0x62: {  	_ =	shalt  }
0x63: {  	_ =	shalt  }
0x64: {  	_ =	shalt  }
0x65: {  	_ =	shalt  }
0x66: {  	_ =	shalt  }
0x67: {  	_ =	shalt  }
0x68: {  	_ =	shalt  }
0x69: {  	_ =	shalt  }
0x6a: {  	_ =	shalt  }
0x6b: {  	_ =	shalt  }
0x6c: {  	_ =	shalt  }
0x6d: {  	_ =	shalt  }
0x6e: {  	_ =	shalt  }
0x6f: {  	_ =	shalt  }
0x70: {  	_ =	shalt  }
0x71: {  	_ =	shalt  }
0x72: {  	_ =	shalt  }
0x73: {  	_ =	shalt  }
0x74: {  	_ =	shalt  }
0x75: {  	_ =	shalt  }
0x76: {  	_ =	shalt  }
0x77: {  	_ =	shalt  }
0x78: {  	_ =	shalt  }
0x79: {  	_ =	shalt  }
0x7a: {  	_ =	shalt  }
0x7b: {  	_ =	shalt  }
0x7c: {  	_ =	shalt  }
0x7d: {  	_ =	shalt  }
0x7e: {  	_ =	shalt  }
0x7f: {  	_ =	shalt  }
0x80: {  	_ =	shalt  }
0x81: {  	_ =	shalt  }
0x82: {  	_ =	shalt  }
0x83: {  	_ =	shalt  }
0x84: {  	_ =	shalt  }
0x85: {  	_ =	shalt  }
0x86: {  	_ =	shalt  }
0x87: {  	_ =	shalt  }
.Lfunc_end0:
.L_simem_size_0:
called_computation_lowered:
.L_overlay_start_0:
0x88: {  	s2 =	sld [smem:$0x3FD9]  }
0x89: {  	s3 =	sld [smem:$0x3FFE];
	_ =	sdelay $0x1  }
0x8a: {  	s1 =	srdreg.scid  }
0x8b: {  	s0 =	sand.u32 $0x1, s1  }
0x8c: {  	s16 =	sshll.u32 s0, $0xA;
	s2 =	sadd.s32 s3, s2  }
0x8d: {  	s2 =	sadd.s32 s2, s16  }
0x8e: {  	[smem:$0x3FC7] =	sst s2  }
0x8f: {  	_ = 	snop  }
0x90: {  	(tm) =	ssettm $0x1  }
0x91: {  	s17 =	sld [smem:$0x3FFB];
	_ =	sdelay $0x3  }
0x92: {  	_ =	strace s17  }
0x93: {  	s2 =	sld [smem:$0x3FFC];
	_ =	sdelay $0x3  }
0x94: {  	_ =	strace s2  }
0x95: {  	s2 =	sld [smem:$0x3FFD];
	_ =	sdelay $0x3  }
0x96: {  	_ =	strace s2  }
0x97: {  	_ =	strace $0x8FFFFFFF  }
0x98: {  	s18 =	sld [smem:$0x3FDB];
	_ =	sdelay $0x1  }
0x99: {  	s19 =	simm.s32 $_scs_section_size  }
0x9a: {  	s4 =	simm.s32 $_size__tile_overlayer_lowered;
	s5 =	simm.s32 $_tile_overlayer_lowered  }
0x9b: {  	s22 =	simm.s32 $0x1BFF;
	s21 =	sshll.u32 s5, $0x1;
	s2 =	sadd.s32 s19, s18  }
0x9c: {  	s6 =	simm.s32 $0x0;
	s20 =	sshll.u32 s4, $0x1;
	s4 =	sadd.s32 s21, s2  }
0x9d: {  	[timem:s6], [sflag:s22] =	dma.local [hbm:s4], s20  }
0x9e: {  	_ =	swait.ge [sflag:s22], s20  }
0x9f: {  	s3 =	ssub.s32 $0x0, s20;
	[sflag:s22] =	ssyncset.done $0x0  }
0xa0: {  	[sflag:s22] =	ssyncadd.s32 s3;
	_ =	sdelay $0x1  }
0xa1: {  	s23 =	simm.s32 $0x1B8B  }
0xa2: {  	_ =	swait.ge [sflag:s23], $0x1  }
0xa3: {  	[sflag:s23] =	ssyncset.done $0x0  }
0xa4: {  	s25 =	simm.s32 $0x1B8E;
	s24 =	sld [smem:$0x3FFE];
	[sflag:s23] =	ssyncadd.s32 $0xFFFFFFFF  }
0xa5: {  	s26 =	simm.s32 $execute0_lowered;
	[smem:$0x3FD2] =	sst s25  }
0xa6: {  	s4 =	sshll.u32 s26, $0x1;
	_ =	strace $0x80000046;
	[dreg:$0x1] =	wrdreg $0xFFFFFFFF  }
0xa7: {  	s28 =	simm.s32 $_size_execute0_lowered;
	s2 =	sadd.s32 s2, s4;
	[dreg:$0x0] =	wrdreg $0x0  }
0xa8: {  	s4 =	sshll.u32 s28, $0x1;
	[dreg:$0x2] =	wrdreg s2  }
0xa9: {  	[dreg:$0x3] =	wrdreg s4  }
0xaa: {  	[dreg:$0x4] =	wrdreg $0xC0  }
0xab: {  	_ =	task [dreg:s6], $0x5FFFF  }
0xac: {  	[dreg:$0x1] =	wrdreg $0xFFFFFFFF  }
0xad: {  	[dreg:$0x0] =	wrdreg $0x60  }
0xae: {  	[dreg:$0x2] =	wrdreg s24  }
0xaf: {  	[dreg:$0x3] =	wrdreg $0x9  }
0xb0: {  	_ =	task.clear_ibuf [dreg:s6], $0x4FFFF;
	_ =	strace $0x90000046  }
0xb1: {  	s29 =	simm.s32 $0x9;
	_ =	strace $0x80000048  }
0xb2: {  	_ =	swait.ge [sflag:s29], $0x1  }
0xb3: {  	[sflag:s29] =	ssyncadd.s32 $0xFFFFFFFF  }
0xb4: {  	_ =	strace $0x90000048  }
0xb5: {  	_ =	sfence  }
0xb6: {  	s30 =	sld [smem:$0x0];
	_ =	sdelay $0x2  }
0xb7: {  	s31 =	sshll.u32 s1, $0xD;
	s1 =	sshrl.u32 s1, $0x2  }
0xb8: {  	s3 =	sand.u32 $0x4000, s31;
	s1 =	sadd.s32 s1, s30  }
0xb9: {  	s0 =	sor.u32 s3, s0;
	s1 =	sshll.u32 s1, $0x11  }
0xba: {  	s0 =	sor.u32 s1, s0  }
0xbb: {  	s0 =	sadd.s32 $0x8F2B, s0  }
0xbc: {  	[sflag:s0] =	ssyncadd.remote.s32 $0x1  }
0xbd: {  	_ =	sfence.sel $0xFFFF  }
0xbe: {  	[dreg:$0x0] =	wrdreg $0xFFFFFFFF;
	(pc) =	sbr.abs _section_cstart, $3  }
0xbf: {  	[dreg:$0x1] =	wrdreg $0xFFFFFFFF  }
0xc0: {  	_ =	task.clear_ibuf [dreg:s6], $0x2FFFF;
	_ =	strace $0x9FFFFFFF  }
0xc1: {  	(tm) =	ssettm $0x7FFFFFFF  }
tec
execute0_lowered:
.L_overlay_start_1:
0x0: {  	(tag) =	ssettag $0x1  }
0x1: {  	s0 =	rddreg [dreg:$0x0];
	s2 =	simm.s32 $0x0  }
0x2: {  	s1 =	srdreg.scid;
	s3 =	stileid.u32;
	s10 =	simm.s32 $0x18700  }
0x3: {  	[smem:$0x7FF] =	sst s2;
	s1 =	sand.u32 $0x1, s1;
	s3 =	smul.u32 $0xC3800, s3  }
0x4: {  	s4 =	sadd.s32 $0x400, s0;
	s0 =	sadd.s32 $0x187400, s0;
	s2 =	simm.s32 $0x80  }
.Ltmp0:
0x5: {  	_ =	strace $0x80000047;
	s29 =	ssub.s32 $0x2, s1;
	(pc) =	sbr.rel .LBB2_1-.Ltmp0, $4  }
0x6: {  	v0 =	vlaneseq.u32;
	[dreg:$0x2] =	wrdreg s4;
	s1 =	sshll.u32 s1, $0x9;
	s30 =	sshrl.u32 s29, $0x1  }
0x7: {  	v3 =	vmul.u32 $0xFFFFFFFF, v0;
	[dreg:$0x3] =	wrdreg s0;
	s1 =	sor.u32 s3, s1;
	s31 =	ssub.s32 s29, s30  }
0x8: {  	v1 =	vimm.f32 $0.0e+00;
	s4 =	simm.s32 $0x1;
	[dreg:$0x4] =	wrdreg s1;
	s0 =	smax.u32 s31, $0x1  }
0x9: {  	v4 =	vimm.s32 $0x0;
	v2 =	vmul.u32 $0x400, v0;
	s3 =	simm.s32 $0x400;
	v3 =	vadd.s32 $0xF, v3;
	s1 =	simm.s32 $0x0;
	[dreg:$0x5] =	wrdreg s0  }
.LBB2_43:
0xa: {  	s1 =	rddreg [dreg:$0x6]  }
0xb: {  	s0 =	rddreg [dreg:$0x5];
	s1 =	sadd.s32 $0x1, s1  }
0xc: {  	p0 =	sne.s32 s1, s0  }
.Ltmp1:
0xd: {  	_ = 	snop;
	(pc) =	sbr.rel @!p0 .LBB2_44-.Ltmp1, $1  }
0xe: {  	_ =	sdelay $0x3  }
.LBB2_1:
0xf: {  	[dreg:$0x6] =	wrdreg s1;
	s0 =	simm.s32 $0x0  }
.LBB2_2:
0x10: {  	s30 =	sshll.u32 s0, $0x7;
	s1 =	rddreg [dreg:$0x4]  }
0x11: {  	[dreg:$0x7] =	wrdreg s0;
	s0 =	sadd.s32 s1, s30  }
0x12: {  	s31 =	rddreg [dreg:$0x2];
	s1 =	sshrl.u32 s0, $0x3  }
0x13: {  	[dreg:$0x8] =	wrdreg s1;
	s0 =	sadd.s32 s31, s1;
	s1 =	simm.s32 $0x0  }
0x14: {  	[tilespmem:s1], [sflag:$0x1] =	stream.strided.gather [hbm4b:s0+s2], $0x18700, s3, s2, $0x38;
	[tilespmem:$0x1C700] =	vst v63  }
0x15: {  	_ =	swait.ge [sflag:s4], $0x18700  }
0x16: {  	[sflag:s4] =	ssyncset.done $0x0  }
0x17: {  	s0 =	simm.s32 $0x0;
	s2 =	simm.s32 $0x400;
	[sflag:s4] =	ssyncadd.s32 $0xFFFE7900  }
.LBB2_3:
0x18: {  	p0 =	sne.s32 s2, $0xFC00;
	[tilespmem:s0+$0x187F0] =	vst v1  }
0x19: {  	[tilespmem:s0+$0x18700] =	vst v1  }
0x1a: {  	[tilespmem:s0+$0x18710] =	vst v1  }
0x1b: {  	[tilespmem:s0+$0x18720] =	vst v1  }
0x1c: {  	[tilespmem:s0+$0x18730] =	vst v1  }
0x1d: {  	[tilespmem:s0+$0x18740] =	vst v1  }
0x1e: {  	[tilespmem:s0+$0x18750] =	vst v1  }
0x1f: {  	[tilespmem:s0+$0x18760] =	vst v1  }
0x20: {  	[tilespmem:s0+$0x18770] =	vst v1  }
0x21: {  	[tilespmem:s0+$0x18780] =	vst v1  }
0x22: {  	[tilespmem:s0+$0x18790] =	vst v1  }
.Ltmp2:
0x23: {  	[tilespmem:s0+$0x187A0] =	vst v1;
	(pc) =	sbr.rel @p0 .LBB2_3-.Ltmp2, $4  }
0x24: {  	[tilespmem:s0+$0x187B0] =	vst v1  }
0x25: {  	[tilespmem:s0+$0x187C0] =	vst v1  }
0x26: {  	[tilespmem:s0+$0x187D0] =	vst v1  }
0x27: {  	[tilespmem:s0+$0x187E0] =	vst v1;
	s0 =	sshra.s32 s2, $0x2;
	s2 =	sadd.s32 $0x400, s2  }
0x28: {  	[tilespmem:s0+$0x187F0] =	vst v1  }
0x29: {  	[tilespmem:s0+$0x18700] =	vst v1  }
0x2a: {  	[tilespmem:s0+$0x18710] =	vst v1  }
0x2b: {  	[tilespmem:s0+$0x18720] =	vst v1  }
0x2c: {  	[tilespmem:s0+$0x18730] =	vst v1  }
0x2d: {  	[tilespmem:s0+$0x18740] =	vst v1  }
0x2e: {  	[tilespmem:s0+$0x18750] =	vst v1  }
0x2f: {  	[tilespmem:s0+$0x18760] =	vst v1  }
0x30: {  	[tilespmem:s0+$0x18770] =	vst v1  }
0x31: {  	[tilespmem:s0+$0x18780] =	vst v1  }
0x32: {  	[tilespmem:s0+$0x18790] =	vst v1  }
0x33: {  	[tilespmem:s0+$0x187A0] =	vst v1  }
0x34: {  	[tilespmem:s0+$0x187B0] =	vst v1  }
0x35: {  	[tilespmem:s0+$0x187C0] =	vst v1  }
0x36: {  	[tilespmem:s0+$0x187D0] =	vst v1  }
0x37: {  	[tilespmem:s0+$0x187E0] =	vst v1;
	s0 =	simm.s32 $0x50  }
0x38: {  	v5 =	vld [tilespmem:s0+$0xFFFFFFB0];
	_ =	sdelay $0x4  }
0x39: {  	v6 =	vmul.f32 $1.442695020e+00, v5  }
0x3a: {  	v7 =	vshra.s32 v5, $0x1F  }
0x3b: {  	v7 =	vor.u32 $0x80000000, v7;
	(erf) = vpow2.f32 v6  }
0x3c: {  	v5 =	vxor.u32 v5, v7  }
0x3d: {  	v5 =	vshrl.u32 v5, $0x16  }
0x3e: {  	v6 =	vand.u32 $0x380, v5  }
0x3f: {  	v5 =	vand.u32 $0x7F, v5;
	v6 =	vor.u32 v2, v6  }
0x40: {  	v5 =	vor.u32 v5, v6;
	_ =	sdelay $0x3  }
0x41: {  	v6 =	vpop (erf)  }
0x42: {  	[tilespmem:v5+s10+$0x0] =	vst.idx.add.f32.msk $0xffff, v6  }
0x43: {  	v5 =	vld [tilespmem:s0+$0xFFFFFFC0];
	_ =	sdelay $0x4  }
0x44: {  	v6 =	vmul.f32 $1.442695020e+00, v5  }
0x45: {  	v7 =	vshra.s32 v5, $0x1F  }
0x46: {  	v7 =	vor.u32 $0x80000000, v7;
	(erf) = vpow2.f32 v6  }
0x47: {  	v5 =	vxor.u32 v5, v7  }
0x48: {  	v5 =	vshrl.u32 v5, $0x16  }
0x49: {  	v6 =	vand.u32 $0x380, v5  }
0x4a: {  	v5 =	vand.u32 $0x7F, v5;
	v6 =	vor.u32 v2, v6  }
0x4b: {  	v5 =	vor.u32 v5, v6;
	_ =	sdelay $0x3  }
0x4c: {  	v6 =	vpop (erf)  }
0x4d: {  	[tilespmem:v5+s10+$0x0] =	vst.idx.add.f32.msk $0xffff, v6  }
0x4e: {  	v5 =	vld [tilespmem:s0+$0xFFFFFFD0];
	_ =	sdelay $0x4  }
0x4f: {  	v6 =	vmul.f32 $1.442695020e+00, v5  }
0x50: {  	v7 =	vshra.s32 v5, $0x1F  }
0x51: {  	v7 =	vor.u32 $0x80000000, v7;
	(erf) = vpow2.f32 v6  }
0x52: {  	v5 =	vxor.u32 v5, v7  }
0x53: {  	v5 =	vshrl.u32 v5, $0x16  }
0x54: {  	v6 =	vand.u32 $0x380, v5  }
0x55: {  	v5 =	vand.u32 $0x7F, v5;
	v6 =	vor.u32 v2, v6  }
0x56: {  	v5 =	vor.u32 v5, v6;
	_ =	sdelay $0x3  }
0x57: {  	v6 =	vpop (erf)  }
0x58: {  	[tilespmem:v5+s10+$0x0] =	vst.idx.add.f32.msk $0xffff, v6  }
0x59: {  	v5 =	vld [tilespmem:s0+$0xFFFFFFE0];
	_ =	sdelay $0x4  }
0x5a: {  	v6 =	vmul.f32 $1.442695020e+00, v5  }
0x5b: {  	v7 =	vshra.s32 v5, $0x1F  }
0x5c: {  	v7 =	vor.u32 $0x80000000, v7;
	(erf) = vpow2.f32 v6  }
0x5d: {  	v5 =	vxor.u32 v5, v7  }
0x5e: {  	v5 =	vshrl.u32 v5, $0x16  }
0x5f: {  	v6 =	vand.u32 $0x380, v5  }
0x60: {  	v5 =	vand.u32 $0x7F, v5;
	v6 =	vor.u32 v2, v6  }
0x61: {  	v5 =	vor.u32 v5, v6;
	_ =	sdelay $0x3  }
0x62: {  	v6 =	vpop (erf)  }
0x63: {  	[tilespmem:v5+s10+$0x0] =	vst.idx.add.f32.msk $0xffff, v6  }
0x64: {  	v5 =	vld [tilespmem:s0+$0xFFFFFFF0];
	_ =	sdelay $0x4  }
0x65: {  	v6 =	vmul.f32 $1.442695020e+00, v5  }
0x66: {  	v7 =	vshra.s32 v5, $0x1F  }
0x67: {  	v7 =	vor.u32 $0x80000000, v7;
	(erf) = vpow2.f32 v6  }
0x68: {  	v5 =	vxor.u32 v5, v7  }
0x69: {  	v5 =	vshrl.u32 v5, $0x16  }
0x6a: {  	v6 =	vand.u32 $0x380, v5  }
0x6b: {  	v5 =	vand.u32 $0x7F, v5;
	v6 =	vor.u32 v2, v6  }
0x6c: {  	v5 =	vor.u32 v5, v6;
	_ =	sdelay $0x3  }
0x6d: {  	v6 =	vpop (erf)  }
0x6e: {  	[tilespmem:v5+s10+$0x0] =	vst.idx.add.f32.msk $0xffff, v6  }
0x6f: {  	v5 =	vld [tilespmem:s0+$0x0];
	_ =	sdelay $0x4  }
0x70: {  	v6 =	vmul.f32 $1.442695020e+00, v5  }
0x71: {  	v7 =	vshra.s32 v5, $0x1F  }
0x72: {  	v7 =	vor.u32 $0x80000000, v7;
	(erf) = vpow2.f32 v6  }
0x73: {  	v5 =	vxor.u32 v5, v7  }
0x74: {  	v5 =	vshrl.u32 v5, $0x16  }
0x75: {  	v6 =	vand.u32 $0x380, v5  }
0x76: {  	v5 =	vand.u32 $0x7F, v5;
	v6 =	vor.u32 v2, v6  }
0x77: {  	v5 =	vor.u32 v5, v6;
	_ =	sdelay $0x3  }
0x78: {  	v6 =	vpop (erf)  }
0x79: {  	[tilespmem:v5+s10+$0x0] =	vst.idx.add.f32.msk $0xffff, v6  }
0x7a: {  	v5 =	vld [tilespmem:s0+$0x10];
	_ =	sdelay $0x4  }
0x7b: {  	v6 =	vmul.f32 $1.442695020e+00, v5  }
0x7c: {  	v7 =	vshra.s32 v5, $0x1F  }
0x7d: {  	v7 =	vor.u32 $0x80000000, v7;
	(erf) = vpow2.f32 v6  }
0x7e: {  	v5 =	vxor.u32 v5, v7  }
0x7f: {  	v5 =	vshrl.u32 v5, $0x16  }
0x80: {  	v6 =	vand.u32 $0x380, v5  }
0x81: {  	v5 =	vand.u32 $0x7F, v5;
	v6 =	vor.u32 v2, v6  }
0x82: {  	v5 =	vor.u32 v5, v6;
	_ =	sdelay $0x3  }
0x83: {  	v6 =	vpop (erf)  }
0x84: {  	[tilespmem:v5+s10+$0x0] =	vst.idx.add.f32.msk $0xffff, v6  }
0x85: {  	v5 =	vld [tilespmem:s0+$0x20];
	_ =	sdelay $0x4  }
0x86: {  	v6 =	vmul.f32 $1.442695020e+00, v5  }
0x87: {  	v7 =	vshra.s32 v5, $0x1F  }
0x88: {  	v7 =	vor.u32 $0x80000000, v7;
	(erf) = vpow2.f32 v6  }
0x89: {  	v5 =	vxor.u32 v5, v7  }
0x8a: {  	v5 =	vshrl.u32 v5, $0x16  }
0x8b: {  	v6 =	vand.u32 $0x380, v5  }
0x8c: {  	v5 =	vand.u32 $0x7F, v5;
	v6 =	vor.u32 v2, v6  }
0x8d: {  	v5 =	vor.u32 v5, v6;
	_ =	sdelay $0x3  }
0x8e: {  	v6 =	vpop (erf)  }
0x8f: {  	s1 =	sand.u32 $0x3FFE0, s1;
	[tilespmem:v5+s10+$0x0] =	vst.idx.add.f32.msk $0xffff, v6  }
0x90: {  	v5 =	vld [tilespmem:s1+$0x80];
	_ =	sdelay $0x4  }
0x91: {  	v6 =	vmul.f32 $1.442695020e+00, v5  }
0x92: {  	v7 =	vshra.s32 v5, $0x1F  }
0x93: {  	v7 =	vor.u32 $0x80000000, v7;
	(erf) = vpow2.f32 v6  }
0x94: {  	v5 =	vxor.u32 v5, v7  }
0x95: {  	v5 =	vshrl.u32 v5, $0x16  }
0x96: {  	v6 =	vand.u32 $0x380, v5  }
0x97: {  	v5 =	vand.u32 $0x7F, v5;
	v6 =	vor.u32 v2, v6  }
0x98: {  	v5 =	vor.u32 v5, v6;
	_ =	sdelay $0x3  }
0x99: {  	v6 =	vpop (erf)  }
0x9a: {  	[tilespmem:v5+s10+$0x0] =	vst.idx.add.f32.msk $0xffff, v6  }
0x9b: {  	v5 =	vld [tilespmem:s0+$0x40];
	_ =	sdelay $0x4  }
0x9c: {  	v6 =	vmul.f32 $1.442695020e+00, v5;
	_ =	sdelay $0x1  }
0x9d: {  	(erf) = vpow2.f32 v6;
	v6 =	vshra.s32 v5, $0x1F  }
0x9e: {  	v6 =	vor.u32 $0x80000000, v6  }
0x9f: {  	v5 =	vxor.u32 v5, v6  }
0xa0: {  	v5 =	vshrl.u32 v5, $0x16  }
0xa1: {  	v6 =	vand.u32 $0x380, v5  }
0xa2: {  	v5 =	vand.u32 $0x7F, v5;
	v6 =	vor.u32 v2, v6  }
0xa3: {  	v5 =	vor.u32 v5, v6;
	_ =	sdelay $0x2  }
0xa4: {  	s1 =	simm.s32 $0xA0;
	v6 =	vpop (erf)  }
.LBB2_5:
0xa5: {  	p0 =	sne.s32 s1, $0x18600  }
0xa6: {  	[tilespmem:v5+s10+$0x0] =	vst.idx.add.f32.msk $0xffff, v6;
	s0 =	sadd.s32 $0xA0, s0;
	s2 =	smov.u32 s1;
	s1 =	sadd.s32 $0xA0, s1  }
0xa7: {  	v5 =	vld [tilespmem:s0+$0xFFFFFFB0];
	_ =	sdelay $0x4  }
0xa8: {  	v6 =	vshra.s32 v5, $0x1F;
	v7 =	vmul.f32 $1.442695020e+00, v5  }
0xa9: {  	v6 =	vor.u32 $0x80000000, v6  }
0xaa: {  	v5 =	vxor.u32 v5, v6;
	(erf) = vpow2.f32 v7  }
0xab: {  	v5 =	vshrl.u32 v5, $0x16  }
0xac: {  	v6 =	vand.u32 $0x380, v5  }
0xad: {  	v6 =	vor.u32 v2, v6  }
0xae: {  	v5 =	vand.u32 $0x7F, v5  }
0xaf: {  	v5 =	vor.u32 v5, v6;
	_ =	sdelay $0x3  }
0xb0: {  	v6 =	vpop (erf)  }
0xb1: {  	[tilespmem:v5+s10+$0x0] =	vst.idx.add.f32.msk $0xffff, v6  }
0xb2: {  	v5 =	vld [tilespmem:s0+$0xFFFFFFC0];
	_ =	sdelay $0x4  }
0xb3: {  	v6 =	vshra.s32 v5, $0x1F;
	v7 =	vmul.f32 $1.442695020e+00, v5  }
0xb4: {  	v6 =	vor.u32 $0x80000000, v6  }
0xb5: {  	v5 =	vxor.u32 v5, v6;
	(erf) = vpow2.f32 v7  }
0xb6: {  	v5 =	vshrl.u32 v5, $0x16  }
0xb7: {  	v6 =	vand.u32 $0x380, v5  }
0xb8: {  	v6 =	vor.u32 v2, v6  }
0xb9: {  	v5 =	vand.u32 $0x7F, v5  }
0xba: {  	v5 =	vor.u32 v5, v6;
	_ =	sdelay $0x3  }
0xbb: {  	v6 =	vpop (erf)  }
0xbc: {  	[tilespmem:v5+s10+$0x0] =	vst.idx.add.f32.msk $0xffff, v6  }
0xbd: {  	v5 =	vld [tilespmem:s0+$0xFFFFFFD0];
	_ =	sdelay $0x4  }
0xbe: {  	v6 =	vshra.s32 v5, $0x1F;
	v7 =	vmul.f32 $1.442695020e+00, v5  }
0xbf: {  	v6 =	vor.u32 $0x80000000, v6  }
0xc0: {  	v5 =	vxor.u32 v5, v6;
	(erf) = vpow2.f32 v7  }
0xc1: {  	v5 =	vshrl.u32 v5, $0x16  }
0xc2: {  	v6 =	vand.u32 $0x380, v5  }
0xc3: {  	v6 =	vor.u32 v2, v6  }
0xc4: {  	v5 =	vand.u32 $0x7F, v5  }
0xc5: {  	v5 =	vor.u32 v5, v6;
	_ =	sdelay $0x3  }
0xc6: {  	v6 =	vpop (erf)  }
0xc7: {  	[tilespmem:v5+s10+$0x0] =	vst.idx.add.f32.msk $0xffff, v6  }
0xc8: {  	v5 =	vld [tilespmem:s0+$0xFFFFFFE0];
	_ =	sdelay $0x4  }
0xc9: {  	v6 =	vshra.s32 v5, $0x1F;
	v7 =	vmul.f32 $1.442695020e+00, v5  }
0xca: {  	v6 =	vor.u32 $0x80000000, v6  }
0xcb: {  	v5 =	vxor.u32 v5, v6;
	(erf) = vpow2.f32 v7  }
0xcc: {  	v5 =	vshrl.u32 v5, $0x16  }
0xcd: {  	v6 =	vand.u32 $0x380, v5  }
0xce: {  	v6 =	vor.u32 v2, v6  }
0xcf: {  	v5 =	vand.u32 $0x7F, v5  }
0xd0: {  	v5 =	vor.u32 v5, v6;
	_ =	sdelay $0x3  }
0xd1: {  	v6 =	vpop (erf)  }
0xd2: {  	[tilespmem:v5+s10+$0x0] =	vst.idx.add.f32.msk $0xffff, v6  }
0xd3: {  	v5 =	vld [tilespmem:s0+$0xFFFFFFF0];
	_ =	sdelay $0x4  }
0xd4: {  	v6 =	vshra.s32 v5, $0x1F;
	v7 =	vmul.f32 $1.442695020e+00, v5  }
0xd5: {  	v6 =	vor.u32 $0x80000000, v6  }
0xd6: {  	v5 =	vxor.u32 v5, v6;
	(erf) = vpow2.f32 v7  }
0xd7: {  	v5 =	vshrl.u32 v5, $0x16  }
0xd8: {  	v6 =	vand.u32 $0x380, v5  }
0xd9: {  	v6 =	vor.u32 v2, v6  }
0xda: {  	v5 =	vand.u32 $0x7F, v5  }
0xdb: {  	v5 =	vor.u32 v5, v6;
	_ =	sdelay $0x3  }
0xdc: {  	v6 =	vpop (erf)  }
0xdd: {  	[tilespmem:v5+s10+$0x0] =	vst.idx.add.f32.msk $0xffff, v6  }
0xde: {  	v5 =	vld [tilespmem:s0+$0x0];
	_ =	sdelay $0x4  }
0xdf: {  	v6 =	vshra.s32 v5, $0x1F;
	v7 =	vmul.f32 $1.442695020e+00, v5  }
0xe0: {  	v6 =	vor.u32 $0x80000000, v6  }
0xe1: {  	v5 =	vxor.u32 v5, v6;
	(erf) = vpow2.f32 v7  }
0xe2: {  	v5 =	vshrl.u32 v5, $0x16  }
0xe3: {  	v6 =	vand.u32 $0x380, v5  }
0xe4: {  	v6 =	vor.u32 v2, v6  }
0xe5: {  	v5 =	vand.u32 $0x7F, v5  }
0xe6: {  	v5 =	vor.u32 v5, v6;
	_ =	sdelay $0x3  }
0xe7: {  	v6 =	vpop (erf)  }
0xe8: {  	[tilespmem:v5+s10+$0x0] =	vst.idx.add.f32.msk $0xffff, v6  }
0xe9: {  	v5 =	vld [tilespmem:s0+$0x10];
	_ =	sdelay $0x4  }
0xea: {  	v6 =	vshra.s32 v5, $0x1F;
	v7 =	vmul.f32 $1.442695020e+00, v5  }
0xeb: {  	v6 =	vor.u32 $0x80000000, v6  }
0xec: {  	v5 =	vxor.u32 v5, v6;
	(erf) = vpow2.f32 v7  }
0xed: {  	v5 =	vshrl.u32 v5, $0x16  }
0xee: {  	v6 =	vand.u32 $0x380, v5  }
0xef: {  	v6 =	vor.u32 v2, v6  }
0xf0: {  	v5 =	vand.u32 $0x7F, v5  }
0xf1: {  	v5 =	vor.u32 v5, v6;
	_ =	sdelay $0x3  }
0xf2: {  	v6 =	vpop (erf)  }
0xf3: {  	[tilespmem:v5+s10+$0x0] =	vst.idx.add.f32.msk $0xffff, v6  }
0xf4: {  	v5 =	vld [tilespmem:s0+$0x20];
	_ =	sdelay $0x4  }
0xf5: {  	v6 =	vshra.s32 v5, $0x1F;
	v7 =	vmul.f32 $1.442695020e+00, v5  }
0xf6: {  	v6 =	vor.u32 $0x80000000, v6  }
0xf7: {  	v5 =	vxor.u32 v5, v6;
	(erf) = vpow2.f32 v7  }
0xf8: {  	v5 =	vshrl.u32 v5, $0x16  }
0xf9: {  	v6 =	vand.u32 $0x380, v5  }
0xfa: {  	v6 =	vor.u32 v2, v6  }
0xfb: {  	v5 =	vand.u32 $0x7F, v5  }
0xfc: {  	v5 =	vor.u32 v5, v6;
	_ =	sdelay $0x3  }
0xfd: {  	v6 =	vpop (erf)  }
0xfe: {  	s2 =	sand.u32 $0x3FFE0, s2;
	[tilespmem:v5+s10+$0x0] =	vst.idx.add.f32.msk $0xffff, v6  }
0xff: {  	v5 =	vld [tilespmem:s2+$0x80];
	_ =	sdelay $0x4  }
0x100: {  	v6 =	vshra.s32 v5, $0x1F;
	v7 =	vmul.f32 $1.442695020e+00, v5  }
0x101: {  	v6 =	vor.u32 $0x80000000, v6  }
0x102: {  	v5 =	vxor.u32 v5, v6;
	(erf) = vpow2.f32 v7  }
0x103: {  	v5 =	vshrl.u32 v5, $0x16  }
0x104: {  	v6 =	vand.u32 $0x380, v5  }
0x105: {  	v6 =	vor.u32 v2, v6  }
0x106: {  	v5 =	vand.u32 $0x7F, v5  }
0x107: {  	v5 =	vor.u32 v5, v6;
	_ =	sdelay $0x3  }
0x108: {  	v6 =	vpop (erf)  }
0x109: {  	[tilespmem:v5+s10+$0x0] =	vst.idx.add.f32.msk $0xffff, v6  }
0x10a: {  	v5 =	vld [tilespmem:s0+$0x40];
	_ =	sdelay $0x4  }
0x10b: {  	v6 =	vshra.s32 v5, $0x1F;
	v7 =	vmul.f32 $1.442695020e+00, v5  }
0x10c: {  	v6 =	vor.u32 $0x80000000, v6  }
0x10d: {  	v5 =	vxor.u32 v5, v6;
	(erf) = vpow2.f32 v7  }
0x10e: {  	v5 =	vshrl.u32 v5, $0x16  }
0x10f: {  	v6 =	vand.u32 $0x380, v5  }
0x110: {  	v6 =	vor.u32 v2, v6  }
0x111: {  	v5 =	vand.u32 $0x7F, v5  }
.Ltmp3:
0x112: {  	v5 =	vor.u32 v5, v6;
	(pc) =	sbr.rel @p0 .LBB2_5-.Ltmp3, $2  }
0x113: {  	_ =	sdelay $0x2  }
0x114: {  	v6 =	vpop (erf)  }
0x115: {  	_ =	sdelay $0x3  }
0x116: {  	[tilespmem:v5+s10+$0x0] =	vst.idx.add.f32.msk $0xffff, v6;
	s0 =	simm.s32 $0x0  }
0x117: {  	v13 =	vld [tilespmem:s0+$0x18700]  }
0x118: {  	v7 =	vld [tilespmem:s0+$0x18710]  }
0x119: {  	v6 =	vld [tilespmem:s0+$0x18720]  }
0x11a: {  	v8 =	vld [tilespmem:s0+$0x18730]  }
0x11b: {  	v9 =	vld [tilespmem:s0+$0x18740]  }
0x11c: {  	v10 =	vld [tilespmem:s0+$0x18750]  }
0x11d: {  	v11 =	vld [tilespmem:s0+$0x18760]  }
0x11e: {  	v14 =	vld [tilespmem:s0+$0x18770]  }
0x11f: {  	v12 =	vld [tilespmem:s0+$0x18780]  }
0x120: {  	v15 =	vld [tilespmem:s0+$0x18790]  }
0x121: {  	v16 =	vld [tilespmem:s0+$0x187A0]  }
0x122: {  	v18 =	vld [tilespmem:s0+$0x187B0]  }
0x123: {  	v17 =	vld [tilespmem:s0+$0x187C0]  }
0x124: {  	v19 =	vld [tilespmem:s0+$0x187D0]  }
0x125: {  	v5 =	vimm.f32 $0.0e+00;
	s1 =	simm.s32 $0x400;
	v20 =	vld [tilespmem:s0+$0x187E0]  }
.LBB2_7:
0x126: {  	p0 =	sne.s32 s1, $0xFC00;
	v21 =	vld [tilespmem:s0+$0x187F0];
	s0 =	sshra.s32 s1, $0x2  }
0x127: {  	v22 =	vld [tilespmem:s0+$0x18700]  }
0x128: {  	v13 =	vadd.f32 v7, v13;
	v23 =	vadd.f32 v8, v6;
	v7 =	vld [tilespmem:s0+$0x18710]  }
0x129: {  	v24 =	vadd.f32 v10, v9;
	v11 =	vadd.f32 v14, v11;
	v6 =	vld [tilespmem:s0+$0x18720]  }
0x12a: {  	v12 =	vadd.f32 v15, v12;
	v14 =	vadd.f32 v18, v16;
	v8 =	vld [tilespmem:s0+$0x18730]  }
0x12b: {  	v15 =	vadd.f32 v19, v17;
	v9 =	vld [tilespmem:s0+$0x18740];
	v16 =	vadd.f32 v21, v20  }
0x12c: {  	v18 =	vadd.f32 v11, v24;
	v17 =	vadd.f32 v23, v13;
	v10 =	vld [tilespmem:s0+$0x18750];
	v13 =	vmov v22  }
0x12d: {  	v19 =	vadd.f32 v14, v12;
	v11 =	vld [tilespmem:s0+$0x18760];
	v15 =	vadd.f32 v16, v15  }
0x12e: {  	v14 =	vld [tilespmem:s0+$0x18770]  }
0x12f: {  	v17 =	vadd.f32 v18, v17;
	v12 =	vld [tilespmem:s0+$0x18780];
	v18 =	vadd.f32 v15, v19  }
0x130: {  	v15 =	vld [tilespmem:s0+$0x18790]  }
.Ltmp4:
0x131: {  	v16 =	vld [tilespmem:s0+$0x187A0];
	v19 =	vadd.f32 v18, v17;
	(pc) =	sbr.rel @p0 .LBB2_7-.Ltmp4, $4  }
0x132: {  	v18 =	vld [tilespmem:s0+$0x187B0]  }
0x133: {  	v17 =	vld [tilespmem:s0+$0x187C0];
	v5 =	vadd.f32 v19, v5  }
0x134: {  	v19 =	vld [tilespmem:s0+$0x187D0]  }
0x135: {  	s1 =	sadd.s32 $0x400, s1;
	v20 =	vld [tilespmem:s0+$0x187E0]  }
0x136: {  	s1 =	simm.s32 $0x1AAF0;
	v23 =	vld [tilespmem:s0+$0x187F0]  }
0x137: {  	v21 =	vld [tilespmem:s1+$0xFFFFE000]  }
0x138: {  	v22 =	vld [tilespmem:s1+$0xFFFFE400]  }
0x139: {  	v24 =	vld [tilespmem:s1+$0xFFFFE800]  }
0x13a: {  	v25 =	vld [tilespmem:s1+$0xFFFFEC00]  }
0x13b: {  	v26 =	vld [tilespmem:s1+$0xFFFFF000]  }
0x13c: {  	v56 =	vld [tilespmem:s1+$0xFFFFF400]  }
0x13d: {  	v27 =	vld [tilespmem:s1+$0xFFFFFC00]  }
0x13e: {  	v7 =	vadd.f32 v7, v13;
	s2 =	simm.s32 $0x1AAE0;
	v57 =	vld [tilespmem:s1+$0xFFFFF800];
	v21 =	vadd.f32 v22, v21  }
0x13f: {  	v6 =	vadd.f32 v8, v6;
	v8 =	vadd.f32 v10, v9;
	v9 =	vld [tilespmem:s2+$0xFFFFE000]  }
0x140: {  	v12 =	vadd.f32 v15, v12;
	s24 =	simm.s32 $0x1AAC0;
	v15 =	vld [tilespmem:s1+$0x0];
	v13 =	vadd.f32 v24, v21  }
0x141: {  	v10 =	vadd.f32 v14, v11;
	v14 =	vadd.f32 v18, v16;
	v58 =	vld [tilespmem:s24+$0xFFFFF400]  }
0x142: {  	v6 =	vadd.f32 v6, v7;
	v7 =	vld [tilespmem:s1+$0x400];
	v11 =	vadd.f32 v25, v13  }
0x143: {  	v16 =	vadd.f32 v19, v17;
	v17 =	vld [tilespmem:s1+$0x1800];
	v18 =	vadd.f32 v23, v20  }
0x144: {  	v8 =	vadd.f32 v10, v8;
	v19 =	vld [tilespmem:s24+$0xFFFFEC00];
	v11 =	vadd.f32 v26, v11  }
0x145: {  	v12 =	vadd.f32 v14, v12;
	v14 =	vadd.f32 v18, v16;
	v16 =	vld [tilespmem:s2+$0xFFFFE800]  }
0x146: {  	v13 =	vld [tilespmem:s2+$0xFFFFE400];
	v10 =	vadd.f32 v56, v11  }
0x147: {  	v6 =	vadd.f32 v8, v6;
	v18 =	vld [tilespmem:s1+$0x1400];
	v8 =	vadd.f32 v14, v12  }
0x148: {  	v12 =	vld [tilespmem:s2+$0xFFFFEC00];
	v10 =	vadd.f32 v57, v10  }
0x149: {  	v14 =	vld [tilespmem:s1+$0xC00];
	v6 =	vadd.f32 v8, v6  }
0x14a: {  	v8 =	vld [tilespmem:s2+$0xFFFFF000];
	v10 =	vadd.f32 v27, v10  }
0x14b: {  	v5 =	vadd.f32 v6, v5;
	v11 =	vld [tilespmem:s1+$0x800];
	v9 =	vadd.f32 v13, v9  }
0x14c: {  	v6 =	vld [tilespmem:s2+$0xFFFFF400];
	v10 =	vadd.f32 v15, v10  }
0x14d: {  	s23 =	simm.s32 $0x1AAD0;
	v13 =	vld [tilespmem:s2+$0xFFFFF800];
	(xrf2) =	vadd.scan.msk.f32 $0xffff, v5;
	v5 =	vadd.f32 v16, v9  }
0x14e: {  	v9 =	vld [tilespmem:s23+$0xFFFFE000];
	v7 =	vadd.f32 v7, v10  }
0x14f: {  	v5 =	vadd.f32 v12, v5;
	v15 =	vld [tilespmem:s1+$0x1000]  }
0x150: {  	v16 =	vld [tilespmem:s23+$0xFFFFE800];
	v7 =	vadd.f32 v11, v7  }
0x151: {  	v12 =	vld [tilespmem:s1+$0x1C00];
	v5 =	vadd.f32 v8, v5  }
0x152: {  	v10 =	vld [tilespmem:s2+$0xFFFFFC00];
	v7 =	vadd.f32 v14, v7  }
0x153: {  	v8 =	vld [tilespmem:s2+$0x1800];
	v5 =	vadd.f32 v6, v5  }
0x154: {  	v14 =	vld [tilespmem:s2+$0x0];
	v7 =	vadd.f32 v15, v7  }
0x155: {  	v11 =	vld [tilespmem:s23+$0xFFFFE400];
	v5 =	vadd.f32 v13, v5  }
0x156: {  	v15 =	vld [tilespmem:s2+$0x400];
	v6 =	vadd.f32 v18, v7  }
0x157: {  	v13 =	vld [tilespmem:s2+$0x1400];
	v5 =	vadd.f32 v10, v5  }
0x158: {  	v7 =	vld [tilespmem:s2+$0x800];
	v6 =	vadd.f32 v17, v6  }
0x159: {  	v5 =	vadd.f32 v14, v5;
	v17 =	vld [tilespmem:s23+$0xFFFFEC00]  }
0x15a: {  	v10 =	vld [tilespmem:s2+$0xC00];
	v9 =	vadd.f32 v11, v9;
	v6 =	vadd.f32 v12, v6  }
0x15b: {  	v18, _, _ =	vpop (xrf2);
	v5 =	vadd.f32 v15, v5;
	v12 =	vld [tilespmem:s23+$0xFFFFF000]  }
0x15c: {  	(v2sf) =	vpush v18, $0xF;
	v14 =	vld [tilespmem:s2+$0x1000];
	v9 =	vadd.f32 v16, v9;
	v11 =	vperm.xlane v6, v3  }
0x15d: {  	v18 =	vld [tilespmem:s23+$0xFFFFF400];
	v5 =	vadd.f32 v7, v5;
	(xrf2) =	vadd.scan.msk.f32 $0xffff, v6  }
0x15e: {  	v16 =	vld [tilespmem:s24+$0xFFFFE400];
	v7 =	vadd.f32 v17, v9;
	(xrf2) =	vadd.scan.msk.f32 $0xffff, v11  }
0x15f: {  	v15 =	vld [tilespmem:s23+$0xFFFFF800];
	v5 =	vadd.f32 v10, v5  }
0x160: {  	v9 =	vld [tilespmem:s24+$0xFFFFE000];
	v7 =	vadd.f32 v12, v7  }
0x161: {  	v11 =	vld [tilespmem:s23+$0xFFFFFC00];
	v5 =	vadd.f32 v14, v5  }
0x162: {  	v10 =	vld [tilespmem:s2+$0x1C00];
	v7 =	vadd.f32 v18, v7  }
0x163: {  	v12 =	vld [tilespmem:s23+$0x0];
	v5 =	vadd.f32 v13, v5  }
0x164: {  	v17 =	vld [tilespmem:s23+$0x400];
	v7 =	vadd.f32 v15, v7  }
0x165: {  	v18 =	vld [tilespmem:s24+$0xFFFFE800];
	v5 =	vadd.f32 v8, v5  }
0x166: {  	v14 =	vld [tilespmem:s23+$0x1800];
	v7 =	vadd.f32 v11, v7  }
0x167: {  	v13 =	vld [tilespmem:s23+$0x800];
	v10 =	vadd.f32 v10, v5;
	v15, _, _ =	vpop (xrf2)  }
0x168: {  	v9 =	vadd.f32 v16, v9;
	v5 =	vadd.f32 v12, v7;
	v7 =	vld [tilespmem:s23+$0xC00];
	v8, _, _ =	vpop (xrf2)  }
0x169: {  	(v2sf) =	vpush v15, $0xF;
	v12 =	vld [tilespmem:s24+$0xFFFFF000];
	v16 =	vperm.xlane v10, v3;
	v8 =	vperm.xlane v8, v3  }
0x16a: {  	v11 =	vld [tilespmem:s23+$0x1400];
	v9 =	vadd.f32 v18, v9;
	(xrf2) =	vadd.scan.msk.f32 $0xffff, v10;
	v15 =	vadd.f32 v17, v5  }
0x16b: {  	s26 =	simm.s32 $0x1AAB0;
	s25 =	spop (v2sf);
	v17 =	vld [tilespmem:s23+$0x1000];
	(xrf2) =	vadd.scan.msk.f32 $0xffff, v16;
	v8 =	vsub.f32 v8, v6  }
0x16c: {  	s2 =	simm.f32 $0.0e+00;
	v18 =	vld [tilespmem:s26+$0xFFFFE400];
	s3 =	smul.f32 $8.999999760e-01, s25;
	v9 =	vadd.f32 v19, v9;
	v13 =	vadd.f32 v13, v15  }
0x16d: {  	vm1 =	vgt.f32 v6, $0.0e+00;
	v19 =	vld [tilespmem:s26+$0xFFFFE800];
	v20 =	vadd.f32 s2, v8  }
0x16e: {  	v5 =	vmov s3;
	v6 =	vld [tilespmem:s24+$0xFFFFF800];
	v9 =	vadd.f32 v12, v9;
	v7 =	vadd.f32 v7, v13  }
0x16f: {  	v15 =	vld [tilespmem:s24+$0xFFFFFC00];
	vm0 =	vle.f32 v20, v5  }
0x170: {  	v12 =	vld [tilespmem:s23+$0x1C00];
	v9 =	vadd.f32 v58, v9;
	v7 =	vadd.f32 v17, v7;
	vm1 =	vmand vm1, vm0  }
0x171: {  	v13 =	vld [tilespmem:s26+$0xFFFFE000];
	v16 =	vmctz.xlane vm1  }
0x172: {  	v17 =	vld [tilespmem:s24+$0x0];
	v7 =	vadd.f32 v11, v7  }
0x173: {  	v20 =	vld [tilespmem:s26+$0xFFFFEC00];
	v6 =	vadd.f32 v6, v9;
	v16 =	vxor.u32 $0x80000000, v16  }
0x174: {  	v11 =	vld [tilespmem:s24+$0x1800];
	v9, _, _ =	vpop (xrf2);
	v7 =	vadd.f32 v14, v7;
	(xrf0) =	vmax.scan.msk.u32 $0xffff, v16  }
0x175: {  	v6 =	vadd.f32 v15, v6;
	v15, _, _ =	vpop (xrf2);
	v16 =	vld [tilespmem:s24+$0x400]  }
0x176: {  	v13 =	vadd.f32 v18, v13;
	v18 =	vld [tilespmem:s24+$0xC00];
	v15 =	vperm.xlane v15, v3;
	v7 =	vadd.f32 v12, v7  }
0x177: {  	v14 =	vld [tilespmem:s24+$0x800];
	(v2sf) =	vpush v9, $0xF;
	v6 =	vadd.f32 v17, v6  }
0x178: {  	v13 =	vadd.f32 v19, v13;
	s28 =	spop (v2sf);
	v9 =	vsub.f32 v15, v10;
	v15 =	vld [tilespmem:s26+$0xFFFFF000];
	v59 =	vperm.xlane v7, v3  }
0x179: {  	v19 =	vld [tilespmem:s26+$0xFFFFF400];
	(xrf2) =	vadd.scan.msk.f32 $0xffff, v7;
	s0 =	sadd.f32 s28, s2  }
0x17a: {  	v12 =	vld [tilespmem:s24+$0x1400];
	v13 =	vadd.f32 v20, v13;
	v6 =	vadd.f32 v16, v6;
	(xrf2) =	vadd.scan.msk.f32 $0xffff, v59;
	v17, _, _ =	vpop (xrf0)  }
0x17b: {  	v16 =	vld [tilespmem:s24+$0x1000];
	(v2sf) =	vpush v17, $0xF;
	v17 =	vadd.f32 s0, v9  }
0x17c: {  	s4 =	simm.s32 $0x1AAA0;
	vm2 =	vgt.f32 v10, $0.0e+00;
	v10 =	vld [tilespmem:s26+$0xFFFFF800];
	v6 =	vadd.f32 v14, v6  }
0x17d: {  	v20 =	vld [tilespmem:s4+$0xFFFFE800];
	v13 =	vadd.f32 v15, v13;
	vm0 =	vle.f32 v17, v5  }
0x17e: {  	v14 =	vld [tilespmem:s26+$0xFFFFFC00];
	v6 =	vadd.f32 v18, v6;
	vm0 =	vmand vm2, vm0  }
0x17f: {  	v17 =	vld [tilespmem:s4+$0xFFFFE000];
	v13 =	vadd.f32 v19, v13;
	v15 =	vmctz.xlane vm0  }
0x180: {  	v19 =	vld [tilespmem:s26+$0x0];
	v6 =	vadd.f32 v16, v6  }
0x181: {  	v16 =	vld [tilespmem:s24+$0x1C00];
	v15 =	vxor.u32 $0x80000000, v15  }
0x182: {  	v18 =	vld [tilespmem:s4+$0xFFFFE400];
	v10 =	vadd.f32 v10, v13;
	v6 =	vadd.f32 v12, v6;
	(xrf0) =	vmax.scan.msk.u32 $0xffff, v15  }
0x183: {  	v13, _, _ =	vpop (xrf2);
	v15 =	vld [tilespmem:s26+$0x400]  }
0x184: {  	v12 =	vld [tilespmem:s26+$0x1800];
	v10 =	vadd.f32 v14, v10;
	v6 =	vadd.f32 v11, v6;
	v14, _, _ =	vpop (xrf2)  }
0x185: {  	(v2sf) =	vpush v13, $0xF;
	v11 =	vld [tilespmem:s26+$0x800];
	v14 =	vperm.xlane v14, v3  }
0x186: {  	s29 =	spop (v2sf);
	v13 =	vld [tilespmem:s4+$0xFFFFEC00];
	v10 =	vadd.f32 v19, v10;
	v16 =	vadd.f32 v16, v6  }
0x187: {  	v19 =	vld [tilespmem:s26+$0x1400];
	s1 =	sadd.f32 s29, s0;
	v6 =	vsub.f32 v14, v7  }
0x188: {  	v14 =	vadd.f32 v18, v17;
	v10 =	vadd.f32 v15, v10;
	v15 =	vld [tilespmem:s26+$0xC00];
	v18 =	vperm.xlane v16, v3;
	v17, _, _ =	vpop (xrf0)  }
0x189: {  	(xrf2) =	vadd.scan.msk.f32 $0xffff, v16;
	v60 =	vadd.f32 s1, v6;
	(v2sf) =	vpush v17, $0xF;
	v17 =	vld [tilespmem:s4+$0xFFFFF000]  }
0x18a: {  	v14 =	vadd.f32 v20, v14;
	v10 =	vadd.f32 v11, v10;
	v11 =	vld [tilespmem:s26+$0x1000];
	(xrf2) =	vadd.scan.msk.f32 $0xffff, v18;
	s5 =	spop (v2sf)  }
0x18b: {  	vm3 =	vgt.f32 v7, $0.0e+00;
	vm2 =	vmmov vm1;
	v20 =	vld [tilespmem:s4+$0xFFFFF400];
	s6 =	sxor.u32 $0x80000000, s5  }
0x18c: {  	vm1 =	vle.f32 v60, v5;
	v7 =	vadd.f32 v13, v14;
	v13 =	vld [tilespmem:s4+$0xFFFFFC00];
	v18 =	vmov s6  }
0x18d: {  	s15 =	simm.s32 $0x1AA90;
	v14 =	vld [tilespmem:s4+$0xFFFFF800];
	vm1 =	vmand vm3, vm1;
	v10 =	vadd.f32 v15, v10;
	vm4 =	veq.s32 v18, v0  }
0x18e: {  	v15 =	vmctz.xlane vm1;
	v18 =	vld [tilespmem:s15+$0xFFFFE400];
	v8 =	vnsel vm4, $0x0, v8  }
0x18f: {  	vm2 =	vmmov vm2;
	v7 =	vadd.f32 v17, v7;
	v10 =	vadd.f32 v11, v10;
	(xrf2) =	vadd.scan.msk.f32 $0xffff, v8;
	v8 =	vld [tilespmem:s15+$0xFFFFE000]  }
0x190: {  	v17 =	vsel vm2, $0x3F800000, v1;
	v11 =	vxor.u32 $0x80000000, v15;
	v15 =	vld [tilespmem:s26+$0x1C00]  }
0x191: {  	(xrf0) =	vmax.scan.msk.f32 $0xffff, v17;
	v7 =	vadd.f32 v20, v7;
	v10 =	vadd.f32 v19, v10  }
0x192: {  	(xrf0) =	vmax.scan.msk.u32 $0xffff, v11;
	v11 =	vld [tilespmem:s4+$0x0]  }
0x193: {  	v19 =	vld [tilespmem:s4+$0x400];
	v17, _, _ =	vpop (xrf2);
	v7 =	vadd.f32 v14, v7;
	v10 =	vadd.f32 v12, v10  }
0x194: {  	v20 =	vld [tilespmem:s15+$0xFFFFE800];
	v12 =	vadd.f32 v18, v8;
	v18, _, _ =	vpop (xrf2)  }
0x195: {  	v14 =	vld [tilespmem:s4+$0x1800];
	v7 =	vadd.f32 v13, v7;
	v8 =	vadd.f32 v15, v10;
	v10 =	vperm.xlane v18, v3  }
0x196: {  	v13 =	vld [tilespmem:s4+$0x800]  }
0x197: {  	(v2sf) =	vpush v17, $0xF;
	v17 =	vld [tilespmem:s4+$0x1400];
	v15, _, _ =	vpop (xrf0);
	v11 =	vadd.f32 v11, v7  }
0x198: {  	s30 =	spop (v2sf);
	v18, _, _ =	vpop (xrf0);
	(v2sf) =	vpush v15, $0xF;
	v15 =	vld [tilespmem:s15+$0xFFFFEC00];
	v7 =	vsub.f32 v10, v16  }
0x199: {  	s3 =	sadd.f32 s30, s1;
	(v2sf) =	vpush v18, $0xF;
	v18 =	vld [tilespmem:s4+$0xC00];
	v11 =	vadd.f32 v19, v11;
	v19 =	vperm.xlane v8, v3;
	v10, _, _ =	vpop (xrf2)  }
0x19a: {  	(xrf2) =	vadd.scan.msk.f32 $0xffff, v8;
	v12 =	vadd.f32 v20, v12;
	s12 =	spop (v2sf);
	(v2sf) =	vpush v10, $0xF;
	v10 =	vld [tilespmem:s15+$0xFFFFF000]  }
0x19b: {  	vm2 =	vmmov vm0;
	v61 =	vadd.f32 s3, v7;
	v11 =	vadd.f32 v13, v11;
	v13 =	vld [tilespmem:s4+$0x1000];
	(xrf2) =	vadd.scan.msk.f32 $0xffff, v19  }
0x19c: {  	vm3 =	vgt.f32 v16, $0.0e+00;
	vm2 =	vmmov vm2;
	v20 =	vld [tilespmem:s15+$0xFFFFF400];
	s31 =	sxor.u32 $0x80000000, s12  }
0x19d: {  	v16 =	vld [tilespmem:s15+$0xFFFFFC00];
	v19 =	vmov s31;
	vm0 =	vle.f32 v61, v5;
	v12 =	vadd.f32 v15, v12  }
0x19e: {  	s20 =	simm.s32 $0x1AA80;
	vm15 =	veq.s32 v19, v0;
	v15 =	vld [tilespmem:s15+$0xFFFFF800];
	vm0 =	vmand vm3, vm0;
	v11 =	vadd.f32 v18, v11  }
0x19f: {  	v19 =	vld [tilespmem:s20+$0xFFFFE400];
	v9 =	vnsel vm15, $0x0, v9;
	v18 =	vmctz.xlane vm0;
	v10 =	vadd.f32 v10, v12  }
0x1a0: {  	(xrf2) =	vadd.scan.msk.f32 $0xffff, v9;
	v9 =	vld [tilespmem:s20+$0xFFFFE000];
	v12 =	vsel vm2, $0x3F800000, v1;
	v11 =	vadd.f32 v13, v11  }
0x1a1: {  	v13 =	vxor.u32 $0x80000000, v18;
	(xrf0) =	vmax.scan.msk.f32 $0xffff, v12;
	v10 =	vadd.f32 v20, v10  }
0x1a2: {  	(xrf0) =	vmax.scan.msk.u32 $0xffff, v13;
	v13 =	vadd.f32 v17, v11  }
0x1a3: {  	v12 =	vld [tilespmem:s4+$0x1C00];
	v10 =	vadd.f32 v15, v10  }
0x1a4: {  	v18 =	vld [tilespmem:s15+$0x0];
	v20, _, _ =	vpop (xrf2);
	v62 =	vadd.f32 v14, v13  }
0x1a5: {  	s8 =	simm.s32 $0x800003D0;
	s9 =	simm.s32 $0x800003C0;
	v11 =	vld [tilespmem:s15+$0x1800];
	v14 =	vadd.f32 v19, v9;
	v9 =	vadd.f32 v16, v10;
	v16, _, _ =	vpop (xrf2)  }
0x1a6: {  	s16 =	simm.s32 $0x0;
	s7 =	simm.s32 $0x800003A0;
	s22 =	simm.s32 $0x80000370;
	v15 =	vld [tilespmem:s15+$0x400];
	v16 =	vperm.xlane v16, v3  }
0x1a7: {  	s21 =	simm.s32 $0x1AA80;
	s11 =	sadd.s32 $0x800003F0, s5;
	s14 =	spop (v2sf);
	v17 =	vld [tilespmem:s20+$0xFFFFE800]  }
0x1a8: {  	s5 =	simm.s32 $0x80000380;
	s6 =	simm.s32 $0x800003B0;
	vm1 =	vmmov vm1;
	(v2sf) =	vpush v20, $0xF;
	v13 =	vld [tilespmem:s15+$0x800];
	v10 =	vadd.f32 v12, v62;
	s18 =	spop (v2sf);
	v20, _, _ =	vpop (xrf0)  }
0x1a9: {  	vm1 =	vmmov vm1;
	s13 =	sadd.s32 $0x800003E0, s12;
	s4 =	simm.s32 $0x80000390;
	v12 =	vld [tilespmem:s15+$0x1400];
	s17 =	spop (v2sf);
	v19 =	vadd.f32 v18, v9;
	v63, _, _ =	vpop (xrf0);
	(v2sf) =	vpush v20, $0xF  }
0x1aa: {  	vm0 =	vmmov vm0;
	s12 =	sadd.f32 s14, s3;
	s14 =	simm.f32 $0.0e+00;
	v18 =	vld [tilespmem:s20+$0xFFFFEC00];
	(xrf2) =	vadd.scan.msk.f32 $0xffff, v10;
	v9 =	vsub.f32 v16, v8;
	(v2sf) =	vpush v63, $0xF;
	s19 =	spop (v2sf);
	v16, _, _ =	vpop (xrf2)  }
.LBB2_9:
0x1ab: {  	p0 =	seq.s32 s22, $0x80000000;
	v15 =	vadd.f32 v15, v19;
	v19 =	vld [tilespmem:s15+$0xC00];
	v20 =	vperm.xlane v10, v3;
	(v2sf) =	vpush v16, $0xF;
	p1 =	sgt.f32 s18, $0.0e+00;
	s14 =	sadd.f32 s19, s14  }
0x1ac: {  	s18 =	sxor.u32 $0x80000000, s17;
	s17 =	sadd.s32 s8, s17;
	s8 =	smov.u32 s9;
	v16 =	vld [tilespmem:s20+$0xFFFFF000];
	v21 =	vadd.f32 s12, v9  }
0x1ad: {  	v14 =	vadd.f32 v17, v14;
	v13 =	vadd.f32 v13, v15;
	v15 =	vld [tilespmem:s15+$0x1000];
	(xrf2) =	vadd.scan.msk.f32 $0xffff, v20;
	v17 =	vmov s18;
	s16 =	smov.u32 @p1 s11;
	s2 =	smov.u32 @p1 s14;
	s11 =	smov.u32 s13  }
0x1ae: {  	vm3 =	vgt.f32 v8, $0.0e+00;
	v8 =	vmovc v10;
	s9 =	smov.u32 s6;
	s6 =	smov.u32 s7;
	s13 =	smov.u32 s17;
	v20 =	vld [tilespmem:s20+$0xFFFFF400];
	vm2 =	vle.f32 v21, v5;
	vm4 =	veq.s32 v17, v0  }
0x1af: {  	s7 =	smov.u32 s4;
	s4 =	smov.u32 s5;
	s5 =	smov.u32 s22;
	v10 =	vadd.f32 v18, v14;
	v17 =	vld [tilespmem:s20+$0xFFFFFC00];
	vm2 =	vmand vm3, vm2;
	v14 =	vnsel vm4, $0x0, v6;
	v6 =	vmovc v7;
	v7 =	vmovc v9  }
0x1b0: {  	s14 =	smov.u32 s0;
	s0 =	smov.u32 s1;
	s20 =	sadd.s32 $0xFFFFFFF0, s20;
	v9 =	vld [tilespmem:s21+$0xFFFFF800];
	v13 =	vadd.f32 v19, v13;
	v18 =	vmctz.xlane vm2;
	(xrf2) =	vadd.scan.msk.f32 $0xffff, v14  }
0x1b1: {  	s1 =	smov.u32 s3;
	s3 =	smov.u32 s12;
	v14 =	vld [tilespmem:s20+$0xFFFFE000];
	v10 =	vadd.f32 v16, v10;
	v16 =	vsel vm1, $0x3F800000, v1;
	vm1 =	vmmov vm0  }
0x1b2: {  	vm0 =	vmmov vm2;
	v19 =	vld [tilespmem:s20+$0xFFFFE400];
	v13 =	vadd.f32 v15, v13;
	v15 =	vxor.u32 $0x80000000, v18;
	(xrf0) =	vmax.scan.msk.f32 $0xffff, v16  }
0x1b3: {  	v10 =	vadd.f32 v20, v10;
	v16 =	vld [tilespmem:s15+$0x1C00];
	(xrf0) =	vmax.scan.msk.u32 $0xffff, v15;
	s15 =	smov.u32 s21;
	s21 =	smov.u32 s20  }
0x1b4: {  	v18 =	vld [tilespmem:s15+$0x0];
	v12 =	vadd.f32 v12, v13;
	v20, _, _ =	vpop (xrf2)  }
0x1b5: {  	v9 =	vadd.f32 v9, v10;
	v21 =	vld [tilespmem:s15+$0x1800]  }
.Ltmp5:
0x1b6: {  	v15 =	vld [tilespmem:s15+$0x400];
	v10 =	vadd.f32 v11, v12;
	(pc) =	sbr.rel @!p0 .LBB2_9-.Ltmp5, $4  }
0x1b7: {  	v14 =	vadd.f32 v19, v14;
	v9 =	vadd.f32 v17, v9;
	v13 =	vld [tilespmem:s15+$0x800];
	v11, _, _ =	vpop (xrf2);
	s19 =	spop (v2sf)  }
0x1b8: {  	v17 =	vld [tilespmem:s20+$0xFFFFE800];
	v10 =	vadd.f32 v16, v10;
	v22 =	vperm.xlane v11, v3;
	(v2sf) =	vpush v20, $0xF;
	v16, _, _ =	vpop (xrf0);
	s18 =	spop (v2sf)  }
0x1b9: {  	v19 =	vadd.f32 v18, v9;
	v12 =	vld [tilespmem:s15+$0x1400];
	v20, _, _ =	vpop (xrf0);
	s17 =	spop (v2sf);
	(v2sf) =	vpush v16, $0xF  }
0x1ba: {  	s22 =	sadd.s32 $0xFFFFFFF0, s22;
	s12 =	sadd.f32 s19, s12;
	v18 =	vld [tilespmem:s20+$0xFFFFEC00];
	(xrf2) =	vadd.scan.msk.f32 $0xffff, v10;
	v9 =	vsub.f32 v22, v8;
	(v2sf) =	vpush v20, $0xF;
	v16, _, _ =	vpop (xrf2);
	s19 =	spop (v2sf);
	v11 =	vmov v21  }
0x1bb: {  	_ = 	snop  }
0x1bc: {  	v20 =	vld [tilespmem:s20+$0xFFFFF000]  }
0x1bd: {  	v21 =	vld [tilespmem:s15+$0xC00];
	v14 =	vadd.f32 v17, v14  }
0x1be: {  	v58 =	vld [tilespmem:s20+$0xFFFFF400]  }
0x1bf: {  	v15 =	vadd.f32 v15, v19;
	v59 =	vld [tilespmem:s15+$0x1000];
	v14 =	vadd.f32 v18, v14  }
0x1c0: {  	v60 =	vld [tilespmem:s21+$0xFFFFF800]  }
0x1c1: {  	v13 =	vadd.f32 v13, v15;
	v14 =	vadd.f32 v20, v14  }
0x1c2: {  	v61 =	vld [tilespmem:s20+$0xFFFFFC00]  }
0x1c3: {  	v13 =	vadd.f32 v21, v13;
	v14 =	vadd.f32 v58, v14  }
0x1c4: {  	v62 =	vld [tilespmem:s21+$0x0]  }
0x1c5: {  	v63 =	vld [tilespmem:s15+$0x1C00];
	v13 =	vadd.f32 v59, v13;
	v14 =	vadd.f32 v60, v14  }
0x1c6: {  	v25 =	vld [tilespmem:s21+$0x400]  }
0x1c7: {  	v26 =	vperm.xlane v10, v3;
	s29 =	sxor.u32 $0x80000000, s17;
	v12 =	vadd.f32 v12, v13;
	v27 =	vadd.f32 v61, v14  }
0x1c8: {  	v29 =	vld [tilespmem:s21+$0x800];
	vm3 =	vgt.f32 v8, $0.0e+00;
	v24 =	vadd.f32 s12, v9;
	v28 =	vmov s29  }
0x1c9: {  	vm4 =	veq.s32 v28, v0;
	v30 =	vadd.f32 v11, v12;
	v31 =	vadd.f32 v62, v27  }
0x1ca: {  	v32 =	vld [tilespmem:s21+$0xC00];
	v34 =	vsel vm1, $0x3F800000, v1;
	(xrf2) =	vadd.scan.msk.f32 $0xffff, v26;
	vm2 =	vle.f32 v24, v5;
	v6 =	vnsel vm4, $0x0, v6  }
0x1cb: {  	(xrf0) =	vmax.scan.msk.f32 $0xffff, v34;
	vm2 =	vmand vm3, vm2;
	v8 =	vadd.f32 v63, v30;
	v11 =	vadd.f32 v25, v31  }
0x1cc: {  	(xrf2) =	vadd.scan.msk.f32 $0xffff, v6;
	v6 =	vld [tilespmem:s21+$0x1000];
	v33 =	vmctz.xlane vm2  }
0x1cd: {  	(xrf2) =	vadd.scan.msk.f32 $0xffff, v8;
	v11 =	vadd.f32 v29, v11  }
0x1ce: {  	v35 =	vld [tilespmem:s21+$0x1400];
	v13 =	vxor.u32 $0x80000000, v33  }
0x1cf: {  	(xrf0) =	vmax.scan.msk.u32 $0xffff, v13;
	v11 =	vadd.f32 v32, v11  }
0x1d0: {  	v36 =	vld [tilespmem:s21+$0x1800]  }
0x1d1: {  	v6 =	vadd.f32 v6, v11  }
0x1d2: {  	v38 =	vld [tilespmem:s21+$0x1C00];
	v40, _, _ =	vpop (xrf0);
	s22 =	spop (v2sf)  }
0x1d3: {  	(v2sf) =	vpush v16, $0xF;
	v37, _, _ =	vpop (xrf2);
	s30 =	spop (v2sf);
	v6 =	vadd.f32 v35, v6  }
0x1d4: {  	(v2sf) =	vpush v37, $0xF;
	v39, _, _ =	vpop (xrf2);
	s31 =	spop (v2sf)  }
0x1d5: {  	(v2sf) =	vpush v40, $0xF;
	s20 =	sxor.u32 $0x80000000, s31;
	v41, _, _ =	vpop (xrf0);
	v6 =	vadd.f32 v36, v6  }
0x1d6: {  	v42, _, _ =	vpop (xrf2);
	v43 =	vperm.xlane v8, v3;
	v44 =	vmov s20;
	(v2sf) =	vpush v41, $0xF  }
0x1d7: {  	vm9 =	veq.s32 v44, v0;
	(v2sf) =	vpush v42, $0xF;
	v45, _, _ =	vpop (xrf2);
	v6 =	vadd.f32 v38, v6  }
0x1d8: {  	(xrf2) =	vadd.scan.msk.f32 $0xffff, v43;
	v7 =	vnsel vm9, $0x0, v7;
	(v2sf) =	vpush v45, $0xF  }
0x1d9: {  	(xrf2) =	vadd.scan.msk.f32 $0xffff, v7;
	v7 =	vperm.xlane v6, v3  }
0x1da: {  	(xrf2) =	vadd.scan.msk.f32 $0xffff, v6  }
0x1db: {  	(xrf2) =	vadd.scan.msk.f32 $0xffff, v7;
	_ =	sdelay $0x3  }
0x1dc: {  	v7 =	vperm.xlane v39, v3;
	_ =	sdelay $0x1  }
0x1dd: {  	s25 =	sadd.f32 s22, s12;
	v7 =	vsub.f32 v7, v10  }
0x1de: {  	s23 =	spop (v2sf);
	v46, _, _ =	vpop (xrf2)  }
0x1df: {  	s24 =	spop (v2sf);
	v11 =	vperm.xlane v46, v3;
	v48, _, _ =	vpop (xrf2);
	v47 =	vadd.f32 s25, v7  }
0x1e0: {  	vm11 =	vgt.f32 v10, $0.0e+00;
	s26 =	spop (v2sf);
	s22 =	sadd.f32 s24, s25;
	v49, _, _ =	vpop (xrf2)  }
0x1e1: {  	vm0 =	vmmov vm0;
	[dreg:$0x1e] =	wrdreg s26;
	v11 =	vsub.f32 v11, v8;
	s26 =	spop (v2sf);
	vm10 =	vle.f32 v47, v5;
	v50, _, _ =	vpop (xrf2)  }
0x1e2: {  	v52 =	vsel vm0, $0x3F800000, v1;
	s28 =	spop (v2sf);
	vm1 =	vmand vm11, vm10;
	v12 =	vperm.xlane v50, v3  }
0x1e3: {  	vm2 =	vmmov vm2;
	[dreg:$0x1c] =	wrdreg s23;
	v53 =	vadd.f32 s22, v11;
	s23 =	sxor.u32 $0x80000000, s26;
	v51 =	vmctz.xlane vm1;
	s29 =	spop (v2sf)  }
0x1e4: {  	vm13 =	vgt.f32 v8, $0.0e+00;
	v54 =	vmov s23;
	s29 =	sadd.f32 s29, s22;
	v12 =	vsub.f32 v12, v6  }
0x1e5: {  	(xrf0) =	vmax.scan.msk.f32 $0xffff, v52;
	vm12 =	vle.f32 v53, v5;
	vm14 =	veq.s32 v54, v0;
	v14 =	vxor.u32 $0x80000000, v51  }
0x1e6: {  	vm0 =	vmand vm13, vm12;
	v55 =	vnsel vm14, $0x0, v9;
	(xrf0) =	vmax.scan.msk.u32 $0xffff, v14;
	v56 =	vadd.f32 s29, v12  }
0x1e7: {  	vm2 =	vmmov vm2;
	v57 =	vmctz.xlane vm0;
	(xrf2) =	vadd.scan.msk.f32 $0xffff, v55  }
0x1e8: {  	v58 =	vsel vm2, $0x3F800000, v1;
	vm8 =	vgt.f32 v6, $0.0e+00;
	vm15 =	vle.f32 v56, v5  }
0x1e9: {  	vm9 =	vmmov vm1;
	(xrf0) =	vmax.scan.msk.f32 $0xffff, v58;
	v6 =	vxor.u32 $0x80000000, v57;
	vm10 =	vmand vm8, vm15  }
0x1ea: {  	vm11 =	vmmov vm9;
	(xrf0) =	vmax.scan.msk.u32 $0xffff, v6;
	v6 =	vmctz.xlane vm10  }
0x1eb: {  	v59, _, _ =	vpop (xrf0);
	v61 =	vsel vm11, $0x3F800000, v1  }
0x1ec: {  	(v2sf) =	vpush v59, $0xF;
	(xrf0) =	vmax.scan.msk.f32 $0xffff, v61;
	v60, _, _ =	vpop (xrf0);
	v6 =	vxor.u32 $0x80000000, v6  }
0x1ed: {  	(v2sf) =	vpush v60, $0xF;
	(xrf0) =	vmax.scan.msk.u32 $0xffff, v6  }
0x1ee: {  	(v2sf) =	vpush v48, $0xF  }
0x1ef: {  	(v2sf) =	vpush v49, $0xF;
	v6, _, _ =	vpop (xrf0)  }
0x1f0: {  	v62, _, _ =	vpop (xrf0);
	(v2sf) =	vpush v6, $0xF  }
0x1f1: {  	v6, _, _ =	vpop (xrf2);
	(v2sf) =	vpush v62, $0xF  }
0x1f2: {  	(v2sf) =	vpush v6, $0xF;
	v6, _, _ =	vpop (xrf0)  }
0x1f3: {  	v63, _, _ =	vpop (xrf0);
	(v2sf) =	vpush v6, $0xF  }
0x1f4: {  	(v2sf) =	vpush v63, $0xF;
	_ =	sdelay $0x6  }
0x1f5: {  	s24 =	spop (v2sf)  }
0x1f6: {  	[dreg:$0x19] =	wrdreg s31;
	s31 =	spop (v2sf)  }
0x1f7: {  	s23 =	spop (v2sf)  }
0x1f8: {  	s15 =	spop (v2sf)  }
0x1f9: {  	[dreg:$0x1b] =	wrdreg s30;
	s30 =	sxor.u32 $0x80000000, s31;
	s15 =	spop (v2sf)  }
0x1fa: {  	v6 =	vmov s30;
	s30 =	spop (v2sf)  }
0x1fb: {  	vm12 =	veq.s32 v6, v0;
	s20 =	spop (v2sf)  }
0x1fc: {  	[dreg:$0x1d] =	wrdreg s29;
	v6 =	vnsel vm12, $0x0, v7;
	s29 =	sxor.u32 $0x80000000, s30;
	s21 =	spop (v2sf)  }
0x1fd: {  	(xrf2) =	vadd.scan.msk.f32 $0xffff, v6;
	v6 =	vmov s29;
	s29 =	spop (v2sf)  }
0x1fe: {  	[dreg:$0x1f] =	wrdreg s28;
	vm13 =	veq.s32 v6, v0;
	s28 =	sxor.u32 $0x80000000, s29  }
0x1ff: {  	v7 =	vnsel vm13, $0x0, v11;
	v6 =	vmov s28  }
0x200: {  	vm0 =	vmmov vm0;
	(xrf2) =	vadd.scan.msk.f32 $0xffff, v7;
	vm14 =	veq.s32 v6, v0  }
0x201: {  	vm0 =	vmmov vm0;
	v6 =	vnsel vm14, $0x0, v12  }
0x202: {  	vm1 =	vmmov vm10;
	v7 =	vsel vm0, $0x3F800000, v1;
	(xrf2) =	vadd.scan.msk.f32 $0xffff, v6  }
0x203: {  	vm15 =	vmmov vm1;
	(xrf0) =	vmax.scan.msk.f32 $0xffff, v7  }
0x204: {  	v7 =	vsel vm15, $0x3F800000, v1  }
0x205: {  	(xrf0) =	vmax.scan.msk.f32 $0xffff, v7;
	_ =	sdelay $0x1  }
0x206: {  	v6, _, _ =	vpop (xrf2)  }
0x207: {  	(v2sf) =	vpush v6, $0xF  }
0x208: {  	v6, _, _ =	vpop (xrf0)  }
0x209: {  	(v2sf) =	vpush v6, $0xF;
	v6, _, _ =	vpop (xrf2)  }
0x20a: {  	s14 =	sadd.f32 s19, s14;
	(v2sf) =	vpush v6, $0xF;
	v6, _, _ =	vpop (xrf0)  }
0x20b: {  	p0 =	sgt.f32 s18, $0.0e+00;
	s19 =	rddreg [dreg:$0x1b];
	(v2sf) =	vpush v6, $0xF;
	v6, _, _ =	vpop (xrf2)  }
0x20c: {  	s18 =	rddreg [dreg:$0x19];
	(v2sf) =	vpush v6, $0xF  }
0x20d: {  	s8 =	sadd.s32 s8, s17;
	s2 =	smov.u32 @p0 s14;
	s14 =	rddreg [dreg:$0x1e]  }
0x20e: {  	s16 =	smov.u32 @p0 s11;
	p0 =	sgt.f32 s19, $0.0e+00;
	s17 =	rddreg [dreg:$0x1f]  }
0x20f: {  	p1 =	sgt.f32 s14, $0.0e+00;
	s28 =	rddreg [dreg:$0x1c]  }
0x210: {  	s16 =	smov.u32 @p0 s13;
	s0 =	sadd.f32 s28, s0  }
0x211: {  	s16 =	smov.u32 @p1 s8;
	s1 =	sadd.f32 s17, s1  }
0x212: {  	s3 =	sadd.f32 s23, s3;
	s2 =	smov.u32 @p0 s0;
	p0 =	sgt.f32 s24, $0.0e+00  }
0x213: {  	s0 =	sadd.s32 s9, s18;
	s2 =	smov.u32 @p1 s1;
	p1 =	sgt.f32 s15, $0.0e+00  }
0x214: {  	s16 =	smov.u32 @p0 s0;
	s0 =	sadd.s32 s6, s26;
	s2 =	smov.u32 @p0 s3  }
0x215: {  	s3 =	sadd.f32 s20, s12;
	p0 =	sgt.f32 s21, $0.0e+00;
	s16 =	smov.u32 @p1 s0  }
0x216: {  	s0 =	sadd.s32 s7, s31;
	s31 =	rddreg [dreg:$0x1d];
	s19 =	spop (v2sf)  }
0x217: {  	s1 =	sadd.f32 s19, s25  }
0x218: {  	s2 =	smov.u32 @p1 s3;
	s16 =	smov.u32 @p0 s0;
	s24 =	spop (v2sf)  }
0x219: {  	s2 =	smov.u32 @p0 s1;
	p0 =	sgt.f32 s24, $0.0e+00;
	s25 =	spop (v2sf)  }
0x21a: {  	s4 =	sadd.s32 s4, s30;
	s26 =	spop (v2sf);
	s1 =	sadd.f32 s25, s22  }
0x21b: {  	s16 =	smov.u32 @p0 s4;
	p1 =	sgt.f32 s26, $0.0e+00;
	s28 =	spop (v2sf)  }
0x21c: {  	s2 =	smov.u32 @p0 s1;
	s1 =	sadd.s32 s5, s29;
	s0 =	sadd.f32 s28, s31  }
0x21d: {  	s16 =	smov.u32 @p1 s1  }
0x21e: {  	s1 =	simm.s32 $0x400;
	s2 =	smov.u32 @p1 s0;
	s0 =	simm.s32 $0x0  }
.LBB2_11:
0x21f: {  	p0 =	seq.s32 s1, $0xFC00;
	[tilespmem:s0+$0x187F0] =	vst v1  }
0x220: {  	[tilespmem:s0+$0x18700] =	vst v1  }
0x221: {  	[tilespmem:s0+$0x18710] =	vst v1  }
0x222: {  	[tilespmem:s0+$0x18720] =	vst v1  }
0x223: {  	[tilespmem:s0+$0x18730] =	vst v1  }
0x224: {  	[tilespmem:s0+$0x18740] =	vst v1  }
0x225: {  	[tilespmem:s0+$0x18750] =	vst v1  }
0x226: {  	[tilespmem:s0+$0x18760] =	vst v1  }
0x227: {  	[tilespmem:s0+$0x18770] =	vst v1  }
0x228: {  	[tilespmem:s0+$0x18780] =	vst v1  }
0x229: {  	[tilespmem:s0+$0x18790] =	vst v1  }
.Ltmp6:
0x22a: {  	[tilespmem:s0+$0x187A0] =	vst v1;
	(pc) =	sbr.rel @!p0 .LBB2_11-.Ltmp6, $4  }
0x22b: {  	[tilespmem:s0+$0x187B0] =	vst v1  }
0x22c: {  	[tilespmem:s0+$0x187C0] =	vst v1  }
0x22d: {  	[tilespmem:s0+$0x187D0] =	vst v1  }
0x22e: {  	[tilespmem:s0+$0x187E0] =	vst v1;
	s0 =	sshra.s32 s1, $0x2;
	s1 =	sadd.s32 $0x400, s1  }
0x22f: {  	[tilespmem:s0+$0x187F0] =	vst v1  }
0x230: {  	[tilespmem:s0+$0x18700] =	vst v1  }
0x231: {  	[tilespmem:s0+$0x18710] =	vst v1  }
0x232: {  	[tilespmem:s0+$0x18720] =	vst v1  }
0x233: {  	[tilespmem:s0+$0x18730] =	vst v1  }
0x234: {  	[tilespmem:s0+$0x18740] =	vst v1  }
0x235: {  	[tilespmem:s0+$0x18750] =	vst v1  }
0x236: {  	[tilespmem:s0+$0x18760] =	vst v1  }
0x237: {  	[tilespmem:s0+$0x18770] =	vst v1  }
0x238: {  	[tilespmem:s0+$0x18780] =	vst v1  }
0x239: {  	[tilespmem:s0+$0x18790] =	vst v1  }
0x23a: {  	[tilespmem:s0+$0x187A0] =	vst v1  }
0x23b: {  	[tilespmem:s0+$0x187B0] =	vst v1  }
0x23c: {  	[tilespmem:s0+$0x187C0] =	vst v1  }
0x23d: {  	[tilespmem:s0+$0x187D0] =	vst v1  }
0x23e: {  	[tilespmem:s0+$0x187E0] =	vst v1;
	s0 =	simm.s32 $0x50  }
0x23f: {  	v7 =	vld [tilespmem:s0+$0xFFFFFFB0];
	_ =	sdelay $0x4  }
0x240: {  	v8 =	vmul.f32 $1.442695020e+00, v7;
	_ =	sdelay $0x1  }
0x241: {  	v9 =	vshra.s32 v7, $0x1F;
	(erf) = vpow2.f32 v8  }
0x242: {  	v8 =	vor.u32 $0x80000000, v9  }
0x243: {  	v7 =	vxor.u32 v7, v8  }
0x244: {  	v6 =	vmov s16;
	v8 =	vshrl.u32 v7, $0xC;
	v7 =	vshrl.u32 v7, $0x16  }
0x245: {  	v8 =	vand.u32 $0x3FF, v8;
	vm0 =	veq.s32 v7, v6  }
0x246: {  	v7 =	vor.u32 v2, v8;
	_ =	sdelay $0x3  }
0x247: {  	v8 =	vpop (erf)  }
0x248: {  	[tilespmem:v7+s10+$0x0] =	vst.idx.add.f32.msk vm0, v8  }
0x249: {  	v7 =	vld [tilespmem:s0+$0xFFFFFFC0];
	_ =	sdelay $0x4  }
0x24a: {  	v8 =	vmul.f32 $1.442695020e+00, v7;
	_ =	sdelay $0x1  }
0x24b: {  	v9 =	vshra.s32 v7, $0x1F;
	(erf) = vpow2.f32 v8  }
0x24c: {  	v8 =	vor.u32 $0x80000000, v9  }
0x24d: {  	v7 =	vxor.u32 v7, v8  }
0x24e: {  	v8 =	vshrl.u32 v7, $0xC;
	v7 =	vshrl.u32 v7, $0x16  }
0x24f: {  	v8 =	vand.u32 $0x3FF, v8;
	vm0 =	veq.s32 v7, v6  }
0x250: {  	v7 =	vor.u32 v2, v8;
	_ =	sdelay $0x3  }
0x251: {  	v8 =	vpop (erf)  }
0x252: {  	[tilespmem:v7+s10+$0x0] =	vst.idx.add.f32.msk vm0, v8  }
0x253: {  	v7 =	vld [tilespmem:s0+$0xFFFFFFD0];
	_ =	sdelay $0x4  }
0x254: {  	v8 =	vmul.f32 $1.442695020e+00, v7;
	_ =	sdelay $0x1  }
0x255: {  	v9 =	vshra.s32 v7, $0x1F;
	(erf) = vpow2.f32 v8  }
0x256: {  	v8 =	vor.u32 $0x80000000, v9  }
0x257: {  	v7 =	vxor.u32 v7, v8  }
0x258: {  	v8 =	vshrl.u32 v7, $0xC;
	v7 =	vshrl.u32 v7, $0x16  }
0x259: {  	v8 =	vand.u32 $0x3FF, v8;
	vm0 =	veq.s32 v7, v6  }
0x25a: {  	v7 =	vor.u32 v2, v8;
	_ =	sdelay $0x3  }
0x25b: {  	v8 =	vpop (erf)  }
0x25c: {  	[tilespmem:v7+s10+$0x0] =	vst.idx.add.f32.msk vm0, v8  }
0x25d: {  	v7 =	vld [tilespmem:s0+$0xFFFFFFE0];
	_ =	sdelay $0x4  }
0x25e: {  	v8 =	vmul.f32 $1.442695020e+00, v7;
	_ =	sdelay $0x1  }
0x25f: {  	v9 =	vshra.s32 v7, $0x1F;
	(erf) = vpow2.f32 v8  }
0x260: {  	v8 =	vor.u32 $0x80000000, v9  }
0x261: {  	v7 =	vxor.u32 v7, v8  }
0x262: {  	v8 =	vshrl.u32 v7, $0xC;
	v7 =	vshrl.u32 v7, $0x16  }
0x263: {  	v8 =	vand.u32 $0x3FF, v8;
	vm0 =	veq.s32 v7, v6  }
0x264: {  	v7 =	vor.u32 v2, v8;
	_ =	sdelay $0x3  }
0x265: {  	v8 =	vpop (erf)  }
0x266: {  	[tilespmem:v7+s10+$0x0] =	vst.idx.add.f32.msk vm0, v8  }
0x267: {  	v7 =	vld [tilespmem:s0+$0xFFFFFFF0];
	_ =	sdelay $0x4  }
0x268: {  	v8 =	vmul.f32 $1.442695020e+00, v7;
	_ =	sdelay $0x1  }
0x269: {  	v9 =	vshra.s32 v7, $0x1F;
	(erf) = vpow2.f32 v8  }
0x26a: {  	v8 =	vor.u32 $0x80000000, v9  }
0x26b: {  	v7 =	vxor.u32 v7, v8  }
0x26c: {  	v8 =	vshrl.u32 v7, $0xC;
	v7 =	vshrl.u32 v7, $0x16  }
0x26d: {  	v8 =	vand.u32 $0x3FF, v8;
	vm0 =	veq.s32 v7, v6  }
0x26e: {  	v7 =	vor.u32 v2, v8;
	_ =	sdelay $0x3  }
0x26f: {  	v8 =	vpop (erf)  }
0x270: {  	[tilespmem:v7+s10+$0x0] =	vst.idx.add.f32.msk vm0, v8  }
0x271: {  	v7 =	vld [tilespmem:s0+$0x0];
	_ =	sdelay $0x4  }
0x272: {  	v8 =	vmul.f32 $1.442695020e+00, v7;
	_ =	sdelay $0x1  }
0x273: {  	v9 =	vshra.s32 v7, $0x1F;
	(erf) = vpow2.f32 v8  }
0x274: {  	v8 =	vor.u32 $0x80000000, v9  }
0x275: {  	v7 =	vxor.u32 v7, v8  }
0x276: {  	v8 =	vshrl.u32 v7, $0xC;
	v7 =	vshrl.u32 v7, $0x16  }
0x277: {  	v8 =	vand.u32 $0x3FF, v8;
	vm0 =	veq.s32 v7, v6  }
0x278: {  	v7 =	vor.u32 v2, v8;
	_ =	sdelay $0x3  }
0x279: {  	v8 =	vpop (erf)  }
0x27a: {  	[tilespmem:v7+s10+$0x0] =	vst.idx.add.f32.msk vm0, v8  }
0x27b: {  	v7 =	vld [tilespmem:s0+$0x10];
	_ =	sdelay $0x4  }
0x27c: {  	v8 =	vmul.f32 $1.442695020e+00, v7;
	_ =	sdelay $0x1  }
0x27d: {  	v9 =	vshra.s32 v7, $0x1F;
	(erf) = vpow2.f32 v8  }
0x27e: {  	v8 =	vor.u32 $0x80000000, v9  }
0x27f: {  	v7 =	vxor.u32 v7, v8  }
0x280: {  	v8 =	vshrl.u32 v7, $0xC;
	v7 =	vshrl.u32 v7, $0x16  }
0x281: {  	v8 =	vand.u32 $0x3FF, v8;
	vm0 =	veq.s32 v7, v6  }
0x282: {  	v7 =	vor.u32 v2, v8;
	_ =	sdelay $0x3  }
0x283: {  	v8 =	vpop (erf)  }
0x284: {  	[tilespmem:v7+s10+$0x0] =	vst.idx.add.f32.msk vm0, v8  }
0x285: {  	v7 =	vld [tilespmem:s0+$0x20];
	_ =	sdelay $0x4  }
0x286: {  	v8 =	vmul.f32 $1.442695020e+00, v7;
	_ =	sdelay $0x1  }
0x287: {  	v9 =	vshra.s32 v7, $0x1F;
	(erf) = vpow2.f32 v8  }
0x288: {  	v8 =	vor.u32 $0x80000000, v9  }
0x289: {  	v7 =	vxor.u32 v7, v8  }
0x28a: {  	v8 =	vshrl.u32 v7, $0xC;
	v7 =	vshrl.u32 v7, $0x16  }
0x28b: {  	v8 =	vand.u32 $0x3FF, v8;
	vm0 =	veq.s32 v7, v6  }
0x28c: {  	v7 =	vor.u32 v2, v8;
	_ =	sdelay $0x3  }
0x28d: {  	s1 =	simm.s32 $0x0;
	v8 =	vpop (erf)  }
0x28e: {  	s1 =	sand.u32 $0x3FFE0, s1;
	[tilespmem:v7+s10+$0x0] =	vst.idx.add.f32.msk vm0, v8  }
0x28f: {  	v7 =	vld [tilespmem:s1+$0x80];
	_ =	sdelay $0x4  }
0x290: {  	v8 =	vmul.f32 $1.442695020e+00, v7;
	_ =	sdelay $0x1  }
0x291: {  	v9 =	vshra.s32 v7, $0x1F;
	(erf) = vpow2.f32 v8  }
0x292: {  	v8 =	vor.u32 $0x80000000, v9  }
0x293: {  	v7 =	vxor.u32 v7, v8  }
0x294: {  	v8 =	vshrl.u32 v7, $0xC;
	v7 =	vshrl.u32 v7, $0x16  }
0x295: {  	v8 =	vand.u32 $0x3FF, v8;
	vm0 =	veq.s32 v7, v6  }
0x296: {  	v7 =	vor.u32 v2, v8;
	_ =	sdelay $0x3  }
0x297: {  	v8 =	vpop (erf)  }
0x298: {  	[tilespmem:v7+s10+$0x0] =	vst.idx.add.f32.msk vm0, v8  }
0x299: {  	v7 =	vld [tilespmem:s0+$0x40];
	_ =	sdelay $0x4  }
0x29a: {  	v8 =	vmul.f32 $1.442695020e+00, v7;
	_ =	sdelay $0x1  }
0x29b: {  	(erf) = vpow2.f32 v8  }
0x29c: {  	v8 =	vshra.s32 v7, $0x1F  }
0x29d: {  	v8 =	vor.u32 $0x80000000, v8  }
0x29e: {  	v7 =	vxor.u32 v7, v8  }
0x29f: {  	v8 =	vshrl.u32 v7, $0xC;
	v7 =	vshrl.u32 v7, $0x16  }
0x2a0: {  	v8 =	vand.u32 $0x3FF, v8;
	vm0 =	veq.s32 v7, v6  }
0x2a1: {  	v7 =	vor.u32 v2, v8;
	_ =	sdelay $0x2  }
0x2a2: {  	s1 =	simm.s32 $0xA0;
	v8 =	vpop (erf)  }
.LBB2_13:
0x2a3: {  	p0 =	sne.s32 s1, $0x18600  }
0x2a4: {  	[tilespmem:v7+s10+$0x0] =	vst.idx.add.f32.msk vm0, v8;
	s0 =	sadd.s32 $0xA0, s0;
	s3 =	smov.u32 s1;
	s1 =	sadd.s32 $0xA0, s1  }
0x2a5: {  	v7 =	vld [tilespmem:s0+$0xFFFFFFB0];
	_ =	sdelay $0x4  }
0x2a6: {  	v8 =	vshra.s32 v7, $0x1F;
	v9 =	vmul.f32 $1.442695020e+00, v7  }
0x2a7: {  	v8 =	vor.u32 $0x80000000, v8  }
0x2a8: {  	v7 =	vxor.u32 v7, v8;
	(erf) = vpow2.f32 v9  }
0x2a9: {  	v8 =	vshrl.u32 v7, $0xC;
	v7 =	vshrl.u32 v7, $0x16  }
0x2aa: {  	v8 =	vand.u32 $0x3FF, v8;
	_ =	sdelay $0x1  }
0x2ab: {  	vm0 =	veq.s32 v7, v6  }
0x2ac: {  	v7 =	vor.u32 v2, v8;
	_ =	sdelay $0x3  }
0x2ad: {  	v8 =	vpop (erf)  }
0x2ae: {  	[tilespmem:v7+s10+$0x0] =	vst.idx.add.f32.msk vm0, v8  }
0x2af: {  	v7 =	vld [tilespmem:s0+$0xFFFFFFC0];
	_ =	sdelay $0x4  }
0x2b0: {  	v8 =	vshra.s32 v7, $0x1F;
	v9 =	vmul.f32 $1.442695020e+00, v7  }
0x2b1: {  	v8 =	vor.u32 $0x80000000, v8  }
0x2b2: {  	v7 =	vxor.u32 v7, v8;
	(erf) = vpow2.f32 v9  }
0x2b3: {  	v8 =	vshrl.u32 v7, $0xC;
	v7 =	vshrl.u32 v7, $0x16  }
0x2b4: {  	v8 =	vand.u32 $0x3FF, v8;
	_ =	sdelay $0x1  }
0x2b5: {  	vm0 =	veq.s32 v7, v6  }
0x2b6: {  	v7 =	vor.u32 v2, v8;
	_ =	sdelay $0x3  }
0x2b7: {  	v8 =	vpop (erf)  }
0x2b8: {  	[tilespmem:v7+s10+$0x0] =	vst.idx.add.f32.msk vm0, v8  }
0x2b9: {  	v7 =	vld [tilespmem:s0+$0xFFFFFFD0];
	_ =	sdelay $0x4  }
0x2ba: {  	v8 =	vshra.s32 v7, $0x1F;
	v9 =	vmul.f32 $1.442695020e+00, v7  }
0x2bb: {  	v8 =	vor.u32 $0x80000000, v8  }
0x2bc: {  	v7 =	vxor.u32 v7, v8;
	(erf) = vpow2.f32 v9  }
0x2bd: {  	v8 =	vshrl.u32 v7, $0xC;
	v7 =	vshrl.u32 v7, $0x16  }
0x2be: {  	v8 =	vand.u32 $0x3FF, v8;
	_ =	sdelay $0x1  }
0x2bf: {  	vm0 =	veq.s32 v7, v6  }
0x2c0: {  	v7 =	vor.u32 v2, v8;
	_ =	sdelay $0x3  }
0x2c1: {  	v8 =	vpop (erf)  }
0x2c2: {  	[tilespmem:v7+s10+$0x0] =	vst.idx.add.f32.msk vm0, v8  }
0x2c3: {  	v7 =	vld [tilespmem:s0+$0xFFFFFFE0];
	_ =	sdelay $0x4  }
0x2c4: {  	v8 =	vshra.s32 v7, $0x1F;
	v9 =	vmul.f32 $1.442695020e+00, v7  }
0x2c5: {  	v8 =	vor.u32 $0x80000000, v8  }
0x2c6: {  	v7 =	vxor.u32 v7, v8;
	(erf) = vpow2.f32 v9  }
0x2c7: {  	v8 =	vshrl.u32 v7, $0xC;
	v7 =	vshrl.u32 v7, $0x16  }
0x2c8: {  	v8 =	vand.u32 $0x3FF, v8;
	_ =	sdelay $0x1  }
0x2c9: {  	vm0 =	veq.s32 v7, v6  }
0x2ca: {  	v7 =	vor.u32 v2, v8;
	_ =	sdelay $0x3  }
0x2cb: {  	v8 =	vpop (erf)  }
0x2cc: {  	[tilespmem:v7+s10+$0x0] =	vst.idx.add.f32.msk vm0, v8  }
0x2cd: {  	v7 =	vld [tilespmem:s0+$0xFFFFFFF0];
	_ =	sdelay $0x4  }
0x2ce: {  	v8 =	vshra.s32 v7, $0x1F;
	v9 =	vmul.f32 $1.442695020e+00, v7  }
0x2cf: {  	v8 =	vor.u32 $0x80000000, v8  }
0x2d0: {  	v7 =	vxor.u32 v7, v8;
	(erf) = vpow2.f32 v9  }
0x2d1: {  	v8 =	vshrl.u32 v7, $0xC;
	v7 =	vshrl.u32 v7, $0x16  }
0x2d2: {  	v8 =	vand.u32 $0x3FF, v8;
	_ =	sdelay $0x1  }
0x2d3: {  	vm0 =	veq.s32 v7, v6  }
0x2d4: {  	v7 =	vor.u32 v2, v8;
	_ =	sdelay $0x3  }
0x2d5: {  	v8 =	vpop (erf)  }
0x2d6: {  	[tilespmem:v7+s10+$0x0] =	vst.idx.add.f32.msk vm0, v8  }
0x2d7: {  	v7 =	vld [tilespmem:s0+$0x0];
	_ =	sdelay $0x4  }
0x2d8: {  	v8 =	vshra.s32 v7, $0x1F;
	v9 =	vmul.f32 $1.442695020e+00, v7  }
0x2d9: {  	v8 =	vor.u32 $0x80000000, v8  }
0x2da: {  	v7 =	vxor.u32 v7, v8;
	(erf) = vpow2.f32 v9  }
0x2db: {  	v8 =	vshrl.u32 v7, $0xC;
	v7 =	vshrl.u32 v7, $0x16  }
0x2dc: {  	v8 =	vand.u32 $0x3FF, v8;
	_ =	sdelay $0x1  }
0x2dd: {  	vm0 =	veq.s32 v7, v6  }
0x2de: {  	v7 =	vor.u32 v2, v8;
	_ =	sdelay $0x3  }
0x2df: {  	v8 =	vpop (erf)  }
0x2e0: {  	[tilespmem:v7+s10+$0x0] =	vst.idx.add.f32.msk vm0, v8  }
0x2e1: {  	v7 =	vld [tilespmem:s0+$0x10];
	_ =	sdelay $0x4  }
0x2e2: {  	v8 =	vshra.s32 v7, $0x1F;
	v9 =	vmul.f32 $1.442695020e+00, v7  }
0x2e3: {  	v8 =	vor.u32 $0x80000000, v8  }
0x2e4: {  	v7 =	vxor.u32 v7, v8;
	(erf) = vpow2.f32 v9  }
0x2e5: {  	v8 =	vshrl.u32 v7, $0xC;
	v7 =	vshrl.u32 v7, $0x16  }
0x2e6: {  	v8 =	vand.u32 $0x3FF, v8;
	_ =	sdelay $0x1  }
0x2e7: {  	vm0 =	veq.s32 v7, v6  }
0x2e8: {  	v7 =	vor.u32 v2, v8;
	_ =	sdelay $0x3  }
0x2e9: {  	v8 =	vpop (erf)  }
0x2ea: {  	[tilespmem:v7+s10+$0x0] =	vst.idx.add.f32.msk vm0, v8  }
0x2eb: {  	v7 =	vld [tilespmem:s0+$0x20];
	_ =	sdelay $0x4  }
0x2ec: {  	v8 =	vshra.s32 v7, $0x1F;
	v9 =	vmul.f32 $1.442695020e+00, v7  }
0x2ed: {  	v8 =	vor.u32 $0x80000000, v8  }
0x2ee: {  	v7 =	vxor.u32 v7, v8;
	(erf) = vpow2.f32 v9  }
0x2ef: {  	v8 =	vshrl.u32 v7, $0xC;
	v7 =	vshrl.u32 v7, $0x16  }
0x2f0: {  	v8 =	vand.u32 $0x3FF, v8;
	_ =	sdelay $0x1  }
0x2f1: {  	vm0 =	veq.s32 v7, v6  }
0x2f2: {  	v7 =	vor.u32 v2, v8;
	_ =	sdelay $0x3  }
0x2f3: {  	v8 =	vpop (erf)  }
0x2f4: {  	s3 =	sand.u32 $0x3FFE0, s3;
	[tilespmem:v7+s10+$0x0] =	vst.idx.add.f32.msk vm0, v8  }
0x2f5: {  	v7 =	vld [tilespmem:s3+$0x80];
	_ =	sdelay $0x4  }
0x2f6: {  	v8 =	vshra.s32 v7, $0x1F;
	v9 =	vmul.f32 $1.442695020e+00, v7  }
0x2f7: {  	v8 =	vor.u32 $0x80000000, v8  }
0x2f8: {  	v7 =	vxor.u32 v7, v8;
	(erf) = vpow2.f32 v9  }
0x2f9: {  	v8 =	vshrl.u32 v7, $0xC;
	v7 =	vshrl.u32 v7, $0x16  }
0x2fa: {  	v8 =	vand.u32 $0x3FF, v8;
	_ =	sdelay $0x1  }
0x2fb: {  	vm0 =	veq.s32 v7, v6  }
0x2fc: {  	v7 =	vor.u32 v2, v8;
	_ =	sdelay $0x3  }
0x2fd: {  	v8 =	vpop (erf)  }
0x2fe: {  	[tilespmem:v7+s10+$0x0] =	vst.idx.add.f32.msk vm0, v8  }
0x2ff: {  	v7 =	vld [tilespmem:s0+$0x40];
	_ =	sdelay $0x4  }
0x300: {  	v8 =	vshra.s32 v7, $0x1F;
	v9 =	vmul.f32 $1.442695020e+00, v7  }
0x301: {  	v8 =	vor.u32 $0x80000000, v8  }
0x302: {  	v7 =	vxor.u32 v7, v8;
	(erf) = vpow2.f32 v9  }
0x303: {  	v8 =	vshrl.u32 v7, $0xC;
	v7 =	vshrl.u32 v7, $0x16  }
0x304: {  	v8 =	vand.u32 $0x3FF, v8;
	_ =	sdelay $0x1  }
0x305: {  	vm0 =	veq.s32 v7, v6  }
.Ltmp7:
0x306: {  	v7 =	vor.u32 v2, v8;
	(pc) =	sbr.rel @p0 .LBB2_13-.Ltmp7, $2  }
0x307: {  	_ =	sdelay $0x2  }
0x308: {  	v8 =	vpop (erf)  }
0x309: {  	_ = 	snop  }
0x30a: {  	p0 =	por $0x0, $0x0  }
0x30b: {  	s0 =	simm.s32 @!p0 $0x0  }
0x30c: {  	p1 =	por $0x0, $0x0;
	s0 =	simm.s32 @p0 $0x1  }
0x30d: {  	[smem:$0x7F9] =	sst s0;
	s0 =	simm.s32 @!p1 $0x0  }
0x30e: {  	[tilespmem:v7+s10+$0x0] =	vst.idx.add.f32.msk vm0, v8;
	s23 =	simm.s32 $0x1AAF0;
	p2 =	por $0x0, $0x0;
	s0 =	simm.s32 @p1 $0x1  }
0x30f: {  	v6 =	vld [tilespmem:s23+$0xFFFFE000];
	[smem:$0x7FA] =	sst s0;
	s0 =	simm.s32 @!p2 $0x0  }
0x310: {  	p5 =	por $0x0, $0x0;
	p3 =	por $0x0, $0x0;
	v7 =	vld [tilespmem:s23+$0xFFFFE400];
	s0 =	simm.s32 @p2 $0x1  }
.Ltmp8:
0x311: {  	[smem:$0x7FB] =	sst s0;
	s0 =	simm.s32 @!p3 $0x0;
	(pc) =	sbr.rel @p5 .LBB2_15-.Ltmp8, $4  }
0x312: {  	p4 =	por $0x0, $0x0;
	s0 =	simm.s32 @p3 $0x1  }
0x313: {  	[smem:$0x7FC] =	sst s0;
	s0 =	simm.s32 @!p4 $0x0  }
0x314: {  	v12 =	vld [tilespmem:s23+$0xFFFFE800];
	s0 =	simm.s32 @p4 $0x1  }
0x315: {  	s14 =	simm.f32 $0.0e+00;
	p6 =	por $0x0, $0x0;
	v15 =	vld [tilespmem:s23+$0xFFFFEC00];
	v11 =	vadd.f32 v7, v6;
	[smem:$0x7FD] =	sst s0  }
0x316: {  	_ =	sdelay $0x1  }
0x317: {  	v6 =	vld [tilespmem:s23+$0xFFFFF000]  }
0x318: {  	v7 =	vadd.f32 v12, v11  }
0x319: {  	v8 =	vld [tilespmem:s23+$0xFFFFF400]  }
0x31a: {  	v9 =	vld [tilespmem:s23+$0xFFFFFC00];
	v7 =	vadd.f32 v15, v7  }
0x31b: {  	v10 =	vld [tilespmem:s23+$0xFFFFF800]  }
0x31c: {  	s25 =	simm.s32 $0x1AAE0;
	v14 =	vld [tilespmem:s23+$0x1800];
	v6 =	vadd.f32 v6, v7  }
0x31d: {  	v11 =	vld [tilespmem:s25+$0xFFFFE000]  }
0x31e: {  	v15 =	vld [tilespmem:s23+$0x0];
	v6 =	vadd.f32 v8, v6  }
0x31f: {  	p5 =	por $0x0, $0x0;
	v7 =	vld [tilespmem:s25+$0xFFFFE400]  }
.Ltmp9:
0x320: {  	v13 =	vld [tilespmem:s23+$0x400];
	v6 =	vadd.f32 v10, v6;
	(pc) =	sbr.rel @p5 .LBB2_17-.Ltmp9, $4  }
0x321: {  	v12 =	vld [tilespmem:s25+$0xFFFFE800]  }
0x322: {  	v8 =	vld [tilespmem:s23+$0x1400];
	v6 =	vadd.f32 v9, v6  }
0x323: {  	v10 =	vld [tilespmem:s23+$0x800]  }
0x324: {  	p4 =	por $0x1, $0x1;
	v11 =	vadd.f32 v7, v11;
	v18 =	vadd.f32 v15, v6;
	v15 =	vld [tilespmem:s25+$0xFFFFEC00]  }
0x325: {  	v6 =	vld [tilespmem:s23+$0xC00]  }
0x326: {  	v9 =	vld [tilespmem:s25+$0xFFFFF000];
	v7 =	vadd.f32 v13, v18  }
0x327: {  	v13 =	vld [tilespmem:s23+$0x1000]  }
0x328: {  	v16 =	vld [tilespmem:s23+$0x1C00];
	v11 =	vadd.f32 v12, v11;
	v7 =	vadd.f32 v10, v7  }
0x329: {  	v10 =	vld [tilespmem:s25+$0xFFFFF400]  }
0x32a: {  	v17 =	vld [tilespmem:s25+$0x0];
	v11 =	vadd.f32 v15, v11;
	v6 =	vadd.f32 v6, v7  }
0x32b: {  	v15 =	vld [tilespmem:s25+$0xFFFFF800]  }
0x32c: {  	s31 =	simm.s32 $0x1AAD0;
	v12 =	vld [tilespmem:s25+$0xFFFFFC00];
	v9 =	vadd.f32 v9, v11;
	v6 =	vadd.f32 v13, v6  }
0x32d: {  	v7 =	vld [tilespmem:s31+$0xFFFFE000]  }
0x32e: {  	v11 =	vld [tilespmem:s31+$0xFFFFE400];
	v9 =	vadd.f32 v10, v9;
	v8 =	vadd.f32 v8, v6  }
0x32f: {  	p5 =	por $0x0, $0x0;
	v13 =	vld [tilespmem:s25+$0x400]  }
.Ltmp10:
0x330: {  	v10 =	vld [tilespmem:s25+$0x800];
	v9 =	vadd.f32 v15, v9;
	v8 =	vadd.f32 v14, v8;
	(pc) =	sbr.rel @p5 .LBB2_19-.Ltmp10, $4  }
0x331: {  	p0 =	por $0x1, $0x1;
	v6 =	vld [tilespmem:s25+$0x1800]  }
0x332: {  	s0 =	simm.s32 @!p0 $0x0;
	v15 =	vld [tilespmem:s31+$0xFFFFEC00];
	v9 =	vadd.f32 v12, v9;
	v22 =	vadd.f32 v16, v8  }
0x333: {  	s0 =	simm.s32 @p0 $0x1;
	v12 =	vld [tilespmem:s31+$0xFFFFE800]  }
0x334: {  	[smem:$0x7F9] =	sst s0;
	v11 =	vadd.f32 v11, v7;
	v8 =	vld [tilespmem:s25+$0x1400];
	v18 =	vadd.f32 v17, v9;
	(xrf2) =	vadd.scan.msk.f32 $0xffff, v22  }
0x335: {  	v7 =	vld [tilespmem:s25+$0xC00]  }
0x336: {  	v9 =	vperm.xlane v22, v3;
	v13 =	vadd.f32 v13, v18  }
0x337: {  	v16 =	vld [tilespmem:s25+$0x1000]  }
0x338: {  	v14 =	vld [tilespmem:s31+$0xFFFFF000];
	s23 =	simm.s32 $0x1AAC0;
	(xrf2) =	vadd.scan.msk.f32 $0xffff, v9;
	v10 =	vadd.f32 v10, v13  }
0x339: {  	v17 =	vld [tilespmem:s23+$0xFFFFE400];
	v9 =	vadd.f32 v12, v11  }
0x33a: {  	v11 =	vld [tilespmem:s31+$0xFFFFF400];
	v7 =	vadd.f32 v7, v10  }
0x33b: {  	v12 =	vld [tilespmem:s31+$0xFFFFFC00];
	v9 =	vadd.f32 v15, v9  }
0x33c: {  	v13 =	vld [tilespmem:s31+$0xFFFFF800];
	v7 =	vadd.f32 v16, v7  }
0x33d: {  	v15 =	vld [tilespmem:s23+$0xFFFFE000];
	v9 =	vadd.f32 v14, v9  }
0x33e: {  	v16 =	vld [tilespmem:s25+$0x1C00];
	v7 =	vadd.f32 v8, v7  }
0x33f: {  	v18 =	vld [tilespmem:s31+$0x0];
	v9 =	vadd.f32 v11, v9  }
0x340: {  	p5 =	por $0x0, $0x0;
	v10 =	vld [tilespmem:s31+$0x800]  }
.Ltmp11:
0x341: {  	v14 =	vld [tilespmem:s31+$0x1800];
	v8, _, _ =	vpop (xrf2);
	v9 =	vadd.f32 v13, v9;
	v6 =	vadd.f32 v6, v7;
	(pc) =	sbr.rel @p5 .LBB2_21-.Ltmp11, $4  }
0x342: {  	p1 =	por $0x1, $0x1;
	v11 =	vadd.f32 v17, v15;
	(v2sf) =	vpush v8, $0xF;
	v8 =	vld [tilespmem:s31+$0x1400];
	v7, _, _ =	vpop (xrf2)  }
0x343: {  	s0 =	simm.s32 @!p1 $0x0;
	v15 =	vld [tilespmem:s23+$0xFFFFEC00];
	v9 =	vadd.f32 v12, v9;
	v16 =	vadd.f32 v16, v6;
	v6 =	vperm.xlane v7, v3  }
0x344: {  	s0 =	simm.s32 @p1 $0x1;
	v13 =	vld [tilespmem:s31+$0x400]  }
0x345: {  	[smem:$0x7FA] =	sst s0;
	v12 =	vld [tilespmem:s23+$0xFFFFE800];
	v18 =	vadd.f32 v18, v9;
	(xrf2) =	vadd.scan.msk.f32 $0xffff, v16;
	v6 =	vsub.f32 v6, v22  }
0x346: {  	_ =	sdelay $0x1  }
0x347: {  	v7 =	vld [tilespmem:s31+$0xC00];
	v9 =	vperm.xlane v16, v3  }
0x348: {  	v17 =	vld [tilespmem:s23+$0xFFFFF000];
	v13 =	vadd.f32 v13, v18;
	v18 =	vadd.f32 s2, v6  }
0x349: {  	(xrf2) =	vadd.scan.msk.f32 $0xffff, v9;
	v11 =	vadd.f32 v12, v11;
	v12 =	vld [tilespmem:s31+$0x1000]  }
0x34a: {  	vm1 =	vgt.f32 v22, $0.0e+00;
	v9 =	vadd.f32 v10, v13;
	v10 =	vld [tilespmem:s23+$0xFFFFF400];
	vm0 =	vle.f32 v18, v5  }
0x34b: {  	v20 =	vld [tilespmem:s31+$0x1C00];
	v11 =	vadd.f32 v15, v11;
	vm0 =	vmand vm1, vm0  }
0x34c: {  	s25 =	simm.s32 $0x1AAB0;
	v13 =	vld [tilespmem:s23+$0xFFFFF800];
	v7 =	vadd.f32 v7, v9;
	v9 =	vmctz.xlane vm0  }
0x34d: {  	v19 =	vld [tilespmem:s25+$0xFFFFE400];
	v11 =	vadd.f32 v17, v11  }
0x34e: {  	v15 =	vld [tilespmem:s23+$0xFFFFFC00];
	v7 =	vadd.f32 v12, v7;
	v9 =	vxor.u32 $0x80000000, v9  }
0x34f: {  	v18 =	vld [tilespmem:s25+$0xFFFFE000];
	v10 =	vadd.f32 v10, v11;
	(xrf0) =	vmax.scan.msk.u32 $0xffff, v9  }
0x350: {  	v21 =	vld [tilespmem:s23+$0x0];
	v7 =	vadd.f32 v8, v7  }
0x351: {  	p5 =	por $0x0, $0x0;
	v17 =	vld [tilespmem:s23+$0x1800];
	v8 =	vadd.f32 v13, v10  }
.Ltmp12:
0x352: {  	p2 =	por $0x1, $0x1;
	v63, _, _ =	vpop (xrf2);
	v12 =	vld [tilespmem:s25+$0xFFFFE800];
	s0 =	spop (v2sf);
	v7 =	vadd.f32 v14, v7;
	(pc) =	sbr.rel @p5 .LBB2_23-.Ltmp12, $4  }
0x353: {  	v13 =	vld [tilespmem:s23+$0x400];
	s24 =	sadd.f32 s0, s2;
	s0 =	simm.s32 @!p2 $0x0;
	v14, _, _ =	vpop (xrf2);
	v8 =	vadd.f32 v15, v8  }
0x354: {  	v11 =	vadd.f32 v19, v18;
	v10 =	vld [tilespmem:s23+$0x800];
	s0 =	simm.s32 @p2 $0x1;
	v9 =	vadd.f32 v20, v7;
	v7 =	vperm.xlane v14, v3  }
0x355: {  	(v2sf) =	vpush v63, $0xF;
	v15 =	vld [tilespmem:s25+$0xFFFFEC00];
	[smem:$0x7FB] =	sst s0;
	v18 =	vadd.f32 v21, v8;
	v14, _, _ =	vpop (xrf0)  }
0x356: {  	s28 =	simm.s32 $0x800003A0;
	vm0 =	vmmov vm0;
	[dreg:$0x10] =	wrdreg s24;
	v8 =	vld [tilespmem:s23+$0x1400];
	(xrf2) =	vadd.scan.msk.f32 $0xffff, v9;
	v7 =	vsub.f32 v7, v16;
	(v2sf) =	vpush v14, $0xF  }
0x357: {  	_ = 	snop  }
0x358: {  	v14 =	vld [tilespmem:s23+$0xC00];
	v19 =	vperm.xlane v9, v3  }
0x359: {  	v13 =	vadd.f32 v13, v18;
	v18 =	vld [tilespmem:s25+$0xFFFFF000];
	v20 =	vadd.f32 s24, v7  }
0x35a: {  	v11 =	vadd.f32 v12, v11;
	v12 =	vld [tilespmem:s23+$0x1000];
	(xrf2) =	vadd.scan.msk.f32 $0xffff, v19  }
0x35b: {  	vm2 =	vgt.f32 v16, $0.0e+00;
	v10 =	vadd.f32 v10, v13;
	v13 =	vld [tilespmem:s25+$0xFFFFF400];
	vm1 =	vle.f32 v20, v5  }
0x35c: {  	v16 =	vld [tilespmem:s25+$0xFFFFF800];
	s31 =	simm.s32 $0x1AAA0;
	v11 =	vadd.f32 v15, v11;
	vm1 =	vmand vm2, vm1  }
0x35d: {  	v19 =	vld [tilespmem:s31+$0xFFFFE000];
	v10 =	vadd.f32 v14, v10;
	v14 =	vmctz.xlane vm1  }
0x35e: {  	v15 =	vld [tilespmem:s25+$0xFFFFFC00];
	v11 =	vadd.f32 v18, v11  }
0x35f: {  	v20 =	vld [tilespmem:s23+$0x1C00];
	v10 =	vadd.f32 v12, v10;
	v12 =	vxor.u32 $0x80000000, v14  }
0x360: {  	v18 =	vld [tilespmem:s31+$0xFFFFE400];
	v11 =	vadd.f32 v13, v11;
	(xrf0) =	vmax.scan.msk.u32 $0xffff, v12  }
0x361: {  	v21 =	vld [tilespmem:s25+$0x0];
	v8 =	vadd.f32 v8, v10  }
0x362: {  	p5 =	por $0x0, $0x0;
	v14 =	vld [tilespmem:s25+$0x1800];
	v10 =	vadd.f32 v16, v11  }
.Ltmp13:
0x363: {  	v13 =	vld [tilespmem:s25+$0x400];
	v16, _, _ =	vpop (xrf2);
	v8 =	vadd.f32 v17, v8;
	(pc) =	sbr.rel @p5 .LBB2_25-.Ltmp13, $4  }
0x364: {  	p3 =	por $0x1, $0x1;
	v12 =	vld [tilespmem:s31+$0xFFFFE800];
	v15 =	vadd.f32 v15, v10;
	v22, _, _ =	vpop (xrf2);
	s0 =	spop (v2sf)  }
0x365: {  	v11 =	vadd.f32 v18, v19;
	v10 =	vld [tilespmem:s25+$0x800];
	v17 =	vadd.f32 v20, v8;
	v19 =	vperm.xlane v22, v3;
	s18 =	sadd.f32 s0, s24;
	s0 =	simm.s32 @!p3 $0x0  }
0x366: {  	vm2 =	vmmov vm0;
	(v2sf) =	vpush v16, $0xF;
	v8 =	vld [tilespmem:s25+$0x1400];
	v18 =	vadd.f32 v21, v15;
	v20, _, _ =	vpop (xrf0);
	s0 =	simm.s32 @p3 $0x1  }
0x367: {  	s26 =	simm.s32 $0x80000390;
	vm1 =	vmmov vm1;
	s6 =	spop (v2sf);
	v15 =	vld [tilespmem:s31+$0xFFFFEC00];
	(xrf2) =	vadd.scan.msk.f32 $0xffff, v17;
	v16 =	vsub.f32 v19, v9;
	(v2sf) =	vpush v20, $0xF;
	[smem:$0x7FC] =	sst s0  }
0x368: {  	v13 =	vadd.f32 v13, v18;
	v18 =	vld [tilespmem:s25+$0xC00]  }
0x369: {  	v19 =	vperm.xlane v17, v3;
	v20 =	vld [tilespmem:s31+$0xFFFFF000]  }
0x36a: {  	v21 =	vadd.f32 s18, v16;
	v11 =	vadd.f32 v12, v11;
	v12 =	vld [tilespmem:s25+$0x1000]  }
0x36b: {  	s23 =	sxor.u32 $0x80000000, s6;
	vm4 =	vgt.f32 v9, $0.0e+00;
	v10 =	vadd.f32 v10, v13;
	(xrf2) =	vadd.scan.msk.f32 $0xffff, v19;
	v19 =	vld [tilespmem:s31+$0xFFFFF400]  }
0x36c: {  	v13 =	vmov s23;
	vm3 =	vle.f32 v21, v5;
	v11 =	vadd.f32 v15, v11  }
0x36d: {  	vm5 =	veq.s32 v13, v0;
	v21 =	vld [tilespmem:s31+$0xFFFFF800];
	vm3 =	vmand vm4, vm3  }
0x36e: {  	v13 =	vnsel vm5, $0x0, v6;
	v10 =	vadd.f32 v18, v10;
	v11 =	vadd.f32 v20, v11  }
0x36f: {  	s23 =	simm.s32 $0x1AA90;
	v15 =	vld [tilespmem:s31+$0xFFFFFC00];
	v18 =	vmctz.xlane vm3;
	(xrf2) =	vadd.scan.msk.f32 $0xffff, v13  }
0x370: {  	v22 =	vld [tilespmem:s23+$0xFFFFE000];
	v13 =	vsel vm2, $0x3F800000, v1;
	v10 =	vadd.f32 v12, v10;
	v11 =	vadd.f32 v19, v11  }
0x371: {  	v20 =	vld [tilespmem:s23+$0xFFFFE400];
	(xrf0) =	vmax.scan.msk.f32 $0xffff, v13;
	v12 =	vxor.u32 $0x80000000, v18  }
0x372: {  	s0 =	simm.s32 $0x800003B0;
	v18 =	vld [tilespmem:s25+$0x1C00];
	(xrf0) =	vmax.scan.msk.u32 $0xffff, v12;
	v8 =	vadd.f32 v8, v10;
	v10 =	vadd.f32 v21, v11  }
0x373: {  	s20 =	simm.s32 $0x800003C0;
	[dreg:$0xe] =	wrdreg s0;
	v19 =	vld [tilespmem:s31+$0x0]  }
0x374: {  	s21 =	simm.s32 $0x800003D0;
	v28 =	vld [tilespmem:s31+$0x1800];
	p6 =	por $0x0, $0x0;
	[dreg:$0xd] =	wrdreg s20;
	v8 =	vadd.f32 v14, v8;
	v14 =	vadd.f32 v15, v10  }
.Ltmp14:
0x375: {  	s22 =	simm.s32 $0x800003E0;
	[dreg:$0xc] =	wrdreg s21;
	v13 =	vld [tilespmem:s31+$0x400];
	v23, _, _ =	vpop (xrf2);
	(pc) =	sbr.rel @p6 .LBB2_27-.Ltmp14, $4  }
0x376: {  	s9 =	sadd.s32 $0x800003F0, s6;
	[dreg:$0xb] =	wrdreg s22;
	v12 =	vld [tilespmem:s23+$0xFFFFE800];
	v11 =	vadd.f32 v20, v22;
	v15, _, _ =	vpop (xrf2)  }
0x377: {  	[dreg:$0x11] =	wrdreg s9;
	v10 =	vld [tilespmem:s31+$0x800];
	s30 =	spop (v2sf);
	v21 =	vadd.f32 v18, v8;
	v20 =	vperm.xlane v15, v3;
	(v2sf) =	vpush v23, $0xF;
	v15, _, _ =	vpop (xrf0)  }
0x378: {  	vm4 =	vmmov vm1;
	v8 =	vld [tilespmem:s31+$0x1400];
	v18 =	vadd.f32 v19, v14;
	s29 =	spop (v2sf);
	(v2sf) =	vpush v15, $0xF;
	s21 =	sadd.f32 s30, s18;
	v14, _, _ =	vpop (xrf0)  }
0x379: {  	s20 =	simm.s32 $0x80000380;
	s0 =	simm.s32 $0x800003F0;
	vm3 =	vmmov vm3;
	v15 =	vld [tilespmem:s23+$0xFFFFEC00];
	(xrf2) =	vadd.scan.msk.f32 $0xffff, v21;
	v24 =	vsub.f32 v20, v17;
	v23, _, _ =	vpop (xrf2);
	[dreg:$0xf] =	wrdreg s29;
	(v2sf) =	vpush v14, $0xF  }
0x37a: {  	v13 =	vadd.f32 v13, v18;
	v18 =	vperm.xlane v21, v3  }
0x37b: {  	v14 =	vld [tilespmem:s31+$0xC00]  }
0x37c: {  	(v2sf) =	vpush v23, $0xF;
	v19 =	vld [tilespmem:s23+$0xFFFFF000];
	(xrf2) =	vadd.scan.msk.f32 $0xffff, v18  }
0x37d: {  	s19 =	sxor.u32 $0x80000000, s29;
	v20 =	vadd.f32 s21, v24;
	v11 =	vadd.f32 v12, v11;
	v12 =	vld [tilespmem:s31+$0x1000]  }
0x37e: {  	vm6 =	vgt.f32 v17, $0.0e+00;
	s25 =	simm.s32 $0x1AA80;
	v10 =	vadd.f32 v10, v13;
	v13 =	vmov s19;
	v18 =	vld [tilespmem:s23+$0xFFFFF400]  }
0x37f: {  	v22 =	vld [tilespmem:s25+$0xFFFFE000];
	vm5 =	vle.f32 v20, v5;
	vm7 =	veq.s32 v13, v0;
	v11 =	vadd.f32 v15, v11  }
0x380: {  	v20 =	vld [tilespmem:s23+$0xFFFFF800];
	vm5 =	vmand vm6, vm5;
	v13 =	vnsel vm7, $0x0, v7;
	v10 =	vadd.f32 v14, v10  }
0x381: {  	v14 =	vmctz.xlane vm5;
	(xrf2) =	vadd.scan.msk.f32 $0xffff, v13;
	v13 =	vsel vm4, $0x3F800000, v1;
	v11 =	vadd.f32 v19, v11;
	v19 =	vld [tilespmem:s25+$0xFFFFE400]  }
0x382: {  	(xrf0) =	vmax.scan.msk.f32 $0xffff, v13  }
0x383: {  	[dreg:$0xa] =	wrdreg s0;
	v15 =	vld [tilespmem:s23+$0xFFFFFC00];
	v10 =	vadd.f32 v12, v10;
	v12 =	vxor.u32 $0x80000000, v14;
	v11 =	vadd.f32 v18, v11  }
0x384: {  	p6 =	por $0x0, $0x0;
	s11 =	sadd.s32 $0x800003E0, s29;
	s8 =	simm.s32 $0x80000370;
	v18 =	vld [tilespmem:s31+$0x1C00];
	(xrf0) =	vmax.scan.msk.u32 $0xffff, v12  }
0x385: {  	v25 =	vld [tilespmem:s23+$0x0];
	p4 =	por $0x1, $0x1;
	s3 =	simm.s32 $0x800003D0;
	s5 =	simm.s32 $0x800003C0;
	v8 =	vadd.f32 v8, v10;
	v10 =	vadd.f32 v20, v11;
	v20, _, _ =	vpop (xrf2)  }
0x386: {  	s1 =	simm.s32 $0x0;
	s30 =	smov.u32 s2;
	s4 =	smov.u32 s9;
	v13 =	vld [tilespmem:s23+$0x400];
	v11 =	vadd.f32 v19, v22;
	v22, _, _ =	vpop (xrf2)  }
.Ltmp15:
0x387: {  	s13 =	simm.f32 $0.0e+00;
	s0 =	simm.s32 @!p4 $0x0;
	v14 =	vld [tilespmem:s23+$0x1800];
	v8 =	vadd.f32 v28, v8;
	v22 =	vperm.xlane v22, v3;
	(pc) =	sbr.rel @p6 .LBB2_29-.Ltmp15, $4  }
0x388: {  	s7 =	simm.s32 $0x800003B0;
	s0 =	simm.s32 @p4 $0x1;
	v12 =	vld [tilespmem:s25+$0xFFFFE800];
	s22 =	spop (v2sf);
	v15 =	vadd.f32 v15, v10;
	(v2sf) =	vpush v20, $0xF;
	v20, _, _ =	vpop (xrf0)  }
0x389: {  	v27 =	vmovc v16;
	s9 =	smov.u32 s21;
	[smem:$0x7FD] =	sst s0;
	vm6 =	vmmov vm3;
	v10 =	vld [tilespmem:s23+$0x800];
	s12 =	spop (v2sf);
	v19 =	vadd.f32 v18, v8;
	(v2sf) =	vpush v20, $0xF  }
0x38a: {  	s0 =	smov.u32 s18;
	vm5 =	vmmov vm5;
	s31 =	simm.s32 $0x1AA80;
	v8 =	vld [tilespmem:s23+$0x1400];
	s29 =	spop (v2sf);
	v18 =	vadd.f32 v25, v15;
	v25, _, _ =	vpop (xrf0);
	v20 =	vsub.f32 v22, v21  }
0x38b: {  	s15 =	sadd.f32 s22, s21;
	s22 =	smov.u32 s24;
	v15 =	vld [tilespmem:s25+$0xFFFFEC00];
	s19 =	spop (v2sf);
	(xrf2) =	vadd.scan.msk.f32 $0xffff, v19;
	(v2sf) =	vpush v25, $0xF;
	v26, _, _ =	vpop (xrf2);
	v25 =	vmov v24;
	v22 =	vmov v21  }
.LBB2_30:
0x38c: {  	p6 =	seq.s32 s8, $0x80000000;
	v13 =	vadd.f32 v13, v18;
	v18 =	vld [tilespmem:s23+$0xC00];
	v28 =	vperm.xlane v19, v3;
	(v2sf) =	vpush v26, $0xF;
	p5 =	sgt.f32 s12, $0.0e+00;
	s12 =	sadd.f32 s19, s30  }
0x38d: {  	s17 =	sxor.u32 $0x80000000, s29;
	s19 =	sadd.s32 s3, s29;
	s3 =	smov.u32 s5;
	v26 =	vld [tilespmem:s25+$0xFFFFF000];
	v29 =	vadd.f32 s15, v20  }
0x38e: {  	v11 =	vadd.f32 v12, v11;
	v10 =	vadd.f32 v10, v13;
	v12 =	vld [tilespmem:s23+$0x1000];
	(xrf2) =	vadd.scan.msk.f32 $0xffff, v28;
	v13 =	vmov s17;
	s1 =	smov.u32 @p5 s4;
	s13 =	smov.u32 @p5 s12;
	s4 =	smov.u32 s11  }
0x38f: {  	vm8 =	vgt.f32 v22, $0.0e+00;
	v22 =	vmovc v19;
	s5 =	smov.u32 s7;
	s7 =	smov.u32 s28;
	s11 =	smov.u32 s19;
	v28 =	vld [tilespmem:s25+$0xFFFFF400];
	vm7 =	vle.f32 v29, v5;
	vm9 =	veq.s32 v13, v0  }
0x390: {  	s28 =	smov.u32 s26;
	s26 =	smov.u32 s20;
	s20 =	smov.u32 s8;
	v11 =	vadd.f32 v15, v11;
	v15 =	vld [tilespmem:s25+$0xFFFFFC00];
	vm7 =	vmand vm8, vm7;
	v13 =	vnsel vm9, $0x0, v27;
	v27 =	vmovc v25;
	v25 =	vmovc v20  }
0x391: {  	s30 =	smov.u32 s22;
	s22 =	smov.u32 s0;
	s25 =	sadd.s32 $0xFFFFFFF0, s25;
	v19 =	vld [tilespmem:s31+$0xFFFFF800];
	v10 =	vadd.f32 v18, v10;
	v18 =	vmctz.xlane vm7;
	(xrf2) =	vadd.scan.msk.f32 $0xffff, v13  }
0x392: {  	s0 =	smov.u32 s9;
	s9 =	smov.u32 s15;
	v13 =	vsel vm6, $0x3F800000, v1;
	vm6 =	vmmov vm5;
	v20 =	vld [tilespmem:s25+$0xFFFFE000];
	v11 =	vadd.f32 v26, v11  }
0x393: {  	vm5 =	vmmov vm7;
	v26 =	vld [tilespmem:s25+$0xFFFFE400];
	v10 =	vadd.f32 v12, v10;
	v12 =	vxor.u32 $0x80000000, v18;
	(xrf0) =	vmax.scan.msk.f32 $0xffff, v13  }
0x394: {  	v11 =	vadd.f32 v28, v11;
	v18 =	vld [tilespmem:s23+$0x1C00];
	(xrf0) =	vmax.scan.msk.u32 $0xffff, v12;
	s23 =	smov.u32 s31;
	s31 =	smov.u32 s25  }
0x395: {  	v28 =	vld [tilespmem:s23+$0x0];
	v8 =	vadd.f32 v8, v10;
	v29, _, _ =	vpop (xrf2)  }
0x396: {  	v10 =	vadd.f32 v19, v11;
	v30 =	vld [tilespmem:s23+$0x1800]  }
.Ltmp16:
0x397: {  	v13 =	vld [tilespmem:s23+$0x400];
	v8 =	vadd.f32 v14, v8;
	(pc) =	sbr.rel @!p6 .LBB2_30-.Ltmp16, $4  }
0x398: {  	v11 =	vadd.f32 v26, v20;
	v31 =	vadd.f32 v15, v10;
	v10 =	vld [tilespmem:s23+$0x800];
	v15, _, _ =	vpop (xrf2);
	s17 =	spop (v2sf)  }
0x399: {  	v12 =	vld [tilespmem:s25+$0xFFFFE800];
	v19 =	vadd.f32 v18, v8;
	v20 =	vperm.xlane v15, v3;
	(v2sf) =	vpush v29, $0xF;
	v15, _, _ =	vpop (xrf0);
	s12 =	spop (v2sf)  }
0x39a: {  	v18 =	vadd.f32 v28, v31;
	v8 =	vld [tilespmem:s23+$0x1400];
	v14, _, _ =	vpop (xrf0);
	s29 =	spop (v2sf);
	(v2sf) =	vpush v15, $0xF  }
0x39b: {  	s8 =	sadd.s32 $0xFFFFFFF0, s8;
	s15 =	sadd.f32 s17, s15;
	v15 =	vld [tilespmem:s25+$0xFFFFEC00];
	(xrf2) =	vadd.scan.msk.f32 $0xffff, v19;
	v20 =	vsub.f32 v20, v22;
	(v2sf) =	vpush v14, $0xF;
	v26, _, _ =	vpop (xrf2);
	s19 =	spop (v2sf);
	v14 =	vmov v30  }
0x39c: {  	[dreg:$0x12] =	wrdreg s28  }
0x39d: {  	s28 =	smov.u32 s20;
	p6 =	por $0x1, $0x1;
	p4 =	por $0x1, $0x1  }
.LBB2_32:
0x39e: {  	v28 =	vld [tilespmem:s25+$0xFFFFF000]  }
0x39f: {  	v29 =	vld @p4 [tilespmem:s23+$0xC00]  }
0x3a0: {  	v11 =	vadd.f32 v12, v11;
	v46 =	vld [tilespmem:s25+$0xFFFFF400]  }
0x3a1: {  	v12 =	vadd.f32 @p4 v13, v18;
	v18 =	vld @p4 [tilespmem:s23+$0x1000]  }
0x3a2: {  	v47 =	vld [tilespmem:s31+$0xFFFFF800];
	s24 =	sld [smem:$0x7F9];
	v11 =	vadd.f32 v15, v11  }
0x3a3: {  	v48 =	vld [tilespmem:s25+$0xFFFFFC00];
	s25 =	sld [smem:$0x7FA]  }
0x3a4: {  	s17 =	sld [smem:$0x7FC];
	v10 =	vadd.f32 @p4 v10, v12;
	v11 =	vadd.f32 v28, v11;
	_ =	sdelay $0x1  }
0x3a5: {  	s8 =	simm.s32 @!p6 $0x0;
	p0 =	seq.s32 s24, $0x1;
	p1 =	seq.s32 s25, $0x1;
	v10 =	vadd.f32 @p4 v29, v10;
	v11 =	vadd.f32 v46, v11  }
0x3a6: {  	v49 =	vld [tilespmem:s31+$0x0];
	s8 =	simm.s32 @p6 $0x1;
	p3 =	seq.s32 s17, $0x1;
	v15 =	vperm.xlane @p0 v19, v3;
	v30 =	vadd.f32 @p1 s15, v20  }
0x3a7: {  	[smem:$0x7F8] =	sst s8;
	s8 =	sxor.u32 @p3 $0x80000000, s29;
	v10 =	vadd.f32 @p4 v18, v10;
	v11 =	vadd.f32 v47, v11  }
0x3a8: {  	vm8 =	vgt.f32 @p1 v22, $0.0e+00;
	v29 =	vmov @p3 s8;
	(xrf2) =	vadd.scan.msk.f32 @p0 $0xffff, v15;
	vm7 =	vle.f32 @p1 v30, v5;
	v15 =	vld @p4 [tilespmem:s23+$0x1C00]  }
0x3a9: {  	vm9 =	veq.s32 @p3 v29, v0;
	v8 =	vadd.f32 @p4 v8, v10;
	v11 =	vadd.f32 v48, v11  }
0x3aa: {  	v50 =	vld [tilespmem:s31+$0x400];
	vm7 =	vmand @p1 vm8, vm7;
	v12 =	vnsel @p3 vm9, $0x0, v27  }
0x3ab: {  	v18 =	vmctz.xlane @p1 vm7;
	v8 =	vadd.f32 @p4 v14, v8;
	v11 =	vadd.f32 v49, v11  }
0x3ac: {  	v51 =	vld [tilespmem:s31+$0x800];
	(xrf2) =	vadd.scan.msk.f32 @p3 $0xffff, v12;
	v12 =	vsel @p3 vm6, $0x3F800000, v1  }
0x3ad: {  	(xrf0) =	vmax.scan.msk.f32 @p3 $0xffff, v12;
	v18 =	vxor.u32 @p1 $0x80000000, v18;
	v8 =	vadd.f32 @p4 v15, v8  }
0x3ae: {  	v52 =	vld [tilespmem:s31+$0xC00];
	(xrf0) =	vmax.scan.msk.u32 @p1 $0xffff, v18  }
0x3af: {  	v10 =	vadd.f32 v50, v11;
	v11, _, _ =	vpop @p0 (xrf2);
	(xrf2) =	vadd.scan.msk.f32 @p4 $0xffff, v8;
	_ =	sdelay $0x1  }
0x3b0: {  	v10 =	vadd.f32 v51, v10  }
0x3b1: {  	v53 =	vld [tilespmem:s31+$0x1000];
	s17 =	sld [smem:$0x7FB]  }
0x3b2: {  	(v2sf) =	vpush @p6 v26, $0xF;
	v15, _, _ =	vpop @p0 (xrf2);
	v10 =	vadd.f32 v52, v10  }
0x3b3: {  	s8 =	spop @p1 (v2sf);
	(v2sf) =	vpush @p0 v11, $0xF;
	v11, _, _ =	vpop @p3 (xrf0);
	v15 =	vperm.xlane @p0 v15, v3  }
0x3b4: {  	p2 =	seq.s32 s17, $0x1;
	s23 =	spop @p6 (v2sf);
	v18, _, _ =	vpop @p1 (xrf0);
	(v2sf) =	vpush @p3 v11, $0xF;
	v11 =	vmov @p0 v19  }
0x3b5: {  	s17 =	spop @p2 (v2sf);
	(v2sf) =	vpush @p1 v18, $0xF;
	v15 =	vsub.f32 @p0 v15, v11;
	v11 =	vpsel p0, v11, v17  }
0x3b6: {  	v54 =	vld [tilespmem:s31+$0x1400];
	v14 =	vadd.f32 v53, v10;
	v10, _, _ =	vpop @p3 (xrf2)  }
0x3b7: {  	v8 =	vpsel p4, v8, v21;
	v23 =	vpsel p3, v10, v23  }
0x3b8: {  	v55 =	vld [tilespmem:s31+$0x1800];
	v21 =	vperm.xlane @p4 v8, v3;
	vm6 =	vgt.f32 @p0 v11, $0.0e+00;
	(v2sf) =	vpush @p3 v23, $0xF;
	v11, _, _ =	vpop @p4 (xrf2)  }
0x3b9: {  	(v2sf) =	vpush @p4 v11, $0xF  }
0x3ba: {  	v56 =	vld [tilespmem:s31+$0x1C00];
	s24 =	rddreg [dreg:$0xf];
	(xrf2) =	vadd.scan.msk.f32 @p4 $0xffff, v21  }
0x3bb: {  	s24 =	smov.u32 @p2 s17;
	v12 =	vadd.f32 v54, v14  }
0x3bc: {  	s17 =	sxor.u32 @p2 $0x80000000, s24  }
0x3bd: {  	v22 =	vmov @p2 v25;
	v18 =	vmov @p2 s17;
	v12 =	vadd.f32 v55, v12  }
0x3be: {  	vm5 =	vmmov @p2 vm5;
	s8 =	sadd.f32 @p1 s8, s15;
	vm8 =	veq.s32 @p2 v18, v0;
	v14 =	vpsel p2, v22, v7  }
0x3bf: {  	vm4 =	vmmov @p2 vm5;
	v13 =	vnsel @p2 vm8, $0x0, v14;
	v12 =	vadd.f32 v56, v12  }
0x3c0: {  	s21 =	smov.u32 @p1 s8;
	v10 =	vpsel p0, v15, v24;
	(xrf2) =	vadd.scan.msk.f32 @p2 $0xffff, v13;
	v11 =	vsel @p2 vm4, $0x3F800000, v1  }
0x3c1: {  	s17 =	spop @p6 (v2sf);
	v15 =	vadd.f32 @p0 s21, v10;
	(xrf0) =	vmax.scan.msk.f32 @p2 $0xffff, v11;
	v57 =	vperm.xlane v12, v3  }
0x3c2: {  	(xrf2) =	vadd.scan.msk.f32 $0xffff, v12;
	s20 =	spop @p0 (v2sf)  }
0x3c3: {  	vm5 =	vle.f32 @p0 v15, v5;
	(xrf2) =	vadd.scan.msk.f32 $0xffff, v57;
	s8 =	spop @p3 (v2sf)  }
0x3c4: {  	vm5 =	vmand @p0 vm6, vm5;
	v11, _, _ =	vpop @p4 (xrf2);
	s25 =	spop @p1 (v2sf)  }
0x3c5: {  	v13 =	vmctz.xlane @p0 vm5;
	v11 =	vperm.xlane @p4 v11, v3;
	s20 =	sadd.f32 @p0 s20, s21;
	s6 =	smov.u32 @p1 s25  }
0x3c6: {  	[dreg:$0x17] =	wrdreg s6;
	s25 =	sxor.u32 @p1 $0x80000000, s6  }
0x3c7: {  	v13 =	vxor.u32 @p0 $0x80000000, v13;
	v11 =	vsub.f32 @p4 v11, v8;
	v15 =	vmov @p1 s25;
	s25 =	smov.u32 s18;
	s18 =	smov.u32 @p0 s20;
	s20 =	spop @p3 (v2sf)  }
0x3c8: {  	(xrf0) =	vmax.scan.msk.u32 @p0 $0xffff, v13;
	[dreg:$0x18] =	wrdreg s18;
	s31 =	spop @p4 (v2sf)  }
0x3c9: {  	v14, _, _ =	vpop @p2 (xrf0);
	v11 =	vpsel p4, v11, v16;
	s6 =	sadd.f32 @p4 s31, s18  }
0x3ca: {  	vm4 =	vmmov @p1 vm7;
	(v2sf) =	vpush @p2 v14, $0xF;
	v14 =	vadd.f32 @p4 s18, v11;
	s18 =	sld [smem:$0x7FD]  }
0x3cb: {  	vm3 =	vmmov @p1 vm4;
	v18, _, _ =	vpop @p2 (xrf2)  }
0x3cc: {  	vm3 =	vmmov @p1 vm3;
	v13 =	vmov @p1 v20;
	v8 =	vpsel p4, v8, v9;
	v58, _, _ =	vpop (xrf2)  }
0x3cd: {  	s3 =	sadd.s32 @p3 s3, s29;
	s29 =	rddreg [dreg:$0xb];
	vm2 =	vmmov @p1 vm3;
	v13 =	vpsel p1, v13, v16;
	vm6 =	vgt.f32 @p4 v8, $0.0e+00;
	v59, _, _ =	vpop (xrf2);
	p6 =	seq.s32 s18, $0x1  }
0x3ce: {  	v9 =	vpsel p1, v13, v6;
	v17, _, _ =	vpop @p0 (xrf0);
	vm4 =	vle.f32 @p4 v14, v5;
	v60 =	vperm.xlane v59, v3;
	p5 =	sgt.f32 @p6 s12, $0.0e+00;
	s12 =	rddreg [dreg:$0x10]  }
0x3cf: {  	(v2sf) =	vpush @p0 v17, $0xF;
	vm7 =	veq.s32 @p1 v15, v0;
	vm3 =	vmand @p4 vm6, vm4;
	s19 =	sadd.f32 @p6 s19, s30  }
0x3d0: {  	v9 =	vnsel @p1 vm7, $0x0, v9;
	v13 =	vmctz.xlane @p4 vm3;
	v8 =	vsub.f32 v60, v12;
	s30 =	rddreg [dreg:$0xc];
	s31 =	smov.u32 s12  }
0x3d1: {  	v14 =	vsel @p1 vm2, $0x3F800000, v1;
	(xrf2) =	vadd.scan.msk.f32 @p1 $0xffff, v9;
	s18 =	smov.u32 s12;
	s12 =	smov.u32 @p4 s6;
	p5 =	por !p5, !p6  }
0x3d2: {  	(xrf0) =	vmax.scan.msk.f32 @p1 $0xffff, v14;
	v9 =	vxor.u32 @p4 $0x80000000, v13;
	s6 =	smov.u32 @p1 s7;
	v61 =	vadd.f32 s12, v8;
	s4 =	smov.u32 @p5 s1;
	s1 =	smov.u32 s29  }
0x3d3: {  	vm2 =	vmmov @p0 vm5;
	(xrf0) =	vmax.scan.msk.u32 @p4 $0xffff, v9;
	s19 =	smov.u32 @p5 s13;
	s1 =	smov.u32 @p2 s5;
	s5 =	simm.s32 $0x0  }
0x3d4: {  	vm12 =	vgt.f32 v12, $0.0e+00;
	vm1 =	vmmov @p0 vm2;
	s13 =	smov.u32 s30;
	vm2 =	vle.f32 v61, v5;
	s5 =	smov.u32 @p6 s4;
	s4 =	sld [smem:$0x7F8]  }
0x3d5: {  	[dreg:$0x1a] =	wrdreg s8;
	v9 =	vpsel p2, v18, v0;
	s13 =	smov.u32 @p1 s6;
	s6 =	simm.f32 $0.0e+00;
	vm13 =	vmand vm12, vm2  }
0x3d6: {  	s8 =	rddreg [dreg:$0x11];
	vm5 =	vmmov @p0 vm1;
	(v2sf) =	vpush @p2 v9, $0xF;
	s6 =	smov.u32 @p6 s19;
	s19 =	smov.u32 s2;
	v62 =	vmctz.xlane vm13  }
0x3d7: {  	s8 =	smov.u32 @p3 s3;
	(v2sf) =	vpush v58, $0xF;
	vm2 =	vmmov @p0 vm5;
	s19 =	smov.u32 @p3 s0;
	p5 =	seq.s32 s4, $0x1  }
0x3d8: {  	v12, _, _ =	vpop @p1 (xrf0);
	v13 =	vsel @p0 vm2, $0x3F800000, v1;
	s0 =	smov.u32 @p1 s15;
	v9 =	vxor.u32 $0x80000000, v62;
	s4 =	smov.u32 @p5 s23;
	p6 =	por p5, p5  }
0x3d9: {  	(v2sf) =	vpush @p1 v12, $0xF;
	v12, _, _ =	vpop @p4 (xrf0);
	(xrf0) =	vmax.scan.msk.f32 @p0 $0xffff, v13;
	s25 =	smov.u32 @p1 s0;
	p5 =	sgt.f32 @p5 s4, $0.0e+00;
	s4 =	smov.u32 @p6 s22  }
0x3da: {  	(v2sf) =	vpush @p4 v12, $0xF;
	(xrf0) =	vmax.scan.msk.u32 $0xffff, v9;
	s23 =	rddreg [dreg:$0xd];
	s7 =	smov.u32 @p6 s17;
	s4 =	smov.u32 @p6 s4  }
0x3db: {  	s0 =	smov.u32 @p1 s13;
	s3 =	smov.u32 @p6 s11;
	v9, _, _ =	vpop @p1 (xrf2);
	s17 =	sadd.f32 @p6 s7, s4  }
0x3dc: {  	s22 =	rddreg [dreg:$0xa];
	s11 =	smov.u32 @p6 s3;
	p5 =	por !p5, !p6;
	v9 =	vpsel p1, v9, v0  }
0x3dd: {  	s3 =	smov.u32 @p4 s26;
	s17 =	smov.u32 @p5 s6;
	s6 =	rddreg [dreg:$0xe]  }
0x3de: {  	s7 =	spop @p2 (v2sf);
	s6 =	smov.u32 @p4 s3;
	s3 =	smov.u32 @p2 s9  }
0x3df: {  	s4 =	rddreg [dreg:$0x12];
	s31 =	smov.u32 @p2 s3;
	s3 =	spop @p0 (v2sf);
	(v2sf) =	vpush @p1 v9, $0xF;
	v9, _, _ =	vpop @p0 (xrf0)  }
0x3e0: {  	s23 =	smov.u32 @p0 s4;
	s4 =	smov.u32 s22;
	s3 =	smov.u32 @p0 s3;
	v63, _, _ =	vpop (xrf0);
	(v2sf) =	vpush @p0 v9, $0xF  }
0x3e1: {  	s15 =	smov.u32 @p3 s20;
	s4 =	smov.u32 @p1 s0;
	s0 =	sxor.u32 @p0 $0x80000000, s3;
	(v2sf) =	vpush v63, $0xF  }
0x3e2: {  	v7 =	vpsel p0, v10, v7;
	s11 =	smov.u32 @p5 s5;
	s5 =	smov.u32 @p0 s23;
	s9 =	simm.s32 $0x0;
	v9 =	vmov @p0 s0  }
0x3e3: {  	v7 =	vpsel p0, v7, v0;
	s29 =	smov.u32 @p0 s5;
	s9 =	smov.u32 @p6 s11;
	s11 =	smov.u32 @p0 s21;
	vm2 =	veq.s32 @p0 v9, v0  }
0x3e4: {  	s5 =	smov.u32 s2;
	s18 =	smov.u32 @p0 s11;
	s0 =	smov.u32 @p4 s6;
	v7 =	vnsel @p0 vm2, $0x0, v7  }
0x3e5: {  	s11 =	spop @p2 (v2sf);
	s30 =	smov.u32 @p4 s0;
	s0 =	rddreg [dreg:$0x1a];
	(xrf2) =	vadd.scan.msk.f32 @p0 $0xffff, v7  }
0x3e6: {  	s6 =	smov.u32 @p1 s25;
	s25 =	spop (v2sf);
	s0 =	smov.u32 @p3 s0  }
0x3e7: {  	p5 =	sgt.f32 @p3 s0, $0.0e+00;
	s0 =	smov.u32 @p3 s8;
	s8 =	smov.u32 @p3 s19  }
0x3e8: {  	s5 =	smov.u32 @p1 s6;
	s6 =	spop @p1 (v2sf);
	s8 =	smov.u32 @p3 s8  }
0x3e9: {  	s8 =	sadd.f32 @p3 s15, s8;
	s15 =	spop @p4 (v2sf)  }
0x3ea: {  	s19 =	smov.u32 @p3 s0;
	p5 =	por !p5, !p3;
	s0 =	smov.u32 @p4 s15  }
0x3eb: {  	v7 =	vmov @p4 v11;
	s19 =	smov.u32 @p5 s9;
	s9 =	sxor.u32 @p4 $0x80000000, s0  }
0x3ec: {  	s13 =	simm.f32 $0.0e+00;
	v6 =	vpsel p4, v7, v6;
	v7 =	vmov @p4 s9  }
0x3ed: {  	s13 =	smov.u32 @p6 s17;
	s17 =	smov.u32 @p2 s31  }
0x3ee: {  	vm2 =	vmmov @p4 vm3;
	s15 =	smov.u32 @p2 s17;
	v6 =	vpsel p4, v6, v0;
	vm3 =	veq.s32 @p4 v7, v0;
	s17 =	spop @p1 (v2sf)  }
0x3ef: {  	vm0 =	vmmov @p4 vm2;
	s9 =	smov.u32 @p2 s7;
	v6 =	vnsel @p4 vm3, $0x0, v6;
	v7, _, _ =	vpop @p0 (xrf2);
	s7 =	spop @p0 (v2sf)  }
0x3f0: {  	vm0 =	vmmov @p4 vm0;
	(xrf2) =	vadd.scan.msk.f32 @p4 $0xffff, v6;
	v7 =	vpsel p0, v7, v0;
	s26 =	spop (v2sf)  }
0x3f1: {  	vm0 =	vmmov @p4 vm0;
	s8 =	smov.u32 @p5 s13;
	p5 =	sgt.f32 @p2 s9, $0.0e+00;
	(v2sf) =	vpush @p0 v7, $0xF;
	s9 =	sxor.u32 $0x80000000, s26  }
0x3f2: {  	v7 =	vsel @p4 vm0, $0x3F800000, v1;
	v6 =	vmov s9  }
0x3f3: {  	(xrf0) =	vmax.scan.msk.f32 @p4 $0xffff, v7;
	vm14 =	veq.s32 v6, v0  }
0x3f4: {  	s1 =	sadd.s32 @p2 s1, s24;
	vm15 =	vmmov vm13;
	v6 =	vnsel vm14, $0x0, v8  }
0x3f5: {  	s1 =	smov.u32 @p2 s1;
	vm0 =	vmmov vm15;
	(xrf2) =	vadd.scan.msk.f32 $0xffff, v6  }
0x3f6: {  	s20 =	simm.s32 $0x0;
	s5 =	smov.u32 @p1 s5;
	s6 =	smov.u32 @p1 s6;
	v6 =	vsel vm0, $0x3F800000, v1  }
0x3f7: {  	s5 =	smov.u32 @p1 s5;
	s13 =	smov.u32 @p2 s1;
	s1 =	smov.u32 @p4 s30  }
0x3f8: {  	s20 =	smov.u32 @p3 s19;
	s15 =	smov.u32 @p2 s15;
	s22 =	smov.u32 @p4 s1;
	(xrf0) =	vmax.scan.msk.f32 $0xffff, v6  }
0x3f9: {  	s9 =	smov.u32 @p2 s11;
	s11 =	smov.u32 @p2 s13;
	s13 =	simm.f32 $0.0e+00;
	v6, _, _ =	vpop @p4 (xrf0)  }
0x3fa: {  	p5 =	por !p5, !p2;
	s9 =	sadd.f32 @p2 s9, s15;
	s13 =	smov.u32 @p3 s8;
	(v2sf) =	vpush @p4 v6, $0xF;
	v6, _, _ =	vpop @p4 (xrf2)  }
0x3fb: {  	s11 =	smov.u32 @p5 s20;
	s8 =	smov.u32 @p0 s29;
	s15 =	rddreg [dreg:$0x17];
	v6 =	vpsel p4, v6, v0  }
0x3fc: {  	p3 =	sgt.f32 @p1 s6, $0.0e+00;
	s4 =	sadd.s32 @p1 s4, s15;
	s8 =	smov.u32 @p0 s8  }
0x3fd: {  	s3 =	sadd.s32 @p0 s8, s3;
	s8 =	simm.s32 $0x0;
	s4 =	smov.u32 @p1 s4;
	(v2sf) =	vpush @p4 v6, $0xF  }
0x3fe: {  	p3 =	por !p3, !p1;
	s8 =	smov.u32 @p2 s11;
	s4 =	smov.u32 @p1 s4;
	v6, _, _ =	vpop (xrf0)  }
0x3ff: {  	s9 =	smov.u32 @p5 s13;
	s4 =	smov.u32 @p3 s8;
	s8 =	simm.s32 $0x0;
	(v2sf) =	vpush v6, $0xF;
	v6, _, _ =	vpop (xrf2)  }
0x400: {  	s13 =	rddreg [dreg:$0x18];
	s8 =	smov.u32 @p1 s4;
	s4 =	spop @p0 (v2sf);
	(v2sf) =	vpush v6, $0xF  }
0x401: {  	s6 =	smov.u32 @p0 s18;
	s2 =	smov.u32 @p4 s13;
	s13 =	simm.f32 $0.0e+00  }
0x402: {  	s6 =	smov.u32 @p0 s6;
	s13 =	smov.u32 @p2 s9;
	s9 =	smov.u32 @p1 s17  }
0x403: {  	s6 =	smov.u32 @p0 s6;
	s3 =	smov.u32 @p0 s3;
	s5 =	sadd.f32 @p1 s9, s5  }
0x404: {  	s7 =	smov.u32 @p0 s7;
	s6 =	smov.u32 @p0 s6;
	s3 =	smov.u32 @p0 s3  }
0x405: {  	s5 =	smov.u32 @p3 s13;
	p3 =	sgt.f32 @p0 s7, $0.0e+00;
	s7 =	simm.f32 $0.0e+00  }
0x406: {  	s7 =	smov.u32 @p1 s5;
	s5 =	smov.u32 @p4 s22;
	s4 =	smov.u32 @p0 s4  }
0x407: {  	p2 =	por !p3, !p0;
	s5 =	smov.u32 @p4 s5;
	s4 =	sadd.f32 @p0 s4, s6  }
0x408: {  	s3 =	smov.u32 @p2 s8;
	s0 =	sadd.s32 @p4 s5, s0;
	s5 =	simm.s32 $0x0  }
0x409: {  	s5 =	smov.u32 @p0 s3;
	s3 =	simm.f32 $0.0e+00;
	s4 =	smov.u32 @p2 s7  }
0x40a: {  	s2 =	smov.u32 @p4 s2;
	s3 =	smov.u32 @p0 s4;
	s4 =	spop @p4 (v2sf)  }
0x40b: {  	s1 =	sadd.s32 s28, s26;
	s2 =	smov.u32 @p4 s2;
	s4 =	smov.u32 @p4 s4  }
0x40c: {  	s0 =	smov.u32 @p4 s0;
	p1 =	sgt.f32 @p4 s4, $0.0e+00;
	s4 =	spop @p4 (v2sf)  }
0x40d: {  	s2 =	smov.u32 @p4 s2;
	s0 =	smov.u32 @p4 s0;
	s4 =	smov.u32 @p4 s4  }
0x40e: {  	s2 =	sadd.f32 @p4 s4, s2;
	p1 =	por !p1, !p4;
	s30 =	spop (v2sf)  }
0x40f: {  	s4 =	simm.s32 $0x0;
	s0 =	smov.u32 @p1 s5;
	s31 =	spop (v2sf)  }
0x410: {  	s2 =	smov.u32 @p1 s3;
	p1 =	sgt.f32 s30, $0.0e+00;
	s3 =	sadd.f32 s31, s12  }
0x411: {  	s4 =	smov.u32 @p4 s0;
	s0 =	simm.s32 $0x0;
	s14 =	smov.u32 @p4 s2  }
0x412: {  	s4 =	smov.u32 @p1 s1;
	s1 =	simm.s32 $0x400;
	s14 =	smov.u32 @p1 s3  }
.LBB2_33:
0x413: {  	p0 =	seq.s32 s1, $0xFC00;
	[tilespmem:s0+$0x187F0] =	vst v1  }
0x414: {  	[tilespmem:s0+$0x18700] =	vst v1  }
0x415: {  	[tilespmem:s0+$0x18710] =	vst v1  }
0x416: {  	[tilespmem:s0+$0x18720] =	vst v1  }
0x417: {  	[tilespmem:s0+$0x18730] =	vst v1  }
0x418: {  	[tilespmem:s0+$0x18740] =	vst v1  }
0x419: {  	[tilespmem:s0+$0x18750] =	vst v1  }
0x41a: {  	[tilespmem:s0+$0x18760] =	vst v1  }
0x41b: {  	[tilespmem:s0+$0x18770] =	vst v1  }
0x41c: {  	[tilespmem:s0+$0x18780] =	vst v1  }
0x41d: {  	[tilespmem:s0+$0x18790] =	vst v1  }
.Ltmp17:
0x41e: {  	[tilespmem:s0+$0x187A0] =	vst v1;
	(pc) =	sbr.rel @!p0 .LBB2_33-.Ltmp17, $4  }
0x41f: {  	[tilespmem:s0+$0x187B0] =	vst v1  }
0x420: {  	[tilespmem:s0+$0x187C0] =	vst v1  }
0x421: {  	[tilespmem:s0+$0x187D0] =	vst v1  }
0x422: {  	[tilespmem:s0+$0x187E0] =	vst v1;
	s0 =	sshra.s32 s1, $0x2;
	s1 =	sadd.s32 $0x400, s1  }
0x423: {  	[tilespmem:s0+$0x187F0] =	vst v1  }
0x424: {  	[tilespmem:s0+$0x18700] =	vst v1  }
0x425: {  	[tilespmem:s0+$0x18710] =	vst v1  }
0x426: {  	[tilespmem:s0+$0x18720] =	vst v1  }
0x427: {  	[tilespmem:s0+$0x18730] =	vst v1  }
0x428: {  	[tilespmem:s0+$0x18740] =	vst v1  }
0x429: {  	[tilespmem:s0+$0x18750] =	vst v1  }
0x42a: {  	[tilespmem:s0+$0x18760] =	vst v1  }
0x42b: {  	[tilespmem:s0+$0x18770] =	vst v1  }
0x42c: {  	[tilespmem:s0+$0x18780] =	vst v1  }
0x42d: {  	[tilespmem:s0+$0x18790] =	vst v1  }
0x42e: {  	[tilespmem:s0+$0x187A0] =	vst v1  }
0x42f: {  	[tilespmem:s0+$0x187B0] =	vst v1  }
0x430: {  	[tilespmem:s0+$0x187C0] =	vst v1  }
0x431: {  	[tilespmem:s0+$0x187D0] =	vst v1;
	s31 =	sshll.u32 s16, $0xA  }
0x432: {  	[tilespmem:s0+$0x187E0] =	vst v1;
	s0 =	sor.u32 s31, s4  }
0x433: {  	[dreg:$0x9] =	wrdreg s0;
	v6 =	vmov s0;
	s0 =	simm.s32 $0x50  }
0x434: {  	v7 =	vld [tilespmem:s0+$0xFFFFFFB0];
	_ =	sdelay $0x4  }
0x435: {  	v8 =	vmul.f32 $1.442695020e+00, v7;
	_ =	sdelay $0x1  }
0x436: {  	v9 =	vshra.s32 v7, $0x1F;
	(erf) = vpow2.f32 v8  }
0x437: {  	v8 =	vor.u32 $0x80000000, v9  }
0x438: {  	v7 =	vxor.u32 v7, v8  }
0x439: {  	v8 =	vshrl.u32 v7, $0x2;
	v7 =	vshrl.u32 v7, $0xC  }
0x43a: {  	v8 =	vand.u32 $0x3FF, v8;
	vm0 =	veq.s32 v7, v6  }
0x43b: {  	v7 =	vor.u32 v2, v8;
	_ =	sdelay $0x3  }
0x43c: {  	v8 =	vpop (erf)  }
0x43d: {  	[tilespmem:v7+s10+$0x0] =	vst.idx.add.f32.msk vm0, v8  }
0x43e: {  	v7 =	vld [tilespmem:s0+$0xFFFFFFC0];
	_ =	sdelay $0x4  }
0x43f: {  	v8 =	vmul.f32 $1.442695020e+00, v7;
	_ =	sdelay $0x1  }
0x440: {  	v9 =	vshra.s32 v7, $0x1F;
	(erf) = vpow2.f32 v8  }
0x441: {  	v8 =	vor.u32 $0x80000000, v9  }
0x442: {  	v7 =	vxor.u32 v7, v8  }
0x443: {  	v8 =	vshrl.u32 v7, $0x2;
	v7 =	vshrl.u32 v7, $0xC  }
0x444: {  	v8 =	vand.u32 $0x3FF, v8;
	vm0 =	veq.s32 v7, v6  }
0x445: {  	v7 =	vor.u32 v2, v8;
	_ =	sdelay $0x3  }
0x446: {  	v8 =	vpop (erf)  }
0x447: {  	[tilespmem:v7+s10+$0x0] =	vst.idx.add.f32.msk vm0, v8  }
0x448: {  	v7 =	vld [tilespmem:s0+$0xFFFFFFD0];
	_ =	sdelay $0x4  }
0x449: {  	v8 =	vmul.f32 $1.442695020e+00, v7;
	_ =	sdelay $0x1  }
0x44a: {  	v9 =	vshra.s32 v7, $0x1F;
	(erf) = vpow2.f32 v8  }
0x44b: {  	v8 =	vor.u32 $0x80000000, v9  }
0x44c: {  	v7 =	vxor.u32 v7, v8  }
0x44d: {  	v8 =	vshrl.u32 v7, $0x2;
	v7 =	vshrl.u32 v7, $0xC  }
0x44e: {  	v8 =	vand.u32 $0x3FF, v8;
	vm0 =	veq.s32 v7, v6  }
0x44f: {  	v7 =	vor.u32 v2, v8;
	_ =	sdelay $0x3  }
0x450: {  	v8 =	vpop (erf)  }
0x451: {  	[tilespmem:v7+s10+$0x0] =	vst.idx.add.f32.msk vm0, v8  }
0x452: {  	v7 =	vld [tilespmem:s0+$0xFFFFFFE0];
	_ =	sdelay $0x4  }
0x453: {  	v8 =	vmul.f32 $1.442695020e+00, v7;
	_ =	sdelay $0x1  }
0x454: {  	v9 =	vshra.s32 v7, $0x1F;
	(erf) = vpow2.f32 v8  }
0x455: {  	v8 =	vor.u32 $0x80000000, v9  }
0x456: {  	v7 =	vxor.u32 v7, v8  }
0x457: {  	v8 =	vshrl.u32 v7, $0x2;
	v7 =	vshrl.u32 v7, $0xC  }
0x458: {  	v8 =	vand.u32 $0x3FF, v8;
	vm0 =	veq.s32 v7, v6  }
0x459: {  	v7 =	vor.u32 v2, v8;
	_ =	sdelay $0x3  }
0x45a: {  	v8 =	vpop (erf)  }
0x45b: {  	[tilespmem:v7+s10+$0x0] =	vst.idx.add.f32.msk vm0, v8  }
0x45c: {  	v7 =	vld [tilespmem:s0+$0xFFFFFFF0];
	_ =	sdelay $0x4  }
0x45d: {  	v8 =	vmul.f32 $1.442695020e+00, v7;
	_ =	sdelay $0x1  }
0x45e: {  	v9 =	vshra.s32 v7, $0x1F;
	(erf) = vpow2.f32 v8  }
0x45f: {  	v8 =	vor.u32 $0x80000000, v9  }
0x460: {  	v7 =	vxor.u32 v7, v8  }
0x461: {  	v8 =	vshrl.u32 v7, $0x2;
	v7 =	vshrl.u32 v7, $0xC  }
0x462: {  	v8 =	vand.u32 $0x3FF, v8;
	vm0 =	veq.s32 v7, v6  }
0x463: {  	v7 =	vor.u32 v2, v8;
	_ =	sdelay $0x3  }
0x464: {  	v8 =	vpop (erf)  }
0x465: {  	[tilespmem:v7+s10+$0x0] =	vst.idx.add.f32.msk vm0, v8  }
0x466: {  	v7 =	vld [tilespmem:s0+$0x0];
	_ =	sdelay $0x4  }
0x467: {  	v8 =	vmul.f32 $1.442695020e+00, v7;
	_ =	sdelay $0x1  }
0x468: {  	v9 =	vshra.s32 v7, $0x1F;
	(erf) = vpow2.f32 v8  }
0x469: {  	v8 =	vor.u32 $0x80000000, v9  }
0x46a: {  	v7 =	vxor.u32 v7, v8  }
0x46b: {  	v8 =	vshrl.u32 v7, $0x2;
	v7 =	vshrl.u32 v7, $0xC  }
0x46c: {  	v8 =	vand.u32 $0x3FF, v8;
	vm0 =	veq.s32 v7, v6  }
0x46d: {  	v7 =	vor.u32 v2, v8;
	_ =	sdelay $0x3  }
0x46e: {  	v8 =	vpop (erf)  }
0x46f: {  	[tilespmem:v7+s10+$0x0] =	vst.idx.add.f32.msk vm0, v8  }
0x470: {  	v7 =	vld [tilespmem:s0+$0x10];
	_ =	sdelay $0x4  }
0x471: {  	v8 =	vmul.f32 $1.442695020e+00, v7;
	_ =	sdelay $0x1  }
0x472: {  	v9 =	vshra.s32 v7, $0x1F;
	(erf) = vpow2.f32 v8  }
0x473: {  	v8 =	vor.u32 $0x80000000, v9  }
0x474: {  	v7 =	vxor.u32 v7, v8  }
0x475: {  	v8 =	vshrl.u32 v7, $0x2;
	v7 =	vshrl.u32 v7, $0xC  }
0x476: {  	v8 =	vand.u32 $0x3FF, v8;
	vm0 =	veq.s32 v7, v6  }
0x477: {  	v7 =	vor.u32 v2, v8;
	_ =	sdelay $0x3  }
0x478: {  	v8 =	vpop (erf)  }
0x479: {  	[tilespmem:v7+s10+$0x0] =	vst.idx.add.f32.msk vm0, v8  }
0x47a: {  	v7 =	vld [tilespmem:s0+$0x20];
	_ =	sdelay $0x4  }
0x47b: {  	v8 =	vmul.f32 $1.442695020e+00, v7;
	_ =	sdelay $0x1  }
0x47c: {  	v9 =	vshra.s32 v7, $0x1F;
	(erf) = vpow2.f32 v8  }
0x47d: {  	v8 =	vor.u32 $0x80000000, v9  }
0x47e: {  	v7 =	vxor.u32 v7, v8  }
0x47f: {  	v8 =	vshrl.u32 v7, $0x2;
	v7 =	vshrl.u32 v7, $0xC  }
0x480: {  	v8 =	vand.u32 $0x3FF, v8;
	vm0 =	veq.s32 v7, v6  }
0x481: {  	v7 =	vor.u32 v2, v8;
	_ =	sdelay $0x3  }
0x482: {  	s16 =	simm.s32 $0x0;
	v8 =	vpop (erf)  }
0x483: {  	s1 =	sand.u32 $0x3FFE0, s16;
	[tilespmem:v7+s10+$0x0] =	vst.idx.add.f32.msk vm0, v8  }
0x484: {  	v7 =	vld [tilespmem:s1+$0x80];
	_ =	sdelay $0x4  }
0x485: {  	v8 =	vmul.f32 $1.442695020e+00, v7;
	_ =	sdelay $0x1  }
0x486: {  	v9 =	vshra.s32 v7, $0x1F;
	(erf) = vpow2.f32 v8  }
0x487: {  	v8 =	vor.u32 $0x80000000, v9  }
0x488: {  	v7 =	vxor.u32 v7, v8  }
0x489: {  	v8 =	vshrl.u32 v7, $0x2;
	v7 =	vshrl.u32 v7, $0xC  }
0x48a: {  	v8 =	vand.u32 $0x3FF, v8;
	vm0 =	veq.s32 v7, v6  }
0x48b: {  	v7 =	vor.u32 v2, v8;
	_ =	sdelay $0x3  }
0x48c: {  	v8 =	vpop (erf)  }
0x48d: {  	[tilespmem:v7+s10+$0x0] =	vst.idx.add.f32.msk vm0, v8  }
0x48e: {  	v7 =	vld [tilespmem:s0+$0x40];
	_ =	sdelay $0x4  }
0x48f: {  	v8 =	vmul.f32 $1.442695020e+00, v7;
	_ =	sdelay $0x1  }
0x490: {  	(erf) = vpow2.f32 v8  }
0x491: {  	v8 =	vshra.s32 v7, $0x1F  }
0x492: {  	v8 =	vor.u32 $0x80000000, v8  }
0x493: {  	v7 =	vxor.u32 v7, v8  }
0x494: {  	v8 =	vshrl.u32 v7, $0x2;
	v7 =	vshrl.u32 v7, $0xC  }
0x495: {  	v8 =	vand.u32 $0x3FF, v8;
	vm0 =	veq.s32 v7, v6  }
0x496: {  	v7 =	vor.u32 v2, v8;
	_ =	sdelay $0x2  }
0x497: {  	s1 =	simm.s32 $0xA0;
	v8 =	vpop (erf)  }
.LBB2_35:
0x498: {  	p0 =	sne.s32 s1, $0x18600  }
0x499: {  	[tilespmem:v7+s10+$0x0] =	vst.idx.add.f32.msk vm0, v8;
	s0 =	sadd.s32 $0xA0, s0;
	s2 =	smov.u32 s1;
	s1 =	sadd.s32 $0xA0, s1  }
0x49a: {  	v7 =	vld [tilespmem:s0+$0xFFFFFFB0];
	_ =	sdelay $0x4  }
0x49b: {  	v8 =	vshra.s32 v7, $0x1F;
	v9 =	vmul.f32 $1.442695020e+00, v7  }
0x49c: {  	v8 =	vor.u32 $0x80000000, v8  }
0x49d: {  	v7 =	vxor.u32 v7, v8;
	(erf) = vpow2.f32 v9  }
0x49e: {  	v8 =	vshrl.u32 v7, $0x2;
	v7 =	vshrl.u32 v7, $0xC  }
0x49f: {  	v8 =	vand.u32 $0x3FF, v8;
	_ =	sdelay $0x1  }
0x4a0: {  	vm0 =	veq.s32 v7, v6  }
0x4a1: {  	v7 =	vor.u32 v2, v8;
	_ =	sdelay $0x3  }
0x4a2: {  	v8 =	vpop (erf)  }
0x4a3: {  	[tilespmem:v7+s10+$0x0] =	vst.idx.add.f32.msk vm0, v8  }
0x4a4: {  	v7 =	vld [tilespmem:s0+$0xFFFFFFC0];
	_ =	sdelay $0x4  }
0x4a5: {  	v8 =	vshra.s32 v7, $0x1F;
	v9 =	vmul.f32 $1.442695020e+00, v7  }
0x4a6: {  	v8 =	vor.u32 $0x80000000, v8  }
0x4a7: {  	v7 =	vxor.u32 v7, v8;
	(erf) = vpow2.f32 v9  }
0x4a8: {  	v8 =	vshrl.u32 v7, $0x2;
	v7 =	vshrl.u32 v7, $0xC  }
0x4a9: {  	v8 =	vand.u32 $0x3FF, v8;
	_ =	sdelay $0x1  }
0x4aa: {  	vm0 =	veq.s32 v7, v6  }
0x4ab: {  	v7 =	vor.u32 v2, v8;
	_ =	sdelay $0x3  }
0x4ac: {  	v8 =	vpop (erf)  }
0x4ad: {  	[tilespmem:v7+s10+$0x0] =	vst.idx.add.f32.msk vm0, v8  }
0x4ae: {  	v7 =	vld [tilespmem:s0+$0xFFFFFFD0];
	_ =	sdelay $0x4  }
0x4af: {  	v8 =	vshra.s32 v7, $0x1F;
	v9 =	vmul.f32 $1.442695020e+00, v7  }
0x4b0: {  	v8 =	vor.u32 $0x80000000, v8  }
0x4b1: {  	v7 =	vxor.u32 v7, v8;
	(erf) = vpow2.f32 v9  }
0x4b2: {  	v8 =	vshrl.u32 v7, $0x2;
	v7 =	vshrl.u32 v7, $0xC  }
0x4b3: {  	v8 =	vand.u32 $0x3FF, v8;
	_ =	sdelay $0x1  }
0x4b4: {  	vm0 =	veq.s32 v7, v6  }
0x4b5: {  	v7 =	vor.u32 v2, v8;
	_ =	sdelay $0x3  }
0x4b6: {  	v8 =	vpop (erf)  }
0x4b7: {  	[tilespmem:v7+s10+$0x0] =	vst.idx.add.f32.msk vm0, v8  }
0x4b8: {  	v7 =	vld [tilespmem:s0+$0xFFFFFFE0];
	_ =	sdelay $0x4  }
0x4b9: {  	v8 =	vshra.s32 v7, $0x1F;
	v9 =	vmul.f32 $1.442695020e+00, v7  }
0x4ba: {  	v8 =	vor.u32 $0x80000000, v8  }
0x4bb: {  	v7 =	vxor.u32 v7, v8;
	(erf) = vpow2.f32 v9  }
0x4bc: {  	v8 =	vshrl.u32 v7, $0x2;
	v7 =	vshrl.u32 v7, $0xC  }
0x4bd: {  	v8 =	vand.u32 $0x3FF, v8;
	_ =	sdelay $0x1  }
0x4be: {  	vm0 =	veq.s32 v7, v6  }
0x4bf: {  	v7 =	vor.u32 v2, v8;
	_ =	sdelay $0x3  }
0x4c0: {  	v8 =	vpop (erf)  }
0x4c1: {  	[tilespmem:v7+s10+$0x0] =	vst.idx.add.f32.msk vm0, v8  }
0x4c2: {  	v7 =	vld [tilespmem:s0+$0xFFFFFFF0];
	_ =	sdelay $0x4  }
0x4c3: {  	v8 =	vshra.s32 v7, $0x1F;
	v9 =	vmul.f32 $1.442695020e+00, v7  }
0x4c4: {  	v8 =	vor.u32 $0x80000000, v8  }
0x4c5: {  	v7 =	vxor.u32 v7, v8;
	(erf) = vpow2.f32 v9  }
0x4c6: {  	v8 =	vshrl.u32 v7, $0x2;
	v7 =	vshrl.u32 v7, $0xC  }
0x4c7: {  	v8 =	vand.u32 $0x3FF, v8;
	_ =	sdelay $0x1  }
0x4c8: {  	vm0 =	veq.s32 v7, v6  }
0x4c9: {  	v7 =	vor.u32 v2, v8;
	_ =	sdelay $0x3  }
0x4ca: {  	v8 =	vpop (erf)  }
0x4cb: {  	[tilespmem:v7+s10+$0x0] =	vst.idx.add.f32.msk vm0, v8  }
0x4cc: {  	v7 =	vld [tilespmem:s0+$0x0];
	_ =	sdelay $0x4  }
0x4cd: {  	v8 =	vshra.s32 v7, $0x1F;
	v9 =	vmul.f32 $1.442695020e+00, v7  }
0x4ce: {  	v8 =	vor.u32 $0x80000000, v8  }
0x4cf: {  	v7 =	vxor.u32 v7, v8;
	(erf) = vpow2.f32 v9  }
0x4d0: {  	v8 =	vshrl.u32 v7, $0x2;
	v7 =	vshrl.u32 v7, $0xC  }
0x4d1: {  	v8 =	vand.u32 $0x3FF, v8;
	_ =	sdelay $0x1  }
0x4d2: {  	vm0 =	veq.s32 v7, v6  }
0x4d3: {  	v7 =	vor.u32 v2, v8;
	_ =	sdelay $0x3  }
0x4d4: {  	v8 =	vpop (erf)  }
0x4d5: {  	[tilespmem:v7+s10+$0x0] =	vst.idx.add.f32.msk vm0, v8  }
0x4d6: {  	v7 =	vld [tilespmem:s0+$0x10];
	_ =	sdelay $0x4  }
0x4d7: {  	v8 =	vshra.s32 v7, $0x1F;
	v9 =	vmul.f32 $1.442695020e+00, v7  }
0x4d8: {  	v8 =	vor.u32 $0x80000000, v8  }
0x4d9: {  	v7 =	vxor.u32 v7, v8;
	(erf) = vpow2.f32 v9  }
0x4da: {  	v8 =	vshrl.u32 v7, $0x2;
	v7 =	vshrl.u32 v7, $0xC  }
0x4db: {  	v8 =	vand.u32 $0x3FF, v8;
	_ =	sdelay $0x1  }
0x4dc: {  	vm0 =	veq.s32 v7, v6  }
0x4dd: {  	v7 =	vor.u32 v2, v8;
	_ =	sdelay $0x3  }
0x4de: {  	v8 =	vpop (erf)  }
0x4df: {  	[tilespmem:v7+s10+$0x0] =	vst.idx.add.f32.msk vm0, v8  }
0x4e0: {  	v7 =	vld [tilespmem:s0+$0x20];
	_ =	sdelay $0x4  }
0x4e1: {  	v8 =	vshra.s32 v7, $0x1F;
	v9 =	vmul.f32 $1.442695020e+00, v7  }
0x4e2: {  	v8 =	vor.u32 $0x80000000, v8  }
0x4e3: {  	v7 =	vxor.u32 v7, v8;
	(erf) = vpow2.f32 v9  }
0x4e4: {  	v8 =	vshrl.u32 v7, $0x2;
	v7 =	vshrl.u32 v7, $0xC  }
0x4e5: {  	v8 =	vand.u32 $0x3FF, v8;
	_ =	sdelay $0x1  }
0x4e6: {  	vm0 =	veq.s32 v7, v6  }
0x4e7: {  	v7 =	vor.u32 v2, v8;
	_ =	sdelay $0x3  }
0x4e8: {  	v8 =	vpop (erf)  }
0x4e9: {  	s2 =	sand.u32 $0x3FFE0, s2;
	[tilespmem:v7+s10+$0x0] =	vst.idx.add.f32.msk vm0, v8  }
0x4ea: {  	v7 =	vld [tilespmem:s2+$0x80];
	_ =	sdelay $0x4  }
0x4eb: {  	v8 =	vshra.s32 v7, $0x1F;
	v9 =	vmul.f32 $1.442695020e+00, v7  }
0x4ec: {  	v8 =	vor.u32 $0x80000000, v8  }
0x4ed: {  	v7 =	vxor.u32 v7, v8;
	(erf) = vpow2.f32 v9  }
0x4ee: {  	v8 =	vshrl.u32 v7, $0x2;
	v7 =	vshrl.u32 v7, $0xC  }
0x4ef: {  	v8 =	vand.u32 $0x3FF, v8;
	_ =	sdelay $0x1  }
0x4f0: {  	vm0 =	veq.s32 v7, v6  }
0x4f1: {  	v7 =	vor.u32 v2, v8;
	_ =	sdelay $0x3  }
0x4f2: {  	v8 =	vpop (erf)  }
0x4f3: {  	[tilespmem:v7+s10+$0x0] =	vst.idx.add.f32.msk vm0, v8  }
0x4f4: {  	v7 =	vld [tilespmem:s0+$0x40];
	_ =	sdelay $0x4  }
0x4f5: {  	v8 =	vshra.s32 v7, $0x1F;
	v9 =	vmul.f32 $1.442695020e+00, v7  }
0x4f6: {  	v8 =	vor.u32 $0x80000000, v8  }
0x4f7: {  	v7 =	vxor.u32 v7, v8;
	(erf) = vpow2.f32 v9  }
0x4f8: {  	v8 =	vshrl.u32 v7, $0x2;
	v7 =	vshrl.u32 v7, $0xC  }
0x4f9: {  	v8 =	vand.u32 $0x3FF, v8;
	_ =	sdelay $0x1  }
0x4fa: {  	vm0 =	veq.s32 v7, v6  }
.Ltmp18:
0x4fb: {  	v7 =	vor.u32 v2, v8;
	(pc) =	sbr.rel @p0 .LBB2_35-.Ltmp18, $2  }
0x4fc: {  	_ =	sdelay $0x2  }
0x4fd: {  	v8 =	vpop (erf)  }
0x4fe: {  	_ =	sdelay $0x4  }
0x4ff: {  	[tilespmem:v7+s10+$0x0] =	vst.idx.add.f32.msk vm0, v8;
	s0 =	simm.s32 $0x1AAF0  }
0x500: {  	v6 =	vld [tilespmem:s0+$0xFFFFE000]  }
0x501: {  	v7 =	vld [tilespmem:s0+$0xFFFFE400];
	_ =	sdelay $0x1  }
0x502: {  	v8 =	vld [tilespmem:s0+$0xFFFFE800]  }
0x503: {  	v9 =	vld [tilespmem:s0+$0xFFFFEC00]  }
0x504: {  	v10 =	vld [tilespmem:s0+$0xFFFFF000]  }
0x505: {  	s1 =	simm.s32 $0x1AAE0;
	v11 =	vld [tilespmem:s0+$0xFFFFFC00];
	v6 =	vadd.f32 v7, v6  }
0x506: {  	v12 =	vld [tilespmem:s1+$0xFFFFE000]  }
0x507: {  	v13 =	vld [tilespmem:s0+$0x0];
	v6 =	vadd.f32 v8, v6  }
0x508: {  	v7 =	vld [tilespmem:s0+$0xFFFFF400]  }
0x509: {  	v14 =	vld [tilespmem:s0+$0x400];
	v6 =	vadd.f32 v9, v6  }
0x50a: {  	v8 =	vld [tilespmem:s0+$0xFFFFF800]  }
0x50b: {  	v15 =	vld [tilespmem:s1+$0xFFFFE800];
	v6 =	vadd.f32 v10, v6  }
0x50c: {  	v16 =	vld [tilespmem:s1+$0xFFFFEC00]  }
0x50d: {  	v17 =	vld [tilespmem:s1+$0xFFFFF000];
	v6 =	vadd.f32 v7, v6  }
0x50e: {  	v18 =	vld [tilespmem:s1+$0xFFFFF400]  }
0x50f: {  	s2 =	simm.s32 $0x1AAD0;
	v9 =	vld [tilespmem:s1+$0xFFFFE400];
	v6 =	vadd.f32 v8, v6  }
0x510: {  	s24 =	simm.s32 $0x1AAC0;
	v19 =	vld [tilespmem:s2+$0xFFFFF400]  }
0x511: {  	v20 =	vld [tilespmem:s24+$0xFFFFEC00];
	v6 =	vadd.f32 v11, v6  }
0x512: {  	v7 =	vld [tilespmem:s0+$0x800]  }
0x513: {  	v21 =	vld [tilespmem:s24+$0xFFFFF400];
	v6 =	vadd.f32 v13, v6  }
0x514: {  	v9 =	vadd.f32 v9, v12;
	v11 =	vld [tilespmem:s0+$0xC00]  }
0x515: {  	v10 =	vld [tilespmem:s0+$0x1800];
	v6 =	vadd.f32 v14, v6  }
0x516: {  	v9 =	vadd.f32 v15, v9;
	v13 =	vld [tilespmem:s0+$0x1000]  }
0x517: {  	v12 =	vld [tilespmem:s1+$0xFFFFFC00];
	v6 =	vadd.f32 v7, v6  }
0x518: {  	v8 =	vld [tilespmem:s0+$0x1400];
	v9 =	vadd.f32 v16, v9  }
0x519: {  	v14 =	vld [tilespmem:s1+$0xFFFFF800];
	v6 =	vadd.f32 v11, v6  }
0x51a: {  	v15 =	vld [tilespmem:s2+$0xFFFFE400];
	v9 =	vadd.f32 v17, v9  }
0x51b: {  	v16 =	vld [tilespmem:s1+$0x0];
	v6 =	vadd.f32 v13, v6  }
0x51c: {  	v9 =	vadd.f32 v18, v9;
	v11 =	vld [tilespmem:s0+$0x1C00]  }
0x51d: {  	v17 =	vld [tilespmem:s1+$0x400];
	v6 =	vadd.f32 v8, v6  }
0x51e: {  	v7 =	vld [tilespmem:s2+$0xFFFFE000];
	v9 =	vadd.f32 v14, v9  }
0x51f: {  	v18 =	vld [tilespmem:s2+$0xFFFFE800];
	v6 =	vadd.f32 v10, v6  }
0x520: {  	v14 =	vld [tilespmem:s2+$0xFFFFEC00];
	v9 =	vadd.f32 v12, v9  }
0x521: {  	v8 =	vld [tilespmem:s1+$0x800];
	v6 =	vadd.f32 v11, v6  }
0x522: {  	v13 =	vld [tilespmem:s1+$0x1800];
	v9 =	vadd.f32 v16, v9  }
0x523: {  	v7 =	vadd.f32 v15, v7;
	v11 =	vld [tilespmem:s1+$0xC00];
	v15 =	vperm.xlane v6, v3  }
0x524: {  	v12 =	vld [tilespmem:s2+$0xFFFFF000];
	v9 =	vadd.f32 v17, v9;
	(xrf2) =	vadd.scan.msk.f32 $0xffff, v6  }
0x525: {  	v16 =	vld [tilespmem:s1+$0x1000];
	v7 =	vadd.f32 v18, v7;
	(xrf2) =	vadd.scan.msk.f32 $0xffff, v15  }
0x526: {  	v10 =	vld [tilespmem:s1+$0x1400];
	v8 =	vadd.f32 v8, v9  }
0x527: {  	v17 =	vld [tilespmem:s2+$0xFFFFF800];
	v7 =	vadd.f32 v14, v7  }
0x528: {  	v14 =	vld [tilespmem:s24+$0xFFFFE400];
	v8 =	vadd.f32 v11, v8  }
0x529: {  	v9 =	vld [tilespmem:s24+$0xFFFFE000];
	v7 =	vadd.f32 v12, v7  }
0x52a: {  	v15 =	vld [tilespmem:s2+$0xFFFFFC00];
	v8 =	vadd.f32 v16, v8  }
0x52b: {  	v7 =	vadd.f32 v19, v7;
	v11 =	vld [tilespmem:s1+$0x1C00]  }
0x52c: {  	v12 =	vld [tilespmem:s2+$0x0];
	v8 =	vadd.f32 v10, v8  }
0x52d: {  	v19 =	vld [tilespmem:s24+$0xFFFFE800];
	v7 =	vadd.f32 v17, v7  }
0x52e: {  	v18 =	vld [tilespmem:s2+$0x400];
	v8 =	vadd.f32 v13, v8;
	v17, _, _ =	vpop (xrf2)  }
0x52f: {  	v16 =	vld [tilespmem:s2+$0x1800];
	v7 =	vadd.f32 v15, v7;
	v13, _, _ =	vpop (xrf2)  }
0x530: {  	v9 =	vadd.f32 v14, v9;
	v10 =	vld [tilespmem:s2+$0x800];
	v8 =	vadd.f32 v11, v8;
	v13 =	vperm.xlane v13, v3  }
0x531: {  	v7 =	vadd.f32 v12, v7;
	v11 =	vld [tilespmem:s2+$0xC00];
	(v2sf) =	vpush v17, $0xF  }
0x532: {  	s25 =	simm.s32 $0x1AAB0;
	v9 =	vadd.f32 v19, v9;
	v14 =	vperm.xlane v8, v3;
	v12 =	vsub.f32 v13, v6;
	v13 =	vld [tilespmem:s24+$0xFFFFF000]  }
0x533: {  	v19 =	vld [tilespmem:s25+$0xFFFFE800];
	v7 =	vadd.f32 v18, v7;
	(xrf2) =	vadd.scan.msk.f32 $0xffff, v8  }
0x534: {  	v9 =	vadd.f32 v20, v9;
	v17 =	vld [tilespmem:s2+$0x1000];
	(xrf2) =	vadd.scan.msk.f32 $0xffff, v14  }
0x535: {  	v15 =	vld [tilespmem:s2+$0x1400];
	v7 =	vadd.f32 v10, v7;
	v18 =	vadd.f32 s14, v12  }
0x536: {  	vm1 =	vgt.f32 v6, $0.0e+00;
	v10 =	vld [tilespmem:s24+$0xFFFFFC00]  }
0x537: {  	v6 =	vld [tilespmem:s24+$0xFFFFF800];
	v7 =	vadd.f32 v11, v7;
	vm0 =	vle.f32 v18, v5;
	v9 =	vadd.f32 v13, v9  }
0x538: {  	v11 =	vld [tilespmem:s25+$0xFFFFE000];
	vm1 =	vmand vm1, vm0  }
0x539: {  	v7 =	vadd.f32 v17, v7;
	v18 =	vld [tilespmem:s25+$0xFFFFE400];
	v14 =	vmctz.xlane vm1;
	v9 =	vadd.f32 v21, v9  }
0x53a: {  	v13 =	vld [tilespmem:s2+$0x1C00]  }
0x53b: {  	v17 =	vld [tilespmem:s24+$0x0];
	v7 =	vadd.f32 v15, v7;
	v14 =	vxor.u32 $0x80000000, v14  }
0x53c: {  	v20 =	vld [tilespmem:s25+$0xFFFFEC00];
	(xrf0) =	vmax.scan.msk.u32 $0xffff, v14;
	v6 =	vadd.f32 v6, v9  }
0x53d: {  	v15 =	vld [tilespmem:s24+$0x400];
	v7 =	vadd.f32 v16, v7;
	v9, _, _ =	vpop (xrf2)  }
0x53e: {  	v16 =	vld [tilespmem:s24+$0x800];
	v6 =	vadd.f32 v10, v6;
	v10, _, _ =	vpop (xrf2)  }
0x53f: {  	v14 =	vld [tilespmem:s24+$0x1800];
	v11 =	vadd.f32 v18, v11;
	v7 =	vadd.f32 v13, v7;
	v10 =	vperm.xlane v10, v3  }
0x540: {  	v18 =	vld [tilespmem:s24+$0xC00];
	s26 =	spop (v2sf);
	(v2sf) =	vpush v9, $0xF;
	v6 =	vadd.f32 v17, v6  }
0x541: {  	v13 =	vld [tilespmem:s24+$0x1400];
	v61 =	vperm.xlane v7, v3;
	s18 =	sadd.f32 s26, s14;
	v9 =	vsub.f32 v10, v8  }
0x542: {  	v11 =	vadd.f32 v19, v11;
	(xrf2) =	vadd.scan.msk.f32 $0xffff, v7;
	v17, _, _ =	vpop (xrf0);
	v10 =	vld [tilespmem:s25+$0xFFFFF000];
	v6 =	vadd.f32 v15, v6  }
0x543: {  	(xrf2) =	vadd.scan.msk.f32 $0xffff, v61;
	v15 =	vld [tilespmem:s24+$0x1000];
	(v2sf) =	vpush v17, $0xF;
	v17 =	vadd.f32 s18, v9  }
0x544: {  	s28 =	simm.s32 $0x1AAA0;
	v19 =	vld [tilespmem:s25+$0xFFFFF400];
	v6 =	vadd.f32 v16, v6  }
0x545: {  	vm2 =	vgt.f32 v8, $0.0e+00;
	v11 =	vadd.f32 v20, v11;
	v20 =	vld [tilespmem:s28+$0xFFFFE800];
	vm0 =	vle.f32 v17, v5  }
0x546: {  	v8 =	vld [tilespmem:s25+$0xFFFFF800];
	v6 =	vadd.f32 v18, v6;
	vm0 =	vmand vm2, vm0  }
0x547: {  	v16 =	vld [tilespmem:s25+$0xFFFFFC00];
	v10 =	vadd.f32 v10, v11;
	v11 =	vmctz.xlane vm0  }
0x548: {  	v17 =	vld [tilespmem:s28+$0xFFFFE000];
	v6 =	vadd.f32 v15, v6  }
0x549: {  	v15 =	vld [tilespmem:s24+$0x1C00];
	v10 =	vadd.f32 v19, v10;
	v11 =	vxor.u32 $0x80000000, v11  }
0x54a: {  	v19 =	vld [tilespmem:s25+$0x0];
	v6 =	vadd.f32 v13, v6  }
0x54b: {  	v18 =	vld [tilespmem:s28+$0xFFFFE400];
	(xrf0) =	vmax.scan.msk.u32 $0xffff, v11;
	v8 =	vadd.f32 v8, v10  }
0x54c: {  	v13 =	vld [tilespmem:s25+$0x400];
	v6 =	vadd.f32 v14, v6;
	v11, _, _ =	vpop (xrf2)  }
0x54d: {  	v10 =	vld [tilespmem:s25+$0x1800];
	v8 =	vadd.f32 v16, v8;
	v16, _, _ =	vpop (xrf2)  }
0x54e: {  	v14 =	vld [tilespmem:s25+$0x800];
	v15 =	vadd.f32 v15, v6;
	v16 =	vperm.xlane v16, v3  }
0x54f: {  	s29 =	spop (v2sf);
	(v2sf) =	vpush v11, $0xF;
	v11 =	vld [tilespmem:s28+$0xFFFFEC00];
	v8 =	vadd.f32 v19, v8  }
0x550: {  	v19 =	vld [tilespmem:s25+$0x1400];
	s0 =	sadd.f32 s29, s18;
	v6 =	vsub.f32 v16, v7;
	v16 =	vadd.f32 v18, v17;
	v18 =	vperm.xlane v15, v3  }
0x551: {  	(xrf2) =	vadd.scan.msk.f32 $0xffff, v15;
	v17, _, _ =	vpop (xrf0);
	v8 =	vadd.f32 v13, v8;
	v13 =	vld [tilespmem:s25+$0xC00]  }
0x552: {  	vm3 =	vgt.f32 v7, $0.0e+00;
	s4 =	spop (v2sf);
	(v2sf) =	vpush v17, $0xF;
	v17 =	vld [tilespmem:s28+$0xFFFFF000];
	v62 =	vadd.f32 s0, v6;
	(xrf2) =	vadd.scan.msk.f32 $0xffff, v18  }
0x553: {  	vm2 =	vmmov vm1;
	s3 =	sxor.u32 $0x80000000, s4;
	v16 =	vadd.f32 v20, v16;
	v8 =	vadd.f32 v14, v8;
	v14 =	vld [tilespmem:s25+$0x1000]  }
0x554: {  	vm2 =	vmmov vm2;
	v20 =	vld [tilespmem:s28+$0xFFFFF400];
	v18 =	vmov s3;
	vm1 =	vle.f32 v62, v5  }
0x555: {  	s13 =	simm.s32 $0x1AA90;
	vm4 =	veq.s32 v18, v0;
	v7 =	vadd.f32 v11, v16;
	v16 =	vld [tilespmem:s28+$0xFFFFF800];
	vm1 =	vmand vm3, vm1  }
0x556: {  	v18 =	vld [tilespmem:s13+$0xFFFFE400];
	v12 =	vnsel vm4, $0x0, v12;
	v8 =	vadd.f32 v13, v8;
	v13 =	vmctz.xlane vm1  }
0x557: {  	(xrf2) =	vadd.scan.msk.f32 $0xffff, v12;
	v12 =	vld [tilespmem:s13+$0xFFFFE000];
	v7 =	vadd.f32 v17, v7;
	v17 =	vsel vm2, $0x3F800000, v1  }
0x558: {  	v11 =	vld [tilespmem:s28+$0xFFFFFC00];
	v8 =	vadd.f32 v14, v8;
	(xrf0) =	vmax.scan.msk.f32 $0xffff, v17;
	v13 =	vxor.u32 $0x80000000, v13  }
0x559: {  	v14 =	vld [tilespmem:s25+$0x1C00];
	v7 =	vadd.f32 v20, v7;
	(xrf0) =	vmax.scan.msk.u32 $0xffff, v13  }
0x55a: {  	v13 =	vld [tilespmem:s28+$0x0];
	v8 =	vadd.f32 v19, v8  }
0x55b: {  	v17, _, _ =	vpop (xrf2);
	v19 =	vld [tilespmem:s28+$0x400];
	v7 =	vadd.f32 v16, v7  }
0x55c: {  	v16 =	vld [tilespmem:s28+$0x1800];
	v8 =	vadd.f32 v10, v8;
	v10 =	vadd.f32 v18, v12;
	v12, _, _ =	vpop (xrf2)  }
0x55d: {  	v18 =	vld [tilespmem:s13+$0xFFFFE800];
	v7 =	vadd.f32 v11, v7;
	v12 =	vperm.xlane v12, v3  }
0x55e: {  	(v2sf) =	vpush v17, $0xF;
	v11 =	vld [tilespmem:s28+$0x800];
	v8 =	vadd.f32 v14, v8;
	v14, _, _ =	vpop (xrf0)  }
0x55f: {  	v17 =	vld [tilespmem:s28+$0x1400];
	v13 =	vadd.f32 v13, v7;
	(v2sf) =	vpush v14, $0xF;
	v20, _, _ =	vpop (xrf0)  }
0x560: {  	s30 =	spop (v2sf);
	v14 =	vld [tilespmem:s13+$0xFFFFEC00];
	(v2sf) =	vpush v20, $0xF;
	v20 =	vperm.xlane v8, v3  }
0x561: {  	s1 =	sadd.f32 s30, s0;
	v7 =	vsub.f32 v12, v15;
	(xrf2) =	vadd.scan.msk.f32 $0xffff, v8;
	s5 =	spop (v2sf);
	v13 =	vadd.f32 v19, v13;
	v19 =	vld [tilespmem:s28+$0xC00];
	v12, _, _ =	vpop (xrf2)  }
0x562: {  	v10 =	vadd.f32 v18, v10;
	s31 =	sxor.u32 $0x80000000, s5;
	(v2sf) =	vpush v12, $0xF;
	v12 =	vld [tilespmem:s13+$0xFFFFF000];
	(xrf2) =	vadd.scan.msk.f32 $0xffff, v20  }
0x563: {  	v63 =	vadd.f32 s1, v7;
	v11 =	vadd.f32 v11, v13;
	v13 =	vld [tilespmem:s28+$0x1000];
	v18 =	vmov s31  }
0x564: {  	vm3 =	vgt.f32 v15, $0.0e+00;
	vm2 =	vmmov vm0;
	v20 =	vld [tilespmem:s13+$0xFFFFF400];
	vm15 =	veq.s32 v18, v0  }
0x565: {  	s19 =	simm.s32 $0x1AA80;
	v15 =	vld [tilespmem:s13+$0xFFFFF800];
	vm0 =	vle.f32 v63, v5;
	v10 =	vadd.f32 v14, v10;
	v9 =	vnsel vm15, $0x0, v9  }
0x566: {  	vm0 =	vmand vm3, vm0;
	v11 =	vadd.f32 v19, v11;
	(xrf2) =	vadd.scan.msk.f32 $0xffff, v9;
	v9 =	vld [tilespmem:s19+$0xFFFFE000]  }
0x567: {  	vm2 =	vmmov vm2;
	v18 =	vmctz.xlane vm0;
	v19 =	vld [tilespmem:s19+$0xFFFFE400];
	v10 =	vadd.f32 v12, v10  }
0x568: {  	v12 =	vsel vm2, $0x3F800000, v1;
	v11 =	vadd.f32 v13, v11  }
0x569: {  	v14 =	vld [tilespmem:s13+$0xFFFFFC00];
	v13 =	vxor.u32 $0x80000000, v18;
	(xrf0) =	vmax.scan.msk.f32 $0xffff, v12;
	v10 =	vadd.f32 v20, v10  }
0x56a: {  	v12 =	vld [tilespmem:s28+$0x1C00];
	(xrf0) =	vmax.scan.msk.u32 $0xffff, v13;
	v13 =	vadd.f32 v17, v11  }
0x56b: {  	v18 =	vld [tilespmem:s13+$0x0];
	v17, _, _ =	vpop (xrf2);
	v10 =	vadd.f32 v15, v10  }
0x56c: {  	s9 =	simm.s32 $0x800003C0;
	v11 =	vld [tilespmem:s13+$0x1800];
	v20 =	vadd.f32 v16, v13;
	v13 =	vadd.f32 v19, v9;
	v19, _, _ =	vpop (xrf2)  }
0x56d: {  	s17 =	simm.f32 $0.0e+00;
	s7 =	simm.s32 $0x800003B0;
	s8 =	simm.s32 $0x800003A0;
	v15 =	vld [tilespmem:s13+$0x400];
	v19 =	vperm.xlane v19, v3  }
0x56e: {  	s6 =	simm.s32 $0x80000380;
	s23 =	simm.s32 $0x80000370;
	s15 =	spop (v2sf);
	v16 =	vld [tilespmem:s19+$0xFFFFE800];
	v9 =	vadd.f32 v14, v10  }
0x56f: {  	s20 =	simm.s32 $0x1AA80;
	s2 =	simm.s32 $0x80000390;
	vm1 =	vmmov vm1;
	(v2sf) =	vpush v17, $0xF;
	v14 =	vld [tilespmem:s13+$0x800];
	v10 =	vadd.f32 v12, v20;
	s22 =	spop (v2sf);
	v17, _, _ =	vpop (xrf0)  }
0x570: {  	s11 =	sadd.s32 $0x800003F0, s4;
	s3 =	simm.s32 $0x800003D0;
	vm1 =	vmmov vm1;
	v12 =	vld [tilespmem:s13+$0x1400];
	v18 =	vadd.f32 v18, v9;
	v20, _, _ =	vpop (xrf0);
	s21 =	spop (v2sf);
	(v2sf) =	vpush v17, $0xF  }
0x571: {  	s12 =	sadd.s32 $0x800003E0, s5;
	vm0 =	vmmov vm0;
	s4 =	sadd.f32 s15, s1;
	v17 =	vld [tilespmem:s19+$0xFFFFEC00];
	(xrf2) =	vadd.scan.msk.f32 $0xffff, v10;
	v9 =	vsub.f32 v19, v8;
	(v2sf) =	vpush v20, $0xF;
	v19, _, _ =	vpop (xrf2);
	s5 =	spop (v2sf)  }
.LBB2_37:
0x572: {  	p0 =	sne.s32 s23, $0x80000000;
	v15 =	vadd.f32 v15, v18;
	v18 =	vld [tilespmem:s13+$0xC00];
	v20 =	vperm.xlane v10, v3;
	(v2sf) =	vpush v19, $0xF;
	p1 =	sgt.f32 s22, $0.0e+00;
	s5 =	sadd.f32 s5, s14  }
0x573: {  	s14 =	sxor.u32 $0x80000000, s21;
	s15 =	sadd.s32 s3, s21;
	s3 =	smov.u32 s9;
	v19 =	vld [tilespmem:s19+$0xFFFFF000];
	v21 =	vadd.f32 s4, v9  }
0x574: {  	v13 =	vadd.f32 v16, v13;
	v14 =	vadd.f32 v14, v15;
	v15 =	vld [tilespmem:s13+$0x1000];
	(xrf2) =	vadd.scan.msk.f32 $0xffff, v20;
	v16 =	vmov s14;
	s16 =	smov.u32 @p1 s11;
	s17 =	smov.u32 @p1 s5;
	s11 =	smov.u32 s12  }
0x575: {  	vm3 =	vgt.f32 v8, $0.0e+00;
	v8 =	vmovc v10;
	s9 =	smov.u32 s7;
	s7 =	smov.u32 s8;
	s12 =	smov.u32 s15;
	v20 =	vld [tilespmem:s19+$0xFFFFF400];
	vm2 =	vle.f32 v21, v5;
	vm4 =	veq.s32 v16, v0  }
0x576: {  	s8 =	smov.u32 s2;
	s2 =	smov.u32 s6;
	s6 =	smov.u32 s23;
	v10 =	vadd.f32 v17, v13;
	v16 =	vld [tilespmem:s19+$0xFFFFFC00];
	vm2 =	vmand vm3, vm2;
	v13 =	vnsel vm4, $0x0, v6;
	v6 =	vmovc v7;
	v7 =	vmovc v9  }
0x577: {  	s14 =	smov.u32 s18;
	s18 =	smov.u32 s0;
	s19 =	sadd.s32 $0xFFFFFFF0, s19;
	v9 =	vld [tilespmem:s20+$0xFFFFF800];
	v14 =	vadd.f32 v18, v14;
	v17 =	vmctz.xlane vm2;
	(xrf2) =	vadd.scan.msk.f32 $0xffff, v13  }
0x578: {  	s0 =	smov.u32 s1;
	s1 =	smov.u32 s4;
	v18 =	vsel vm1, $0x3F800000, v1;
	vm1 =	vmmov vm0;
	v13 =	vld [tilespmem:s19+$0xFFFFE000];
	v10 =	vadd.f32 v19, v10  }
0x579: {  	vm0 =	vmmov vm2;
	v19 =	vld [tilespmem:s19+$0xFFFFE400];
	v14 =	vadd.f32 v15, v14;
	v15 =	vxor.u32 $0x80000000, v17;
	(xrf0) =	vmax.scan.msk.f32 $0xffff, v18  }
0x57a: {  	v10 =	vadd.f32 v20, v10;
	v17 =	vld [tilespmem:s13+$0x1C00];
	(xrf0) =	vmax.scan.msk.u32 $0xffff, v15;
	s13 =	smov.u32 s20;
	s20 =	smov.u32 s19  }
0x57b: {  	v18 =	vld [tilespmem:s13+$0x0];
	v12 =	vadd.f32 v12, v14;
	v20, _, _ =	vpop (xrf2)  }
0x57c: {  	v9 =	vadd.f32 v9, v10;
	v21 =	vld [tilespmem:s13+$0x1800]  }
.Ltmp19:
0x57d: {  	v15 =	vld [tilespmem:s13+$0x400];
	v10 =	vadd.f32 v11, v12;
	(pc) =	sbr.rel @p0 .LBB2_37-.Ltmp19, $4  }
0x57e: {  	v13 =	vadd.f32 v19, v13;
	v9 =	vadd.f32 v16, v9;
	v14 =	vld [tilespmem:s13+$0x800];
	v11, _, _ =	vpop (xrf2);
	s5 =	spop (v2sf)  }
0x57f: {  	v16 =	vld [tilespmem:s19+$0xFFFFE800];
	v10 =	vadd.f32 v17, v10;
	v22 =	vperm.xlane v11, v3;
	(v2sf) =	vpush v20, $0xF;
	v17, _, _ =	vpop (xrf0);
	s22 =	spop (v2sf)  }
0x580: {  	v18 =	vadd.f32 v18, v9;
	v12 =	vld [tilespmem:s13+$0x1400];
	v19, _, _ =	vpop (xrf0);
	s21 =	spop (v2sf);
	(v2sf) =	vpush v17, $0xF  }
0x581: {  	s23 =	sadd.s32 $0xFFFFFFF0, s23;
	s4 =	sadd.f32 s5, s4;
	v17 =	vld [tilespmem:s19+$0xFFFFEC00];
	(xrf2) =	vadd.scan.msk.f32 $0xffff, v10;
	v9 =	vsub.f32 v22, v8;
	(v2sf) =	vpush v19, $0xF;
	v19, _, _ =	vpop (xrf2);
	s5 =	spop (v2sf);
	v11 =	vmov v21  }
0x582: {  	v20 =	vld [tilespmem:s13+$0xC00]  }
0x583: {  	v15 =	vadd.f32 v15, v18  }
0x584: {  	v35 =	vld [tilespmem:s13+$0x1000]  }
0x585: {  	v14 =	vadd.f32 v14, v15  }
0x586: {  	v36 =	vld [tilespmem:s19+$0xFFFFF000]  }
0x587: {  	v13 =	vadd.f32 v16, v13;
	v14 =	vadd.f32 v20, v14  }
0x588: {  	v37 =	vld [tilespmem:s19+$0xFFFFF400]  }
0x589: {  	v38 =	vld [tilespmem:s20+$0xFFFFF800];
	v13 =	vadd.f32 v17, v13;
	v14 =	vadd.f32 v35, v14  }
0x58a: {  	v39 =	vld [tilespmem:s13+$0x1C00]  }
0x58b: {  	v13 =	vadd.f32 v36, v13;
	v12 =	vadd.f32 v12, v14  }
0x58c: {  	v41 =	vld [tilespmem:s19+$0xFFFFFC00]  }
0x58d: {  	v40 =	vperm.xlane v10, v3;
	s15 =	sxor.u32 $0x80000000, s21;
	v13 =	vadd.f32 v37, v13;
	v11 =	vadd.f32 v11, v12  }
0x58e: {  	(v2sf) =	vpush v19, $0xF;
	v43 =	vld [tilespmem:s20+$0x0];
	v42 =	vmov s15  }
0x58f: {  	(xrf2) =	vadd.scan.msk.f32 $0xffff, v40;
	vm2 =	veq.s32 v42, v0;
	v44, _, _ =	vpop (xrf2);
	v13 =	vadd.f32 v38, v13;
	v11 =	vadd.f32 v39, v11  }
0x590: {  	v45 =	vld [tilespmem:s20+$0x400];
	v6 =	vnsel vm2, $0x0, v6;
	(v2sf) =	vpush v44, $0xF  }
0x591: {  	(xrf2) =	vadd.scan.msk.f32 $0xffff, v6;
	v6 =	vadd.f32 v41, v13;
	v46 =	vperm.xlane v11, v3  }
0x592: {  	v47 =	vld [tilespmem:s20+$0x800];
	(xrf2) =	vadd.scan.msk.f32 $0xffff, v11  }
0x593: {  	v6 =	vadd.f32 v43, v6;
	(xrf2) =	vadd.scan.msk.f32 $0xffff, v46  }
0x594: {  	v48 =	vld [tilespmem:s20+$0xC00]  }
0x595: {  	v6 =	vadd.f32 v45, v6  }
0x596: {  	v49 =	vld [tilespmem:s20+$0x1000]  }
0x597: {  	v6 =	vadd.f32 v47, v6  }
0x598: {  	v52 =	vld [tilespmem:s20+$0x1400]  }
0x599: {  	v51 =	vadd.f32 s4, v9;
	v50, _, _ =	vpop (xrf2);
	v6 =	vadd.f32 v48, v6  }
0x59a: {  	vm3 =	vgt.f32 v8, $0.0e+00;
	v8 =	vld [tilespmem:s20+$0x1800];
	v13 =	vperm.xlane v50, v3  }
0x59b: {  	vm2 =	vle.f32 v51, v5;
	s19 =	spop (v2sf);
	v54, _, _ =	vpop (xrf2);
	v6 =	vadd.f32 v49, v6  }
0x59c: {  	v56 =	vld [tilespmem:s20+$0x1C00];
	vm2 =	vmand vm3, vm2;
	s15 =	sadd.f32 s19, s4;
	s28 =	spop (v2sf);
	v53 =	vsub.f32 v13, v10;
	v57, _, _ =	vpop (xrf2)  }
0x59d: {  	v60 =	vsel vm1, $0x3F800000, v1;
	v55 =	vmctz.xlane vm2;
	s26 =	spop (v2sf);
	v6 =	vadd.f32 v52, v6;
	v59, _, _ =	vpop (xrf2)  }
0x59e: {  	vm3 =	vgt.f32 v10, $0.0e+00;
	s23 =	spop (v2sf);
	s24 =	sxor.u32 $0x80000000, s26;
	v58 =	vadd.f32 s15, v53;
	v16 =	vperm.xlane v59, v3  }
0x59f: {  	v14 =	vxor.u32 $0x80000000, v55;
	v61 =	vmov s24;
	s25 =	spop (v2sf);
	v6 =	vadd.f32 v8, v6  }
0x5a0: {  	(xrf0) =	vmax.scan.msk.f32 $0xffff, v60;
	vm4 =	veq.s32 v61, v0;
	vm1 =	vle.f32 v58, v5;
	s25 =	sadd.f32 s25, s15;
	v10 =	vsub.f32 v16, v11  }
0x5a1: {  	(xrf0) =	vmax.scan.msk.u32 $0xffff, v14;
	v7 =	vnsel vm4, $0x0, v7;
	vm1 =	vmand vm3, vm1;
	v6 =	vadd.f32 v56, v6  }
0x5a2: {  	vm0 =	vmmov vm0;
	(xrf2) =	vadd.scan.msk.f32 $0xffff, v7;
	v8 =	vmctz.xlane vm1;
	v7 =	vadd.f32 s25, v10  }
0x5a3: {  	v62 =	vsel vm0, $0x3F800000, v1;
	(xrf2) =	vadd.scan.msk.f32 $0xffff, v6  }
0x5a4: {  	(xrf0) =	vmax.scan.msk.f32 $0xffff, v62;
	vm3 =	vgt.f32 v11, $0.0e+00;
	v8 =	vxor.u32 $0x80000000, v8;
	vm0 =	vle.f32 v7, v5  }
0x5a5: {  	vm2 =	vmmov vm2;
	(xrf0) =	vmax.scan.msk.u32 $0xffff, v8;
	vm0 =	vmand vm3, vm0  }
0x5a6: {  	vm2 =	vmmov vm2;
	v7, _, _ =	vpop (xrf0);
	v8 =	vmctz.xlane vm0  }
0x5a7: {  	v11, _, _ =	vpop (xrf0);
	(v2sf) =	vpush v7, $0xF;
	v7 =	vsel vm2, $0x3F800000, v1  }
0x5a8: {  	(v2sf) =	vpush v11, $0xF;
	v8 =	vxor.u32 $0x80000000, v8  }
0x5a9: {  	(v2sf) =	vpush v54, $0xF  }
0x5aa: {  	(xrf0) =	vmax.scan.msk.f32 $0xffff, v7;
	(v2sf) =	vpush v57, $0xF;
	v7, _, _ =	vpop (xrf0)  }
0x5ab: {  	(xrf0) =	vmax.scan.msk.u32 $0xffff, v8;
	v8, _, _ =	vpop (xrf0);
	(v2sf) =	vpush v7, $0xF  }
0x5ac: {  	v7, _, _ =	vpop (xrf2);
	(v2sf) =	vpush v8, $0xF  }
0x5ad: {  	(v2sf) =	vpush v7, $0xF;
	v7, _, _ =	vpop (xrf2)  }
0x5ae: {  	(v2sf) =	vpush v7, $0xF;
	_ =	sdelay $0x1  }
0x5af: {  	v8 =	vperm.xlane v6, v3  }
0x5b0: {  	v7, _, _ =	vpop (xrf0)  }
0x5b1: {  	(xrf2) =	vadd.scan.msk.f32 $0xffff, v8;
	v11, _, _ =	vpop (xrf0);
	(v2sf) =	vpush v7, $0xF  }
0x5b2: {  	(v2sf) =	vpush v11, $0xF;
	_ =	sdelay $0x2  }
0x5b3: {  	s20 =	spop (v2sf)  }
0x5b4: {  	s30 =	spop (v2sf)  }
0x5b5: {  	s29 =	spop (v2sf)  }
0x5b6: {  	s31 =	spop (v2sf)  }
0x5b7: {  	[dreg:$0x13] =	wrdreg s23;
	s23 =	spop (v2sf)  }
0x5b8: {  	[dreg:$0x15] =	wrdreg s29;
	s29 =	spop (v2sf)  }
0x5b9: {  	v7, _, _ =	vpop (xrf2);
	s19 =	spop (v2sf)  }
0x5ba: {  	v7 =	vperm.xlane v7, v3;
	s24 =	spop (v2sf)  }
0x5bb: {  	s24 =	sxor.u32 $0x80000000, s30  }
0x5bc: {  	v8 =	vsub.f32 v7, v6;
	v11 =	vmov s24;
	s24 =	sadd.f32 s31, s25  }
0x5bd: {  	vm2 =	veq.s32 v11, v0  }
0x5be: {  	vm1 =	vmmov vm1;
	s13 =	sxor.u32 $0x80000000, s29;
	[dreg:$0x16] =	wrdreg s19;
	s19 =	spop (v2sf);
	v7 =	vnsel vm2, $0x0, v9;
	v9 =	vadd.f32 s24, v8  }
0x5bf: {  	vm1 =	vmmov vm1;
	s31 =	spop (v2sf);
	v11 =	vmov s13;
	(xrf2) =	vadd.scan.msk.f32 $0xffff, v7  }
0x5c0: {  	[dreg:$0x14] =	wrdreg s15;
	vm3 =	vgt.f32 v6, $0.0e+00;
	s15 =	sxor.u32 $0x80000000, s31;
	vm15 =	veq.s32 v11, v0;
	vm2 =	vle.f32 v9, v5  }
0x5c1: {  	v63 =	vmov s15;
	v6 =	vnsel vm15, $0x0, v53;
	vm2 =	vmand vm3, vm2  }
0x5c2: {  	(xrf2) =	vadd.scan.msk.f32 $0xffff, v6;
	v6 =	vsel vm1, $0x3F800000, v1;
	vm1 =	veq.s32 v63, v0;
	v7 =	vmctz.xlane vm2  }
0x5c3: {  	(xrf0) =	vmax.scan.msk.f32 $0xffff, v6;
	v6 =	vnsel vm1, $0x0, v10  }
0x5c4: {  	vm0 =	vmmov vm0;
	(xrf2) =	vadd.scan.msk.f32 $0xffff, v6;
	v7 =	vxor.u32 $0x80000000, v7  }
0x5c5: {  	vm0 =	vmmov vm0;
	vm1 =	vmmov vm2;
	(xrf0) =	vmax.scan.msk.u32 $0xffff, v7  }
0x5c6: {  	v6 =	vsel vm0, $0x3F800000, v1;
	vm0 =	vmmov vm1  }
0x5c7: {  	(xrf0) =	vmax.scan.msk.f32 $0xffff, v6;
	v6 =	vsel vm0, $0x3F800000, v1;
	_ =	sdelay $0x1  }
0x5c8: {  	(xrf0) =	vmax.scan.msk.f32 $0xffff, v6;
	v7, _, _ =	vpop (xrf2)  }
0x5c9: {  	[tilespmem:$0x18700] =	vst v1;
	v6, _, _ =	vpop (xrf0);
	(v2sf) =	vpush v7, $0xF  }
0x5ca: {  	[tilespmem:$0x18710] =	vst v1;
	v7, _, _ =	vpop (xrf0);
	(v2sf) =	vpush v6, $0xF  }
0x5cb: {  	[tilespmem:$0x18720] =	vst v1;
	v6, _, _ =	vpop (xrf2);
	(v2sf) =	vpush v7, $0xF  }
0x5cc: {  	[tilespmem:$0x18730] =	vst v1;
	(v2sf) =	vpush v6, $0xF;
	v6, _, _ =	vpop (xrf0)  }
0x5cd: {  	[tilespmem:$0x18740] =	vst v1;
	(v2sf) =	vpush v6, $0xF;
	v6, _, _ =	vpop (xrf2)  }
0x5ce: {  	[tilespmem:$0x18750] =	vst v1;
	(v2sf) =	vpush v6, $0xF;
	v6, _, _ =	vpop (xrf0)  }
0x5cf: {  	[tilespmem:$0x18760] =	vst v1;
	(v2sf) =	vpush v6, $0xF  }
0x5d0: {  	[tilespmem:$0x18770] =	vst v1  }
0x5d1: {  	[tilespmem:$0x18780] =	vst v1  }
0x5d2: {  	[tilespmem:$0x18790] =	vst v1  }
0x5d3: {  	[tilespmem:$0x187A0] =	vst v1  }
0x5d4: {  	p1 =	sgt.f32 s22, $0.0e+00;
	[tilespmem:$0x187B0] =	vst v1  }
0x5d5: {  	[tilespmem:$0x187C0] =	vst v1;
	p0 =	sgt.f32 s28, $0.0e+00  }
0x5d6: {  	[tilespmem:$0x187D0] =	vst v1;
	s16 =	smov.u32 @p1 s11;
	p2 =	sgt.f32 s20, $0.0e+00  }
0x5d7: {  	s3 =	sadd.s32 s3, s21;
	[tilespmem:$0x187E0] =	vst v1;
	s16 =	smov.u32 @p0 s12  }
0x5d8: {  	[tilespmem:$0x187F0] =	vst v1;
	s16 =	smov.u32 @p2 s3;
	s3 =	simm.s32 $0x50;
	s11 =	spop (v2sf)  }
0x5d9: {  	p3 =	sgt.f32 s23, $0.0e+00;
	v6 =	vld [tilespmem:s3+$0xFFFFFFB0];
	s23 =	spop (v2sf)  }
0x5da: {  	s9 =	sadd.s32 s9, s26;
	s8 =	sadd.s32 s8, s29;
	s28 =	spop (v2sf)  }
0x5db: {  	s16 =	smov.u32 @p3 s9;
	s15 =	sadd.s32 s7, s30;
	s7 =	spop (v2sf)  }
0x5dc: {  	p4 =	sgt.f32 s19, $0.0e+00;
	s13 =	simm.s32 @!p0 $0x0;
	s30 =	spop (v2sf)  }
0x5dd: {  	s2 =	sadd.s32 s2, s31;
	p6 =	sgt.f32 s23, $0.0e+00;
	s9 =	spop (v2sf)  }
0x5de: {  	s16 =	smov.u32 @p4 s15;
	v7 =	vmul.f32 $1.442695020e+00, v6;
	p5 =	sgt.f32 s30, $0.0e+00;
	s19 =	spop (v2sf)  }
0x5df: {  	s13 =	simm.s32 @p0 $0x1;
	s16 =	smov.u32 @p6 s8;
	p0 =	sgt.f32 s19, $0.0e+00  }
0x5e0: {  	s20 =	rddreg [dreg:$0x9];
	v9 =	vshra.s32 v6, $0x1F;
	(erf) = vpow2.f32 v7;
	s6 =	sadd.s32 s6, s28;
	s16 =	smov.u32 @p5 s2  }
0x5e1: {  	v7 =	vor.u32 $0x80000000, v9;
	s2 =	sshll.u32 s20, $0xA;
	s16 =	smov.u32 @p0 s6  }
0x5e2: {  	v9 =	vxor.u32 v6, v7;
	s2 =	sor.u32 s2, s16  }
0x5e3: {  	v7 =	vmul.u32 $0x10, v0;
	v10 =	vshrl.u32 v9, $0x2;
	v6 =	vmov s2  }
0x5e4: {  	v9 =	vand.u32 $0x3, v9;
	vm0 =	veq.s32 v10, v6  }
0x5e5: {  	v9 =	vor.u32 v7, v9;
	_ =	sdelay $0x3  }
0x5e6: {  	v10 =	vpop (erf)  }
0x5e7: {  	[tilespmem:v9+s10+$0x0] =	vst.idx.add.f32.msk vm0, v10  }
0x5e8: {  	v9 =	vld [tilespmem:s3+$0xFFFFFFC0];
	_ =	sdelay $0x4  }
0x5e9: {  	v10 =	vmul.f32 $1.442695020e+00, v9;
	_ =	sdelay $0x1  }
0x5ea: {  	v11 =	vshra.s32 v9, $0x1F;
	(erf) = vpow2.f32 v10  }
0x5eb: {  	v10 =	vor.u32 $0x80000000, v11  }
0x5ec: {  	v9 =	vxor.u32 v9, v10  }
0x5ed: {  	v10 =	vshrl.u32 v9, $0x2  }
0x5ee: {  	v9 =	vand.u32 $0x3, v9;
	vm0 =	veq.s32 v10, v6  }
0x5ef: {  	v9 =	vor.u32 v7, v9;
	_ =	sdelay $0x3  }
0x5f0: {  	v10 =	vpop (erf)  }
0x5f1: {  	[tilespmem:v9+s10+$0x0] =	vst.idx.add.f32.msk vm0, v10  }
0x5f2: {  	v9 =	vld [tilespmem:s3+$0xFFFFFFD0];
	_ =	sdelay $0x4  }
0x5f3: {  	v10 =	vmul.f32 $1.442695020e+00, v9;
	_ =	sdelay $0x1  }
0x5f4: {  	v11 =	vshra.s32 v9, $0x1F;
	(erf) = vpow2.f32 v10  }
0x5f5: {  	v10 =	vor.u32 $0x80000000, v11  }
0x5f6: {  	v9 =	vxor.u32 v9, v10  }
0x5f7: {  	v10 =	vshrl.u32 v9, $0x2  }
0x5f8: {  	v9 =	vand.u32 $0x3, v9;
	vm0 =	veq.s32 v10, v6  }
0x5f9: {  	v9 =	vor.u32 v7, v9;
	_ =	sdelay $0x3  }
0x5fa: {  	v10 =	vpop (erf)  }
0x5fb: {  	[tilespmem:v9+s10+$0x0] =	vst.idx.add.f32.msk vm0, v10  }
0x5fc: {  	v9 =	vld [tilespmem:s3+$0xFFFFFFE0];
	_ =	sdelay $0x4  }
0x5fd: {  	v10 =	vmul.f32 $1.442695020e+00, v9;
	_ =	sdelay $0x1  }
0x5fe: {  	v11 =	vshra.s32 v9, $0x1F;
	(erf) = vpow2.f32 v10  }
0x5ff: {  	v10 =	vor.u32 $0x80000000, v11  }
0x600: {  	v9 =	vxor.u32 v9, v10  }
0x601: {  	v10 =	vshrl.u32 v9, $0x2  }
0x602: {  	v9 =	vand.u32 $0x3, v9;
	vm0 =	veq.s32 v10, v6  }
0x603: {  	v9 =	vor.u32 v7, v9;
	_ =	sdelay $0x3  }
0x604: {  	v10 =	vpop (erf)  }
0x605: {  	[tilespmem:v9+s10+$0x0] =	vst.idx.add.f32.msk vm0, v10  }
0x606: {  	v9 =	vld [tilespmem:s3+$0xFFFFFFF0];
	_ =	sdelay $0x4  }
0x607: {  	v10 =	vmul.f32 $1.442695020e+00, v9;
	_ =	sdelay $0x1  }
0x608: {  	v11 =	vshra.s32 v9, $0x1F;
	(erf) = vpow2.f32 v10  }
0x609: {  	v10 =	vor.u32 $0x80000000, v11  }
0x60a: {  	v9 =	vxor.u32 v9, v10  }
0x60b: {  	v10 =	vshrl.u32 v9, $0x2  }
0x60c: {  	v9 =	vand.u32 $0x3, v9;
	vm0 =	veq.s32 v10, v6  }
0x60d: {  	v9 =	vor.u32 v7, v9;
	_ =	sdelay $0x3  }
0x60e: {  	v10 =	vpop (erf)  }
0x60f: {  	[tilespmem:v9+s10+$0x0] =	vst.idx.add.f32.msk vm0, v10  }
0x610: {  	v9 =	vld [tilespmem:s3+$0x0];
	_ =	sdelay $0x4  }
0x611: {  	v10 =	vmul.f32 $1.442695020e+00, v9;
	_ =	sdelay $0x1  }
0x612: {  	v11 =	vshra.s32 v9, $0x1F;
	(erf) = vpow2.f32 v10  }
0x613: {  	v10 =	vor.u32 $0x80000000, v11  }
0x614: {  	v9 =	vxor.u32 v9, v10  }
0x615: {  	v10 =	vshrl.u32 v9, $0x2  }
0x616: {  	v9 =	vand.u32 $0x3, v9;
	vm0 =	veq.s32 v10, v6  }
0x617: {  	v9 =	vor.u32 v7, v9;
	_ =	sdelay $0x3  }
0x618: {  	v10 =	vpop (erf)  }
0x619: {  	[tilespmem:v9+s10+$0x0] =	vst.idx.add.f32.msk vm0, v10  }
0x61a: {  	v9 =	vld [tilespmem:s3+$0x10];
	_ =	sdelay $0x4  }
0x61b: {  	v10 =	vmul.f32 $1.442695020e+00, v9;
	_ =	sdelay $0x1  }
0x61c: {  	v11 =	vshra.s32 v9, $0x1F;
	(erf) = vpow2.f32 v10  }
0x61d: {  	v10 =	vor.u32 $0x80000000, v11  }
0x61e: {  	v9 =	vxor.u32 v9, v10  }
0x61f: {  	v10 =	vshrl.u32 v9, $0x2  }
0x620: {  	v9 =	vand.u32 $0x3, v9;
	vm0 =	veq.s32 v10, v6  }
0x621: {  	v9 =	vor.u32 v7, v9;
	_ =	sdelay $0x3  }
0x622: {  	v10 =	vpop (erf)  }
0x623: {  	[tilespmem:v9+s10+$0x0] =	vst.idx.add.f32.msk vm0, v10  }
0x624: {  	v9 =	vld [tilespmem:s3+$0x20];
	_ =	sdelay $0x4  }
0x625: {  	v10 =	vmul.f32 $1.442695020e+00, v9;
	_ =	sdelay $0x1  }
0x626: {  	v11 =	vshra.s32 v9, $0x1F;
	(erf) = vpow2.f32 v10  }
0x627: {  	v10 =	vor.u32 $0x80000000, v11  }
0x628: {  	v9 =	vxor.u32 v9, v10  }
0x629: {  	v10 =	vshrl.u32 v9, $0x2  }
0x62a: {  	v9 =	vand.u32 $0x3, v9;
	vm0 =	veq.s32 v10, v6  }
0x62b: {  	v9 =	vor.u32 v7, v9;
	_ =	sdelay $0x3  }
0x62c: {  	s21 =	simm.s32 $0x0;
	v10 =	vpop (erf)  }
0x62d: {  	s6 =	sand.u32 $0x3FFE0, s21;
	[tilespmem:v9+s10+$0x0] =	vst.idx.add.f32.msk vm0, v10  }
0x62e: {  	v9 =	vld [tilespmem:s6+$0x80]  }
0x62f: {  	s22 =	sxor.u32 $0x80000000, s28  }
0x630: {  	v10 =	vmov s22  }
0x631: {  	vm0 =	veq.s32 v10, v0  }
0x632: {  	v8 =	vnsel vm0, $0x0, v8  }
0x633: {  	(xrf2) =	vadd.scan.msk.f32 $0xffff, v8;
	v8 =	vmul.f32 $1.442695020e+00, v9;
	_ =	sdelay $0x1  }
0x634: {  	v10 =	vshra.s32 v9, $0x1F;
	(erf) = vpow2.f32 v8  }
0x635: {  	v8 =	vor.u32 $0x80000000, v10  }
0x636: {  	v8 =	vxor.u32 v9, v8  }
0x637: {  	v9 =	vshrl.u32 v8, $0x2  }
0x638: {  	v8 =	vand.u32 $0x3, v8;
	vm0 =	veq.s32 v9, v6  }
0x639: {  	v8 =	vor.u32 v7, v8;
	_ =	sdelay $0x2  }
0x63a: {  	v9, _, _ =	vpop (xrf2)  }
0x63b: {  	(v2sf) =	vpush v9, $0xF;
	v9 =	vpop (erf)  }
0x63c: {  	[tilespmem:v8+s10+$0x0] =	vst.idx.add.f32.msk vm0, v9  }
0x63d: {  	v8 =	vld [tilespmem:s3+$0x40]  }
0x63e: {  	s5 =	sadd.f32 s5, s14  }
0x63f: {  	s26 =	rddreg [dreg:$0x15]  }
0x640: {  	s0 =	sadd.f32 s26, s0  }
0x641: {  	[smem:$0x7F7] =	sst s13  }
0x642: {  	s28 =	sld [smem:$0x7F7];
	v9 =	vmul.f32 $1.442695020e+00, v8  }
0x643: {  	s23 =	rddreg [dreg:$0x13]  }
0x644: {  	s6 =	sadd.f32 s23, s18;
	(erf) = vpow2.f32 v9  }
0x645: {  	s17 =	smov.u32 @p1 s5;
	s29 =	rddreg [dreg:$0x16];
	p1 =	seq.s32 s28, $0x1;
	v9 =	vshra.s32 v8, $0x1F  }
0x646: {  	s1 =	sadd.f32 s29, s1;
	s17 =	smov.u32 @p1 s6;
	v9 =	vor.u32 $0x80000000, v9  }
0x647: {  	s17 =	smov.u32 @p2 s0;
	s0 =	sadd.f32 s11, s4;
	v8 =	vxor.u32 v8, v9  }
0x648: {  	s30 =	rddreg [dreg:$0x14];
	s17 =	smov.u32 @p3 s1;
	v9 =	vand.u32 $0x3, v8;
	v8 =	vshrl.u32 v8, $0x2  }
0x649: {  	s17 =	smov.u32 @p4 s0;
	s0 =	sadd.f32 s7, s30;
	vm0 =	veq.s32 v8, v6  }
0x64a: {  	s1 =	sadd.f32 s9, s25;
	s31 =	spop (v2sf);
	v8 =	vor.u32 v7, v9  }
0x64b: {  	s17 =	smov.u32 @p6 s0;
	s0 =	sadd.f32 s31, s24  }
0x64c: {  	s17 =	smov.u32 @p5 s1  }
0x64d: {  	s17 =	smov.u32 @p0 s0;
	s0 =	simm.s32 $0xA0;
	v9 =	vpop (erf)  }
.LBB2_39:
0x64e: {  	p0 =	sne.s32 s0, $0x18600  }
0x64f: {  	[tilespmem:v8+s10+$0x0] =	vst.idx.add.f32.msk vm0, v9;
	s3 =	sadd.s32 $0xA0, s3;
	s1 =	smov.u32 s0;
	s0 =	sadd.s32 $0xA0, s0  }
0x650: {  	v8 =	vld [tilespmem:s3+$0xFFFFFFB0];
	_ =	sdelay $0x4  }
0x651: {  	v9 =	vshra.s32 v8, $0x1F;
	v10 =	vmul.f32 $1.442695020e+00, v8  }
0x652: {  	v9 =	vor.u32 $0x80000000, v9  }
0x653: {  	v8 =	vxor.u32 v8, v9;
	(erf) = vpow2.f32 v10  }
0x654: {  	v9 =	vand.u32 $0x3, v8;
	v8 =	vshrl.u32 v8, $0x2;
	_ =	sdelay $0x2  }
0x655: {  	vm0 =	veq.s32 v8, v6  }
0x656: {  	v8 =	vor.u32 v7, v9;
	_ =	sdelay $0x3  }
0x657: {  	v9 =	vpop (erf)  }
0x658: {  	[tilespmem:v8+s10+$0x0] =	vst.idx.add.f32.msk vm0, v9  }
0x659: {  	v8 =	vld [tilespmem:s3+$0xFFFFFFC0];
	_ =	sdelay $0x4  }
0x65a: {  	v9 =	vshra.s32 v8, $0x1F;
	v10 =	vmul.f32 $1.442695020e+00, v8  }
0x65b: {  	v9 =	vor.u32 $0x80000000, v9  }
0x65c: {  	v8 =	vxor.u32 v8, v9;
	(erf) = vpow2.f32 v10  }
0x65d: {  	v9 =	vand.u32 $0x3, v8;
	v8 =	vshrl.u32 v8, $0x2;
	_ =	sdelay $0x2  }
0x65e: {  	vm0 =	veq.s32 v8, v6  }
0x65f: {  	v8 =	vor.u32 v7, v9;
	_ =	sdelay $0x3  }
0x660: {  	v9 =	vpop (erf)  }
0x661: {  	[tilespmem:v8+s10+$0x0] =	vst.idx.add.f32.msk vm0, v9  }
0x662: {  	v8 =	vld [tilespmem:s3+$0xFFFFFFD0];
	_ =	sdelay $0x4  }
0x663: {  	v9 =	vshra.s32 v8, $0x1F;
	v10 =	vmul.f32 $1.442695020e+00, v8  }
0x664: {  	v9 =	vor.u32 $0x80000000, v9  }
0x665: {  	v8 =	vxor.u32 v8, v9;
	(erf) = vpow2.f32 v10  }
0x666: {  	v9 =	vand.u32 $0x3, v8;
	v8 =	vshrl.u32 v8, $0x2;
	_ =	sdelay $0x2  }
0x667: {  	vm0 =	veq.s32 v8, v6  }
0x668: {  	v8 =	vor.u32 v7, v9;
	_ =	sdelay $0x3  }
0x669: {  	v9 =	vpop (erf)  }
0x66a: {  	[tilespmem:v8+s10+$0x0] =	vst.idx.add.f32.msk vm0, v9  }
0x66b: {  	v8 =	vld [tilespmem:s3+$0xFFFFFFE0];
	_ =	sdelay $0x4  }
0x66c: {  	v9 =	vshra.s32 v8, $0x1F;
	v10 =	vmul.f32 $1.442695020e+00, v8  }
0x66d: {  	v9 =	vor.u32 $0x80000000, v9  }
0x66e: {  	v8 =	vxor.u32 v8, v9;
	(erf) = vpow2.f32 v10  }
0x66f: {  	v9 =	vand.u32 $0x3, v8;
	v8 =	vshrl.u32 v8, $0x2;
	_ =	sdelay $0x2  }
0x670: {  	vm0 =	veq.s32 v8, v6  }
0x671: {  	v8 =	vor.u32 v7, v9;
	_ =	sdelay $0x3  }
0x672: {  	v9 =	vpop (erf)  }
0x673: {  	[tilespmem:v8+s10+$0x0] =	vst.idx.add.f32.msk vm0, v9  }
0x674: {  	v8 =	vld [tilespmem:s3+$0xFFFFFFF0];
	_ =	sdelay $0x4  }
0x675: {  	v9 =	vshra.s32 v8, $0x1F;
	v10 =	vmul.f32 $1.442695020e+00, v8  }
0x676: {  	v9 =	vor.u32 $0x80000000, v9  }
0x677: {  	v8 =	vxor.u32 v8, v9;
	(erf) = vpow2.f32 v10  }
0x678: {  	v9 =	vand.u32 $0x3, v8;
	v8 =	vshrl.u32 v8, $0x2;
	_ =	sdelay $0x2  }
0x679: {  	vm0 =	veq.s32 v8, v6  }
0x67a: {  	v8 =	vor.u32 v7, v9;
	_ =	sdelay $0x3  }
0x67b: {  	v9 =	vpop (erf)  }
0x67c: {  	[tilespmem:v8+s10+$0x0] =	vst.idx.add.f32.msk vm0, v9  }
0x67d: {  	v8 =	vld [tilespmem:s3+$0x0];
	_ =	sdelay $0x4  }
0x67e: {  	v9 =	vshra.s32 v8, $0x1F;
	v10 =	vmul.f32 $1.442695020e+00, v8  }
0x67f: {  	v9 =	vor.u32 $0x80000000, v9  }
0x680: {  	v8 =	vxor.u32 v8, v9;
	(erf) = vpow2.f32 v10  }
0x681: {  	v9 =	vand.u32 $0x3, v8;
	v8 =	vshrl.u32 v8, $0x2;
	_ =	sdelay $0x2  }
0x682: {  	vm0 =	veq.s32 v8, v6  }
0x683: {  	v8 =	vor.u32 v7, v9;
	_ =	sdelay $0x3  }
0x684: {  	v9 =	vpop (erf)  }
0x685: {  	[tilespmem:v8+s10+$0x0] =	vst.idx.add.f32.msk vm0, v9  }
0x686: {  	v8 =	vld [tilespmem:s3+$0x10];
	_ =	sdelay $0x4  }
0x687: {  	v9 =	vshra.s32 v8, $0x1F;
	v10 =	vmul.f32 $1.442695020e+00, v8  }
0x688: {  	v9 =	vor.u32 $0x80000000, v9  }
0x689: {  	v8 =	vxor.u32 v8, v9;
	(erf) = vpow2.f32 v10  }
0x68a: {  	v9 =	vand.u32 $0x3, v8;
	v8 =	vshrl.u32 v8, $0x2;
	_ =	sdelay $0x2  }
0x68b: {  	vm0 =	veq.s32 v8, v6  }
0x68c: {  	v8 =	vor.u32 v7, v9;
	_ =	sdelay $0x3  }
0x68d: {  	v9 =	vpop (erf)  }
0x68e: {  	[tilespmem:v8+s10+$0x0] =	vst.idx.add.f32.msk vm0, v9  }
0x68f: {  	v8 =	vld [tilespmem:s3+$0x20];
	_ =	sdelay $0x4  }
0x690: {  	v9 =	vshra.s32 v8, $0x1F;
	v10 =	vmul.f32 $1.442695020e+00, v8  }
0x691: {  	v9 =	vor.u32 $0x80000000, v9  }
0x692: {  	v8 =	vxor.u32 v8, v9;
	(erf) = vpow2.f32 v10  }
0x693: {  	v9 =	vand.u32 $0x3, v8;
	v8 =	vshrl.u32 v8, $0x2;
	_ =	sdelay $0x2  }
0x694: {  	vm0 =	veq.s32 v8, v6  }
0x695: {  	v8 =	vor.u32 v7, v9;
	_ =	sdelay $0x3  }
0x696: {  	v9 =	vpop (erf)  }
0x697: {  	s1 =	sand.u32 $0x3FFE0, s1;
	[tilespmem:v8+s10+$0x0] =	vst.idx.add.f32.msk vm0, v9  }
0x698: {  	v8 =	vld [tilespmem:s1+$0x80];
	_ =	sdelay $0x4  }
0x699: {  	v9 =	vshra.s32 v8, $0x1F;
	v10 =	vmul.f32 $1.442695020e+00, v8  }
0x69a: {  	v9 =	vor.u32 $0x80000000, v9  }
0x69b: {  	v8 =	vxor.u32 v8, v9;
	(erf) = vpow2.f32 v10  }
0x69c: {  	v9 =	vand.u32 $0x3, v8;
	v8 =	vshrl.u32 v8, $0x2;
	_ =	sdelay $0x2  }
0x69d: {  	vm0 =	veq.s32 v8, v6  }
0x69e: {  	v8 =	vor.u32 v7, v9;
	_ =	sdelay $0x3  }
0x69f: {  	v9 =	vpop (erf)  }
0x6a0: {  	[tilespmem:v8+s10+$0x0] =	vst.idx.add.f32.msk vm0, v9  }
0x6a1: {  	v8 =	vld [tilespmem:s3+$0x40];
	_ =	sdelay $0x4  }
0x6a2: {  	v9 =	vshra.s32 v8, $0x1F;
	v10 =	vmul.f32 $1.442695020e+00, v8  }
0x6a3: {  	v9 =	vor.u32 $0x80000000, v9  }
0x6a4: {  	v8 =	vxor.u32 v8, v9;
	(erf) = vpow2.f32 v10  }
0x6a5: {  	v9 =	vand.u32 $0x3, v8;
	v8 =	vshrl.u32 v8, $0x2;
	_ =	sdelay $0x2  }
0x6a6: {  	vm0 =	veq.s32 v8, v6  }
.Ltmp20:
0x6a7: {  	v8 =	vor.u32 v7, v9;
	(pc) =	sbr.rel @p0 .LBB2_39-.Ltmp20, $2  }
0x6a8: {  	_ =	sdelay $0x2  }
0x6a9: {  	v9 =	vpop (erf)  }
0x6aa: {  	_ =	sdelay $0x4  }
0x6ab: {  	[tilespmem:v8+s10+$0x0] =	vst.idx.add.f32.msk vm0, v9  }
0x6ac: {  	v6 =	vld [tilespmem:$0x18700]  }
0x6ad: {  	v7 =	vld [tilespmem:$0x18710];
	_ =	sdelay $0x1  }
0x6ae: {  	v8 =	vld [tilespmem:$0x18720];
	_ =	sdelay $0x1  }
0x6af: {  	v9 =	vld [tilespmem:$0x18730]  }
0x6b0: {  	v6 =	vadd.f32 v7, v6  }
0x6b1: {  	v7 =	vld [tilespmem:$0x18740]  }
0x6b2: {  	v6 =	vadd.f32 v8, v6  }
0x6b3: {  	v8 =	vld [tilespmem:$0x18750]  }
0x6b4: {  	v6 =	vadd.f32 v9, v6  }
0x6b5: {  	v9 =	vld [tilespmem:$0x18760]  }
0x6b6: {  	v6 =	vadd.f32 v7, v6  }
0x6b7: {  	v7 =	vld [tilespmem:$0x18770]  }
0x6b8: {  	v6 =	vadd.f32 v8, v6  }
0x6b9: {  	v8 =	vld [tilespmem:$0x18780]  }
0x6ba: {  	v6 =	vadd.f32 v9, v6  }
0x6bb: {  	v9 =	vld [tilespmem:$0x18790]  }
0x6bc: {  	v6 =	vadd.f32 v7, v6  }
0x6bd: {  	v7 =	vld [tilespmem:$0x187A0]  }
0x6be: {  	v6 =	vadd.f32 v8, v6  }
0x6bf: {  	v8 =	vld [tilespmem:$0x187B0]  }
0x6c0: {  	v6 =	vadd.f32 v9, v6  }
0x6c1: {  	v9 =	vld [tilespmem:$0x187C0]  }
0x6c2: {  	v6 =	vadd.f32 v7, v6  }
0x6c3: {  	v7 =	vld [tilespmem:$0x187D0]  }
0x6c4: {  	v6 =	vadd.f32 v8, v6  }
0x6c5: {  	v8 =	vld [tilespmem:$0x187E0]  }
0x6c6: {  	v6 =	vadd.f32 v9, v6  }
0x6c7: {  	v9 =	vld [tilespmem:$0x187F0]  }
0x6c8: {  	v6 =	vadd.f32 v7, v6;
	_ =	sdelay $0x1  }
0x6c9: {  	v6 =	vadd.f32 v8, v6;
	_ =	sdelay $0x1  }
0x6ca: {  	v6 =	vadd.f32 v9, v6;
	_ =	sdelay $0x1  }
0x6cb: {  	v7 =	vperm.xlane v6, v3;
	_ =	sdelay $0x1  }
0x6cc: {  	(xrf2) =	vadd.scan.msk.f32 $0xffff, v7;
	_ =	sdelay $0x9  }
0x6cd: {  	v7, _, _ =	vpop (xrf2)  }
0x6ce: {  	v7 =	vperm.xlane v7, v3;
	_ =	sdelay $0x1  }
0x6cf: {  	v7 =	vsub.f32 v7, v6;
	_ =	sdelay $0x1  }
0x6d0: {  	v8 =	vadd.f32 s17, v7;
	_ =	sdelay $0x1  }
0x6d1: {  	vm1 =	vgt.f32 v6, $0.0e+00;
	vm0 =	vle.f32 v8, v5  }
0x6d2: {  	vm0 =	vmand vm1, vm0  }
0x6d3: {  	v6 =	vmctz.xlane vm0  }
0x6d4: {  	v8 =	vsel vm0, $0x3F800000, v1  }
0x6d5: {  	(xrf0) =	vmax.scan.msk.f32 $0xffff, v8;
	v6 =	vxor.u32 $0x80000000, v6  }
0x6d6: {  	(xrf0) =	vmax.scan.msk.u32 $0xffff, v6;
	_ =	sdelay $0x4  }
0x6d7: {  	v6, _, _ =	vpop (xrf0)  }
0x6d8: {  	(v2sf) =	vpush v6, $0xF;
	v6, _, _ =	vpop (xrf0)  }
0x6d9: {  	(v2sf) =	vpush v6, $0xF;
	_ =	sdelay $0xd  }
0x6da: {  	s0 =	spop (v2sf)  }
0x6db: {  	p0 =	sgt.f32 s0, $0.0e+00;
	s1 =	spop (v2sf)  }
0x6dc: {  	s0 =	sxor.u32 $0x80000000, s1  }
0x6dd: {  	s21 =	sshll.u32 s2, $0x2;
	v8 =	vmov s0;
	s0 =	simm.s32 @!p0 $0x0  }
0x6de: {  	s0 =	sor.u32 s21, s0  }
0x6df: {  	v6 =	vmov s0  }
0x6e0: {  	v9 =	vshrl.u32 v6, $0x1F  }
0x6e1: {  	v9 =	vadd.s32 $0xFFFFFFFF, v9  }
0x6e2: {  	vm0 =	veq.s32 v8, v0;
	v8 =	vor.u32 $0x80000000, v9  }
0x6e3: {  	v7 =	vnsel vm0, $0x0, v7;
	v8 =	vxor.u32 s0, v8  }
0x6e4: {  	(xrf2) =	vadd.scan.msk.f32 $0xffff, v7;
	v7 =	vmul.f32 $1.442695020e+00, v8  }
0x6e5: {  	s0 =	simm.s32 $0x50  }
0x6e6: {  	v13 =	vld [tilespmem:s0+$0xFFFFFFB0];
	(erf) = vpow2.f32 v7  }
0x6e7: {  	v14 =	vld [tilespmem:s0+$0xFFFFFFC0];
	_ =	sdelay $0x4  }
0x6e8: {  	v7 =	vshra.s32 v13, $0x1F;
	v8 =	vshra.s32 v14, $0x1F  }
0x6e9: {  	v16 =	vld [tilespmem:s0+$0xFFFFFFD0];
	v7 =	vor.u32 $0x80000000, v7  }
0x6ea: {  	v11 =	vld [tilespmem:s0+$0xFFFFFFF0];
	v9, _, _ =	vpop (xrf2);
	v15 =	vxor.u32 v13, v7  }
0x6eb: {  	v7 =	vor.u32 $0x80000000, v8;
	(v2sf) =	vpush v9, $0xF;
	v9 =	vld [tilespmem:s0+$0xFFFFFFE0];
	vm4 =	veq.s32 v15, v6;
	v8 =	vpop (erf)  }
0x6ec: {  	v10 =	vld [tilespmem:s0+$0x0];
	v17 =	vxor.u32 v14, v7;
	v7 =	vsel vm4, $0x1, v4;
	(xrf0) =	vmax.scan.msk.f32 $0xffff, v8  }
0x6ed: {  	vm6 =	veq.s32 v17, v6;
	(xrf0) =	vadd.scan.msk.s32 $0xffff, v7  }
0x6ee: {  	v8 =	vsel vm6, $0x1, v4;
	v7 =	vshra.s32 v16, $0x1F  }
0x6ef: {  	v23 =	vshra.s32 v11, $0x1F;
	(xrf0) =	vadd.scan.msk.s32 $0xffff, v8;
	v7 =	vor.u32 $0x80000000, v7  }
0x6f0: {  	v23 =	vor.u32 $0x80000000, v23;
	v8 =	vshra.s32 v9, $0x1F;
	v19 =	vxor.u32 v16, v7  }
0x6f1: {  	v7 =	vor.u32 $0x80000000, v8;
	v8 =	vshra.s32 v10, $0x1F;
	vm8 =	veq.s32 v19, v6  }
0x6f2: {  	v12 =	vld [tilespmem:s0+$0x10];
	v20 =	vxor.u32 v9, v7;
	v8 =	vor.u32 $0x80000000, v8;
	v7 =	vsel vm8, $0x1, v4;
	v18, _, _ =	vpop (xrf0)  }
0x6f3: {  	v23 =	vxor.u32 v11, v23;
	vm0 =	veq.s32 v20, v6;
	v24 =	vxor.u32 v10, v8;
	(xrf0) =	vadd.scan.msk.s32 $0xffff, v7;
	v21, _, _ =	vpop (xrf0)  }
0x6f4: {  	v8 =	vsel vm0, $0x1, v4;
	vm1 =	veq.s32 v24, v6;
	(v2sf) =	vpush v21, $0xF  }
0x6f5: {  	vm2 =	veq.s32 v23, v6;
	(xrf0) =	vadd.scan.msk.s32 $0xffff, v8;
	v8 =	vsel vm1, $0x1, v4;
	v22, _, _ =	vpop (xrf0)  }
0x6f6: {  	v25 =	vsel vm2, $0x1, v4;
	(xrf0) =	vadd.scan.msk.s32 $0xffff, v8;
	(v2sf) =	vpush v22, $0xF  }
0x6f7: {  	v7 =	vshra.s32 v12, $0x1F;
	(xrf0) =	vadd.scan.msk.s32 $0xffff, v25  }
0x6f8: {  	v7 =	vor.u32 $0x80000000, v7  }
0x6f9: {  	v25 =	vxor.u32 v12, v7;
	v26, _, _ =	vpop (xrf0)  }
0x6fa: {  	vm3 =	veq.s32 v25, v6;
	(v2sf) =	vpush v26, $0xF  }
0x6fb: {  	v7 =	vsel vm3, $0x1, v4;
	v27, _, _ =	vpop (xrf0)  }
0x6fc: {  	(xrf0) =	vadd.scan.msk.s32 $0xffff, v7;
	v7 =	vbroadcast v18, $0xF;
	(v2sf) =	vpush v27, $0xF;
	v18, _, _ =	vpop (xrf0)  }
0x6fd: {  	vm5 =	vgt.u32 v20, v6;
	v20 =	vld [tilespmem:s0+$0x20];
	v28, _, _ =	vpop (xrf0)  }
0x6fe: {  	vm11 =	vgt.u32 v15, v6;
	vm9 =	vgt.u32 v23, v6;
	(v2sf) =	vpush v28, $0xF  }
0x6ff: {  	s23 =	simm.s32 $0x0;
	v15 =	vsel vm4, $0xFFFFFFFF, v4;
	vm13 =	vgt.u32 v17, v6;
	s22 =	spop (v2sf);
	(v2sf) =	vpush v18, $0xF  }
0x700: {  	v15 =	vadd.s32 s23, v15;
	v29 =	vsel vm6, $0xFFFFFFFF, v4;
	vm12 =	vgt.u32 v19, v6  }
0x701: {  	v19 =	vsel vm8, $0xFFFFFFFF, v4;
	v17 =	vsel vm0, $0xFFFFFFFF, v4;
	vm7 =	vgt.u32 v24, v6  }
0x702: {  	v15 =	vadd.s32 v21, v15;
	v21 =	vadd.s32 v29, v22;
	v23 =	vshra.s32 v20, $0x1F;
	v24, _, _ =	vpop (xrf0)  }
0x703: {  	v15 =	vcvt.s32.f32 v15;
	s1 =	sadd.f32 s22, s17;
	v23 =	vor.u32 $0x80000000, v23;
	s24 =	spop (v2sf);
	(v2sf) =	vpush v24, $0xF  }
0x704: {  	v22 =	vsel vm1, $0xFFFFFFFF, v4;
	v23 =	vxor.u32 v20, v23;
	v19 =	vadd.s32 v19, v26  }
0x705: {  	s1 =	simm.s32 @!p0 $0x0;
	v26 =	vsel vm2, $0xFFFFFFFF, v4;
	vm10 =	veq.s32 v23, v6;
	v15 =	vmul.f32 v15, v7;
	s2 =	sadd.s32 $0x0, s24;
	s3 =	spop (v2sf)  }
0x706: {  	v8 =	vmov s1;
	v17 =	vadd.s32 v17, v27;
	v21 =	vadd.s32 s2, v21;
	s2 =	sadd.s32 s2, s3  }
0x707: {  	v15 =	vadd.f32 v15, v8;
	v21 =	vcvt.s32.f32 v21;
	v19 =	vadd.s32 s2, v19  }
0x708: {  	v27 =	vsel vm10, $0x1, v4;
	v26 =	vadd.s32 v26, v28;
	v19 =	vcvt.s32.f32 v19  }
0x709: {  	v18 =	vadd.s32 v22, v18;
	vm15 =	vle.f32 v15, v5;
	v21 =	vmul.f32 v21, v7;
	s25 =	spop (v2sf)  }
0x70a: {  	v22 =	vsel vm10, $0xFFFFFFFF, v4;
	vm4 =	vmand vm4, vm15;
	v19 =	vmul.f32 v19, v7;
	s2 =	sadd.s32 s2, s25  }
0x70b: {  	vm4 =	vmor vm11, vm4;
	s4 =	spop (v2sf);
	v21 =	vadd.f32 v21, v8;
	v15 =	vadd.s32 s2, v17  }
0x70c: {  	(xrf0) =	vadd.scan.msk.s32 $0xffff, v27;
	v13 =	vnsel vm4, $0xFF800000, v13;
	s2 =	sadd.s32 s2, s4;
	v19 =	vadd.f32 v19, v8;
	v15 =	vcvt.s32.f32 v15  }
0x70d: {  	s26 =	spop (v2sf);
	v17 =	vadd.s32 s2, v26;
	vm14 =	vle.f32 v21, v5;
	v21 =	vsel vm3, $0xFFFFFFFF, v4  }
0x70e: {  	s2 =	sadd.s32 s2, s26;
	s28 =	spop (v2sf);
	v17 =	vcvt.s32.f32 v17;
	vm6 =	vmand vm6, vm14;
	vm14 =	vle.f32 v19, v5  }
0x70f: {  	v18 =	vadd.s32 s2, v18;
	s2 =	sadd.s32 s2, s28;
	v19 =	vadd.s32 v21, v24;
	v15 =	vmul.f32 v15, v7  }
0x710: {  	vm6 =	vmor vm13, vm6;
	v18 =	vcvt.s32.f32 v18;
	v19 =	vadd.s32 s2, v19  }
0x711: {  	vm8 =	vmand vm8, vm14;
	v17 =	vmul.f32 v17, v7;
	v19 =	vcvt.s32.f32 v19  }
0x712: {  	v14 =	vnsel vm6, $0xFF800000, v14;
	v21, _, _ =	vpop (xrf0);
	v15 =	vadd.f32 v15, v8;
	v18 =	vmul.f32 v18, v7;
	s29 =	spop (v2sf)  }
0x713: {  	v22 =	vadd.s32 v22, v21;
	v17 =	vadd.f32 v17, v8;
	v19 =	vmul.f32 v19, v7;
	s2 =	sadd.s32 s2, s29  }
0x714: {  	vm4 =	vle.f32 v15, v5;
	v15 =	vadd.f32 v18, v8;
	v22 =	vadd.s32 s2, v22  }
0x715: {  	vm0 =	vmand vm0, vm4;
	vm4 =	vle.f32 v17, v5;
	v18 =	vcvt.s32.f32 v22  }
0x716: {  	vm6 =	vmor vm12, vm8;
	v19 =	vadd.f32 v19, v8;
	vm2 =	vmand vm2, vm4  }
0x717: {  	vm0 =	vmor vm5, vm0;
	vm8 =	vle.f32 v15, v5;
	v15 =	vmul.f32 v18, v7  }
0x718: {  	[tilespmem:s0+$0xFFFFFFB0] =	vst v13;
	v16 =	vnsel vm6, $0xFF800000, v16;
	vm2 =	vmor vm9, vm2;
	v9 =	vnsel vm0, $0xFF800000, v9  }
0x719: {  	[tilespmem:s0+$0xFFFFFFC0] =	vst v14;
	vm1 =	vmand vm1, vm8;
	vm4 =	vle.f32 v19, v5;
	v13 =	vadd.f32 v15, v8  }
0x71a: {  	[tilespmem:s0+$0xFFFFFFD0] =	vst v16;
	vm8 =	vgt.u32 v25, v6;
	v11 =	vnsel vm2, $0xFF800000, v11;
	vm3 =	vmand vm3, vm4  }
0x71b: {  	[tilespmem:s0+$0xFFFFFFE0] =	vst v9;
	vm1 =	vmor vm7, vm1;
	vm2 =	vmor vm8, vm3;
	vm3 =	vle.f32 v13, v5  }
0x71c: {  	vm6 =	vgt.u32 v23, v6;
	[tilespmem:s0+$0xFFFFFFF0] =	vst v11;
	v10 =	vnsel vm1, $0xFF800000, v10;
	vm1 =	vmand vm10, vm3  }
0x71d: {  	v11 =	vnsel vm2, $0xFF800000, v12;
	[tilespmem:s0+$0x0] =	vst v10;
	vm0 =	vmor vm6, vm1  }
0x71e: {  	[tilespmem:s0+$0x10] =	vst v11;
	v10 =	vnsel vm0, $0xFF800000, v20  }
0x71f: {  	s1 =	sand.u32 $0x3FFE0, s23;
	[tilespmem:s0+$0x20] =	vst v10  }
0x720: {  	v9 =	vld [tilespmem:s1+$0x80]  }
0x721: {  	(v2sf) =	vpush v21, $0xF;
	_ =	sdelay $0x3  }
0x722: {  	v10 =	vshra.s32 v9, $0x1F  }
0x723: {  	v10 =	vor.u32 $0x80000000, v10  }
0x724: {  	v10 =	vxor.u32 v9, v10  }
0x725: {  	vm0 =	veq.s32 v10, v6  }
0x726: {  	v11 =	vsel vm0, $0x1, v4  }
0x727: {  	(xrf0) =	vadd.scan.msk.s32 $0xffff, v11;
	_ =	sdelay $0x5  }
0x728: {  	s30 =	spop (v2sf);
	v11 =	vsel vm0, $0xFFFFFFFF, v4;
	v12, _, _ =	vpop (xrf0)  }
0x729: {  	s2 =	sadd.s32 s2, s30;
	v11 =	vadd.s32 v11, v12  }
0x72a: {  	v11 =	vadd.s32 s2, v11  }
0x72b: {  	v11 =	vcvt.s32.f32 v11;
	_ =	sdelay $0x1  }
0x72c: {  	v11 =	vmul.f32 v11, v7;
	_ =	sdelay $0x1  }
0x72d: {  	v11 =	vadd.f32 v11, v8;
	_ =	sdelay $0x1  }
0x72e: {  	vm1 =	vle.f32 v11, v5  }
0x72f: {  	vm2 =	vgt.u32 v10, v6;
	vm0 =	vmand vm0, vm1  }
0x730: {  	vm0 =	vmor vm2, vm0  }
0x731: {  	v9 =	vnsel vm0, $0xFF800000, v9  }
0x732: {  	[tilespmem:s1+$0x80] =	vst v9  }
0x733: {  	s1 =	simm.s32 $0xF0;
	v16 =	vld [tilespmem:s0+$0x40]  }
0x734: {  	v13 =	vld [tilespmem:s1+$0xFFFFFFB0]  }
0x735: {  	v15 =	vld [tilespmem:s1+$0xFFFFFFC0]  }
0x736: {  	(v2sf) =	vpush v12, $0xF;
	_ =	sdelay $0x1  }
0x737: {  	v9 =	vshra.s32 v16, $0x1F  }
0x738: {  	v11 =	vshra.s32 v13, $0x1F;
	v10 =	vor.u32 $0x80000000, v9  }
0x739: {  	v14 =	vld [tilespmem:s1+$0xFFFFFFD0];
	v19 =	vxor.u32 v16, v10;
	v10 =	vor.u32 $0x80000000, v11;
	v11 =	vshra.s32 v15, $0x1F  }
0x73a: {  	v9 =	vld [tilespmem:s1+$0xFFFFFFE0];
	v11 =	vor.u32 $0x80000000, v11  }
0x73b: {  	vm6 =	veq.s32 v19, v6;
	v17 =	vxor.u32 v13, v10;
	v18 =	vxor.u32 v15, v11;
	v11 =	vld [tilespmem:s1+$0x0]  }
0x73c: {  	v12 =	vsel vm6, $0x1, v4;
	vm3 =	veq.s32 v17, v6  }
0x73d: {  	v10 =	vld [tilespmem:s1+$0xFFFFFFF0];
	(xrf0) =	vadd.scan.msk.s32 $0xffff, v12;
	v20 =	vsel vm3, $0x1, v4  }
0x73e: {  	v12 =	vshra.s32 v14, $0x1F;
	vm4 =	veq.s32 v18, v6;
	(xrf0) =	vadd.scan.msk.s32 $0xffff, v20  }
0x73f: {  	v21 =	vshra.s32 v9, $0x1F;
	v23 =	vsel vm4, $0x1, v4;
	v12 =	vor.u32 $0x80000000, v12  }
0x740: {  	v22 =	vxor.u32 v14, v12;
	v12 =	vor.u32 $0x80000000, v21;
	(xrf0) =	vadd.scan.msk.s32 $0xffff, v23;
	v23 =	vshra.s32 v11, $0x1F  }
0x741: {  	vm5 =	veq.s32 v22, v6;
	v24 =	vxor.u32 v9, v12;
	v23 =	vor.u32 $0x80000000, v23  }
0x742: {  	v12 =	vld [tilespmem:s1+$0x10];
	v20 =	vshra.s32 v10, $0x1F;
	v25 =	vsel vm5, $0x1, v4;
	vm0 =	veq.s32 v24, v6  }
0x743: {  	v21 =	vsel vm6, $0xFFFFFFFF, v4;
	v20 =	vor.u32 $0x80000000, v20;
	v27 =	vsel vm0, $0x1, v4;
	v28, _, _ =	vpop (xrf0);
	(xrf0) =	vadd.scan.msk.s32 $0xffff, v25  }
0x744: {  	s31 =	spop (v2sf);
	v20 =	vxor.u32 v10, v20;
	v26 =	vxor.u32 v11, v23;
	(v2sf) =	vpush v28, $0xF;
	v23, _, _ =	vpop (xrf0);
	(xrf0) =	vadd.scan.msk.s32 $0xffff, v27  }
0x745: {  	s5 =	sadd.s32 s2, s31;
	vm1 =	veq.s32 v20, v6;
	v21 =	vadd.s32 v21, v28  }
0x746: {  	vm2 =	veq.s32 v26, v6;
	v28 =	vadd.s32 s5, v21;
	(v2sf) =	vpush v23, $0xF;
	v25, _, _ =	vpop (xrf0)  }
0x747: {  	s3 =	simm.s32 $0x140;
	s2 =	simm.s32 $0xA0;
	v21 =	vshra.s32 v12, $0x1F;
	v27 =	vcvt.s32.f32 v28;
	(v2sf) =	vpush v25, $0xF  }
.LBB2_41:
0x748: {  	p0 =	sne.s32 s3, $0x18600;
	v28 =	vsel vm1, $0x1, v4;
	v31 =	vsel vm2, $0x1, v4;
	s4 =	smov.u32 s3;
	s3 =	sadd.s32 $0xA0, s3  }
0x749: {  	v30, _, _ =	vpop (xrf0);
	(xrf0) =	vadd.scan.msk.s32 $0xffff, v31;
	v27 =	vmul.f32 v27, v7  }
0x74a: {  	v21 =	vor.u32 $0x80000000, v21;
	(v2sf) =	vpush v30, $0xF;
	v29, _, _ =	vpop (xrf0);
	(xrf0) =	vadd.scan.msk.s32 $0xffff, v28  }
0x74b: {  	v21 =	vxor.u32 v12, v21;
	(v2sf) =	vpush v29, $0xF;
	v27 =	vadd.f32 v27, v8  }
0x74c: {  	vm7 =	veq.s32 v21, v6  }
0x74d: {  	v28 =	vsel vm7, $0x1, v4;
	vm8 =	vle.f32 v27, v5  }
0x74e: {  	vm9 =	vgt.u32 v19, v6;
	(xrf0) =	vadd.scan.msk.s32 $0xffff, v28;
	vm6 =	vmand vm6, vm8  }
0x74f: {  	v19, _, _ =	vpop (xrf0);
	vm6 =	vmor vm9, vm6  }
0x750: {  	v27, _, _ =	vpop (xrf0);
	v16 =	vnsel vm6, $0xFF800000, v16  }
0x751: {  	vm6 =	vgt.u32 v24, v6;
	[tilespmem:s0+$0x40] =	vst v16;
	s0 =	smov.u32 s1  }
0x752: {  	vm11 =	vgt.u32 v17, v6;
	v17 =	vsel vm3, $0xFFFFFFFF, v4;
	vm13 =	vgt.u32 v18, v6  }
0x753: {  	vm12 =	vgt.u32 v22, v6;
	v18 =	vsel vm0, $0xFFFFFFFF, v4;
	(v2sf) =	vpush v27, $0xF;
	s6 =	spop (v2sf)  }
0x754: {  	v22 =	vsel vm5, $0xFFFFFFFF, v4;
	vm8 =	vgt.u32 v26, v6;
	v16 =	vld [tilespmem:s1+$0x20];
	(v2sf) =	vpush v19, $0xF;
	v24, _, _ =	vpop (xrf0);
	s5 =	sadd.s32 s5, s6  }
0x755: {  	v26 =	vsel vm4, $0xFFFFFFFF, v4;
	v17 =	vadd.s32 s5, v17;
	s6 =	spop (v2sf);
	(v2sf) =	vpush v24, $0xF  }
0x756: {  	vm9 =	vgt.u32 v20, v6;
	v17 =	vadd.s32 v23, v17;
	s5 =	sadd.s32 s5, s6;
	v23 =	vadd.s32 v26, v25;
	s6 =	spop (v2sf)  }
0x757: {  	v22 =	vadd.s32 v22, v30;
	v17 =	vcvt.s32.f32 v17;
	v20 =	vadd.s32 s5, v23;
	s5 =	sadd.s32 s5, s6  }
0x758: {  	v23 =	vsel vm2, $0xFFFFFFFF, v4;
	v20 =	vcvt.s32.f32 v20;
	v22 =	vadd.s32 s5, v22  }
0x759: {  	v17 =	vmul.f32 v17, v7;
	v22 =	vcvt.s32.f32 v22;
	v25 =	vshra.s32 v16, $0x1F;
	s6 =	spop (v2sf)  }
0x75a: {  	v26 =	vsel vm1, $0xFFFFFFFF, v4;
	v20 =	vmul.f32 v20, v7;
	v25 =	vor.u32 $0x80000000, v25;
	s7 =	spop (v2sf)  }
0x75b: {  	v26 =	vadd.s32 v26, v27;
	v22 =	vmul.f32 v22, v7;
	v25 =	vxor.u32 v16, v25  }
0x75c: {  	v19 =	vadd.s32 v23, v19;
	v20 =	vadd.f32 v20, v8;
	vm10 =	veq.s32 v25, v6  }
0x75d: {  	v18 =	vadd.s32 v18, v29;
	v17 =	vadd.f32 v17, v8;
	v22 =	vadd.f32 v22, v8  }
0x75e: {  	v23 =	vsel vm10, $0xFFFFFFFF, v4;
	vm14 =	vle.f32 v20, v5;
	v20 =	vsel vm7, $0xFFFFFFFF, v4  }
0x75f: {  	vm4 =	vmand vm4, vm14;
	vm14 =	vle.f32 v22, v5;
	v22 =	vsel vm10, $0x1, v4  }
0x760: {  	vm15 =	vle.f32 v17, v5;
	vm4 =	vmor vm13, vm4;
	vm5 =	vmand vm5, vm14;
	(xrf0) =	vadd.scan.msk.s32 $0xffff, v22  }
0x761: {  	s5 =	sadd.s32 s5, s6;
	vm3 =	vmand vm3, vm15;
	v15 =	vnsel vm4, $0xFF800000, v15;
	vm4 =	vmor vm12, vm5  }
0x762: {  	v17 =	vadd.s32 s5, v18;
	s5 =	sadd.s32 s5, s7;
	vm3 =	vmor vm11, vm3;
	v14 =	vnsel vm4, $0xFF800000, v14;
	s6 =	spop (v2sf)  }
0x763: {  	v17 =	vcvt.s32.f32 v17;
	v18 =	vadd.s32 s5, v26;
	v13 =	vnsel vm3, $0xFF800000, v13;
	s5 =	sadd.s32 s5, s6;
	s6 =	spop (v2sf)  }
0x764: {  	v18 =	vcvt.s32.f32 v18;
	v20 =	vadd.s32 v20, v24;
	v19 =	vadd.s32 s5, v19;
	s5 =	sadd.s32 s5, s6;
	s6 =	spop (v2sf)  }
0x765: {  	v17 =	vmul.f32 v17, v7;
	v19 =	vcvt.s32.f32 v19;
	v20 =	vadd.s32 s5, v20;
	s5 =	sadd.s32 s5, s6  }
0x766: {  	vm3 =	vgt.u32 v25, v6;
	v18 =	vmul.f32 v18, v7;
	v20 =	vcvt.s32.f32 v20;
	v22, _, _ =	vpop (xrf0)  }
0x767: {  	v17 =	vadd.f32 v17, v8;
	v19 =	vmul.f32 v19, v7;
	v23 =	vadd.s32 v23, v22  }
0x768: {  	v18 =	vadd.f32 v18, v8;
	v20 =	vmul.f32 v20, v7;
	v23 =	vadd.s32 s5, v23  }
0x769: {  	vm4 =	vle.f32 v17, v5;
	v17 =	vadd.f32 v19, v8;
	v19 =	vcvt.s32.f32 v23  }
0x76a: {  	vm0 =	vmand vm0, vm4;
	vm4 =	vle.f32 v18, v5;
	v18 =	vadd.f32 v20, v8  }
0x76b: {  	vm1 =	vmand vm1, vm4;
	vm4 =	vle.f32 v17, v5;
	v17 =	vmul.f32 v19, v7  }
0x76c: {  	vm2 =	vmand vm2, vm4;
	vm4 =	vle.f32 v18, v5;
	(v2sf) =	vpush v22, $0xF  }
0x76d: {  	vm5 =	vgt.u32 v21, v6;
	[tilespmem:s1+$0xFFFFFFB0] =	vst v13;
	vm4 =	vmand vm7, vm4;
	v13 =	vadd.f32 v17, v8  }
0x76e: {  	vm1 =	vmor vm9, vm1;
	vm2 =	vmor vm8, vm2;
	[tilespmem:s1+$0xFFFFFFC0] =	vst v15;
	vm4 =	vmor vm5, vm4  }
0x76f: {  	v10 =	vnsel vm1, $0xFF800000, v10;
	[tilespmem:s1+$0xFFFFFFD0] =	vst v14;
	v12 =	vnsel vm4, $0xFF800000, v12;
	vm1 =	vle.f32 v13, v5  }
0x770: {  	vm0 =	vmor vm6, vm0;
	[tilespmem:s1+$0xFFFFFFF0] =	vst v10;
	v10 =	vnsel vm2, $0xFF800000, v11;
	vm1 =	vmand vm10, vm1  }
0x771: {  	v9 =	vnsel vm0, $0xFF800000, v9;
	[tilespmem:s1+$0x0] =	vst v10;
	vm0 =	vmor vm3, vm1  }
0x772: {  	[tilespmem:s1+$0x10] =	vst v12;
	v10 =	vnsel vm0, $0xFF800000, v16  }
0x773: {  	[tilespmem:s1+$0xFFFFFFE0] =	vst v9  }
0x774: {  	s6 =	sand.u32 $0x3FFE0, s2;
	s2 =	smov.u32 s4;
	[tilespmem:s1+$0x20] =	vst v10  }
0x775: {  	v9 =	vld [tilespmem:s6+$0x80];
	_ =	sdelay $0x4  }
0x776: {  	v10 =	vshra.s32 v9, $0x1F  }
0x777: {  	v10 =	vor.u32 $0x80000000, v10;
	s4 =	spop (v2sf)  }
0x778: {  	s4 =	sadd.s32 s5, s4;
	v10 =	vxor.u32 v9, v10  }
0x779: {  	vm0 =	veq.s32 v10, v6  }
0x77a: {  	v11 =	vsel vm0, $0x1, v4  }
0x77b: {  	(xrf0) =	vadd.scan.msk.s32 $0xffff, v11;
	_ =	sdelay $0x5  }
0x77c: {  	v11 =	vsel vm0, $0xFFFFFFFF, v4;
	v12, _, _ =	vpop (xrf0)  }
0x77d: {  	v11 =	vadd.s32 v11, v12;
	(v2sf) =	vpush v12, $0xF  }
0x77e: {  	v11 =	vadd.s32 s4, v11  }
0x77f: {  	v11 =	vcvt.s32.f32 v11;
	_ =	sdelay $0x1  }
0x780: {  	v11 =	vmul.f32 v11, v7;
	_ =	sdelay $0x1  }
0x781: {  	v11 =	vadd.f32 v11, v8;
	_ =	sdelay $0x1  }
0x782: {  	vm1 =	vle.f32 v11, v5  }
0x783: {  	vm2 =	vgt.u32 v10, v6;
	vm0 =	vmand vm0, vm1  }
0x784: {  	vm0 =	vmor vm2, vm0  }
0x785: {  	v9 =	vnsel vm0, $0xFF800000, v9  }
0x786: {  	[tilespmem:s6+$0x80] =	vst v9  }
0x787: {  	v16 =	vld [tilespmem:s1+$0x40]  }
0x788: {  	s1 =	sadd.s32 $0xA0, s1  }
0x789: {  	v13 =	vld [tilespmem:s1+$0xFFFFFFB0];
	s5 =	spop (v2sf)  }
0x78a: {  	v15 =	vld [tilespmem:s1+$0xFFFFFFC0]  }
0x78b: {  	v14 =	vld [tilespmem:s1+$0xFFFFFFD0]  }
0x78c: {  	v10 =	vshra.s32 v16, $0x1F  }
0x78d: {  	v9 =	vld [tilespmem:s1+$0xFFFFFFE0];
	v10 =	vor.u32 $0x80000000, v10  }
0x78e: {  	v11 =	vshra.s32 v13, $0x1F;
	v19 =	vxor.u32 v16, v10  }
0x78f: {  	v11 =	vor.u32 $0x80000000, v11;
	v12 =	vshra.s32 v15, $0x1F;
	v10 =	vld [tilespmem:s1+$0xFFFFFFF0];
	vm6 =	veq.s32 v19, v6  }
0x790: {  	v17 =	vxor.u32 v13, v11;
	v11 =	vor.u32 $0x80000000, v12;
	v12 =	vsel vm6, $0x1, v4  }
0x791: {  	v20 =	vshra.s32 v14, $0x1F;
	vm3 =	veq.s32 v17, v6;
	v18 =	vxor.u32 v15, v11;
	v11 =	vld [tilespmem:s1+$0x0];
	(xrf0) =	vadd.scan.msk.s32 $0xffff, v12  }
0x792: {  	v12 =	vsel vm3, $0x1, v4;
	vm4 =	veq.s32 v18, v6;
	v21 =	vshra.s32 v9, $0x1F  }
0x793: {  	v20 =	vor.u32 $0x80000000, v20;
	v23 =	vsel vm4, $0x1, v4;
	(xrf0) =	vadd.scan.msk.s32 $0xffff, v12  }
0x794: {  	v22 =	vxor.u32 v14, v20;
	v20 =	vor.u32 $0x80000000, v21;
	v12 =	vld [tilespmem:s1+$0x10];
	(xrf0) =	vadd.scan.msk.s32 $0xffff, v23  }
0x795: {  	vm5 =	veq.s32 v22, v6;
	v21 =	vsel vm6, $0xFFFFFFFF, v4;
	v24 =	vxor.u32 v9, v20  }
0x796: {  	v20 =	vsel vm5, $0x1, v4;
	v23 =	vshra.s32 v10, $0x1F;
	vm0 =	veq.s32 v24, v6  }
.Ltmp21:
0x797: {  	v29 =	vor.u32 $0x80000000, v23;
	v25 =	vsel vm0, $0x1, v4;
	v26 =	vshra.s32 v11, $0x1F;
	(xrf0) =	vadd.scan.msk.s32 $0xffff, v20;
	v27, _, _ =	vpop (xrf0);
	(pc) =	sbr.rel @p0 .LBB2_41-.Ltmp21, $4  }
0x798: {  	v20 =	vxor.u32 v10, v29;
	v28 =	vor.u32 $0x80000000, v26;
	(xrf0) =	vadd.scan.msk.s32 $0xffff, v25;
	(v2sf) =	vpush v27, $0xF  }
0x799: {  	s5 =	sadd.s32 s4, s5;
	vm1 =	veq.s32 v20, v6;
	v26 =	vxor.u32 v11, v28;
	v21 =	vadd.s32 v21, v27;
	v23, _, _ =	vpop (xrf0)  }
0x79a: {  	vm2 =	veq.s32 v26, v6;
	v27 =	vadd.s32 s5, v21;
	(v2sf) =	vpush v23, $0xF;
	v25, _, _ =	vpop (xrf0)  }
0x79b: {  	v21 =	vshra.s32 v12, $0x1F;
	v27 =	vcvt.s32.f32 v27;
	(v2sf) =	vpush v25, $0xF  }
0x79c: {  	_ =	sdelay $0x1  }
0x79d: {  	v28 =	vsel vm2, $0x1, v4;
	v21 =	vor.u32 $0x80000000, v21;
	v27 =	vmul.f32 v27, v7;
	v62, _, _ =	vpop (xrf0)  }
0x79e: {  	v29 =	vsel vm1, $0x1, v4;
	(xrf0) =	vadd.scan.msk.s32 $0xffff, v28;
	v21 =	vxor.u32 v12, v21;
	(v2sf) =	vpush v62, $0xF  }
0x79f: {  	(xrf0) =	vadd.scan.msk.s32 $0xffff, v29;
	vm7 =	veq.s32 v21, v6;
	v63, _, _ =	vpop (xrf0);
	v27 =	vadd.f32 v27, v8  }
0x7a0: {  	v61 =	vsel vm7, $0x1, v4;
	(v2sf) =	vpush v63, $0xF  }
0x7a1: {  	vm9 =	vgt.u32 v19, v6;
	(xrf0) =	vadd.scan.msk.s32 $0xffff, v61;
	vm8 =	vle.f32 v27, v5  }
0x7a2: {  	vm11 =	vgt.u32 v17, v6;
	v33 =	vsel vm3, $0xFFFFFFFF, v4;
	vm6 =	vmand vm6, vm8  }
0x7a3: {  	vm13 =	vgt.u32 v18, v6;
	vm12 =	vgt.u32 v22, v6;
	vm6 =	vmor vm9, vm6  }
0x7a4: {  	v34 =	vsel vm0, $0xFFFFFFFF, v4;
	v35 =	vsel vm5, $0xFFFFFFFF, v4;
	v32, _, _ =	vpop (xrf0);
	v16 =	vnsel vm6, $0xFF800000, v16  }
0x7a5: {  	v38 =	vsel vm4, $0xFFFFFFFF, v4;
	v41 =	vsel vm2, $0xFFFFFFFF, v4;
	v43 =	vsel vm1, $0xFFFFFFFF, v4;
	v29, _, _ =	vpop (xrf0);
	[tilespmem:s0+$0x40] =	vst v16  }
0x7a6: {  	v39 =	vadd.s32 v38, v25;
	v18 =	vadd.s32 v35, v62;
	(v2sf) =	vpush v29, $0xF;
	v36 =	vld [tilespmem:s1+$0x20]  }
0x7a7: {  	v44 =	vsel vm7, $0xFFFFFFFF, v4;
	vm8 =	vgt.u32 v26, v6;
	v37, _, _ =	vpop (xrf0);
	s3 =	spop (v2sf);
	(v2sf) =	vpush v32, $0xF  }
0x7a8: {  	vm9 =	vgt.u32 v20, v6;
	vm6 =	vgt.u32 v24, v6;
	s18 =	sadd.s32 s5, s3;
	s19 =	spop (v2sf);
	(v2sf) =	vpush v37, $0xF  }
0x7a9: {  	v26 =	vadd.s32 v43, v29;
	v16 =	vadd.s32 v34, v63;
	v17 =	vadd.s32 s18, v33;
	s0 =	sadd.s32 s18, s19;
	s20 =	spop (v2sf)  }
0x7aa: {  	v19 =	vadd.s32 v44, v37;
	v17 =	vadd.s32 v23, v17;
	v23 =	vadd.s32 s0, v39;
	s0 =	sadd.s32 s0, s20  }
0x7ab: {  	v17 =	vcvt.s32.f32 v17;
	v42 =	vshra.s32 v36, $0x1F;
	v18 =	vadd.s32 s0, v18  }
0x7ac: {  	v40 =	vcvt.s32.f32 v23;
	v25 =	vor.u32 $0x80000000, v42;
	v18 =	vcvt.s32.f32 v18  }
0x7ad: {  	v23 =	vadd.s32 v41, v32;
	v17 =	vmul.f32 v17, v7;
	v25 =	vxor.u32 v36, v25;
	s21 =	spop (v2sf)  }
0x7ae: {  	v20 =	vmul.f32 v40, v7;
	vm10 =	veq.s32 v25, v6;
	s0 =	sadd.s32 s0, s21;
	v18 =	vmul.f32 v18, v7  }
0x7af: {  	s4 =	spop (v2sf);
	v17 =	vadd.f32 v17, v8;
	v45 =	vsel vm10, $0xFFFFFFFF, v4;
	v16 =	vadd.s32 s0, v16  }
0x7b0: {  	v46 =	vsel vm10, $0x1, v4;
	s0 =	sadd.s32 s0, s4;
	v20 =	vadd.f32 v20, v8;
	v16 =	vcvt.s32.f32 v16  }
0x7b1: {  	(xrf0) =	vadd.scan.msk.s32 $0xffff, v46;
	v47 =	vadd.s32 s0, v26;
	v18 =	vadd.f32 v18, v8;
	vm15 =	vle.f32 v17, v5  }
0x7b2: {  	v17 =	vcvt.s32.f32 v47;
	vm14 =	vle.f32 v20, v5;
	vm15 =	vmand vm3, vm15  }
0x7b3: {  	v16 =	vmul.f32 v16, v7;
	vm4 =	vmand vm4, vm14;
	vm14 =	vle.f32 v18, v5  }
0x7b4: {  	vm3 =	vmor vm11, vm15;
	v17 =	vmul.f32 v17, v7;
	vm4 =	vmor vm13, vm4  }
0x7b5: {  	vm14 =	vmand vm5, vm14;
	s22 =	spop (v2sf);
	v13 =	vnsel vm3, $0xFF800000, v13;
	v16 =	vadd.f32 v16, v8  }
0x7b6: {  	v15 =	vnsel vm4, $0xFF800000, v15;
	vm12 =	vmor vm12, vm14;
	s0 =	sadd.s32 s0, s22;
	v17 =	vadd.f32 v17, v8;
	s23 =	spop (v2sf)  }
0x7b7: {  	vm4 =	vgt.u32 v25, v6;
	v14 =	vnsel vm12, $0xFF800000, v14;
	v48 =	vadd.s32 s0, v23;
	v49, _, _ =	vpop (xrf0);
	s0 =	sadd.s32 s0, s23;
	s24 =	spop (v2sf)  }
0x7b8: {  	v18 =	vcvt.s32.f32 v48;
	v20 =	vadd.s32 v45, v49;
	v19 =	vadd.s32 s0, v19;
	s0 =	sadd.s32 s0, s24  }
0x7b9: {  	vm13 =	vle.f32 v16, v5;
	v19 =	vcvt.s32.f32 v19;
	v20 =	vadd.s32 s0, v20  }
0x7ba: {  	vm14 =	vle.f32 v17, v5;
	v18 =	vmul.f32 v18, v7;
	v51 =	vcvt.s32.f32 v20  }
0x7bb: {  	vm0 =	vmand vm0, vm13;
	vm11 =	vmand vm1, vm14;
	v19 =	vmul.f32 v19, v7  }
0x7bc: {  	vm14 =	vgt.u32 v21, v6;
	v50 =	vadd.f32 v18, v8;
	v52 =	vmul.f32 v51, v7  }
0x7bd: {  	[tilespmem:s1+$0xFFFFFFB0] =	vst v13;
	vm0 =	vmor vm6, vm0;
	vm1 =	vmor vm9, vm11;
	v19 =	vadd.f32 v19, v8  }
0x7be: {  	[tilespmem:s1+$0xFFFFFFC0] =	vst v15;
	v9 =	vnsel vm0, $0xFF800000, v9;
	vm15 =	vle.f32 v50, v5;
	v53 =	vadd.f32 v52, v8  }
0x7bf: {  	[tilespmem:s1+$0xFFFFFFD0] =	vst v14;
	v10 =	vnsel vm1, $0xFF800000, v10;
	vm12 =	vmand vm2, vm15;
	vm13 =	vle.f32 v19, v5  }
0x7c0: {  	[tilespmem:s1+$0xFFFFFFE0] =	vst v9;
	vm2 =	vmor vm8, vm12;
	vm3 =	vmand vm7, vm13;
	vm7 =	vle.f32 v53, v5  }
0x7c1: {  	[tilespmem:s1+$0xFFFFFFF0] =	vst v10;
	v54 =	vnsel vm2, $0xFF800000, v11;
	vm15 =	vmor vm14, vm3;
	vm8 =	vmand vm10, vm7  }
0x7c2: {  	[tilespmem:s1+$0x0] =	vst v54;
	v55 =	vnsel vm15, $0xFF800000, v12;
	vm9 =	vmor vm4, vm8  }
0x7c3: {  	[tilespmem:s1+$0x10] =	vst v55;
	v56 =	vnsel vm9, $0xFF800000, v36  }
0x7c4: {  	s2 =	sand.u32 $0x3FFE0, s2;
	[tilespmem:s1+$0x20] =	vst v56  }
0x7c5: {  	v9 =	vld [tilespmem:s2+$0x80]  }
0x7c6: {  	(v2sf) =	vpush v49, $0xF;
	_ =	sdelay $0x3  }
0x7c7: {  	v57 =	vshra.s32 v9, $0x1F  }
0x7c8: {  	v10 =	vor.u32 $0x80000000, v57  }
0x7c9: {  	v10 =	vxor.u32 v9, v10  }
0x7ca: {  	vm10 =	veq.s32 v10, v6  }
0x7cb: {  	v58 =	vsel vm10, $0x1, v4  }
0x7cc: {  	(xrf0) =	vadd.scan.msk.s32 $0xffff, v58;
	_ =	sdelay $0x5  }
0x7cd: {  	s25 =	spop (v2sf);
	v59 =	vsel vm10, $0xFFFFFFFF, v4;
	v60, _, _ =	vpop (xrf0)  }
0x7ce: {  	s0 =	sadd.s32 s0, s25;
	v11 =	vadd.s32 v59, v60  }
0x7cf: {  	v11 =	vadd.s32 s0, v11  }
0x7d0: {  	v11 =	vcvt.s32.f32 v11;
	_ =	sdelay $0x1  }
0x7d1: {  	v11 =	vmul.f32 v11, v7;
	_ =	sdelay $0x1  }
0x7d2: {  	v11 =	vadd.f32 v11, v8;
	_ =	sdelay $0x1  }
0x7d3: {  	vm11 =	vle.f32 v11, v5  }
0x7d4: {  	vm12 =	vgt.u32 v10, v6;
	vm0 =	vmand vm10, vm11  }
0x7d5: {  	vm0 =	vmor vm12, vm0  }
0x7d6: {  	v9 =	vnsel vm0, $0xFF800000, v9  }
0x7d7: {  	[tilespmem:s2+$0x80] =	vst v9  }
0x7d8: {  	v9 =	vld [tilespmem:s1+$0x40];
	_ =	sdelay $0x1  }
0x7d9: {  	(v2sf) =	vpush v60, $0xF;
	_ =	sdelay $0x2  }
0x7da: {  	v61 =	vshra.s32 v9, $0x1F  }
0x7db: {  	v10 =	vor.u32 $0x80000000, v61  }
0x7dc: {  	v10 =	vxor.u32 v9, v10  }
0x7dd: {  	vm13 =	veq.s32 v10, v6  }
0x7de: {  	v62 =	vsel vm13, $0x1, v4  }
0x7df: {  	(xrf0) =	vadd.scan.msk.s32 $0xffff, v62;
	_ =	sdelay $0x5  }
0x7e0: {  	v11, _, _ =	vpop (xrf0)  }
0x7e1: {  	s26 =	spop (v2sf);
	v63 =	vsel vm13, $0xFFFFFFFF, v4;
	(v2sf) =	vpush v11, $0xF  }
0x7e2: {  	s0 =	sadd.s32 s0, s26;
	v11 =	vadd.s32 v63, v11  }
0x7e3: {  	v11 =	vadd.s32 s0, v11  }
0x7e4: {  	v11 =	vcvt.s32.f32 v11;
	_ =	sdelay $0x1  }
0x7e5: {  	v7 =	vmul.f32 v11, v7;
	_ =	sdelay $0x1  }
0x7e6: {  	v7 =	vadd.f32 v7, v8;
	_ =	sdelay $0x1  }
0x7e7: {  	vm14 =	vle.f32 v7, v5  }
0x7e8: {  	vm15 =	vgt.u32 v10, v6;
	vm0 =	vmand vm13, vm14  }
0x7e9: {  	s29 =	rddreg [dreg:$0x8];
	vm0 =	vmor vm15, vm0  }
0x7ea: {  	s30 =	simm.s32 $0x0;
	s0 =	rddreg [dreg:$0x3];
	v5 =	vnsel vm0, $0xFF800000, v9  }
0x7eb: {  	s3 =	simm.s32 $0x400;
	s2 =	simm.s32 $0x80;
	s0 =	sadd.s32 s0, s29;
	[tilespmem:s1+$0x40] =	vst v5  }
0x7ec: {  	[hbm4b:s0+s2] =	stream.strided.scatter [tilespmem:s30], [sflag:$0x1], $0x18700, s3, s2, $0x38;
	[tilespmem:$0x1C700] =	vst v63  }
0x7ed: {  	s4 =	simm.s32 $0x1;
	s28 =	spop (v2sf)  }
0x7ee: {  	_ =	swait.ge [sflag:s4], $0x18700  }
0x7ef: {  	s31 =	rddreg [dreg:$0x7]  }
0x7f0: {  	s0 =	sadd.s32 $0x1, s31  }
0x7f1: {  	p0 =	sne.s32 s0, $0x4  }
.Ltmp22:
0x7f2: {  	_ = 	snop;
	(pc) =	sbr.rel @p0 .LBB2_2-.Ltmp22, $4  }
.Ltmp23:
0x7f3: {  	_ = 	snop;
	(pc) =	sbr.rel @!p0 .LBB2_43-.Ltmp23, $4  }
0x7f4: {  	_ = 	snop  }
0x7f5: {  	[sflag:s4] =	ssyncset.done $0x0  }
0x7f6: {  	[sflag:s4] =	ssyncadd.s32 $0xFFFE7900  }
0x7f7: {  	_ = 	snop  }
.LBB2_15:
0x7f8: {  	_ = 	snop  }
0x7f9: {  	_ = 	snop  }
0x7fa: {  	_ = 	snop  }
.Ltmp24:
0x7fb: {  	(pc) =	sbr.rel .LBB2_32-.Ltmp24, $4  }
0x7fc: {  	s25 =	simm.s32 $0x1AAF0  }
0x7fd: {  	s1 =	simm.s32 $0x0;
	s15 =	smov.u32 s2;
	s13 =	simm.f32 $0.0e+00  }
0x7fe: {  	s28 =	simm.s32 $0x800003F0;
	s31 =	simm.s32 $0x1AAF0;
	s21 =	smov.u32 s2  }
0x7ff: {  	s18 =	smov.u32 s2;
	[dreg:$0x10] =	wrdreg s2;
	p4 =	por $0x0, $0x0  }
.LBB2_17:
0x800: {  	_ = 	snop  }
0x801: {  	_ = 	snop  }
0x802: {  	_ = 	snop  }
.Ltmp25:
0x803: {  	(pc) =	sbr.rel .LBB2_32-.Ltmp25, $4  }
0x804: {  	_ = 	snop  }
0x805: {  	s1 =	simm.s32 $0x0;
	s26 =	simm.s32 $0x800003F0;
	s15 =	smov.u32 s2  }
0x806: {  	s13 =	simm.f32 $0.0e+00;
	s28 =	simm.s32 $0x800003E0;
	s31 =	simm.s32 $0x1AAE0  }
0x807: {  	s21 =	smov.u32 s2;
	s18 =	smov.u32 s2;
	[dreg:$0x10] =	wrdreg s2  }
.LBB2_19:
0x808: {  	_ = 	snop  }
0x809: {  	_ = 	snop  }
0x80a: {  	_ = 	snop  }
.Ltmp26:
0x80b: {  	(pc) =	sbr.rel .LBB2_32-.Ltmp26, $4  }
0x80c: {  	s23 =	simm.s32 $0x1AAE0;
	s25 =	simm.s32 $0x1AAD0;
	s1 =	simm.s32 $0x0  }
0x80d: {  	s0 =	simm.s32 $0x800003F0;
	s15 =	smov.u32 s2;
	s13 =	simm.f32 $0.0e+00  }
0x80e: {  	s26 =	simm.s32 $0x800003E0;
	s28 =	simm.s32 $0x800003D0;
	[dreg:$0x10] =	wrdreg s2  }
0x80f: {  	v19 =	vmov v22;
	s21 =	smov.u32 s2;
	s18 =	smov.u32 s2;
	[dreg:$0x12] =	wrdreg s0;
	v14 =	vmov v6  }
.LBB2_21:
0x810: {  	_ = 	snop  }
0x811: {  	_ = 	snop  }
0x812: {  	_ = 	snop  }
.Ltmp27:
0x813: {  	s23 =	simm.s32 $0x1AAD0;
	s25 =	simm.s32 $0x1AAC0;
	(pc) =	sbr.rel .LBB2_32-.Ltmp27, $4  }
0x814: {  	s7 =	simm.s32 $0x800003F0;
	s1 =	simm.s32 $0x0;
	s0 =	simm.s32 $0x800003E0  }
0x815: {  	s26 =	simm.s32 $0x800003D0;
	s15 =	smov.u32 s2;
	s13 =	simm.f32 $0.0e+00  }
0x816: {  	s28 =	simm.s32 $0x800003C0;
	s31 =	simm.s32 $0x1AAC0;
	[dreg:$0x10] =	wrdreg s2  }
0x817: {  	v19 =	vmov v16;
	s21 =	smov.u32 s2;
	s18 =	smov.u32 s2;
	v20 =	vmov v6;
	[dreg:$0x12] =	wrdreg s0  }
.LBB2_23:
0x818: {  	_ = 	snop  }
0x819: {  	s0 =	simm.s32 $0x800003F0;
	s5 =	simm.s32 $0x800003F0  }
.Ltmp28:
0x81a: {  	s7 =	simm.s32 $0x800003E0;
	(pc) =	sbr.rel .LBB2_32-.Ltmp28, $4  }
0x81b: {  	s1 =	simm.s32 $0x0;
	s26 =	simm.s32 $0x800003D0;
	s15 =	smov.u32 s24  }
0x81c: {  	s13 =	simm.f32 $0.0e+00;
	s28 =	simm.s32 $0x800003B0;
	s31 =	simm.s32 $0x1AAB0  }
0x81d: {  	v19 =	vmov v9;
	s9 =	smov.u32 s2;
	s21 =	smov.u32 s2;
	[dreg:$0xa] =	wrdreg s0  }
0x81e: {  	v22 =	vmovc v16;
	v25 =	vmovc v6;
	vm5 =	vmmov vm0;
	v14 =	vmov v17;
	s18 =	smov.u32 s2;
	v20 =	vmov v7;
	[dreg:$0x12] =	wrdreg s26;
	s26 =	simm.s32 $0x800003C0  }
.LBB2_25:
0x81f: {  	s0 =	simm.s32 $0x800003D0  }
0x820: {  	s20 =	simm.s32 $0x800003E0;
	s21 =	simm.s32 $0x800003F0  }
0x821: {  	s23 =	simm.s32 $0x1AAB0;
	s25 =	simm.s32 $0x1AAA0;
	s3 =	simm.s32 $0x800003F0  }
0x822: {  	s5 =	simm.s32 $0x800003E0;
	s1 =	simm.s32 $0x0;
	s7 =	simm.s32 $0x800003D0  }
.Ltmp29:
0x823: {  	s15 =	smov.u32 s18;
	[dreg:$0xc] =	wrdreg s0;
	(pc) =	sbr.rel .LBB2_32-.Ltmp29, $4  }
0x824: {  	s29 =	smov.u32 s6;
	s22 =	simm.s32 $0x800003C0;
	[dreg:$0xb] =	wrdreg s20  }
0x825: {  	s9 =	smov.u32 s24;
	s24 =	smov.u32 s6;
	[dreg:$0xa] =	wrdreg s21  }
0x826: {  	v19 =	vmov v17;
	s13 =	simm.f32 $0.0e+00;
	v22 =	vmov v9;
	s26 =	simm.s32 $0x800003B0;
	[dreg:$0x12] =	wrdreg s22  }
0x827: {  	v27 =	vmovc v6;
	v25 =	vmovc v7;
	vm6 =	vmmov vm2;
	vm5 =	vmmov vm1;
	v20 =	vmov v16;
	s0 =	smov.u32 s2;
	s21 =	smov.u32 s2;
	s6 =	smov.u32 s24  }
.LBB2_27:
0x828: {  	s23 =	simm.s32 $0x1AAA0;
	s25 =	simm.s32 $0x1AA90  }
0x829: {  	[dreg:$0xa] =	wrdreg s0;
	s3 =	simm.s32 $0x800003E0;
	s5 =	simm.s32 $0x800003D0  }
.Ltmp30:
0x82a: {  	s7 =	simm.s32 $0x800003C0;
	s1 =	simm.s32 $0x0;
	(pc) =	sbr.rel .LBB2_32-.Ltmp30, $4  }
0x82b: {  	s26 =	simm.s32 $0x800003B0;
	s15 =	smov.u32 s21;
	s13 =	simm.f32 $0.0e+00  }
0x82c: {  	s11 =	smov.u32 s9;
	s28 =	simm.s32 $0x80000390;
	s31 =	simm.s32 $0x1AA90  }
0x82d: {  	v19 =	vmovc v21;
	v26 =	vmov v23;
	v22 =	vmov v17;
	v27 =	vmov v7;
	s22 =	smov.u32 s2;
	s0 =	smov.u32 s24;
	s9 =	smov.u32 s18  }
0x82e: {  	v25 =	vmovc v16;
	vm6 =	vmmov vm4;
	vm5 =	vmmov vm3;
	v14 =	vmovc v28;
	p6 =	por $0x1, $0x1;
	[dreg:$0x12] =	wrdreg s26;
	s26 =	simm.s32 $0x800003A0;
	v20 =	vmov v24  }
.LBB2_29:
0x82f: {  	s3 =	simm.s32 $0x800003D0;
	s5 =	simm.s32 $0x800003C0  }
.Ltmp31:
0x830: {  	s1 =	simm.s32 $0x0;
	s7 =	simm.s32 $0x800003B0;
	(pc) =	sbr.rel .LBB2_32-.Ltmp31, $4  }
0x831: {  	s0 =	simm.s32 $0x800003A0;
	s30 =	smov.u32 s2;
	s4 =	rddreg [dreg:$0x11]  }
0x832: {  	s13 =	simm.f32 $0.0e+00;
	s28 =	simm.s32 $0x80000380;
	s31 =	simm.s32 $0x1AA80  }
0x833: {  	s22 =	smov.u32 s24;
	s9 =	smov.u32 s21;
	p6 =	por $0x1, $0x1  }
0x834: {  	v22 =	vmov v21;
	v27 =	vmov v16;
	v25 =	vmov v24;
	p4 =	por $0x1, $0x1;
	[dreg:$0x12] =	wrdreg s0;
	s0 =	smov.u32 s18  }
.LBB2_44:
0x835: {  	_ =	sfence.sel $0x180000  }
0x836: {  	[bflag:$0x0] =	sbarrier.arrive $0xFFFF  }
0x837: {  	_ =	strace $0x90000047  }
0x838: {  	s0 =	stileid.u32;
	[bflag:$0x2] =	sbarrier.arrive $0xFFFF  }
0x839: {  	p0 =	sne.s32 s0, $0x0;
	s0 =	rddreg [dreg:$0x1]  }
0x83a: {  	s0 =	sadd.s32 @!p0 $0x100000, s0  }
0x83b: {  	[sflag:s0] =	ssyncadd.tile.s32 @!p0 $0x1;
	_ =	shalt  }
.Lfunc_end2:
_tile_overlayer_lowered:
.L_overlay_start_2:
0x83c: {  	(tag) =	ssettag $0x2  }
0x83d: {  	s0 =	rddreg [dreg:$0x0];
	s2 =	stileid.u32  }
0x83e: {  	s1 =	rddreg [dreg:$0x1];
	p0 =	sne.s32 s2, $0x0  }
0x83f: {  	s3 =	rddreg [dreg:$0x2];
	[bflag:$0x3] =	sbarrier.arrive $0xFFFF;
	s2 =	simm.s32 @!p0 $0x1C01  }
0x840: {  	[timem:s3], [sflag:s2] =	dma.local @!p0 [hbm:s0], s1  }
0x841: {  	s0 =	simm.s32 @!p0 $0x1  }
0x842: {  	_ =	swait.ge @!p0 [sflag:s0], s1  }
0x843: {  	s1 =	ssub.s32 @!p0 $0x0, s1;
	[sflag:s0] =	ssyncset.done @!p0 $0x0  }
0x844: {  	[sflag:s0] =	ssyncadd.s32 @!p0 s1  }
0x845: {  	[bflag:$0x3] =	sbarrier.arrive $0xFFFF  }
0x846: {  	_ =	shalt  }

</sc_bundles>
